<compile_context>
chip_gen: v7x
topology: tpu7x:2x2x1
jax: 0.10.2.dev20260603
libtpu: 0.0.44.dev20260713+nightly
codegen_flags: <defaults>
</compile_context>

<pallas_src>
import functools

import jax
import jax.numpy as jnp
from jax import lax
from jax.experimental import pallas as pl
from jax.experimental.pallas import tpu as pltpu
from jax.experimental.pallas import tpu_sc as plsc

B, H, W, C = 8, 224, 224, 96
CP = 128
N = B * H * W
NC, NS, L = 2, 16, 16
NW = NC * NS
PW = N // NW
CH = 64
NCHUNK = PW // CH
HW = H * W


def _warp_body(table, fxh, fyh, out, fxv, fyv,
               ia0, ia1, ia2, ia3, wa0, wa1, wa2, wa3,
               ib0, ib1, ib2, ib3, wb0, wb1, wb2, wb3,
               ta0, ta1, ta2, ta3, tb0, tb1, tb2, tb3,
               outva, outvb, sema, semb, osema, osemb):
    wid = lax.axis_index("s") * NC + lax.axis_index("c")
    wbase = wid * PW
    img_base = (wid >> 2) * HW

    bufa = (ia0, ia1, ia2, ia3, wa0, wa1, wa2, wa3,
            ta0, ta1, ta2, ta3, sema)
    bufb = (ib0, ib1, ib2, ib3, wb0, wb1, wb2, wb3,
            tb0, tb1, tb2, tb3, semb)

    def fire(c, buf):
        i0, i1, i2, i3, w0, w1, w2, w3, t0, t1, t2, t3, sem = buf
        pltpu.sync_copy(fxh.at[pl.ds(wbase + c * CH, CH)], fxv)
        pltpu.sync_copy(fyh.at[pl.ds(wbase + c * CH, CH)], fyv)
        for g in range(CH // L):
            sl = pl.ds(g * L, L)
            x = fxv[sl]
            y = fyv[sl]
            xt = x.astype(jnp.int32)
            x0 = jnp.where(x < xt.astype(jnp.float32), xt - 1, xt)
            yt = y.astype(jnp.int32)
            y0 = jnp.where(y < yt.astype(jnp.float32), yt - 1, yt)
            fx = x - x0.astype(jnp.float32)
            fy = y - y0.astype(jnp.float32)
            inb = ((x0 >= 0) & (x0 <= W - 2)
                   & (y0 >= 0) & (y0 <= H - 2))
            m = jnp.where(inb, 1.0, 0.0).astype(jnp.float32)
            xb = jnp.clip(x0, 0, W - 2)
            yb = jnp.clip(y0, 0, H - 2)
            bidx = img_base + yb * W + xb
            i0[sl] = bidx
            i1[sl] = bidx + 1
            i2[sl] = bidx + W
            i3[sl] = bidx + W + 1
            gx1 = fx * m
            gx0 = m - gx1
            w0[sl] = gx0 * (1.0 - fy)
            w1[sl] = gx1 * (1.0 - fy)
            w2[sl] = gx0 * fy
            w3[sl] = gx1 * fy
        pltpu.async_copy(table.at[i0], t0, sem)
        pltpu.async_copy(table.at[i1], t1, sem)
        pltpu.async_copy(table.at[i2], t2, sem)
        pltpu.async_copy(table.at[i3], t3, sem)

    def drain(buf):
        i0, i1, i2, i3, w0, w1, w2, w3, t0, t1, t2, t3, sem = buf
        for t in (t0, t1, t2, t3):
            pltpu.make_async_copy(table.at[i0], t, sem).wait()

    def blend(c, buf, outv):
        i0, i1, i2, i3, w0, w1, w2, w3, t0, t1, t2, t3, sem = buf

        def pixel(p, _):
            s0 = w0[pl.ds(p, 1)][0]
            s1 = w1[pl.ds(p, 1)][0]
            s2 = w2[pl.ds(p, 1)][0]
            s3 = w3[pl.ds(p, 1)][0]
            for cg in range(C // L):
                cs = pl.ds(cg * L, L)
                outv[p, cs] = (s0 * t0[p, cs] + s1 * t1[p, cs]
                               + s2 * t2[p, cs] + s3 * t3[p, cs])
            return _

        pass

    def owrite(c, outv, osem):
        pltpu.async_copy(outv, out.at[pl.ds(wbase + c * CH, CH)], osem)

    def owait(outv, osem):
        pltpu.make_async_copy(outv, out.at[pl.ds(wbase, CH)], osem).wait()

    fire(0, bufa)
    fire(1, bufb)
    drain(bufa)
    blend(0, bufa, outva)
    owrite(0, outva, osema)
    fire(2, bufa)
    drain(bufb)
    blend(1, bufb, outvb)
    owrite(1, outvb, osemb)

    def pair(k2, _):
        c = 2 * k2
        fire(c + 1, bufb)
        drain(bufa)
        owait(outva, osema)
        blend(c, bufa, outva)
        owrite(c, outva, osema)
        fire(c + 2, bufa)
        drain(bufb)
        owait(outvb, osemb)
        blend(c + 1, bufb, outvb)
        owrite(c + 1, outvb, osemb)
        return _

    lax.fori_loop(1, 4, pair, None)

    c = NCHUNK - 2
    fire(c + 1, bufb)
    drain(bufa)
    owait(outva, osema)
    blend(c, bufa, outva)
    owrite(c, outva, osema)
    drain(bufb)
    owait(outvb, osemb)
    blend(c + 1, bufb, outvb)
    owrite(c + 1, outvb, osemb)
    owait(outva, osema)
    owait(outvb, osemb)


PR = 4096


def _pad_body(img_ref, out_ref):
    out_ref[:, :C] = img_ref[...]
    out_ref[:, C:] = jnp.zeros((PR, CP - C), jnp.float32)


@jax.jit
def kernel(img, flo):
    table = jnp.pad(img.reshape(N, C), ((0, 0), (0, CP - C)))
    xg = jnp.arange(W, dtype=jnp.float32)
    yg = jnp.arange(H, dtype=jnp.float32)
    fxh = (flo[..., 0] + xg[None, None, :]).reshape(N)
    fyh = (flo[..., 1] + yg[None, :, None]).reshape(N)

    mesh = plsc.VectorSubcoreMesh(core_axis_name="c", subcore_axis_name="s",
                                  num_cores=NC, num_subcores=NS)
    iv = pltpu.VMEM((CH,), jnp.int32)
    fv = pltpu.VMEM((CH,), jnp.float32)
    tv = pltpu.VMEM((CH, CP), jnp.float32)
    ov = pltpu.VMEM((CH, C), jnp.float32)
    warp = pl.kernel(
        _warp_body,
        out_type=jax.ShapeDtypeStruct((N, C), jnp.float32),
        mesh=mesh,
        scratch_types=[
            fv,
            fv,
            iv, iv, iv, iv, fv, fv, fv, fv,
            iv, iv, iv, iv, fv, fv, fv, fv,
            tv, tv, tv, tv,
            tv, tv, tv, tv,
            ov, ov,
            pltpu.SemaphoreType.DMA,
            pltpu.SemaphoreType.DMA,
            pltpu.SemaphoreType.DMA,
            pltpu.SemaphoreType.DMA,
        ],
    )
    out = warp(table, fxh, fyh)
    return out.reshape(B, H, W, C)

# --- scband reference (transcript-rebuilt; emitter-appended) ---
"""Pipeline reference for scband-warp-14877766714074 (READ-ONLY COPY).

The authoritative reference and input builder live on the scoring server;
editing this copy changes nothing except your own understanding.
"""

import jax, jax.numpy as jnp
import numpy as np


def _get_pixel_value(img, x, y):
    # img: [B, H, W, C]; x, y: int32 [B, H, W]
    B, H, W, C = img.shape
    b = jnp.broadcast_to(jnp.arange(B)[:, None, None], x.shape)
    return img[b, y, x]  # [B, H, W, C]


def tf_warp(img, flow):
    # channels_last bilinear warp (PWC-Net style tf_warp)
    B, H, W, C = img.shape
    xg, yg = jnp.meshgrid(jnp.arange(W), jnp.arange(H))  # [H, W]
    grid_x = jnp.broadcast_to(xg[None, :, :].astype(jnp.float32), (B, H, W))
    grid_y = jnp.broadcast_to(yg[None, :, :].astype(jnp.float32), (B, H, W))
    x = grid_x + flow[..., 0]
    y = grid_y + flow[..., 1]
    max_x = W - 1
    max_y = H - 1
    x0 = jnp.floor(x).astype(jnp.int32)
    x1 = x0 + 1
    y0 = jnp.floor(y).astype(jnp.int32)
    y1 = y0 + 1
    x0c = jnp.clip(x0, 0, max_x)
    x1c = jnp.clip(x1, 0, max_x)
    y0c = jnp.clip(y0, 0, max_y)
    y1c = jnp.clip(y1, 0, max_y)
    Ia = _get_pixel_value(img, x0c, y0c)
    Ib = _get_pixel_value(img, x0c, y1c)
    Ic = _get_pixel_value(img, x1c, y0c)
    Id = _get_pixel_value(img, x1c, y1c)
    x0f = x0c.astype(jnp.float32)
    x1f = x1c.astype(jnp.float32)
    y0f = y0c.astype(jnp.float32)
    y1f = y1c.astype(jnp.float32)
    wa = (x1f - x) * (y1f - y)
    wb = (x1f - x) * (y - y0f)
    wc = (x - x0f) * (y1f - y)
    wd = (x - x0f) * (y - y0f)
    out = (wa[..., None] * Ia + wb[..., None] * Ib
           + wc[..., None] * Ic + wd[..., None] * Id)
    return out


def setup_inputs(seed: int = 0) -> dict:
    key = jax.random.key(seed)
    k1, k2 = jax.random.split(key)
    img = jax.random.normal(k1, (8, 224, 224, 96), dtype=jnp.float32)
    # realistic optical-flow magnitudes (a few pixels)
    flo = jax.random.normal(k2, (8, 224, 224, 2), dtype=jnp.float32) * 8.0
    return {"img": img, "flo": flo}


def reference(img, flo):
    return tf_warp(img, flo)

if __name__ == "__main__":
    import jax
    _d = setup_inputs()
    print(jax.jit(kernel)(*tuple(_d.values())))

</pallas_src>

<mosaic_0001>
#map = affine_map<(d0, d1) -> (0, 0)>
#map1 = affine_map<(d0, d1) -> (0)>
module attributes {stable_mosaic.version = 14 : i64} {
  func.func @_warp_body(%arg0: i32, %arg1: i32, %arg2: memref<401408x128xf32, #tpu.memory_space<hbm>>, %arg3: memref<401408xf32, #tpu.memory_space<hbm>>, %arg4: memref<401408xf32, #tpu.memory_space<hbm>>, %arg5: memref<401408x96xf32, #tpu.memory_space<hbm>>, %arg6: memref<64xf32, #tpu.memory_space<vmem>>, %arg7: memref<64xf32, #tpu.memory_space<vmem>>, %arg8: memref<64xi32, #tpu.memory_space<vmem>>, %arg9: memref<64xi32, #tpu.memory_space<vmem>>, %arg10: memref<64xi32, #tpu.memory_space<vmem>>, %arg11: memref<64xi32, #tpu.memory_space<vmem>>, %arg12: memref<64xf32, #tpu.memory_space<vmem>>, %arg13: memref<64xf32, #tpu.memory_space<vmem>>, %arg14: memref<64xf32, #tpu.memory_space<vmem>>, %arg15: memref<64xf32, #tpu.memory_space<vmem>>, %arg16: memref<64xi32, #tpu.memory_space<vmem>>, %arg17: memref<64xi32, #tpu.memory_space<vmem>>, %arg18: memref<64xi32, #tpu.memory_space<vmem>>, %arg19: memref<64xi32, #tpu.memory_space<vmem>>, %arg20: memref<64xf32, #tpu.memory_space<vmem>>, %arg21: memref<64xf32, #tpu.memory_space<vmem>>, %arg22: memref<64xf32, #tpu.memory_space<vmem>>, %arg23: memref<64xf32, #tpu.memory_space<vmem>>, %arg24: memref<64x128xf32, #tpu.memory_space<vmem>>, %arg25: memref<64x128xf32, #tpu.memory_space<vmem>>, %arg26: memref<64x128xf32, #tpu.memory_space<vmem>>, %arg27: memref<64x128xf32, #tpu.memory_space<vmem>>, %arg28: memref<64x128xf32, #tpu.memory_space<vmem>>, %arg29: memref<64x128xf32, #tpu.memory_space<vmem>>, %arg30: memref<64x128xf32, #tpu.memory_space<vmem>>, %arg31: memref<64x128xf32, #tpu.memory_space<vmem>>, %arg32: memref<64x96xf32, #tpu.memory_space<vmem>>, %arg33: memref<64x96xf32, #tpu.memory_space<vmem>>, %arg34: memref<!tpu.dma_semaphore, #tpu.memory_space<semaphore_mem>>, %arg35: memref<!tpu.dma_semaphore, #tpu.memory_space<semaphore_mem>>, %arg36: memref<!tpu.dma_semaphore, #tpu.memory_space<semaphore_mem>>, %arg37: memref<!tpu.dma_semaphore, #tpu.memory_space<semaphore_mem>>) attributes {dimension_semantics = [#tpu.dimension_semantics<core_parallel>, #tpu.dimension_semantics<subcore_parallel>], iteration_bounds = array<i64: 2, 16>, scalar_prefetch = 0 : i64, scratch_operands = 32 : i64, tpu.core_type = #tpu.core_type<sc_vector_subcore>, window_params = [{transform_indices = #map}, {transform_indices = #map1}, {transform_indices = #map1}, {transform_indices = #map}]} {
    %mul3A = arith.constant 2 : i32
    %mul3A_0 = arith.muli %arg1, %mul3A : i32
    %add3A = arith.addi %mul3A_0, %arg0 : i32
    %mul3A_1 = arith.constant 12544 : i32
    %mul3A_2 = arith.muli %add3A, %mul3A_1 : i32
    %shift_right_arithmetic3A = arith.constant 2 : i32
    %shift_right_arithmetic3A_3 = arith.shrsi %add3A, %shift_right_arithmetic3A : i32
    %mul3A_4 = arith.constant 50176 : i32
    %mul3A_5 = arith.muli %shift_right_arithmetic3A_3, %mul3A_4 : i32
    %add3A_6 = arith.constant 0 : i32
    %add3A_7 = arith.addi %mul3A_2, %add3A_6 : i32
    "tpu.region"() ({
      %run_scoped3A = tpu.sem_alloc : memref<!tpu.dma_semaphore, #tpu.memory_space<semaphore_mem>>
      %dma_start3A_2035 = tpu.memref_slice %arg3[%add3A_7] : memref<401408xf32, #tpu.memory_space<hbm>> -> memref<64xf32, #tpu.memory_space<hbm>>
      %dma_start3A_2036 = tpu.memref_slice %arg3[%add3A_7] : memref<401408xf32, #tpu.memory_space<hbm>> -> memref<64xf32, #tpu.memory_space<hbm>>
      tpu.enqueue_dma source(%dma_start3A_2036 : memref<64xf32, #tpu.memory_space<hbm>>) target(%arg6 : memref<64xf32, #tpu.memory_space<vmem>>) target_semaphore(%run_scoped3A : memref<!tpu.dma_semaphore, #tpu.memory_space<semaphore_mem>>)
      %dma_wait3A_2037 = tpu.memref_slice %arg3[%add3A_7] : memref<401408xf32, #tpu.memory_space<hbm>> -> memref<64xf32, #tpu.memory_space<hbm>>
      %dma_wait3A_2038 = tpu.memref_slice %arg3[%add3A_7] : memref<401408xf32, #tpu.memory_space<hbm>> -> memref<64xf32, #tpu.memory_space<hbm>>
      tpu.wait_dma2 semaphore(%run_scoped3A : memref<!tpu.dma_semaphore, #tpu.memory_space<semaphore_mem>>) src(%dma_wait3A_2038 : memref<64xf32, #tpu.memory_space<hbm>>) dst(%arg6 : memref<64xf32, #tpu.memory_space<vmem>>)
      tpu.yield
    }) : () -> ()
    %add3A_8 = arith.constant 0 : i32
    %add3A_9 = arith.addi %mul3A_2, %add3A_8 : i32
    "tpu.region"() ({
      %run_scoped3A = tpu.sem_alloc : memref<!tpu.dma_semaphore, #tpu.memory_space<semaphore_mem>>
      %dma_start3A_2035 = tpu.memref_slice %arg4[%add3A_9] : memref<401408xf32, #tpu.memory_space<hbm>> -> memref<64xf32, #tpu.memory_space<hbm>>
      %dma_start3A_2036 = tpu.memref_slice %arg4[%add3A_9] : memref<401408xf32, #tpu.memory_space<hbm>> -> memref<64xf32, #tpu.memory_space<hbm>>
      tpu.enqueue_dma source(%dma_start3A_2036 : memref<64xf32, #tpu.memory_space<hbm>>) target(%arg7 : memref<64xf32, #tpu.memory_space<vmem>>) target_semaphore(%run_scoped3A : memref<!tpu.dma_semaphore, #tpu.memory_space<semaphore_mem>>)
      %dma_wait3A_2037 = tpu.memref_slice %arg4[%add3A_9] : memref<401408xf32, #tpu.memory_space<hbm>> -> memref<64xf32, #tpu.memory_space<hbm>>
      %dma_wait3A_2038 = tpu.memref_slice %arg4[%add3A_9] : memref<401408xf32, #tpu.memory_space<hbm>> -> memref<64xf32, #tpu.memory_space<hbm>>
      tpu.wait_dma2 semaphore(%run_scoped3A : memref<!tpu.dma_semaphore, #tpu.memory_space<semaphore_mem>>) src(%dma_wait3A_2038 : memref<64xf32, #tpu.memory_space<hbm>>) dst(%arg7 : memref<64xf32, #tpu.memory_space<vmem>>)
      tpu.yield
    }) : () -> ()
    %get3A = arith.constant 0 : index
    %get3A_10 = tpu.vector_load %arg6[%get3A] {strides = array<i32>} : memref<64xf32, #tpu.memory_space<vmem>>, vector<16xf32>,
    %get3A_11 = vector.shape_cast %get3A_10 : vector<16xf32> to vector<16xf32>
    %get3A_12 = arith.constant 0 : index
    %get3A_13 = tpu.vector_load %arg7[%get3A_12] {strides = array<i32>} : memref<64xf32, #tpu.memory_space<vmem>>, vector<16xf32>,
    %get3A_14 = vector.shape_cast %get3A_13 : vector<16xf32> to vector<16xf32>
    %convert_element_type3A = arith.fptosi %get3A_11 : vector<16xf32> to vector<16xi32>
    %convert_element_type3A_15 = arith.sitofp %convert_element_type3A : vector<16xi32> to vector<16xf32>
    %lt3A = arith.cmpf olt, %get3A_11, %convert_element_type3A_15 : vector<16xf32>
    %sub3A = arith.constant 1 : i32
    %sub3A_16 = vector.broadcast %sub3A : i32 to vector<16xi32>
    %sub3A_17 = arith.subi %convert_element_type3A, %sub3A_16 : vector<16xi32>
    %select_n3A = arith.select %lt3A, %sub3A_17, %convert_element_type3A : vector<16xi1>, vector<16xi32>
    %convert_element_type3A_18 = arith.fptosi %get3A_14 : vector<16xf32> to vector<16xi32>
    %convert_element_type3A_19 = arith.sitofp %convert_element_type3A_18 : vector<16xi32> to vector<16xf32>
    %lt3A_20 = arith.cmpf olt, %get3A_14, %convert_element_type3A_19 : vector<16xf32>
    %sub3A_21 = arith.constant 1 : i32
    %sub3A_22 = vector.broadcast %sub3A_21 : i32 to vector<16xi32>
    %sub3A_23 = arith.subi %convert_element_type3A_18, %sub3A_22 : vector<16xi32>
    %select_n3A_24 = arith.select %lt3A_20, %sub3A_23, %convert_element_type3A_18 : vector<16xi1>, vector<16xi32>
    %convert_element_type3A_25 = arith.sitofp %select_n3A : vector<16xi32> to vector<16xf32>
    %sub3A_26 = arith.subf %get3A_11, %convert_element_type3A_25 : vector<16xf32>
    %convert_element_type3A_27 = arith.sitofp %select_n3A_24 : vector<16xi32> to vector<16xf32>
    %sub3A_28 = arith.subf %get3A_14, %convert_element_type3A_27 : vector<16xf32>
    %ge3A = arith.constant 0 : i32
    %ge3A_29 = vector.broadcast %ge3A : i32 to vector<16xi32>
    %ge3A_30 = arith.cmpi sge, %select_n3A, %ge3A_29 : vector<16xi32>
    %le3A = arith.constant 222 : i32
    %le3A_31 = vector.broadcast %le3A : i32 to vector<16xi32>
    %le3A_32 = arith.cmpi sle, %select_n3A, %le3A_31 : vector<16xi32>
    %and3A = arith.andi %ge3A_30, %le3A_32 : vector<16xi1>
    %ge3A_33 = arith.constant 0 : i32
    %ge3A_34 = vector.broadcast %ge3A_33 : i32 to vector<16xi32>
    %ge3A_35 = arith.cmpi sge, %select_n3A_24, %ge3A_34 : vector<16xi32>
    %and3A_36 = arith.andi %and3A, %ge3A_35 : vector<16xi1>
    %le3A_37 = arith.constant 222 : i32
    %le3A_38 = vector.broadcast %le3A_37 : i32 to vector<16xi32>
    %le3A_39 = arith.cmpi sle, %select_n3A_24, %le3A_38 : vector<16xi32>
    %and3A_40 = arith.andi %and3A_36, %le3A_39 : vector<16xi1>
    %jit3A = arith.constant 1.000000e+00 : f32
    %jit3A_41 = arith.constant 0.000000e+00 : f32
    %broadcast_in_dim3A = vector.broadcast %jit3A : f32 to vector<16xf32>
    %broadcast_in_dim3A_42 = vector.broadcast %jit3A_41 : f32 to vector<16xf32>
    %select_n3A_43 = arith.select %and3A_40, %broadcast_in_dim3A, %broadcast_in_dim3A_42 : vector<16xi1>, vector<16xf32>
    %jit3A_44 = arith.constant 0 : i32
    %jit3A_45 = arith.constant 222 : i32
    %max3A = vector.broadcast %jit3A_44 : i32 to vector<16xi32>
    %max3A_46 = arith.maxsi %max3A, %select_n3A : vector<16xi32>
    %min3A = vector.broadcast %jit3A_45 : i32 to vector<16xi32>
    %min3A_47 = arith.minsi %min3A, %max3A_46 : vector<16xi32>
    %jit3A_48 = arith.constant 0 : i32
    %jit3A_49 = arith.constant 222 : i32
    %max3A_50 = vector.broadcast %jit3A_48 : i32 to vector<16xi32>
    %max3A_51 = arith.maxsi %max3A_50, %select_n3A_24 : vector<16xi32>
    %min3A_52 = vector.broadcast %jit3A_49 : i32 to vector<16xi32>
    %min3A_53 = arith.minsi %min3A_52, %max3A_51 : vector<16xi32>
    %mul3A_54 = arith.constant 224 : i32
    %mul3A_55 = vector.broadcast %mul3A_54 : i32 to vector<16xi32>
    %mul3A_56 = arith.muli %min3A_53, %mul3A_55 : vector<16xi32>
    %add3A_57 = vector.broadcast %mul3A_5 : i32 to vector<16xi32>
    %add3A_58 = arith.addi %add3A_57, %mul3A_56 : vector<16xi32>
    %add3A_59 = arith.addi %add3A_58, %min3A_47 : vector<16xi32>
    %swap3A = arith.constant 0 : index
    %swap3A_60 = tpu.vector_load %arg8[%swap3A] {strides = array<i32>} : memref<64xi32, #tpu.memory_space<vmem>>, vector<16xi32>,
    %swap3A_61 = vector.shape_cast %swap3A_60 : vector<16xi32> to vector<16xi32>
    %swap3A_62 = vector.shape_cast %add3A_59 : vector<16xi32> to vector<16xi32>
    tpu.vector_store %arg8[%swap3A], %swap3A_62 {strides = array<i32>} : memref<64xi32, #tpu.memory_space<vmem>>, vector<16xi32>,
    %add3A_63 = arith.constant 1 : i32
    %add3A_64 = vector.broadcast %add3A_63 : i32 to vector<16xi32>
    %add3A_65 = arith.addi %add3A_59, %add3A_64 : vector<16xi32>
    %swap3A_66 = arith.constant 0 : index
    %swap3A_67 = tpu.vector_load %arg9[%swap3A_66] {strides = array<i32>} : memref<64xi32, #tpu.memory_space<vmem>>, vector<16xi32>,
    %swap3A_68 = vector.shape_cast %swap3A_67 : vector<16xi32> to vector<16xi32>
    %swap3A_69 = vector.shape_cast %add3A_65 : vector<16xi32> to vector<16xi32>
    tpu.vector_store %arg9[%swap3A_66], %swap3A_69 {strides = array<i32>} : memref<64xi32, #tpu.memory_space<vmem>>, vector<16xi32>,
    %add3A_70 = arith.constant 224 : i32
    %add3A_71 = vector.broadcast %add3A_70 : i32 to vector<16xi32>
    %add3A_72 = arith.addi %add3A_59, %add3A_71 : vector<16xi32>
    %swap3A_73 = arith.constant 0 : index
    %swap3A_74 = tpu.vector_load %arg10[%swap3A_73] {strides = array<i32>} : memref<64xi32, #tpu.memory_space<vmem>>, vector<16xi32>,
    %swap3A_75 = vector.shape_cast %swap3A_74 : vector<16xi32> to vector<16xi32>
    %swap3A_76 = vector.shape_cast %add3A_72 : vector<16xi32> to vector<16xi32>
    tpu.vector_store %arg10[%swap3A_73], %swap3A_76 {strides = array<i32>} : memref<64xi32, #tpu.memory_space<vmem>>, vector<16xi32>,
    %add3A_77 = arith.constant 224 : i32
    %add3A_78 = vector.broadcast %add3A_77 : i32 to vector<16xi32>
    %add3A_79 = arith.addi %add3A_59, %add3A_78 : vector<16xi32>
    %add3A_80 = arith.constant 1 : i32
    %add3A_81 = vector.broadcast %add3A_80 : i32 to vector<16xi32>
    %add3A_82 = arith.addi %add3A_79, %add3A_81 : vector<16xi32>
    %swap3A_83 = arith.constant 0 : index
    %swap3A_84 = tpu.vector_load %arg11[%swap3A_83] {strides = array<i32>} : memref<64xi32, #tpu.memory_space<vmem>>, vector<16xi32>,
    %swap3A_85 = vector.shape_cast %swap3A_84 : vector<16xi32> to vector<16xi32>
    %swap3A_86 = vector.shape_cast %add3A_82 : vector<16xi32> to vector<16xi32>
    tpu.vector_store %arg11[%swap3A_83], %swap3A_86 {strides = array<i32>} : memref<64xi32, #tpu.memory_space<vmem>>, vector<16xi32>,
    %mul3A_87 = arith.mulf %sub3A_26, %select_n3A_43 : vector<16xf32>
    %sub3A_88 = arith.subf %select_n3A_43, %mul3A_87 : vector<16xf32>
    %sub3A_89 = arith.constant 1.000000e+00 : f32
    %sub3A_90 = vector.broadcast %sub3A_89 : f32 to vector<16xf32>
    %sub3A_91 = arith.subf %sub3A_90, %sub3A_28 : vector<16xf32>
    %mul3A_92 = arith.mulf %sub3A_88, %sub3A_91 : vector<16xf32>
    %swap3A_93 = arith.constant 0 : index
    %swap3A_94 = tpu.vector_load %arg12[%swap3A_93] {strides = array<i32>} : memref<64xf32, #tpu.memory_space<vmem>>, vector<16xf32>,
    %swap3A_95 = vector.shape_cast %swap3A_94 : vector<16xf32> to vector<16xf32>
    %swap3A_96 = vector.shape_cast %mul3A_92 : vector<16xf32> to vector<16xf32>
    tpu.vector_store %arg12[%swap3A_93], %swap3A_96 {strides = array<i32>} : memref<64xf32, #tpu.memory_space<vmem>>, vector<16xf32>,
    %sub3A_97 = arith.constant 1.000000e+00 : f32
    %sub3A_98 = vector.broadcast %sub3A_97 : f32 to vector<16xf32>
    %sub3A_99 = arith.subf %sub3A_98, %sub3A_28 : vector<16xf32>
    %mul3A_100 = arith.mulf %mul3A_87, %sub3A_99 : vector<16xf32>
    %swap3A_101 = arith.constant 0 : index
    %swap3A_102 = tpu.vector_load %arg13[%swap3A_101] {strides = array<i32>} : memref<64xf32, #tpu.memory_space<vmem>>, vector<16xf32>,
    %swap3A_103 = vector.shape_cast %swap3A_102 : vector<16xf32> to vector<16xf32>
    %swap3A_104 = vector.shape_cast %mul3A_100 : vector<16xf32> to vector<16xf32>
    tpu.vector_store %arg13[%swap3A_101], %swap3A_104 {strides = array<i32>} : memref<64xf32, #tpu.memory_space<vmem>>, vector<16xf32>,
    %mul3A_105 = arith.mulf %sub3A_88, %sub3A_28 : vector<16xf32>
    %swap3A_106 = arith.constant 0 : index
    %swap3A_107 = tpu.vector_load %arg14[%swap3A_106] {strides = array<i32>} : memref<64xf32, #tpu.memory_space<vmem>>, vector<16xf32>,
    %swap3A_108 = vector.shape_cast %swap3A_107 : vector<16xf32> to vector<16xf32>
    %swap3A_109 = vector.shape_cast %mul3A_105 : vector<16xf32> to vector<16xf32>
    tpu.vector_store %arg14[%swap3A_106], %swap3A_109 {strides = array<i32>} : memref<64xf32, #tpu.memory_space<vmem>>, vector<16xf32>,
    %mul3A_110 = arith.mulf %mul3A_87, %sub3A_28 : vector<16xf32>
    %swap3A_111 = arith.constant 0 : index
    %swap3A_112 = tpu.vector_load %arg15[%swap3A_111] {strides = array<i32>} : memref<64xf32, #tpu.memory_space<vmem>>, vector<16xf32>,
    %swap3A_113 = vector.shape_cast %swap3A_112 : vector<16xf32> to vector<16xf32>
    %swap3A_114 = vector.shape_cast %mul3A_110 : vector<16xf32> to vector<16xf32>
    tpu.vector_store %arg15[%swap3A_111], %swap3A_114 {strides = array<i32>} : memref<64xf32, #tpu.memory_space<vmem>>, vector<16xf32>,
    %get3A_115 = arith.constant 16 : index
    %get3A_116 = tpu.vector_load %arg6[%get3A_115] {strides = array<i32>} : memref<64xf32, #tpu.memory_space<vmem>>, vector<16xf32>,
    %get3A_117 = vector.shape_cast %get3A_116 : vector<16xf32> to vector<16xf32>
    %get3A_118 = arith.constant 16 : index
    %get3A_119 = tpu.vector_load %arg7[%get3A_118] {strides = array<i32>} : memref<64xf32, #tpu.memory_space<vmem>>, vector<16xf32>,
    %get3A_120 = vector.shape_cast %get3A_119 : vector<16xf32> to vector<16xf32>
    %convert_element_type3A_121 = arith.fptosi %get3A_117 : vector<16xf32> to vector<16xi32>
    %convert_element_type3A_122 = arith.sitofp %convert_element_type3A_121 : vector<16xi32> to vector<16xf32>
    %lt3A_123 = arith.cmpf olt, %get3A_117, %convert_element_type3A_122 : vector<16xf32>
    %sub3A_124 = arith.constant 1 : i32
    %sub3A_125 = vector.broadcast %sub3A_124 : i32 to vector<16xi32>
    %sub3A_126 = arith.subi %convert_element_type3A_121, %sub3A_125 : vector<16xi32>
    %select_n3A_127 = arith.select %lt3A_123, %sub3A_126, %convert_element_type3A_121 : vector<16xi1>, vector<16xi32>
    %convert_element_type3A_128 = arith.fptosi %get3A_120 : vector<16xf32> to vector<16xi32>
    %convert_element_type3A_129 = arith.sitofp %convert_element_type3A_128 : vector<16xi32> to vector<16xf32>
    %lt3A_130 = arith.cmpf olt, %get3A_120, %convert_element_type3A_129 : vector<16xf32>
    %sub3A_131 = arith.constant 1 : i32
    %sub3A_132 = vector.broadcast %sub3A_131 : i32 to vector<16xi32>
    %sub3A_133 = arith.subi %convert_element_type3A_128, %sub3A_132 : vector<16xi32>
    %select_n3A_134 = arith.select %lt3A_130, %sub3A_133, %convert_element_type3A_128 : vector<16xi1>, vector<16xi32>
    %convert_element_type3A_135 = arith.sitofp %select_n3A_127 : vector<16xi32> to vector<16xf32>
    %sub3A_136 = arith.subf %get3A_117, %convert_element_type3A_135 : vector<16xf32>
    %convert_element_type3A_137 = arith.sitofp %select_n3A_134 : vector<16xi32> to vector<16xf32>
    %sub3A_138 = arith.subf %get3A_120, %convert_element_type3A_137 : vector<16xf32>
    %ge3A_139 = arith.constant 0 : i32
    %ge3A_140 = vector.broadcast %ge3A_139 : i32 to vector<16xi32>
    %ge3A_141 = arith.cmpi sge, %select_n3A_127, %ge3A_140 : vector<16xi32>
    %le3A_142 = arith.constant 222 : i32
    %le3A_143 = vector.broadcast %le3A_142 : i32 to vector<16xi32>
    %le3A_144 = arith.cmpi sle, %select_n3A_127, %le3A_143 : vector<16xi32>
    %and3A_145 = arith.andi %ge3A_141, %le3A_144 : vector<16xi1>
    %ge3A_146 = arith.constant 0 : i32
    %ge3A_147 = vector.broadcast %ge3A_146 : i32 to vector<16xi32>
    %ge3A_148 = arith.cmpi sge, %select_n3A_134, %ge3A_147 : vector<16xi32>
    %and3A_149 = arith.andi %and3A_145, %ge3A_148 : vector<16xi1>
    %le3A_150 = arith.constant 222 : i32
    %le3A_151 = vector.broadcast %le3A_150 : i32 to vector<16xi32>
    %le3A_152 = arith.cmpi sle, %select_n3A_134, %le3A_151 : vector<16xi32>
    %and3A_153 = arith.andi %and3A_149, %le3A_152 : vector<16xi1>
    %jit3A_154 = arith.constant 1.000000e+00 : f32
    %jit3A_155 = arith.constant 0.000000e+00 : f32
    %broadcast_in_dim3A_156 = vector.broadcast %jit3A_154 : f32 to vector<16xf32>
    %broadcast_in_dim3A_157 = vector.broadcast %jit3A_155 : f32 to vector<16xf32>
    %select_n3A_158 = arith.select %and3A_153, %broadcast_in_dim3A_156, %broadcast_in_dim3A_157 : vector<16xi1>, vector<16xf32>
    %jit3A_159 = arith.constant 0 : i32
    %jit3A_160 = arith.constant 222 : i32
    %max3A_161 = vector.broadcast %jit3A_159 : i32 to vector<16xi32>
    %max3A_162 = arith.maxsi %max3A_161, %select_n3A_127 : vector<16xi32>
    %min3A_163 = vector.broadcast %jit3A_160 : i32 to vector<16xi32>
    %min3A_164 = arith.minsi %min3A_163, %max3A_162 : vector<16xi32>
    %jit3A_165 = arith.constant 0 : i32
    %jit3A_166 = arith.constant 222 : i32
    %max3A_167 = vector.broadcast %jit3A_165 : i32 to vector<16xi32>
    %max3A_168 = arith.maxsi %max3A_167, %select_n3A_134 : vector<16xi32>
    %min3A_169 = vector.broadcast %jit3A_166 : i32 to vector<16xi32>
    %min3A_170 = arith.minsi %min3A_169, %max3A_168 : vector<16xi32>
    %mul3A_171 = arith.constant 224 : i32
    %mul3A_172 = vector.broadcast %mul3A_171 : i32 to vector<16xi32>
    %mul3A_173 = arith.muli %min3A_170, %mul3A_172 : vector<16xi32>
    %add3A_174 = vector.broadcast %mul3A_5 : i32 to vector<16xi32>
    %add3A_175 = arith.addi %add3A_174, %mul3A_173 : vector<16xi32>
    %add3A_176 = arith.addi %add3A_175, %min3A_164 : vector<16xi32>
    %swap3A_177 = arith.constant 16 : index
    %swap3A_178 = tpu.vector_load %arg8[%swap3A_177] {strides = array<i32>} : memref<64xi32, #tpu.memory_space<vmem>>, vector<16xi32>,
    %swap3A_179 = vector.shape_cast %swap3A_178 : vector<16xi32> to vector<16xi32>
    %swap3A_180 = vector.shape_cast %add3A_176 : vector<16xi32> to vector<16xi32>
    tpu.vector_store %arg8[%swap3A_177], %swap3A_180 {strides = array<i32>} : memref<64xi32, #tpu.memory_space<vmem>>, vector<16xi32>,
    %add3A_181 = arith.constant 1 : i32
    %add3A_182 = vector.broadcast %add3A_181 : i32 to vector<16xi32>
    %add3A_183 = arith.addi %add3A_176, %add3A_182 : vector<16xi32>
    %swap3A_184 = arith.constant 16 : index
    %swap3A_185 = tpu.vector_load %arg9[%swap3A_184] {strides = array<i32>} : memref<64xi32, #tpu.memory_space<vmem>>, vector<16xi32>,
    %swap3A_186 = vector.shape_cast %swap3A_185 : vector<16xi32> to vector<16xi32>
    %swap3A_187 = vector.shape_cast %add3A_183 : vector<16xi32> to vector<16xi32>
    tpu.vector_store %arg9[%swap3A_184], %swap3A_187 {strides = array<i32>} : memref<64xi32, #tpu.memory_space<vmem>>, vector<16xi32>,
    %add3A_188 = arith.constant 224 : i32
    %add3A_189 = vector.broadcast %add3A_188 : i32 to vector<16xi32>
    %add3A_190 = arith.addi %add3A_176, %add3A_189 : vector<16xi32>
    %swap3A_191 = arith.constant 16 : index
    %swap3A_192 = tpu.vector_load %arg10[%swap3A_191] {strides = array<i32>} : memref<64xi32, #tpu.memory_space<vmem>>, vector<16xi32>,
    %swap3A_193 = vector.shape_cast %swap3A_192 : vector<16xi32> to vector<16xi32>
    %swap3A_194 = vector.shape_cast %add3A_190 : vector<16xi32> to vector<16xi32>
    tpu.vector_store %arg10[%swap3A_191], %swap3A_194 {strides = array<i32>} : memref<64xi32, #tpu.memory_space<vmem>>, vector<16xi32>,
    %add3A_195 = arith.constant 224 : i32
    %add3A_196 = vector.broadcast %add3A_195 : i32 to vector<16xi32>
    %add3A_197 = arith.addi %add3A_176, %add3A_196 : vector<16xi32>
    %add3A_198 = arith.constant 1 : i32
    %add3A_199 = vector.broadcast %add3A_198 : i32 to vector<16xi32>
    %add3A_200 = arith.addi %add3A_197, %add3A_199 : vector<16xi32>
    %swap3A_201 = arith.constant 16 : index
    %swap3A_202 = tpu.vector_load %arg11[%swap3A_201] {strides = array<i32>} : memref<64xi32, #tpu.memory_space<vmem>>, vector<16xi32>,
    %swap3A_203 = vector.shape_cast %swap3A_202 : vector<16xi32> to vector<16xi32>
    %swap3A_204 = vector.shape_cast %add3A_200 : vector<16xi32> to vector<16xi32>
    tpu.vector_store %arg11[%swap3A_201], %swap3A_204 {strides = array<i32>} : memref<64xi32, #tpu.memory_space<vmem>>, vector<16xi32>,
    %mul3A_205 = arith.mulf %sub3A_136, %select_n3A_158 : vector<16xf32>
    %sub3A_206 = arith.subf %select_n3A_158, %mul3A_205 : vector<16xf32>
    %sub3A_207 = arith.constant 1.000000e+00 : f32
    %sub3A_208 = vector.broadcast %sub3A_207 : f32 to vector<16xf32>
    %sub3A_209 = arith.subf %sub3A_208, %sub3A_138 : vector<16xf32>
    %mul3A_210 = arith.mulf %sub3A_206, %sub3A_209 : vector<16xf32>
    %swap3A_211 = arith.constant 16 : index
    %swap3A_212 = tpu.vector_load %arg12[%swap3A_211] {strides = array<i32>} : memref<64xf32, #tpu.memory_space<vmem>>, vector<16xf32>,
    %swap3A_213 = vector.shape_cast %swap3A_212 : vector<16xf32> to vector<16xf32>
    %swap3A_214 = vector.shape_cast %mul3A_210 : vector<16xf32> to vector<16xf32>
    tpu.vector_store %arg12[%swap3A_211], %swap3A_214 {strides = array<i32>} : memref<64xf32, #tpu.memory_space<vmem>>, vector<16xf32>,
    %sub3A_215 = arith.constant 1.000000e+00 : f32
    %sub3A_216 = vector.broadcast %sub3A_215 : f32 to vector<16xf32>
    %sub3A_217 = arith.subf %sub3A_216, %sub3A_138 : vector<16xf32>
    %mul3A_218 = arith.mulf %mul3A_205, %sub3A_217 : vector<16xf32>
    %swap3A_219 = arith.constant 16 : index
    %swap3A_220 = tpu.vector_load %arg13[%swap3A_219] {strides = array<i32>} : memref<64xf32, #tpu.memory_space<vmem>>, vector<16xf32>,
    %swap3A_221 = vector.shape_cast %swap3A_220 : vector<16xf32> to vector<16xf32>
    %swap3A_222 = vector.shape_cast %mul3A_218 : vector<16xf32> to vector<16xf32>
    tpu.vector_store %arg13[%swap3A_219], %swap3A_222 {strides = array<i32>} : memref<64xf32, #tpu.memory_space<vmem>>, vector<16xf32>,
    %mul3A_223 = arith.mulf %sub3A_206, %sub3A_138 : vector<16xf32>
    %swap3A_224 = arith.constant 16 : index
    %swap3A_225 = tpu.vector_load %arg14[%swap3A_224] {strides = array<i32>} : memref<64xf32, #tpu.memory_space<vmem>>, vector<16xf32>,
    %swap3A_226 = vector.shape_cast %swap3A_225 : vector<16xf32> to vector<16xf32>
    %swap3A_227 = vector.shape_cast %mul3A_223 : vector<16xf32> to vector<16xf32>
    tpu.vector_store %arg14[%swap3A_224], %swap3A_227 {strides = array<i32>} : memref<64xf32, #tpu.memory_space<vmem>>, vector<16xf32>,
    %mul3A_228 = arith.mulf %mul3A_205, %sub3A_138 : vector<16xf32>
    %swap3A_229 = arith.constant 16 : index
    %swap3A_230 = tpu.vector_load %arg15[%swap3A_229] {strides = array<i32>} : memref<64xf32, #tpu.memory_space<vmem>>, vector<16xf32>,
    %swap3A_231 = vector.shape_cast %swap3A_230 : vector<16xf32> to vector<16xf32>
    %swap3A_232 = vector.shape_cast %mul3A_228 : vector<16xf32> to vector<16xf32>
    tpu.vector_store %arg15[%swap3A_229], %swap3A_232 {strides = array<i32>} : memref<64xf32, #tpu.memory_space<vmem>>, vector<16xf32>,
    %get3A_233 = arith.constant 32 : index
    %get3A_234 = tpu.vector_load %arg6[%get3A_233] {strides = array<i32>} : memref<64xf32, #tpu.memory_space<vmem>>, vector<16xf32>,
    %get3A_235 = vector.shape_cast %get3A_234 : vector<16xf32> to vector<16xf32>
    %get3A_236 = arith.constant 32 : index
    %get3A_237 = tpu.vector_load %arg7[%get3A_236] {strides = array<i32>} : memref<64xf32, #tpu.memory_space<vmem>>, vector<16xf32>,
    %get3A_238 = vector.shape_cast %get3A_237 : vector<16xf32> to vector<16xf32>
    %convert_element_type3A_239 = arith.fptosi %get3A_235 : vector<16xf32> to vector<16xi32>
    %convert_element_type3A_240 = arith.sitofp %convert_element_type3A_239 : vector<16xi32> to vector<16xf32>
    %lt3A_241 = arith.cmpf olt, %get3A_235, %convert_element_type3A_240 : vector<16xf32>
    %sub3A_242 = arith.constant 1 : i32
    %sub3A_243 = vector.broadcast %sub3A_242 : i32 to vector<16xi32>
    %sub3A_244 = arith.subi %convert_element_type3A_239, %sub3A_243 : vector<16xi32>
    %select_n3A_245 = arith.select %lt3A_241, %sub3A_244, %convert_element_type3A_239 : vector<16xi1>, vector<16xi32>
    %convert_element_type3A_246 = arith.fptosi %get3A_238 : vector<16xf32> to vector<16xi32>
    %convert_element_type3A_247 = arith.sitofp %convert_element_type3A_246 : vector<16xi32> to vector<16xf32>
    %lt3A_248 = arith.cmpf olt, %get3A_238, %convert_element_type3A_247 : vector<16xf32>
    %sub3A_249 = arith.constant 1 : i32
    %sub3A_250 = vector.broadcast %sub3A_249 : i32 to vector<16xi32>
    %sub3A_251 = arith.subi %convert_element_type3A_246, %sub3A_250 : vector<16xi32>
    %select_n3A_252 = arith.select %lt3A_248, %sub3A_251, %convert_element_type3A_246 : vector<16xi1>, vector<16xi32>
    %convert_element_type3A_253 = arith.sitofp %select_n3A_245 : vector<16xi32> to vector<16xf32>
    %sub3A_254 = arith.subf %get3A_235, %convert_element_type3A_253 : vector<16xf32>
    %convert_element_type3A_255 = arith.sitofp %select_n3A_252 : vector<16xi32> to vector<16xf32>
    %sub3A_256 = arith.subf %get3A_238, %convert_element_type3A_255 : vector<16xf32>
    %ge3A_257 = arith.constant 0 : i32
    %ge3A_258 = vector.broadcast %ge3A_257 : i32 to vector<16xi32>
    %ge3A_259 = arith.cmpi sge, %select_n3A_245, %ge3A_258 : vector<16xi32>
    %le3A_260 = arith.constant 222 : i32
    %le3A_261 = vector.broadcast %le3A_260 : i32 to vector<16xi32>
    %le3A_262 = arith.cmpi sle, %select_n3A_245, %le3A_261 : vector<16xi32>
    %and3A_263 = arith.andi %ge3A_259, %le3A_262 : vector<16xi1>
    %ge3A_264 = arith.constant 0 : i32
    %ge3A_265 = vector.broadcast %ge3A_264 : i32 to vector<16xi32>
    %ge3A_266 = arith.cmpi sge, %select_n3A_252, %ge3A_265 : vector<16xi32>
    %and3A_267 = arith.andi %and3A_263, %ge3A_266 : vector<16xi1>
    %le3A_268 = arith.constant 222 : i32
    %le3A_269 = vector.broadcast %le3A_268 : i32 to vector<16xi32>
    %le3A_270 = arith.cmpi sle, %select_n3A_252, %le3A_269 : vector<16xi32>
    %and3A_271 = arith.andi %and3A_267, %le3A_270 : vector<16xi1>
    %jit3A_272 = arith.constant 1.000000e+00 : f32
    %jit3A_273 = arith.constant 0.000000e+00 : f32
    %broadcast_in_dim3A_274 = vector.broadcast %jit3A_272 : f32 to vector<16xf32>
    %broadcast_in_dim3A_275 = vector.broadcast %jit3A_273 : f32 to vector<16xf32>
    %select_n3A_276 = arith.select %and3A_271, %broadcast_in_dim3A_274, %broadcast_in_dim3A_275 : vector<16xi1>, vector<16xf32>
    %jit3A_277 = arith.constant 0 : i32
    %jit3A_278 = arith.constant 222 : i32
    %max3A_279 = vector.broadcast %jit3A_277 : i32 to vector<16xi32>
    %max3A_280 = arith.maxsi %max3A_279, %select_n3A_245 : vector<16xi32>
    %min3A_281 = vector.broadcast %jit3A_278 : i32 to vector<16xi32>
    %min3A_282 = arith.minsi %min3A_281, %max3A_280 : vector<16xi32>
    %jit3A_283 = arith.constant 0 : i32
    %jit3A_284 = arith.constant 222 : i32
    %max3A_285 = vector.broadcast %jit3A_283 : i32 to vector<16xi32>
    %max3A_286 = arith.maxsi %max3A_285, %select_n3A_252 : vector<16xi32>
    %min3A_287 = vector.broadcast %jit3A_284 : i32 to vector<16xi32>
    %min3A_288 = arith.minsi %min3A_287, %max3A_286 : vector<16xi32>
    %mul3A_289 = arith.constant 224 : i32
    %mul3A_290 = vector.broadcast %mul3A_289 : i32 to vector<16xi32>
    %mul3A_291 = arith.muli %min3A_288, %mul3A_290 : vector<16xi32>
    %add3A_292 = vector.broadcast %mul3A_5 : i32 to vector<16xi32>
    %add3A_293 = arith.addi %add3A_292, %mul3A_291 : vector<16xi32>
    %add3A_294 = arith.addi %add3A_293, %min3A_282 : vector<16xi32>
    %swap3A_295 = arith.constant 32 : index
    %swap3A_296 = tpu.vector_load %arg8[%swap3A_295] {strides = array<i32>} : memref<64xi32, #tpu.memory_space<vmem>>, vector<16xi32>,
    %swap3A_297 = vector.shape_cast %swap3A_296 : vector<16xi32> to vector<16xi32>
    %swap3A_298 = vector.shape_cast %add3A_294 : vector<16xi32> to vector<16xi32>
    tpu.vector_store %arg8[%swap3A_295], %swap3A_298 {strides = array<i32>} : memref<64xi32, #tpu.memory_space<vmem>>, vector<16xi32>,
    %add3A_299 = arith.constant 1 : i32
    %add3A_300 = vector.broadcast %add3A_299 : i32 to vector<16xi32>
    %add3A_301 = arith.addi %add3A_294, %add3A_300 : vector<16xi32>
    %swap3A_302 = arith.constant 32 : index
    %swap3A_303 = tpu.vector_load %arg9[%swap3A_302] {strides = array<i32>} : memref<64xi32, #tpu.memory_space<vmem>>, vector<16xi32>,
    %swap3A_304 = vector.shape_cast %swap3A_303 : vector<16xi32> to vector<16xi32>
    %swap3A_305 = vector.shape_cast %add3A_301 : vector<16xi32> to vector<16xi32>
    tpu.vector_store %arg9[%swap3A_302], %swap3A_305 {strides = array<i32>} : memref<64xi32, #tpu.memory_space<vmem>>, vector<16xi32>,
    %add3A_306 = arith.constant 224 : i32
    %add3A_307 = vector.broadcast %add3A_306 : i32 to vector<16xi32>
    %add3A_308 = arith.addi %add3A_294, %add3A_307 : vector<16xi32>
    %swap3A_309 = arith.constant 32 : index
    %swap3A_310 = tpu.vector_load %arg10[%swap3A_309] {strides = array<i32>} : memref<64xi32, #tpu.memory_space<vmem>>, vector<16xi32>,
    %swap3A_311 = vector.shape_cast %swap3A_310 : vector<16xi32> to vector<16xi32>
    %swap3A_312 = vector.shape_cast %add3A_308 : vector<16xi32> to vector<16xi32>
    tpu.vector_store %arg10[%swap3A_309], %swap3A_312 {strides = array<i32>} : memref<64xi32, #tpu.memory_space<vmem>>, vector<16xi32>,
    %add3A_313 = arith.constant 224 : i32
    %add3A_314 = vector.broadcast %add3A_313 : i32 to vector<16xi32>
    %add3A_315 = arith.addi %add3A_294, %add3A_314 : vector<16xi32>
    %add3A_316 = arith.constant 1 : i32
    %add3A_317 = vector.broadcast %add3A_316 : i32 to vector<16xi32>
    %add3A_318 = arith.addi %add3A_315, %add3A_317 : vector<16xi32>
    %swap3A_319 = arith.constant 32 : index
    %swap3A_320 = tpu.vector_load %arg11[%swap3A_319] {strides = array<i32>} : memref<64xi32, #tpu.memory_space<vmem>>, vector<16xi32>,
    %swap3A_321 = vector.shape_cast %swap3A_320 : vector<16xi32> to vector<16xi32>
    %swap3A_322 = vector.shape_cast %add3A_318 : vector<16xi32> to vector<16xi32>
    tpu.vector_store %arg11[%swap3A_319], %swap3A_322 {strides = array<i32>} : memref<64xi32, #tpu.memory_space<vmem>>, vector<16xi32>,
    %mul3A_323 = arith.mulf %sub3A_254, %select_n3A_276 : vector<16xf32>
    %sub3A_324 = arith.subf %select_n3A_276, %mul3A_323 : vector<16xf32>
    %sub3A_325 = arith.constant 1.000000e+00 : f32
    %sub3A_326 = vector.broadcast %sub3A_325 : f32 to vector<16xf32>
    %sub3A_327 = arith.subf %sub3A_326, %sub3A_256 : vector<16xf32>
    %mul3A_328 = arith.mulf %sub3A_324, %sub3A_327 : vector<16xf32>
    %swap3A_329 = arith.constant 32 : index
    %swap3A_330 = tpu.vector_load %arg12[%swap3A_329] {strides = array<i32>} : memref<64xf32, #tpu.memory_space<vmem>>, vector<16xf32>,
    %swap3A_331 = vector.shape_cast %swap3A_330 : vector<16xf32> to vector<16xf32>
    %swap3A_332 = vector.shape_cast %mul3A_328 : vector<16xf32> to vector<16xf32>
    tpu.vector_store %arg12[%swap3A_329], %swap3A_332 {strides = array<i32>} : memref<64xf32, #tpu.memory_space<vmem>>, vector<16xf32>,
    %sub3A_333 = arith.constant 1.000000e+00 : f32
    %sub3A_334 = vector.broadcast %sub3A_333 : f32 to vector<16xf32>
    %sub3A_335 = arith.subf %sub3A_334, %sub3A_256 : vector<16xf32>
    %mul3A_336 = arith.mulf %mul3A_323, %sub3A_335 : vector<16xf32>
    %swap3A_337 = arith.constant 32 : index
    %swap3A_338 = tpu.vector_load %arg13[%swap3A_337] {strides = array<i32>} : memref<64xf32, #tpu.memory_space<vmem>>, vector<16xf32>,
    %swap3A_339 = vector.shape_cast %swap3A_338 : vector<16xf32> to vector<16xf32>
    %swap3A_340 = vector.shape_cast %mul3A_336 : vector<16xf32> to vector<16xf32>
    tpu.vector_store %arg13[%swap3A_337], %swap3A_340 {strides = array<i32>} : memref<64xf32, #tpu.memory_space<vmem>>, vector<16xf32>,
    %mul3A_341 = arith.mulf %sub3A_324, %sub3A_256 : vector<16xf32>
    %swap3A_342 = arith.constant 32 : index
    %swap3A_343 = tpu.vector_load %arg14[%swap3A_342] {strides = array<i32>} : memref<64xf32, #tpu.memory_space<vmem>>, vector<16xf32>,
    %swap3A_344 = vector.shape_cast %swap3A_343 : vector<16xf32> to vector<16xf32>
    %swap3A_345 = vector.shape_cast %mul3A_341 : vector<16xf32> to vector<16xf32>
    tpu.vector_store %arg14[%swap3A_342], %swap3A_345 {strides = array<i32>} : memref<64xf32, #tpu.memory_space<vmem>>, vector<16xf32>,
    %mul3A_346 = arith.mulf %mul3A_323, %sub3A_256 : vector<16xf32>
    %swap3A_347 = arith.constant 32 : index
    %swap3A_348 = tpu.vector_load %arg15[%swap3A_347] {strides = array<i32>} : memref<64xf32, #tpu.memory_space<vmem>>, vector<16xf32>,
    %swap3A_349 = vector.shape_cast %swap3A_348 : vector<16xf32> to vector<16xf32>
    %swap3A_350 = vector.shape_cast %mul3A_346 : vector<16xf32> to vector<16xf32>
    tpu.vector_store %arg15[%swap3A_347], %swap3A_350 {strides = array<i32>} : memref<64xf32, #tpu.memory_space<vmem>>, vector<16xf32>,
    %get3A_351 = arith.constant 48 : index
    %get3A_352 = tpu.vector_load %arg6[%get3A_351] {strides = array<i32>} : memref<64xf32, #tpu.memory_space<vmem>>, vector<16xf32>,
    %get3A_353 = vector.shape_cast %get3A_352 : vector<16xf32> to vector<16xf32>
    %get3A_354 = arith.constant 48 : index
    %get3A_355 = tpu.vector_load %arg7[%get3A_354] {strides = array<i32>} : memref<64xf32, #tpu.memory_space<vmem>>, vector<16xf32>,
    %get3A_356 = vector.shape_cast %get3A_355 : vector<16xf32> to vector<16xf32>
    %convert_element_type3A_357 = arith.fptosi %get3A_353 : vector<16xf32> to vector<16xi32>
    %convert_element_type3A_358 = arith.sitofp %convert_element_type3A_357 : vector<16xi32> to vector<16xf32>
    %lt3A_359 = arith.cmpf olt, %get3A_353, %convert_element_type3A_358 : vector<16xf32>
    %sub3A_360 = arith.constant 1 : i32
    %sub3A_361 = vector.broadcast %sub3A_360 : i32 to vector<16xi32>
    %sub3A_362 = arith.subi %convert_element_type3A_357, %sub3A_361 : vector<16xi32>
    %select_n3A_363 = arith.select %lt3A_359, %sub3A_362, %convert_element_type3A_357 : vector<16xi1>, vector<16xi32>
    %convert_element_type3A_364 = arith.fptosi %get3A_356 : vector<16xf32> to vector<16xi32>
    %convert_element_type3A_365 = arith.sitofp %convert_element_type3A_364 : vector<16xi32> to vector<16xf32>
    %lt3A_366 = arith.cmpf olt, %get3A_356, %convert_element_type3A_365 : vector<16xf32>
    %sub3A_367 = arith.constant 1 : i32
    %sub3A_368 = vector.broadcast %sub3A_367 : i32 to vector<16xi32>
    %sub3A_369 = arith.subi %convert_element_type3A_364, %sub3A_368 : vector<16xi32>
    %select_n3A_370 = arith.select %lt3A_366, %sub3A_369, %convert_element_type3A_364 : vector<16xi1>, vector<16xi32>
    %convert_element_type3A_371 = arith.sitofp %select_n3A_363 : vector<16xi32> to vector<16xf32>
    %sub3A_372 = arith.subf %get3A_353, %convert_element_type3A_371 : vector<16xf32>
    %convert_element_type3A_373 = arith.sitofp %select_n3A_370 : vector<16xi32> to vector<16xf32>
    %sub3A_374 = arith.subf %get3A_356, %convert_element_type3A_373 : vector<16xf32>
    %ge3A_375 = arith.constant 0 : i32
    %ge3A_376 = vector.broadcast %ge3A_375 : i32 to vector<16xi32>
    %ge3A_377 = arith.cmpi sge, %select_n3A_363, %ge3A_376 : vector<16xi32>
    %le3A_378 = arith.constant 222 : i32
    %le3A_379 = vector.broadcast %le3A_378 : i32 to vector<16xi32>
    %le3A_380 = arith.cmpi sle, %select_n3A_363, %le3A_379 : vector<16xi32>
    %and3A_381 = arith.andi %ge3A_377, %le3A_380 : vector<16xi1>
    %ge3A_382 = arith.constant 0 : i32
    %ge3A_383 = vector.broadcast %ge3A_382 : i32 to vector<16xi32>
    %ge3A_384 = arith.cmpi sge, %select_n3A_370, %ge3A_383 : vector<16xi32>
    %and3A_385 = arith.andi %and3A_381, %ge3A_384 : vector<16xi1>
    %le3A_386 = arith.constant 222 : i32
    %le3A_387 = vector.broadcast %le3A_386 : i32 to vector<16xi32>
    %le3A_388 = arith.cmpi sle, %select_n3A_370, %le3A_387 : vector<16xi32>
    %and3A_389 = arith.andi %and3A_385, %le3A_388 : vector<16xi1>
    %jit3A_390 = arith.constant 1.000000e+00 : f32
    %jit3A_391 = arith.constant 0.000000e+00 : f32
    %broadcast_in_dim3A_392 = vector.broadcast %jit3A_390 : f32 to vector<16xf32>
    %broadcast_in_dim3A_393 = vector.broadcast %jit3A_391 : f32 to vector<16xf32>
    %select_n3A_394 = arith.select %and3A_389, %broadcast_in_dim3A_392, %broadcast_in_dim3A_393 : vector<16xi1>, vector<16xf32>
    %jit3A_395 = arith.constant 0 : i32
    %jit3A_396 = arith.constant 222 : i32
    %max3A_397 = vector.broadcast %jit3A_395 : i32 to vector<16xi32>
    %max3A_398 = arith.maxsi %max3A_397, %select_n3A_363 : vector<16xi32>
    %min3A_399 = vector.broadcast %jit3A_396 : i32 to vector<16xi32>
    %min3A_400 = arith.minsi %min3A_399, %max3A_398 : vector<16xi32>
    %jit3A_401 = arith.constant 0 : i32
    %jit3A_402 = arith.constant 222 : i32
    %max3A_403 = vector.broadcast %jit3A_401 : i32 to vector<16xi32>
    %max3A_404 = arith.maxsi %max3A_403, %select_n3A_370 : vector<16xi32>
    %min3A_405 = vector.broadcast %jit3A_402 : i32 to vector<16xi32>
    %min3A_406 = arith.minsi %min3A_405, %max3A_404 : vector<16xi32>
    %mul3A_407 = arith.constant 224 : i32
    %mul3A_408 = vector.broadcast %mul3A_407 : i32 to vector<16xi32>
    %mul3A_409 = arith.muli %min3A_406, %mul3A_408 : vector<16xi32>
    %add3A_410 = vector.broadcast %mul3A_5 : i32 to vector<16xi32>
    %add3A_411 = arith.addi %add3A_410, %mul3A_409 : vector<16xi32>
    %add3A_412 = arith.addi %add3A_411, %min3A_400 : vector<16xi32>
    %swap3A_413 = arith.constant 48 : index
    %swap3A_414 = tpu.vector_load %arg8[%swap3A_413] {strides = array<i32>} : memref<64xi32, #tpu.memory_space<vmem>>, vector<16xi32>,
    %swap3A_415 = vector.shape_cast %swap3A_414 : vector<16xi32> to vector<16xi32>
    %swap3A_416 = vector.shape_cast %add3A_412 : vector<16xi32> to vector<16xi32>
    tpu.vector_store %arg8[%swap3A_413], %swap3A_416 {strides = array<i32>} : memref<64xi32, #tpu.memory_space<vmem>>, vector<16xi32>,
    %add3A_417 = arith.constant 1 : i32
    %add3A_418 = vector.broadcast %add3A_417 : i32 to vector<16xi32>
    %add3A_419 = arith.addi %add3A_412, %add3A_418 : vector<16xi32>
    %swap3A_420 = arith.constant 48 : index
    %swap3A_421 = tpu.vector_load %arg9[%swap3A_420] {strides = array<i32>} : memref<64xi32, #tpu.memory_space<vmem>>, vector<16xi32>,
    %swap3A_422 = vector.shape_cast %swap3A_421 : vector<16xi32> to vector<16xi32>
    %swap3A_423 = vector.shape_cast %add3A_419 : vector<16xi32> to vector<16xi32>
    tpu.vector_store %arg9[%swap3A_420], %swap3A_423 {strides = array<i32>} : memref<64xi32, #tpu.memory_space<vmem>>, vector<16xi32>,
    %add3A_424 = arith.constant 224 : i32
    %add3A_425 = vector.broadcast %add3A_424 : i32 to vector<16xi32>
    %add3A_426 = arith.addi %add3A_412, %add3A_425 : vector<16xi32>
    %swap3A_427 = arith.constant 48 : index
    %swap3A_428 = tpu.vector_load %arg10[%swap3A_427] {strides = array<i32>} : memref<64xi32, #tpu.memory_space<vmem>>, vector<16xi32>,
    %swap3A_429 = vector.shape_cast %swap3A_428 : vector<16xi32> to vector<16xi32>
    %swap3A_430 = vector.shape_cast %add3A_426 : vector<16xi32> to vector<16xi32>
    tpu.vector_store %arg10[%swap3A_427], %swap3A_430 {strides = array<i32>} : memref<64xi32, #tpu.memory_space<vmem>>, vector<16xi32>,
    %add3A_431 = arith.constant 224 : i32
    %add3A_432 = vector.broadcast %add3A_431 : i32 to vector<16xi32>
    %add3A_433 = arith.addi %add3A_412, %add3A_432 : vector<16xi32>
    %add3A_434 = arith.constant 1 : i32
    %add3A_435 = vector.broadcast %add3A_434 : i32 to vector<16xi32>
    %add3A_436 = arith.addi %add3A_433, %add3A_435 : vector<16xi32>
    %swap3A_437 = arith.constant 48 : index
    %swap3A_438 = tpu.vector_load %arg11[%swap3A_437] {strides = array<i32>} : memref<64xi32, #tpu.memory_space<vmem>>, vector<16xi32>,
    %swap3A_439 = vector.shape_cast %swap3A_438 : vector<16xi32> to vector<16xi32>
    %swap3A_440 = vector.shape_cast %add3A_436 : vector<16xi32> to vector<16xi32>
    tpu.vector_store %arg11[%swap3A_437], %swap3A_440 {strides = array<i32>} : memref<64xi32, #tpu.memory_space<vmem>>, vector<16xi32>,
    %mul3A_441 = arith.mulf %sub3A_372, %select_n3A_394 : vector<16xf32>
    %sub3A_442 = arith.subf %select_n3A_394, %mul3A_441 : vector<16xf32>
    %sub3A_443 = arith.constant 1.000000e+00 : f32
    %sub3A_444 = vector.broadcast %sub3A_443 : f32 to vector<16xf32>
    %sub3A_445 = arith.subf %sub3A_444, %sub3A_374 : vector<16xf32>
    %mul3A_446 = arith.mulf %sub3A_442, %sub3A_445 : vector<16xf32>
    %swap3A_447 = arith.constant 48 : index
    %swap3A_448 = tpu.vector_load %arg12[%swap3A_447] {strides = array<i32>} : memref<64xf32, #tpu.memory_space<vmem>>, vector<16xf32>,
    %swap3A_449 = vector.shape_cast %swap3A_448 : vector<16xf32> to vector<16xf32>
    %swap3A_450 = vector.shape_cast %mul3A_446 : vector<16xf32> to vector<16xf32>
    tpu.vector_store %arg12[%swap3A_447], %swap3A_450 {strides = array<i32>} : memref<64xf32, #tpu.memory_space<vmem>>, vector<16xf32>,
    %sub3A_451 = arith.constant 1.000000e+00 : f32
    %sub3A_452 = vector.broadcast %sub3A_451 : f32 to vector<16xf32>
    %sub3A_453 = arith.subf %sub3A_452, %sub3A_374 : vector<16xf32>
    %mul3A_454 = arith.mulf %mul3A_441, %sub3A_453 : vector<16xf32>
    %swap3A_455 = arith.constant 48 : index
    %swap3A_456 = tpu.vector_load %arg13[%swap3A_455] {strides = array<i32>} : memref<64xf32, #tpu.memory_space<vmem>>, vector<16xf32>,
    %swap3A_457 = vector.shape_cast %swap3A_456 : vector<16xf32> to vector<16xf32>
    %swap3A_458 = vector.shape_cast %mul3A_454 : vector<16xf32> to vector<16xf32>
    tpu.vector_store %arg13[%swap3A_455], %swap3A_458 {strides = array<i32>} : memref<64xf32, #tpu.memory_space<vmem>>, vector<16xf32>,
    %mul3A_459 = arith.mulf %sub3A_442, %sub3A_374 : vector<16xf32>
    %swap3A_460 = arith.constant 48 : index
    %swap3A_461 = tpu.vector_load %arg14[%swap3A_460] {strides = array<i32>} : memref<64xf32, #tpu.memory_space<vmem>>, vector<16xf32>,
    %swap3A_462 = vector.shape_cast %swap3A_461 : vector<16xf32> to vector<16xf32>
    %swap3A_463 = vector.shape_cast %mul3A_459 : vector<16xf32> to vector<16xf32>
    tpu.vector_store %arg14[%swap3A_460], %swap3A_463 {strides = array<i32>} : memref<64xf32, #tpu.memory_space<vmem>>, vector<16xf32>,
    %mul3A_464 = arith.mulf %mul3A_441, %sub3A_374 : vector<16xf32>
    %swap3A_465 = arith.constant 48 : index
    %swap3A_466 = tpu.vector_load %arg15[%swap3A_465] {strides = array<i32>} : memref<64xf32, #tpu.memory_space<vmem>>, vector<16xf32>,
    %swap3A_467 = vector.shape_cast %swap3A_466 : vector<16xf32> to vector<16xf32>
    %swap3A_468 = vector.shape_cast %mul3A_464 : vector<16xf32> to vector<16xf32>
    tpu.vector_store %arg15[%swap3A_465], %swap3A_468 {strides = array<i32>} : memref<64xf32, #tpu.memory_space<vmem>>, vector<16xf32>,
    %dma_start3A = arith.constant 0 : i32
    %dma_start3A_469 = arith.constant 0 : i32
    %dma_start3A_470 = tpu.memref_slice %arg2[%dma_start3A, %dma_start3A_469] : memref<401408x128xf32, #tpu.memory_space<hbm>> -> memref<401408x128xf32, #tpu.memory_space<hbm>>
    tpu.enqueue_indirect_dma source(%dma_start3A_470 : memref<401408x128xf32, #tpu.memory_space<hbm>>) target(%arg24 : memref<64x128xf32, #tpu.memory_space<vmem>>) offsets(%arg8 : memref<64xi32, #tpu.memory_space<vmem>>) semaphore(%arg34 : memref<!tpu.dma_semaphore, #tpu.memory_space<semaphore_mem>>)
    %dma_start3A_471 = arith.constant 0 : i32
    %dma_start3A_472 = arith.constant 0 : i32
    %dma_start3A_473 = tpu.memref_slice %arg2[%dma_start3A_471, %dma_start3A_472] : memref<401408x128xf32, #tpu.memory_space<hbm>> -> memref<401408x128xf32, #tpu.memory_space<hbm>>
    tpu.enqueue_indirect_dma source(%dma_start3A_473 : memref<401408x128xf32, #tpu.memory_space<hbm>>) target(%arg25 : memref<64x128xf32, #tpu.memory_space<vmem>>) offsets(%arg9 : memref<64xi32, #tpu.memory_space<vmem>>) semaphore(%arg34 : memref<!tpu.dma_semaphore, #tpu.memory_space<semaphore_mem>>)
    %dma_start3A_474 = arith.constant 0 : i32
    %dma_start3A_475 = arith.constant 0 : i32
    %dma_start3A_476 = tpu.memref_slice %arg2[%dma_start3A_474, %dma_start3A_475] : memref<401408x128xf32, #tpu.memory_space<hbm>> -> memref<401408x128xf32, #tpu.memory_space<hbm>>
    tpu.enqueue_indirect_dma source(%dma_start3A_476 : memref<401408x128xf32, #tpu.memory_space<hbm>>) target(%arg26 : memref<64x128xf32, #tpu.memory_space<vmem>>) offsets(%arg10 : memref<64xi32, #tpu.memory_space<vmem>>) semaphore(%arg34 : memref<!tpu.dma_semaphore, #tpu.memory_space<semaphore_mem>>)
    %dma_start3A_477 = arith.constant 0 : i32
    %dma_start3A_478 = arith.constant 0 : i32
    %dma_start3A_479 = tpu.memref_slice %arg2[%dma_start3A_477, %dma_start3A_478] : memref<401408x128xf32, #tpu.memory_space<hbm>> -> memref<401408x128xf32, #tpu.memory_space<hbm>>
    tpu.enqueue_indirect_dma source(%dma_start3A_479 : memref<401408x128xf32, #tpu.memory_space<hbm>>) target(%arg27 : memref<64x128xf32, #tpu.memory_space<vmem>>) offsets(%arg11 : memref<64xi32, #tpu.memory_space<vmem>>) semaphore(%arg34 : memref<!tpu.dma_semaphore, #tpu.memory_space<semaphore_mem>>)
    %add3A_480 = arith.constant 64 : i32
    %add3A_481 = arith.addi %mul3A_2, %add3A_480 : i32
    "tpu.region"() ({
      %run_scoped3A = tpu.sem_alloc : memref<!tpu.dma_semaphore, #tpu.memory_space<semaphore_mem>>
      %dma_start3A_2035 = tpu.memref_slice %arg3[%add3A_481] : memref<401408xf32, #tpu.memory_space<hbm>> -> memref<64xf32, #tpu.memory_space<hbm>>
      %dma_start3A_2036 = tpu.memref_slice %arg3[%add3A_481] : memref<401408xf32, #tpu.memory_space<hbm>> -> memref<64xf32, #tpu.memory_space<hbm>>
      tpu.enqueue_dma source(%dma_start3A_2036 : memref<64xf32, #tpu.memory_space<hbm>>) target(%arg6 : memref<64xf32, #tpu.memory_space<vmem>>) target_semaphore(%run_scoped3A : memref<!tpu.dma_semaphore, #tpu.memory_space<semaphore_mem>>)
      %dma_wait3A_2037 = tpu.memref_slice %arg3[%add3A_481] : memref<401408xf32, #tpu.memory_space<hbm>> -> memref<64xf32, #tpu.memory_space<hbm>>
      %dma_wait3A_2038 = tpu.memref_slice %arg3[%add3A_481] : memref<401408xf32, #tpu.memory_space<hbm>> -> memref<64xf32, #tpu.memory_space<hbm>>
      tpu.wait_dma2 semaphore(%run_scoped3A : memref<!tpu.dma_semaphore, #tpu.memory_space<semaphore_mem>>) src(%dma_wait3A_2038 : memref<64xf32, #tpu.memory_space<hbm>>) dst(%arg6 : memref<64xf32, #tpu.memory_space<vmem>>)
      tpu.yield
    }) : () -> ()
    %add3A_482 = arith.constant 64 : i32
    %add3A_483 = arith.addi %mul3A_2, %add3A_482 : i32
    "tpu.region"() ({
      %run_scoped3A = tpu.sem_alloc : memref<!tpu.dma_semaphore, #tpu.memory_space<semaphore_mem>>
      %dma_start3A_2035 = tpu.memref_slice %arg4[%add3A_483] : memref<401408xf32, #tpu.memory_space<hbm>> -> memref<64xf32, #tpu.memory_space<hbm>>
      %dma_start3A_2036 = tpu.memref_slice %arg4[%add3A_483] : memref<401408xf32, #tpu.memory_space<hbm>> -> memref<64xf32, #tpu.memory_space<hbm>>
      tpu.enqueue_dma source(%dma_start3A_2036 : memref<64xf32, #tpu.memory_space<hbm>>) target(%arg7 : memref<64xf32, #tpu.memory_space<vmem>>) target_semaphore(%run_scoped3A : memref<!tpu.dma_semaphore, #tpu.memory_space<semaphore_mem>>)
      %dma_wait3A_2037 = tpu.memref_slice %arg4[%add3A_483] : memref<401408xf32, #tpu.memory_space<hbm>> -> memref<64xf32, #tpu.memory_space<hbm>>
      %dma_wait3A_2038 = tpu.memref_slice %arg4[%add3A_483] : memref<401408xf32, #tpu.memory_space<hbm>> -> memref<64xf32, #tpu.memory_space<hbm>>
      tpu.wait_dma2 semaphore(%run_scoped3A : memref<!tpu.dma_semaphore, #tpu.memory_space<semaphore_mem>>) src(%dma_wait3A_2038 : memref<64xf32, #tpu.memory_space<hbm>>) dst(%arg7 : memref<64xf32, #tpu.memory_space<vmem>>)
      tpu.yield
    }) : () -> ()
    %get3A_484 = arith.constant 0 : index
    %get3A_485 = tpu.vector_load %arg6[%get3A_484] {strides = array<i32>} : memref<64xf32, #tpu.memory_space<vmem>>, vector<16xf32>,
    %get3A_486 = vector.shape_cast %get3A_485 : vector<16xf32> to vector<16xf32>
    %get3A_487 = arith.constant 0 : index
    %get3A_488 = tpu.vector_load %arg7[%get3A_487] {strides = array<i32>} : memref<64xf32, #tpu.memory_space<vmem>>, vector<16xf32>,
    %get3A_489 = vector.shape_cast %get3A_488 : vector<16xf32> to vector<16xf32>
    %convert_element_type3A_490 = arith.fptosi %get3A_486 : vector<16xf32> to vector<16xi32>
    %convert_element_type3A_491 = arith.sitofp %convert_element_type3A_490 : vector<16xi32> to vector<16xf32>
    %lt3A_492 = arith.cmpf olt, %get3A_486, %convert_element_type3A_491 : vector<16xf32>
    %sub3A_493 = arith.constant 1 : i32
    %sub3A_494 = vector.broadcast %sub3A_493 : i32 to vector<16xi32>
    %sub3A_495 = arith.subi %convert_element_type3A_490, %sub3A_494 : vector<16xi32>
    %select_n3A_496 = arith.select %lt3A_492, %sub3A_495, %convert_element_type3A_490 : vector<16xi1>, vector<16xi32>
    %convert_element_type3A_497 = arith.fptosi %get3A_489 : vector<16xf32> to vector<16xi32>
    %convert_element_type3A_498 = arith.sitofp %convert_element_type3A_497 : vector<16xi32> to vector<16xf32>
    %lt3A_499 = arith.cmpf olt, %get3A_489, %convert_element_type3A_498 : vector<16xf32>
    %sub3A_500 = arith.constant 1 : i32
    %sub3A_501 = vector.broadcast %sub3A_500 : i32 to vector<16xi32>
    %sub3A_502 = arith.subi %convert_element_type3A_497, %sub3A_501 : vector<16xi32>
    %select_n3A_503 = arith.select %lt3A_499, %sub3A_502, %convert_element_type3A_497 : vector<16xi1>, vector<16xi32>
    %convert_element_type3A_504 = arith.sitofp %select_n3A_496 : vector<16xi32> to vector<16xf32>
    %sub3A_505 = arith.subf %get3A_486, %convert_element_type3A_504 : vector<16xf32>
    %convert_element_type3A_506 = arith.sitofp %select_n3A_503 : vector<16xi32> to vector<16xf32>
    %sub3A_507 = arith.subf %get3A_489, %convert_element_type3A_506 : vector<16xf32>
    %ge3A_508 = arith.constant 0 : i32
    %ge3A_509 = vector.broadcast %ge3A_508 : i32 to vector<16xi32>
    %ge3A_510 = arith.cmpi sge, %select_n3A_496, %ge3A_509 : vector<16xi32>
    %le3A_511 = arith.constant 222 : i32
    %le3A_512 = vector.broadcast %le3A_511 : i32 to vector<16xi32>
    %le3A_513 = arith.cmpi sle, %select_n3A_496, %le3A_512 : vector<16xi32>
    %and3A_514 = arith.andi %ge3A_510, %le3A_513 : vector<16xi1>
    %ge3A_515 = arith.constant 0 : i32
    %ge3A_516 = vector.broadcast %ge3A_515 : i32 to vector<16xi32>
    %ge3A_517 = arith.cmpi sge, %select_n3A_503, %ge3A_516 : vector<16xi32>
    %and3A_518 = arith.andi %and3A_514, %ge3A_517 : vector<16xi1>
    %le3A_519 = arith.constant 222 : i32
    %le3A_520 = vector.broadcast %le3A_519 : i32 to vector<16xi32>
    %le3A_521 = arith.cmpi sle, %select_n3A_503, %le3A_520 : vector<16xi32>
    %and3A_522 = arith.andi %and3A_518, %le3A_521 : vector<16xi1>
    %jit3A_523 = arith.constant 1.000000e+00 : f32
    %jit3A_524 = arith.constant 0.000000e+00 : f32
    %broadcast_in_dim3A_525 = vector.broadcast %jit3A_523 : f32 to vector<16xf32>
    %broadcast_in_dim3A_526 = vector.broadcast %jit3A_524 : f32 to vector<16xf32>
    %select_n3A_527 = arith.select %and3A_522, %broadcast_in_dim3A_525, %broadcast_in_dim3A_526 : vector<16xi1>, vector<16xf32>
    %jit3A_528 = arith.constant 0 : i32
    %jit3A_529 = arith.constant 222 : i32
    %max3A_530 = vector.broadcast %jit3A_528 : i32 to vector<16xi32>
    %max3A_531 = arith.maxsi %max3A_530, %select_n3A_496 : vector<16xi32>
    %min3A_532 = vector.broadcast %jit3A_529 : i32 to vector<16xi32>
    %min3A_533 = arith.minsi %min3A_532, %max3A_531 : vector<16xi32>
    %jit3A_534 = arith.constant 0 : i32
    %jit3A_535 = arith.constant 222 : i32
    %max3A_536 = vector.broadcast %jit3A_534 : i32 to vector<16xi32>
    %max3A_537 = arith.maxsi %max3A_536, %select_n3A_503 : vector<16xi32>
    %min3A_538 = vector.broadcast %jit3A_535 : i32 to vector<16xi32>
    %min3A_539 = arith.minsi %min3A_538, %max3A_537 : vector<16xi32>
    %mul3A_540 = arith.constant 224 : i32
    %mul3A_541 = vector.broadcast %mul3A_540 : i32 to vector<16xi32>
    %mul3A_542 = arith.muli %min3A_539, %mul3A_541 : vector<16xi32>
    %add3A_543 = vector.broadcast %mul3A_5 : i32 to vector<16xi32>
    %add3A_544 = arith.addi %add3A_543, %mul3A_542 : vector<16xi32>
    %add3A_545 = arith.addi %add3A_544, %min3A_533 : vector<16xi32>
    %swap3A_546 = arith.constant 0 : index
    %swap3A_547 = tpu.vector_load %arg16[%swap3A_546] {strides = array<i32>} : memref<64xi32, #tpu.memory_space<vmem>>, vector<16xi32>,
    %swap3A_548 = vector.shape_cast %swap3A_547 : vector<16xi32> to vector<16xi32>
    %swap3A_549 = vector.shape_cast %add3A_545 : vector<16xi32> to vector<16xi32>
    tpu.vector_store %arg16[%swap3A_546], %swap3A_549 {strides = array<i32>} : memref<64xi32, #tpu.memory_space<vmem>>, vector<16xi32>,
    %add3A_550 = arith.constant 1 : i32
    %add3A_551 = vector.broadcast %add3A_550 : i32 to vector<16xi32>
    %add3A_552 = arith.addi %add3A_545, %add3A_551 : vector<16xi32>
    %swap3A_553 = arith.constant 0 : index
    %swap3A_554 = tpu.vector_load %arg17[%swap3A_553] {strides = array<i32>} : memref<64xi32, #tpu.memory_space<vmem>>, vector<16xi32>,
    %swap3A_555 = vector.shape_cast %swap3A_554 : vector<16xi32> to vector<16xi32>
    %swap3A_556 = vector.shape_cast %add3A_552 : vector<16xi32> to vector<16xi32>
    tpu.vector_store %arg17[%swap3A_553], %swap3A_556 {strides = array<i32>} : memref<64xi32, #tpu.memory_space<vmem>>, vector<16xi32>,
    %add3A_557 = arith.constant 224 : i32
    %add3A_558 = vector.broadcast %add3A_557 : i32 to vector<16xi32>
    %add3A_559 = arith.addi %add3A_545, %add3A_558 : vector<16xi32>
    %swap3A_560 = arith.constant 0 : index
    %swap3A_561 = tpu.vector_load %arg18[%swap3A_560] {strides = array<i32>} : memref<64xi32, #tpu.memory_space<vmem>>, vector<16xi32>,
    %swap3A_562 = vector.shape_cast %swap3A_561 : vector<16xi32> to vector<16xi32>
    %swap3A_563 = vector.shape_cast %add3A_559 : vector<16xi32> to vector<16xi32>
    tpu.vector_store %arg18[%swap3A_560], %swap3A_563 {strides = array<i32>} : memref<64xi32, #tpu.memory_space<vmem>>, vector<16xi32>,
    %add3A_564 = arith.constant 224 : i32
    %add3A_565 = vector.broadcast %add3A_564 : i32 to vector<16xi32>
    %add3A_566 = arith.addi %add3A_545, %add3A_565 : vector<16xi32>
    %add3A_567 = arith.constant 1 : i32
    %add3A_568 = vector.broadcast %add3A_567 : i32 to vector<16xi32>
    %add3A_569 = arith.addi %add3A_566, %add3A_568 : vector<16xi32>
    %swap3A_570 = arith.constant 0 : index
    %swap3A_571 = tpu.vector_load %arg19[%swap3A_570] {strides = array<i32>} : memref<64xi32, #tpu.memory_space<vmem>>, vector<16xi32>,
    %swap3A_572 = vector.shape_cast %swap3A_571 : vector<16xi32> to vector<16xi32>
    %swap3A_573 = vector.shape_cast %add3A_569 : vector<16xi32> to vector<16xi32>
    tpu.vector_store %arg19[%swap3A_570], %swap3A_573 {strides = array<i32>} : memref<64xi32, #tpu.memory_space<vmem>>, vector<16xi32>,
    %mul3A_574 = arith.mulf %sub3A_505, %select_n3A_527 : vector<16xf32>
    %sub3A_575 = arith.subf %select_n3A_527, %mul3A_574 : vector<16xf32>
    %sub3A_576 = arith.constant 1.000000e+00 : f32
    %sub3A_577 = vector.broadcast %sub3A_576 : f32 to vector<16xf32>
    %sub3A_578 = arith.subf %sub3A_577, %sub3A_507 : vector<16xf32>
    %mul3A_579 = arith.mulf %sub3A_575, %sub3A_578 : vector<16xf32>
    %swap3A_580 = arith.constant 0 : index
    %swap3A_581 = tpu.vector_load %arg20[%swap3A_580] {strides = array<i32>} : memref<64xf32, #tpu.memory_space<vmem>>, vector<16xf32>,
    %swap3A_582 = vector.shape_cast %swap3A_581 : vector<16xf32> to vector<16xf32>
    %swap3A_583 = vector.shape_cast %mul3A_579 : vector<16xf32> to vector<16xf32>
    tpu.vector_store %arg20[%swap3A_580], %swap3A_583 {strides = array<i32>} : memref<64xf32, #tpu.memory_space<vmem>>, vector<16xf32>,
    %sub3A_584 = arith.constant 1.000000e+00 : f32
    %sub3A_585 = vector.broadcast %sub3A_584 : f32 to vector<16xf32>
    %sub3A_586 = arith.subf %sub3A_585, %sub3A_507 : vector<16xf32>
    %mul3A_587 = arith.mulf %mul3A_574, %sub3A_586 : vector<16xf32>
    %swap3A_588 = arith.constant 0 : index
    %swap3A_589 = tpu.vector_load %arg21[%swap3A_588] {strides = array<i32>} : memref<64xf32, #tpu.memory_space<vmem>>, vector<16xf32>,
    %swap3A_590 = vector.shape_cast %swap3A_589 : vector<16xf32> to vector<16xf32>
    %swap3A_591 = vector.shape_cast %mul3A_587 : vector<16xf32> to vector<16xf32>
    tpu.vector_store %arg21[%swap3A_588], %swap3A_591 {strides = array<i32>} : memref<64xf32, #tpu.memory_space<vmem>>, vector<16xf32>,
    %mul3A_592 = arith.mulf %sub3A_575, %sub3A_507 : vector<16xf32>
    %swap3A_593 = arith.constant 0 : index
    %swap3A_594 = tpu.vector_load %arg22[%swap3A_593] {strides = array<i32>} : memref<64xf32, #tpu.memory_space<vmem>>, vector<16xf32>,
    %swap3A_595 = vector.shape_cast %swap3A_594 : vector<16xf32> to vector<16xf32>
    %swap3A_596 = vector.shape_cast %mul3A_592 : vector<16xf32> to vector<16xf32>
    tpu.vector_store %arg22[%swap3A_593], %swap3A_596 {strides = array<i32>} : memref<64xf32, #tpu.memory_space<vmem>>, vector<16xf32>,
    %mul3A_597 = arith.mulf %mul3A_574, %sub3A_507 : vector<16xf32>
    %swap3A_598 = arith.constant 0 : index
    %swap3A_599 = tpu.vector_load %arg23[%swap3A_598] {strides = array<i32>} : memref<64xf32, #tpu.memory_space<vmem>>, vector<16xf32>,
    %swap3A_600 = vector.shape_cast %swap3A_599 : vector<16xf32> to vector<16xf32>
    %swap3A_601 = vector.shape_cast %mul3A_597 : vector<16xf32> to vector<16xf32>
    tpu.vector_store %arg23[%swap3A_598], %swap3A_601 {strides = array<i32>} : memref<64xf32, #tpu.memory_space<vmem>>, vector<16xf32>,
    %get3A_602 = arith.constant 16 : index
    %get3A_603 = tpu.vector_load %arg6[%get3A_602] {strides = array<i32>} : memref<64xf32, #tpu.memory_space<vmem>>, vector<16xf32>,
    %get3A_604 = vector.shape_cast %get3A_603 : vector<16xf32> to vector<16xf32>
    %get3A_605 = arith.constant 16 : index
    %get3A_606 = tpu.vector_load %arg7[%get3A_605] {strides = array<i32>} : memref<64xf32, #tpu.memory_space<vmem>>, vector<16xf32>,
    %get3A_607 = vector.shape_cast %get3A_606 : vector<16xf32> to vector<16xf32>
    %convert_element_type3A_608 = arith.fptosi %get3A_604 : vector<16xf32> to vector<16xi32>
    %convert_element_type3A_609 = arith.sitofp %convert_element_type3A_608 : vector<16xi32> to vector<16xf32>
    %lt3A_610 = arith.cmpf olt, %get3A_604, %convert_element_type3A_609 : vector<16xf32>
    %sub3A_611 = arith.constant 1 : i32
    %sub3A_612 = vector.broadcast %sub3A_611 : i32 to vector<16xi32>
    %sub3A_613 = arith.subi %convert_element_type3A_608, %sub3A_612 : vector<16xi32>
    %select_n3A_614 = arith.select %lt3A_610, %sub3A_613, %convert_element_type3A_608 : vector<16xi1>, vector<16xi32>
    %convert_element_type3A_615 = arith.fptosi %get3A_607 : vector<16xf32> to vector<16xi32>
    %convert_element_type3A_616 = arith.sitofp %convert_element_type3A_615 : vector<16xi32> to vector<16xf32>
    %lt3A_617 = arith.cmpf olt, %get3A_607, %convert_element_type3A_616 : vector<16xf32>
    %sub3A_618 = arith.constant 1 : i32
    %sub3A_619 = vector.broadcast %sub3A_618 : i32 to vector<16xi32>
    %sub3A_620 = arith.subi %convert_element_type3A_615, %sub3A_619 : vector<16xi32>
    %select_n3A_621 = arith.select %lt3A_617, %sub3A_620, %convert_element_type3A_615 : vector<16xi1>, vector<16xi32>
    %convert_element_type3A_622 = arith.sitofp %select_n3A_614 : vector<16xi32> to vector<16xf32>
    %sub3A_623 = arith.subf %get3A_604, %convert_element_type3A_622 : vector<16xf32>
    %convert_element_type3A_624 = arith.sitofp %select_n3A_621 : vector<16xi32> to vector<16xf32>
    %sub3A_625 = arith.subf %get3A_607, %convert_element_type3A_624 : vector<16xf32>
    %ge3A_626 = arith.constant 0 : i32
    %ge3A_627 = vector.broadcast %ge3A_626 : i32 to vector<16xi32>
    %ge3A_628 = arith.cmpi sge, %select_n3A_614, %ge3A_627 : vector<16xi32>
    %le3A_629 = arith.constant 222 : i32
    %le3A_630 = vector.broadcast %le3A_629 : i32 to vector<16xi32>
    %le3A_631 = arith.cmpi sle, %select_n3A_614, %le3A_630 : vector<16xi32>
    %and3A_632 = arith.andi %ge3A_628, %le3A_631 : vector<16xi1>
    %ge3A_633 = arith.constant 0 : i32
    %ge3A_634 = vector.broadcast %ge3A_633 : i32 to vector<16xi32>
    %ge3A_635 = arith.cmpi sge, %select_n3A_621, %ge3A_634 : vector<16xi32>
    %and3A_636 = arith.andi %and3A_632, %ge3A_635 : vector<16xi1>
    %le3A_637 = arith.constant 222 : i32
    %le3A_638 = vector.broadcast %le3A_637 : i32 to vector<16xi32>
    %le3A_639 = arith.cmpi sle, %select_n3A_621, %le3A_638 : vector<16xi32>
    %and3A_640 = arith.andi %and3A_636, %le3A_639 : vector<16xi1>
    %jit3A_641 = arith.constant 1.000000e+00 : f32
    %jit3A_642 = arith.constant 0.000000e+00 : f32
    %broadcast_in_dim3A_643 = vector.broadcast %jit3A_641 : f32 to vector<16xf32>
    %broadcast_in_dim3A_644 = vector.broadcast %jit3A_642 : f32 to vector<16xf32>
    %select_n3A_645 = arith.select %and3A_640, %broadcast_in_dim3A_643, %broadcast_in_dim3A_644 : vector<16xi1>, vector<16xf32>
    %jit3A_646 = arith.constant 0 : i32
    %jit3A_647 = arith.constant 222 : i32
    %max3A_648 = vector.broadcast %jit3A_646 : i32 to vector<16xi32>
    %max3A_649 = arith.maxsi %max3A_648, %select_n3A_614 : vector<16xi32>
    %min3A_650 = vector.broadcast %jit3A_647 : i32 to vector<16xi32>
    %min3A_651 = arith.minsi %min3A_650, %max3A_649 : vector<16xi32>
    %jit3A_652 = arith.constant 0 : i32
    %jit3A_653 = arith.constant 222 : i32
    %max3A_654 = vector.broadcast %jit3A_652 : i32 to vector<16xi32>
    %max3A_655 = arith.maxsi %max3A_654, %select_n3A_621 : vector<16xi32>
    %min3A_656 = vector.broadcast %jit3A_653 : i32 to vector<16xi32>
    %min3A_657 = arith.minsi %min3A_656, %max3A_655 : vector<16xi32>
    %mul3A_658 = arith.constant 224 : i32
    %mul3A_659 = vector.broadcast %mul3A_658 : i32 to vector<16xi32>
    %mul3A_660 = arith.muli %min3A_657, %mul3A_659 : vector<16xi32>
    %add3A_661 = vector.broadcast %mul3A_5 : i32 to vector<16xi32>
    %add3A_662 = arith.addi %add3A_661, %mul3A_660 : vector<16xi32>
    %add3A_663 = arith.addi %add3A_662, %min3A_651 : vector<16xi32>
    %swap3A_664 = arith.constant 16 : index
    %swap3A_665 = tpu.vector_load %arg16[%swap3A_664] {strides = array<i32>} : memref<64xi32, #tpu.memory_space<vmem>>, vector<16xi32>,
    %swap3A_666 = vector.shape_cast %swap3A_665 : vector<16xi32> to vector<16xi32>
    %swap3A_667 = vector.shape_cast %add3A_663 : vector<16xi32> to vector<16xi32>
    tpu.vector_store %arg16[%swap3A_664], %swap3A_667 {strides = array<i32>} : memref<64xi32, #tpu.memory_space<vmem>>, vector<16xi32>,
    %add3A_668 = arith.constant 1 : i32
    %add3A_669 = vector.broadcast %add3A_668 : i32 to vector<16xi32>
    %add3A_670 = arith.addi %add3A_663, %add3A_669 : vector<16xi32>
    %swap3A_671 = arith.constant 16 : index
    %swap3A_672 = tpu.vector_load %arg17[%swap3A_671] {strides = array<i32>} : memref<64xi32, #tpu.memory_space<vmem>>, vector<16xi32>,
    %swap3A_673 = vector.shape_cast %swap3A_672 : vector<16xi32> to vector<16xi32>
    %swap3A_674 = vector.shape_cast %add3A_670 : vector<16xi32> to vector<16xi32>
    tpu.vector_store %arg17[%swap3A_671], %swap3A_674 {strides = array<i32>} : memref<64xi32, #tpu.memory_space<vmem>>, vector<16xi32>,
    %add3A_675 = arith.constant 224 : i32
    %add3A_676 = vector.broadcast %add3A_675 : i32 to vector<16xi32>
    %add3A_677 = arith.addi %add3A_663, %add3A_676 : vector<16xi32>
    %swap3A_678 = arith.constant 16 : index
    %swap3A_679 = tpu.vector_load %arg18[%swap3A_678] {strides = array<i32>} : memref<64xi32, #tpu.memory_space<vmem>>, vector<16xi32>,
    %swap3A_680 = vector.shape_cast %swap3A_679 : vector<16xi32> to vector<16xi32>
    %swap3A_681 = vector.shape_cast %add3A_677 : vector<16xi32> to vector<16xi32>
    tpu.vector_store %arg18[%swap3A_678], %swap3A_681 {strides = array<i32>} : memref<64xi32, #tpu.memory_space<vmem>>, vector<16xi32>,
    %add3A_682 = arith.constant 224 : i32
    %add3A_683 = vector.broadcast %add3A_682 : i32 to vector<16xi32>
    %add3A_684 = arith.addi %add3A_663, %add3A_683 : vector<16xi32>
    %add3A_685 = arith.constant 1 : i32
    %add3A_686 = vector.broadcast %add3A_685 : i32 to vector<16xi32>
    %add3A_687 = arith.addi %add3A_684, %add3A_686 : vector<16xi32>
    %swap3A_688 = arith.constant 16 : index
    %swap3A_689 = tpu.vector_load %arg19[%swap3A_688] {strides = array<i32>} : memref<64xi32, #tpu.memory_space<vmem>>, vector<16xi32>,
    %swap3A_690 = vector.shape_cast %swap3A_689 : vector<16xi32> to vector<16xi32>
    %swap3A_691 = vector.shape_cast %add3A_687 : vector<16xi32> to vector<16xi32>
    tpu.vector_store %arg19[%swap3A_688], %swap3A_691 {strides = array<i32>} : memref<64xi32, #tpu.memory_space<vmem>>, vector<16xi32>,
    %mul3A_692 = arith.mulf %sub3A_623, %select_n3A_645 : vector<16xf32>
    %sub3A_693 = arith.subf %select_n3A_645, %mul3A_692 : vector<16xf32>
    %sub3A_694 = arith.constant 1.000000e+00 : f32
    %sub3A_695 = vector.broadcast %sub3A_694 : f32 to vector<16xf32>
    %sub3A_696 = arith.subf %sub3A_695, %sub3A_625 : vector<16xf32>
    %mul3A_697 = arith.mulf %sub3A_693, %sub3A_696 : vector<16xf32>
    %swap3A_698 = arith.constant 16 : index
    %swap3A_699 = tpu.vector_load %arg20[%swap3A_698] {strides = array<i32>} : memref<64xf32, #tpu.memory_space<vmem>>, vector<16xf32>,
    %swap3A_700 = vector.shape_cast %swap3A_699 : vector<16xf32> to vector<16xf32>
    %swap3A_701 = vector.shape_cast %mul3A_697 : vector<16xf32> to vector<16xf32>
    tpu.vector_store %arg20[%swap3A_698], %swap3A_701 {strides = array<i32>} : memref<64xf32, #tpu.memory_space<vmem>>, vector<16xf32>,
    %sub3A_702 = arith.constant 1.000000e+00 : f32
    %sub3A_703 = vector.broadcast %sub3A_702 : f32 to vector<16xf32>
    %sub3A_704 = arith.subf %sub3A_703, %sub3A_625 : vector<16xf32>
    %mul3A_705 = arith.mulf %mul3A_692, %sub3A_704 : vector<16xf32>
    %swap3A_706 = arith.constant 16 : index
    %swap3A_707 = tpu.vector_load %arg21[%swap3A_706] {strides = array<i32>} : memref<64xf32, #tpu.memory_space<vmem>>, vector<16xf32>,
    %swap3A_708 = vector.shape_cast %swap3A_707 : vector<16xf32> to vector<16xf32>
    %swap3A_709 = vector.shape_cast %mul3A_705 : vector<16xf32> to vector<16xf32>
    tpu.vector_store %arg21[%swap3A_706], %swap3A_709 {strides = array<i32>} : memref<64xf32, #tpu.memory_space<vmem>>, vector<16xf32>,
    %mul3A_710 = arith.mulf %sub3A_693, %sub3A_625 : vector<16xf32>
    %swap3A_711 = arith.constant 16 : index
    %swap3A_712 = tpu.vector_load %arg22[%swap3A_711] {strides = array<i32>} : memref<64xf32, #tpu.memory_space<vmem>>, vector<16xf32>,
    %swap3A_713 = vector.shape_cast %swap3A_712 : vector<16xf32> to vector<16xf32>
    %swap3A_714 = vector.shape_cast %mul3A_710 : vector<16xf32> to vector<16xf32>
    tpu.vector_store %arg22[%swap3A_711], %swap3A_714 {strides = array<i32>} : memref<64xf32, #tpu.memory_space<vmem>>, vector<16xf32>,
    %mul3A_715 = arith.mulf %mul3A_692, %sub3A_625 : vector<16xf32>
    %swap3A_716 = arith.constant 16 : index
    %swap3A_717 = tpu.vector_load %arg23[%swap3A_716] {strides = array<i32>} : memref<64xf32, #tpu.memory_space<vmem>>, vector<16xf32>,
    %swap3A_718 = vector.shape_cast %swap3A_717 : vector<16xf32> to vector<16xf32>
    %swap3A_719 = vector.shape_cast %mul3A_715 : vector<16xf32> to vector<16xf32>
    tpu.vector_store %arg23[%swap3A_716], %swap3A_719 {strides = array<i32>} : memref<64xf32, #tpu.memory_space<vmem>>, vector<16xf32>,
    %get3A_720 = arith.constant 32 : index
    %get3A_721 = tpu.vector_load %arg6[%get3A_720] {strides = array<i32>} : memref<64xf32, #tpu.memory_space<vmem>>, vector<16xf32>,
    %get3A_722 = vector.shape_cast %get3A_721 : vector<16xf32> to vector<16xf32>
    %get3A_723 = arith.constant 32 : index
    %get3A_724 = tpu.vector_load %arg7[%get3A_723] {strides = array<i32>} : memref<64xf32, #tpu.memory_space<vmem>>, vector<16xf32>,
    %get3A_725 = vector.shape_cast %get3A_724 : vector<16xf32> to vector<16xf32>
    %convert_element_type3A_726 = arith.fptosi %get3A_722 : vector<16xf32> to vector<16xi32>
    %convert_element_type3A_727 = arith.sitofp %convert_element_type3A_726 : vector<16xi32> to vector<16xf32>
    %lt3A_728 = arith.cmpf olt, %get3A_722, %convert_element_type3A_727 : vector<16xf32>
    %sub3A_729 = arith.constant 1 : i32
    %sub3A_730 = vector.broadcast %sub3A_729 : i32 to vector<16xi32>
    %sub3A_731 = arith.subi %convert_element_type3A_726, %sub3A_730 : vector<16xi32>
    %select_n3A_732 = arith.select %lt3A_728, %sub3A_731, %convert_element_type3A_726 : vector<16xi1>, vector<16xi32>
    %convert_element_type3A_733 = arith.fptosi %get3A_725 : vector<16xf32> to vector<16xi32>
    %convert_element_type3A_734 = arith.sitofp %convert_element_type3A_733 : vector<16xi32> to vector<16xf32>
    %lt3A_735 = arith.cmpf olt, %get3A_725, %convert_element_type3A_734 : vector<16xf32>
    %sub3A_736 = arith.constant 1 : i32
    %sub3A_737 = vector.broadcast %sub3A_736 : i32 to vector<16xi32>
    %sub3A_738 = arith.subi %convert_element_type3A_733, %sub3A_737 : vector<16xi32>
    %select_n3A_739 = arith.select %lt3A_735, %sub3A_738, %convert_element_type3A_733 : vector<16xi1>, vector<16xi32>
    %convert_element_type3A_740 = arith.sitofp %select_n3A_732 : vector<16xi32> to vector<16xf32>
    %sub3A_741 = arith.subf %get3A_722, %convert_element_type3A_740 : vector<16xf32>
    %convert_element_type3A_742 = arith.sitofp %select_n3A_739 : vector<16xi32> to vector<16xf32>
    %sub3A_743 = arith.subf %get3A_725, %convert_element_type3A_742 : vector<16xf32>
    %ge3A_744 = arith.constant 0 : i32
    %ge3A_745 = vector.broadcast %ge3A_744 : i32 to vector<16xi32>
    %ge3A_746 = arith.cmpi sge, %select_n3A_732, %ge3A_745 : vector<16xi32>
    %le3A_747 = arith.constant 222 : i32
    %le3A_748 = vector.broadcast %le3A_747 : i32 to vector<16xi32>
    %le3A_749 = arith.cmpi sle, %select_n3A_732, %le3A_748 : vector<16xi32>
    %and3A_750 = arith.andi %ge3A_746, %le3A_749 : vector<16xi1>
    %ge3A_751 = arith.constant 0 : i32
    %ge3A_752 = vector.broadcast %ge3A_751 : i32 to vector<16xi32>
    %ge3A_753 = arith.cmpi sge, %select_n3A_739, %ge3A_752 : vector<16xi32>
    %and3A_754 = arith.andi %and3A_750, %ge3A_753 : vector<16xi1>
    %le3A_755 = arith.constant 222 : i32
    %le3A_756 = vector.broadcast %le3A_755 : i32 to vector<16xi32>
    %le3A_757 = arith.cmpi sle, %select_n3A_739, %le3A_756 : vector<16xi32>
    %and3A_758 = arith.andi %and3A_754, %le3A_757 : vector<16xi1>
    %jit3A_759 = arith.constant 1.000000e+00 : f32
    %jit3A_760 = arith.constant 0.000000e+00 : f32
    %broadcast_in_dim3A_761 = vector.broadcast %jit3A_759 : f32 to vector<16xf32>
    %broadcast_in_dim3A_762 = vector.broadcast %jit3A_760 : f32 to vector<16xf32>
    %select_n3A_763 = arith.select %and3A_758, %broadcast_in_dim3A_761, %broadcast_in_dim3A_762 : vector<16xi1>, vector<16xf32>
    %jit3A_764 = arith.constant 0 : i32
    %jit3A_765 = arith.constant 222 : i32
    %max3A_766 = vector.broadcast %jit3A_764 : i32 to vector<16xi32>
    %max3A_767 = arith.maxsi %max3A_766, %select_n3A_732 : vector<16xi32>
    %min3A_768 = vector.broadcast %jit3A_765 : i32 to vector<16xi32>
    %min3A_769 = arith.minsi %min3A_768, %max3A_767 : vector<16xi32>
    %jit3A_770 = arith.constant 0 : i32
    %jit3A_771 = arith.constant 222 : i32
    %max3A_772 = vector.broadcast %jit3A_770 : i32 to vector<16xi32>
    %max3A_773 = arith.maxsi %max3A_772, %select_n3A_739 : vector<16xi32>
    %min3A_774 = vector.broadcast %jit3A_771 : i32 to vector<16xi32>
    %min3A_775 = arith.minsi %min3A_774, %max3A_773 : vector<16xi32>
    %mul3A_776 = arith.constant 224 : i32
    %mul3A_777 = vector.broadcast %mul3A_776 : i32 to vector<16xi32>
    %mul3A_778 = arith.muli %min3A_775, %mul3A_777 : vector<16xi32>
    %add3A_779 = vector.broadcast %mul3A_5 : i32 to vector<16xi32>
    %add3A_780 = arith.addi %add3A_779, %mul3A_778 : vector<16xi32>
    %add3A_781 = arith.addi %add3A_780, %min3A_769 : vector<16xi32>
    %swap3A_782 = arith.constant 32 : index
    %swap3A_783 = tpu.vector_load %arg16[%swap3A_782] {strides = array<i32>} : memref<64xi32, #tpu.memory_space<vmem>>, vector<16xi32>,
    %swap3A_784 = vector.shape_cast %swap3A_783 : vector<16xi32> to vector<16xi32>
    %swap3A_785 = vector.shape_cast %add3A_781 : vector<16xi32> to vector<16xi32>
    tpu.vector_store %arg16[%swap3A_782], %swap3A_785 {strides = array<i32>} : memref<64xi32, #tpu.memory_space<vmem>>, vector<16xi32>,
    %add3A_786 = arith.constant 1 : i32
    %add3A_787 = vector.broadcast %add3A_786 : i32 to vector<16xi32>
    %add3A_788 = arith.addi %add3A_781, %add3A_787 : vector<16xi32>
    %swap3A_789 = arith.constant 32 : index
    %swap3A_790 = tpu.vector_load %arg17[%swap3A_789] {strides = array<i32>} : memref<64xi32, #tpu.memory_space<vmem>>, vector<16xi32>,
    %swap3A_791 = vector.shape_cast %swap3A_790 : vector<16xi32> to vector<16xi32>
    %swap3A_792 = vector.shape_cast %add3A_788 : vector<16xi32> to vector<16xi32>
    tpu.vector_store %arg17[%swap3A_789], %swap3A_792 {strides = array<i32>} : memref<64xi32, #tpu.memory_space<vmem>>, vector<16xi32>,
    %add3A_793 = arith.constant 224 : i32
    %add3A_794 = vector.broadcast %add3A_793 : i32 to vector<16xi32>
    %add3A_795 = arith.addi %add3A_781, %add3A_794 : vector<16xi32>
    %swap3A_796 = arith.constant 32 : index
    %swap3A_797 = tpu.vector_load %arg18[%swap3A_796] {strides = array<i32>} : memref<64xi32, #tpu.memory_space<vmem>>, vector<16xi32>,
    %swap3A_798 = vector.shape_cast %swap3A_797 : vector<16xi32> to vector<16xi32>
    %swap3A_799 = vector.shape_cast %add3A_795 : vector<16xi32> to vector<16xi32>
    tpu.vector_store %arg18[%swap3A_796], %swap3A_799 {strides = array<i32>} : memref<64xi32, #tpu.memory_space<vmem>>, vector<16xi32>,
    %add3A_800 = arith.constant 224 : i32
    %add3A_801 = vector.broadcast %add3A_800 : i32 to vector<16xi32>
    %add3A_802 = arith.addi %add3A_781, %add3A_801 : vector<16xi32>
    %add3A_803 = arith.constant 1 : i32
    %add3A_804 = vector.broadcast %add3A_803 : i32 to vector<16xi32>
    %add3A_805 = arith.addi %add3A_802, %add3A_804 : vector<16xi32>
    %swap3A_806 = arith.constant 32 : index
    %swap3A_807 = tpu.vector_load %arg19[%swap3A_806] {strides = array<i32>} : memref<64xi32, #tpu.memory_space<vmem>>, vector<16xi32>,
    %swap3A_808 = vector.shape_cast %swap3A_807 : vector<16xi32> to vector<16xi32>
    %swap3A_809 = vector.shape_cast %add3A_805 : vector<16xi32> to vector<16xi32>
    tpu.vector_store %arg19[%swap3A_806], %swap3A_809 {strides = array<i32>} : memref<64xi32, #tpu.memory_space<vmem>>, vector<16xi32>,
    %mul3A_810 = arith.mulf %sub3A_741, %select_n3A_763 : vector<16xf32>
    %sub3A_811 = arith.subf %select_n3A_763, %mul3A_810 : vector<16xf32>
    %sub3A_812 = arith.constant 1.000000e+00 : f32
    %sub3A_813 = vector.broadcast %sub3A_812 : f32 to vector<16xf32>
    %sub3A_814 = arith.subf %sub3A_813, %sub3A_743 : vector<16xf32>
    %mul3A_815 = arith.mulf %sub3A_811, %sub3A_814 : vector<16xf32>
    %swap3A_816 = arith.constant 32 : index
    %swap3A_817 = tpu.vector_load %arg20[%swap3A_816] {strides = array<i32>} : memref<64xf32, #tpu.memory_space<vmem>>, vector<16xf32>,
    %swap3A_818 = vector.shape_cast %swap3A_817 : vector<16xf32> to vector<16xf32>
    %swap3A_819 = vector.shape_cast %mul3A_815 : vector<16xf32> to vector<16xf32>
    tpu.vector_store %arg20[%swap3A_816], %swap3A_819 {strides = array<i32>} : memref<64xf32, #tpu.memory_space<vmem>>, vector<16xf32>,
    %sub3A_820 = arith.constant 1.000000e+00 : f32
    %sub3A_821 = vector.broadcast %sub3A_820 : f32 to vector<16xf32>
    %sub3A_822 = arith.subf %sub3A_821, %sub3A_743 : vector<16xf32>
    %mul3A_823 = arith.mulf %mul3A_810, %sub3A_822 : vector<16xf32>
    %swap3A_824 = arith.constant 32 : index
    %swap3A_825 = tpu.vector_load %arg21[%swap3A_824] {strides = array<i32>} : memref<64xf32, #tpu.memory_space<vmem>>, vector<16xf32>,
    %swap3A_826 = vector.shape_cast %swap3A_825 : vector<16xf32> to vector<16xf32>
    %swap3A_827 = vector.shape_cast %mul3A_823 : vector<16xf32> to vector<16xf32>
    tpu.vector_store %arg21[%swap3A_824], %swap3A_827 {strides = array<i32>} : memref<64xf32, #tpu.memory_space<vmem>>, vector<16xf32>,
    %mul3A_828 = arith.mulf %sub3A_811, %sub3A_743 : vector<16xf32>
    %swap3A_829 = arith.constant 32 : index
    %swap3A_830 = tpu.vector_load %arg22[%swap3A_829] {strides = array<i32>} : memref<64xf32, #tpu.memory_space<vmem>>, vector<16xf32>,
    %swap3A_831 = vector.shape_cast %swap3A_830 : vector<16xf32> to vector<16xf32>
    %swap3A_832 = vector.shape_cast %mul3A_828 : vector<16xf32> to vector<16xf32>
    tpu.vector_store %arg22[%swap3A_829], %swap3A_832 {strides = array<i32>} : memref<64xf32, #tpu.memory_space<vmem>>, vector<16xf32>,
    %mul3A_833 = arith.mulf %mul3A_810, %sub3A_743 : vector<16xf32>
    %swap3A_834 = arith.constant 32 : index
    %swap3A_835 = tpu.vector_load %arg23[%swap3A_834] {strides = array<i32>} : memref<64xf32, #tpu.memory_space<vmem>>, vector<16xf32>,
    %swap3A_836 = vector.shape_cast %swap3A_835 : vector<16xf32> to vector<16xf32>
    %swap3A_837 = vector.shape_cast %mul3A_833 : vector<16xf32> to vector<16xf32>
    tpu.vector_store %arg23[%swap3A_834], %swap3A_837 {strides = array<i32>} : memref<64xf32, #tpu.memory_space<vmem>>, vector<16xf32>,
    %get3A_838 = arith.constant 48 : index
    %get3A_839 = tpu.vector_load %arg6[%get3A_838] {strides = array<i32>} : memref<64xf32, #tpu.memory_space<vmem>>, vector<16xf32>,
    %get3A_840 = vector.shape_cast %get3A_839 : vector<16xf32> to vector<16xf32>
    %get3A_841 = arith.constant 48 : index
    %get3A_842 = tpu.vector_load %arg7[%get3A_841] {strides = array<i32>} : memref<64xf32, #tpu.memory_space<vmem>>, vector<16xf32>,
    %get3A_843 = vector.shape_cast %get3A_842 : vector<16xf32> to vector<16xf32>
    %convert_element_type3A_844 = arith.fptosi %get3A_840 : vector<16xf32> to vector<16xi32>
    %convert_element_type3A_845 = arith.sitofp %convert_element_type3A_844 : vector<16xi32> to vector<16xf32>
    %lt3A_846 = arith.cmpf olt, %get3A_840, %convert_element_type3A_845 : vector<16xf32>
    %sub3A_847 = arith.constant 1 : i32
    %sub3A_848 = vector.broadcast %sub3A_847 : i32 to vector<16xi32>
    %sub3A_849 = arith.subi %convert_element_type3A_844, %sub3A_848 : vector<16xi32>
    %select_n3A_850 = arith.select %lt3A_846, %sub3A_849, %convert_element_type3A_844 : vector<16xi1>, vector<16xi32>
    %convert_element_type3A_851 = arith.fptosi %get3A_843 : vector<16xf32> to vector<16xi32>
    %convert_element_type3A_852 = arith.sitofp %convert_element_type3A_851 : vector<16xi32> to vector<16xf32>
    %lt3A_853 = arith.cmpf olt, %get3A_843, %convert_element_type3A_852 : vector<16xf32>
    %sub3A_854 = arith.constant 1 : i32
    %sub3A_855 = vector.broadcast %sub3A_854 : i32 to vector<16xi32>
    %sub3A_856 = arith.subi %convert_element_type3A_851, %sub3A_855 : vector<16xi32>
    %select_n3A_857 = arith.select %lt3A_853, %sub3A_856, %convert_element_type3A_851 : vector<16xi1>, vector<16xi32>
    %convert_element_type3A_858 = arith.sitofp %select_n3A_850 : vector<16xi32> to vector<16xf32>
    %sub3A_859 = arith.subf %get3A_840, %convert_element_type3A_858 : vector<16xf32>
    %convert_element_type3A_860 = arith.sitofp %select_n3A_857 : vector<16xi32> to vector<16xf32>
    %sub3A_861 = arith.subf %get3A_843, %convert_element_type3A_860 : vector<16xf32>
    %ge3A_862 = arith.constant 0 : i32
    %ge3A_863 = vector.broadcast %ge3A_862 : i32 to vector<16xi32>
    %ge3A_864 = arith.cmpi sge, %select_n3A_850, %ge3A_863 : vector<16xi32>
    %le3A_865 = arith.constant 222 : i32
    %le3A_866 = vector.broadcast %le3A_865 : i32 to vector<16xi32>
    %le3A_867 = arith.cmpi sle, %select_n3A_850, %le3A_866 : vector<16xi32>
    %and3A_868 = arith.andi %ge3A_864, %le3A_867 : vector<16xi1>
    %ge3A_869 = arith.constant 0 : i32
    %ge3A_870 = vector.broadcast %ge3A_869 : i32 to vector<16xi32>
    %ge3A_871 = arith.cmpi sge, %select_n3A_857, %ge3A_870 : vector<16xi32>
    %and3A_872 = arith.andi %and3A_868, %ge3A_871 : vector<16xi1>
    %le3A_873 = arith.constant 222 : i32
    %le3A_874 = vector.broadcast %le3A_873 : i32 to vector<16xi32>
    %le3A_875 = arith.cmpi sle, %select_n3A_857, %le3A_874 : vector<16xi32>
    %and3A_876 = arith.andi %and3A_872, %le3A_875 : vector<16xi1>
    %jit3A_877 = arith.constant 1.000000e+00 : f32
    %jit3A_878 = arith.constant 0.000000e+00 : f32
    %broadcast_in_dim3A_879 = vector.broadcast %jit3A_877 : f32 to vector<16xf32>
    %broadcast_in_dim3A_880 = vector.broadcast %jit3A_878 : f32 to vector<16xf32>
    %select_n3A_881 = arith.select %and3A_876, %broadcast_in_dim3A_879, %broadcast_in_dim3A_880 : vector<16xi1>, vector<16xf32>
    %jit3A_882 = arith.constant 0 : i32
    %jit3A_883 = arith.constant 222 : i32
    %max3A_884 = vector.broadcast %jit3A_882 : i32 to vector<16xi32>
    %max3A_885 = arith.maxsi %max3A_884, %select_n3A_850 : vector<16xi32>
    %min3A_886 = vector.broadcast %jit3A_883 : i32 to vector<16xi32>
    %min3A_887 = arith.minsi %min3A_886, %max3A_885 : vector<16xi32>
    %jit3A_888 = arith.constant 0 : i32
    %jit3A_889 = arith.constant 222 : i32
    %max3A_890 = vector.broadcast %jit3A_888 : i32 to vector<16xi32>
    %max3A_891 = arith.maxsi %max3A_890, %select_n3A_857 : vector<16xi32>
    %min3A_892 = vector.broadcast %jit3A_889 : i32 to vector<16xi32>
    %min3A_893 = arith.minsi %min3A_892, %max3A_891 : vector<16xi32>
    %mul3A_894 = arith.constant 224 : i32
    %mul3A_895 = vector.broadcast %mul3A_894 : i32 to vector<16xi32>
    %mul3A_896 = arith.muli %min3A_893, %mul3A_895 : vector<16xi32>
    %add3A_897 = vector.broadcast %mul3A_5 : i32 to vector<16xi32>
    %add3A_898 = arith.addi %add3A_897, %mul3A_896 : vector<16xi32>
    %add3A_899 = arith.addi %add3A_898, %min3A_887 : vector<16xi32>
    %swap3A_900 = arith.constant 48 : index
    %swap3A_901 = tpu.vector_load %arg16[%swap3A_900] {strides = array<i32>} : memref<64xi32, #tpu.memory_space<vmem>>, vector<16xi32>,
    %swap3A_902 = vector.shape_cast %swap3A_901 : vector<16xi32> to vector<16xi32>
    %swap3A_903 = vector.shape_cast %add3A_899 : vector<16xi32> to vector<16xi32>
    tpu.vector_store %arg16[%swap3A_900], %swap3A_903 {strides = array<i32>} : memref<64xi32, #tpu.memory_space<vmem>>, vector<16xi32>,
    %add3A_904 = arith.constant 1 : i32
    %add3A_905 = vector.broadcast %add3A_904 : i32 to vector<16xi32>
    %add3A_906 = arith.addi %add3A_899, %add3A_905 : vector<16xi32>
    %swap3A_907 = arith.constant 48 : index
    %swap3A_908 = tpu.vector_load %arg17[%swap3A_907] {strides = array<i32>} : memref<64xi32, #tpu.memory_space<vmem>>, vector<16xi32>,
    %swap3A_909 = vector.shape_cast %swap3A_908 : vector<16xi32> to vector<16xi32>
    %swap3A_910 = vector.shape_cast %add3A_906 : vector<16xi32> to vector<16xi32>
    tpu.vector_store %arg17[%swap3A_907], %swap3A_910 {strides = array<i32>} : memref<64xi32, #tpu.memory_space<vmem>>, vector<16xi32>,
    %add3A_911 = arith.constant 224 : i32
    %add3A_912 = vector.broadcast %add3A_911 : i32 to vector<16xi32>
    %add3A_913 = arith.addi %add3A_899, %add3A_912 : vector<16xi32>
    %swap3A_914 = arith.constant 48 : index
    %swap3A_915 = tpu.vector_load %arg18[%swap3A_914] {strides = array<i32>} : memref<64xi32, #tpu.memory_space<vmem>>, vector<16xi32>,
    %swap3A_916 = vector.shape_cast %swap3A_915 : vector<16xi32> to vector<16xi32>
    %swap3A_917 = vector.shape_cast %add3A_913 : vector<16xi32> to vector<16xi32>
    tpu.vector_store %arg18[%swap3A_914], %swap3A_917 {strides = array<i32>} : memref<64xi32, #tpu.memory_space<vmem>>, vector<16xi32>,
    %add3A_918 = arith.constant 224 : i32
    %add3A_919 = vector.broadcast %add3A_918 : i32 to vector<16xi32>
    %add3A_920 = arith.addi %add3A_899, %add3A_919 : vector<16xi32>
    %add3A_921 = arith.constant 1 : i32
    %add3A_922 = vector.broadcast %add3A_921 : i32 to vector<16xi32>
    %add3A_923 = arith.addi %add3A_920, %add3A_922 : vector<16xi32>
    %swap3A_924 = arith.constant 48 : index
    %swap3A_925 = tpu.vector_load %arg19[%swap3A_924] {strides = array<i32>} : memref<64xi32, #tpu.memory_space<vmem>>, vector<16xi32>,
    %swap3A_926 = vector.shape_cast %swap3A_925 : vector<16xi32> to vector<16xi32>
    %swap3A_927 = vector.shape_cast %add3A_923 : vector<16xi32> to vector<16xi32>
    tpu.vector_store %arg19[%swap3A_924], %swap3A_927 {strides = array<i32>} : memref<64xi32, #tpu.memory_space<vmem>>, vector<16xi32>,
    %mul3A_928 = arith.mulf %sub3A_859, %select_n3A_881 : vector<16xf32>
    %sub3A_929 = arith.subf %select_n3A_881, %mul3A_928 : vector<16xf32>
    %sub3A_930 = arith.constant 1.000000e+00 : f32
    %sub3A_931 = vector.broadcast %sub3A_930 : f32 to vector<16xf32>
    %sub3A_932 = arith.subf %sub3A_931, %sub3A_861 : vector<16xf32>
    %mul3A_933 = arith.mulf %sub3A_929, %sub3A_932 : vector<16xf32>
    %swap3A_934 = arith.constant 48 : index
    %swap3A_935 = tpu.vector_load %arg20[%swap3A_934] {strides = array<i32>} : memref<64xf32, #tpu.memory_space<vmem>>, vector<16xf32>,
    %swap3A_936 = vector.shape_cast %swap3A_935 : vector<16xf32> to vector<16xf32>
    %swap3A_937 = vector.shape_cast %mul3A_933 : vector<16xf32> to vector<16xf32>
    tpu.vector_store %arg20[%swap3A_934], %swap3A_937 {strides = array<i32>} : memref<64xf32, #tpu.memory_space<vmem>>, vector<16xf32>,
    %sub3A_938 = arith.constant 1.000000e+00 : f32
    %sub3A_939 = vector.broadcast %sub3A_938 : f32 to vector<16xf32>
    %sub3A_940 = arith.subf %sub3A_939, %sub3A_861 : vector<16xf32>
    %mul3A_941 = arith.mulf %mul3A_928, %sub3A_940 : vector<16xf32>
    %swap3A_942 = arith.constant 48 : index
    %swap3A_943 = tpu.vector_load %arg21[%swap3A_942] {strides = array<i32>} : memref<64xf32, #tpu.memory_space<vmem>>, vector<16xf32>,
    %swap3A_944 = vector.shape_cast %swap3A_943 : vector<16xf32> to vector<16xf32>
    %swap3A_945 = vector.shape_cast %mul3A_941 : vector<16xf32> to vector<16xf32>
    tpu.vector_store %arg21[%swap3A_942], %swap3A_945 {strides = array<i32>} : memref<64xf32, #tpu.memory_space<vmem>>, vector<16xf32>,
    %mul3A_946 = arith.mulf %sub3A_929, %sub3A_861 : vector<16xf32>
    %swap3A_947 = arith.constant 48 : index
    %swap3A_948 = tpu.vector_load %arg22[%swap3A_947] {strides = array<i32>} : memref<64xf32, #tpu.memory_space<vmem>>, vector<16xf32>,
    %swap3A_949 = vector.shape_cast %swap3A_948 : vector<16xf32> to vector<16xf32>
    %swap3A_950 = vector.shape_cast %mul3A_946 : vector<16xf32> to vector<16xf32>
    tpu.vector_store %arg22[%swap3A_947], %swap3A_950 {strides = array<i32>} : memref<64xf32, #tpu.memory_space<vmem>>, vector<16xf32>,
    %mul3A_951 = arith.mulf %mul3A_928, %sub3A_861 : vector<16xf32>
    %swap3A_952 = arith.constant 48 : index
    %swap3A_953 = tpu.vector_load %arg23[%swap3A_952] {strides = array<i32>} : memref<64xf32, #tpu.memory_space<vmem>>, vector<16xf32>,
    %swap3A_954 = vector.shape_cast %swap3A_953 : vector<16xf32> to vector<16xf32>
    %swap3A_955 = vector.shape_cast %mul3A_951 : vector<16xf32> to vector<16xf32>
    tpu.vector_store %arg23[%swap3A_952], %swap3A_955 {strides = array<i32>} : memref<64xf32, #tpu.memory_space<vmem>>, vector<16xf32>,
    %dma_start3A_956 = arith.constant 0 : i32
    %dma_start3A_957 = arith.constant 0 : i32
    %dma_start3A_958 = tpu.memref_slice %arg2[%dma_start3A_956, %dma_start3A_957] : memref<401408x128xf32, #tpu.memory_space<hbm>> -> memref<401408x128xf32, #tpu.memory_space<hbm>>
    tpu.enqueue_indirect_dma source(%dma_start3A_958 : memref<401408x128xf32, #tpu.memory_space<hbm>>) target(%arg28 : memref<64x128xf32, #tpu.memory_space<vmem>>) offsets(%arg16 : memref<64xi32, #tpu.memory_space<vmem>>) semaphore(%arg35 : memref<!tpu.dma_semaphore, #tpu.memory_space<semaphore_mem>>)
    %dma_start3A_959 = arith.constant 0 : i32
    %dma_start3A_960 = arith.constant 0 : i32
    %dma_start3A_961 = tpu.memref_slice %arg2[%dma_start3A_959, %dma_start3A_960] : memref<401408x128xf32, #tpu.memory_space<hbm>> -> memref<401408x128xf32, #tpu.memory_space<hbm>>
    tpu.enqueue_indirect_dma source(%dma_start3A_961 : memref<401408x128xf32, #tpu.memory_space<hbm>>) target(%arg29 : memref<64x128xf32, #tpu.memory_space<vmem>>) offsets(%arg17 : memref<64xi32, #tpu.memory_space<vmem>>) semaphore(%arg35 : memref<!tpu.dma_semaphore, #tpu.memory_space<semaphore_mem>>)
    %dma_start3A_962 = arith.constant 0 : i32
    %dma_start3A_963 = arith.constant 0 : i32
    %dma_start3A_964 = tpu.memref_slice %arg2[%dma_start3A_962, %dma_start3A_963] : memref<401408x128xf32, #tpu.memory_space<hbm>> -> memref<401408x128xf32, #tpu.memory_space<hbm>>
    tpu.enqueue_indirect_dma source(%dma_start3A_964 : memref<401408x128xf32, #tpu.memory_space<hbm>>) target(%arg30 : memref<64x128xf32, #tpu.memory_space<vmem>>) offsets(%arg18 : memref<64xi32, #tpu.memory_space<vmem>>) semaphore(%arg35 : memref<!tpu.dma_semaphore, #tpu.memory_space<semaphore_mem>>)
    %dma_start3A_965 = arith.constant 0 : i32
    %dma_start3A_966 = arith.constant 0 : i32
    %dma_start3A_967 = tpu.memref_slice %arg2[%dma_start3A_965, %dma_start3A_966] : memref<401408x128xf32, #tpu.memory_space<hbm>> -> memref<401408x128xf32, #tpu.memory_space<hbm>>
    tpu.enqueue_indirect_dma source(%dma_start3A_967 : memref<401408x128xf32, #tpu.memory_space<hbm>>) target(%arg31 : memref<64x128xf32, #tpu.memory_space<vmem>>) offsets(%arg19 : memref<64xi32, #tpu.memory_space<vmem>>) semaphore(%arg35 : memref<!tpu.dma_semaphore, #tpu.memory_space<semaphore_mem>>)
    %dma_wait3A = arith.constant 0 : i32
    %dma_wait3A_968 = arith.constant 0 : i32
    %dma_wait3A_969 = tpu.memref_slice %arg2[%dma_wait3A, %dma_wait3A_968] : memref<401408x128xf32, #tpu.memory_space<hbm>> -> memref<401408x128xf32, #tpu.memory_space<hbm>>
    tpu.wait_indirect_dma semaphore(%arg34 : memref<!tpu.dma_semaphore, #tpu.memory_space<semaphore_mem>>) src(%dma_wait3A_969 : memref<401408x128xf32, #tpu.memory_space<hbm>>) dst(%arg24 : memref<64x128xf32, #tpu.memory_space<vmem>>)
    %dma_wait3A_970 = arith.constant 0 : i32
    %dma_wait3A_971 = arith.constant 0 : i32
    %dma_wait3A_972 = tpu.memref_slice %arg2[%dma_wait3A_970, %dma_wait3A_971] : memref<401408x128xf32, #tpu.memory_space<hbm>> -> memref<401408x128xf32, #tpu.memory_space<hbm>>
    tpu.wait_indirect_dma semaphore(%arg34 : memref<!tpu.dma_semaphore, #tpu.memory_space<semaphore_mem>>) src(%dma_wait3A_972 : memref<401408x128xf32, #tpu.memory_space<hbm>>) dst(%arg25 : memref<64x128xf32, #tpu.memory_space<vmem>>)
    %dma_wait3A_973 = arith.constant 0 : i32
    %dma_wait3A_974 = arith.constant 0 : i32
    %dma_wait3A_975 = tpu.memref_slice %arg2[%dma_wait3A_973, %dma_wait3A_974] : memref<401408x128xf32, #tpu.memory_space<hbm>> -> memref<401408x128xf32, #tpu.memory_space<hbm>>
    tpu.wait_indirect_dma semaphore(%arg34 : memref<!tpu.dma_semaphore, #tpu.memory_space<semaphore_mem>>) src(%dma_wait3A_975 : memref<401408x128xf32, #tpu.memory_space<hbm>>) dst(%arg26 : memref<64x128xf32, #tpu.memory_space<vmem>>)
    %dma_wait3A_976 = arith.constant 0 : i32
    %dma_wait3A_977 = arith.constant 0 : i32
    %dma_wait3A_978 = tpu.memref_slice %arg2[%dma_wait3A_976, %dma_wait3A_977] : memref<401408x128xf32, #tpu.memory_space<hbm>> -> memref<401408x128xf32, #tpu.memory_space<hbm>>
    tpu.wait_indirect_dma semaphore(%arg34 : memref<!tpu.dma_semaphore, #tpu.memory_space<semaphore_mem>>) src(%dma_wait3A_978 : memref<401408x128xf32, #tpu.memory_space<hbm>>) dst(%arg27 : memref<64x128xf32, #tpu.memory_space<vmem>>)
    %add3A_979 = arith.constant 0 : i32
    %add3A_980 = arith.addi %mul3A_2, %add3A_979 : i32
    %dma_start3A_981 = arith.constant 0 : i32
    %dma_start3A_982 = tpu.memref_slice %arg5[%add3A_980, %dma_start3A_981] : memref<401408x96xf32, #tpu.memory_space<hbm>> -> memref<64x96xf32, #tpu.memory_space<hbm>>
    %dma_start3A_983 = arith.constant 0 : i32
    %dma_start3A_984 = tpu.memref_slice %arg5[%add3A_980, %dma_start3A_983] : memref<401408x96xf32, #tpu.memory_space<hbm>> -> memref<64x96xf32, #tpu.memory_space<hbm>>
    tpu.enqueue_dma source(%arg32 : memref<64x96xf32, #tpu.memory_space<vmem>>) target(%dma_start3A_984 : memref<64x96xf32, #tpu.memory_space<hbm>>) target_semaphore(%arg36 : memref<!tpu.dma_semaphore, #tpu.memory_space<semaphore_mem>>)
    %add3A_985 = arith.constant 128 : i32
    %add3A_986 = arith.addi %mul3A_2, %add3A_985 : i32
    "tpu.region"() ({
      %run_scoped3A = tpu.sem_alloc : memref<!tpu.dma_semaphore, #tpu.memory_space<semaphore_mem>>
      %dma_start3A_2035 = tpu.memref_slice %arg3[%add3A_986] : memref<401408xf32, #tpu.memory_space<hbm>> -> memref<64xf32, #tpu.memory_space<hbm>>
      %dma_start3A_2036 = tpu.memref_slice %arg3[%add3A_986] : memref<401408xf32, #tpu.memory_space<hbm>> -> memref<64xf32, #tpu.memory_space<hbm>>
      tpu.enqueue_dma source(%dma_start3A_2036 : memref<64xf32, #tpu.memory_space<hbm>>) target(%arg6 : memref<64xf32, #tpu.memory_space<vmem>>) target_semaphore(%run_scoped3A : memref<!tpu.dma_semaphore, #tpu.memory_space<semaphore_mem>>)
      %dma_wait3A_2037 = tpu.memref_slice %arg3[%add3A_986] : memref<401408xf32, #tpu.memory_space<hbm>> -> memref<64xf32, #tpu.memory_space<hbm>>
      %dma_wait3A_2038 = tpu.memref_slice %arg3[%add3A_986] : memref<401408xf32, #tpu.memory_space<hbm>> -> memref<64xf32, #tpu.memory_space<hbm>>
      tpu.wait_dma2 semaphore(%run_scoped3A : memref<!tpu.dma_semaphore, #tpu.memory_space<semaphore_mem>>) src(%dma_wait3A_2038 : memref<64xf32, #tpu.memory_space<hbm>>) dst(%arg6 : memref<64xf32, #tpu.memory_space<vmem>>)
      tpu.yield
    }) : () -> ()
    %add3A_987 = arith.constant 128 : i32
    %add3A_988 = arith.addi %mul3A_2, %add3A_987 : i32
    "tpu.region"() ({
      %run_scoped3A = tpu.sem_alloc : memref<!tpu.dma_semaphore, #tpu.memory_space<semaphore_mem>>
      %dma_start3A_2035 = tpu.memref_slice %arg4[%add3A_988] : memref<401408xf32, #tpu.memory_space<hbm>> -> memref<64xf32, #tpu.memory_space<hbm>>
      %dma_start3A_2036 = tpu.memref_slice %arg4[%add3A_988] : memref<401408xf32, #tpu.memory_space<hbm>> -> memref<64xf32, #tpu.memory_space<hbm>>
      tpu.enqueue_dma source(%dma_start3A_2036 : memref<64xf32, #tpu.memory_space<hbm>>) target(%arg7 : memref<64xf32, #tpu.memory_space<vmem>>) target_semaphore(%run_scoped3A : memref<!tpu.dma_semaphore, #tpu.memory_space<semaphore_mem>>)
      %dma_wait3A_2037 = tpu.memref_slice %arg4[%add3A_988] : memref<401408xf32, #tpu.memory_space<hbm>> -> memref<64xf32, #tpu.memory_space<hbm>>
      %dma_wait3A_2038 = tpu.memref_slice %arg4[%add3A_988] : memref<401408xf32, #tpu.memory_space<hbm>> -> memref<64xf32, #tpu.memory_space<hbm>>
      tpu.wait_dma2 semaphore(%run_scoped3A : memref<!tpu.dma_semaphore, #tpu.memory_space<semaphore_mem>>) src(%dma_wait3A_2038 : memref<64xf32, #tpu.memory_space<hbm>>) dst(%arg7 : memref<64xf32, #tpu.memory_space<vmem>>)
      tpu.yield
    }) : () -> ()
    %get3A_989 = arith.constant 0 : index
    %get3A_990 = tpu.vector_load %arg6[%get3A_989] {strides = array<i32>} : memref<64xf32, #tpu.memory_space<vmem>>, vector<16xf32>,
    %get3A_991 = vector.shape_cast %get3A_990 : vector<16xf32> to vector<16xf32>
    %get3A_992 = arith.constant 0 : index
    %get3A_993 = tpu.vector_load %arg7[%get3A_992] {strides = array<i32>} : memref<64xf32, #tpu.memory_space<vmem>>, vector<16xf32>,
    %get3A_994 = vector.shape_cast %get3A_993 : vector<16xf32> to vector<16xf32>
    %convert_element_type3A_995 = arith.fptosi %get3A_991 : vector<16xf32> to vector<16xi32>
    %convert_element_type3A_996 = arith.sitofp %convert_element_type3A_995 : vector<16xi32> to vector<16xf32>
    %lt3A_997 = arith.cmpf olt, %get3A_991, %convert_element_type3A_996 : vector<16xf32>
    %sub3A_998 = arith.constant 1 : i32
    %sub3A_999 = vector.broadcast %sub3A_998 : i32 to vector<16xi32>
    %sub3A_1000 = arith.subi %convert_element_type3A_995, %sub3A_999 : vector<16xi32>
    %select_n3A_1001 = arith.select %lt3A_997, %sub3A_1000, %convert_element_type3A_995 : vector<16xi1>, vector<16xi32>
    %convert_element_type3A_1002 = arith.fptosi %get3A_994 : vector<16xf32> to vector<16xi32>
    %convert_element_type3A_1003 = arith.sitofp %convert_element_type3A_1002 : vector<16xi32> to vector<16xf32>
    %lt3A_1004 = arith.cmpf olt, %get3A_994, %convert_element_type3A_1003 : vector<16xf32>
    %sub3A_1005 = arith.constant 1 : i32
    %sub3A_1006 = vector.broadcast %sub3A_1005 : i32 to vector<16xi32>
    %sub3A_1007 = arith.subi %convert_element_type3A_1002, %sub3A_1006 : vector<16xi32>
    %select_n3A_1008 = arith.select %lt3A_1004, %sub3A_1007, %convert_element_type3A_1002 : vector<16xi1>, vector<16xi32>
    %convert_element_type3A_1009 = arith.sitofp %select_n3A_1001 : vector<16xi32> to vector<16xf32>
    %sub3A_1010 = arith.subf %get3A_991, %convert_element_type3A_1009 : vector<16xf32>
    %convert_element_type3A_1011 = arith.sitofp %select_n3A_1008 : vector<16xi32> to vector<16xf32>
    %sub3A_1012 = arith.subf %get3A_994, %convert_element_type3A_1011 : vector<16xf32>
    %ge3A_1013 = arith.constant 0 : i32
    %ge3A_1014 = vector.broadcast %ge3A_1013 : i32 to vector<16xi32>
    %ge3A_1015 = arith.cmpi sge, %select_n3A_1001, %ge3A_1014 : vector<16xi32>
    %le3A_1016 = arith.constant 222 : i32
    %le3A_1017 = vector.broadcast %le3A_1016 : i32 to vector<16xi32>
    %le3A_1018 = arith.cmpi sle, %select_n3A_1001, %le3A_1017 : vector<16xi32>
    %and3A_1019 = arith.andi %ge3A_1015, %le3A_1018 : vector<16xi1>
    %ge3A_1020 = arith.constant 0 : i32
    %ge3A_1021 = vector.broadcast %ge3A_1020 : i32 to vector<16xi32>
    %ge3A_1022 = arith.cmpi sge, %select_n3A_1008, %ge3A_1021 : vector<16xi32>
    %and3A_1023 = arith.andi %and3A_1019, %ge3A_1022 : vector<16xi1>
    %le3A_1024 = arith.constant 222 : i32
    %le3A_1025 = vector.broadcast %le3A_1024 : i32 to vector<16xi32>
    %le3A_1026 = arith.cmpi sle, %select_n3A_1008, %le3A_1025 : vector<16xi32>
    %and3A_1027 = arith.andi %and3A_1023, %le3A_1026 : vector<16xi1>
    %jit3A_1028 = arith.constant 1.000000e+00 : f32
    %jit3A_1029 = arith.constant 0.000000e+00 : f32
    %broadcast_in_dim3A_1030 = vector.broadcast %jit3A_1028 : f32 to vector<16xf32>
    %broadcast_in_dim3A_1031 = vector.broadcast %jit3A_1029 : f32 to vector<16xf32>
    %select_n3A_1032 = arith.select %and3A_1027, %broadcast_in_dim3A_1030, %broadcast_in_dim3A_1031 : vector<16xi1>, vector<16xf32>
    %jit3A_1033 = arith.constant 0 : i32
    %jit3A_1034 = arith.constant 222 : i32
    %max3A_1035 = vector.broadcast %jit3A_1033 : i32 to vector<16xi32>
    %max3A_1036 = arith.maxsi %max3A_1035, %select_n3A_1001 : vector<16xi32>
    %min3A_1037 = vector.broadcast %jit3A_1034 : i32 to vector<16xi32>
    %min3A_1038 = arith.minsi %min3A_1037, %max3A_1036 : vector<16xi32>
    %jit3A_1039 = arith.constant 0 : i32
    %jit3A_1040 = arith.constant 222 : i32
    %max3A_1041 = vector.broadcast %jit3A_1039 : i32 to vector<16xi32>
    %max3A_1042 = arith.maxsi %max3A_1041, %select_n3A_1008 : vector<16xi32>
    %min3A_1043 = vector.broadcast %jit3A_1040 : i32 to vector<16xi32>
    %min3A_1044 = arith.minsi %min3A_1043, %max3A_1042 : vector<16xi32>
    %mul3A_1045 = arith.constant 224 : i32
    %mul3A_1046 = vector.broadcast %mul3A_1045 : i32 to vector<16xi32>
    %mul3A_1047 = arith.muli %min3A_1044, %mul3A_1046 : vector<16xi32>
    %add3A_1048 = vector.broadcast %mul3A_5 : i32 to vector<16xi32>
    %add3A_1049 = arith.addi %add3A_1048, %mul3A_1047 : vector<16xi32>
    %add3A_1050 = arith.addi %add3A_1049, %min3A_1038 : vector<16xi32>
    %swap3A_1051 = arith.constant 0 : index
    %swap3A_1052 = tpu.vector_load %arg8[%swap3A_1051] {strides = array<i32>} : memref<64xi32, #tpu.memory_space<vmem>>, vector<16xi32>,
    %swap3A_1053 = vector.shape_cast %swap3A_1052 : vector<16xi32> to vector<16xi32>
    %swap3A_1054 = vector.shape_cast %add3A_1050 : vector<16xi32> to vector<16xi32>
    tpu.vector_store %arg8[%swap3A_1051], %swap3A_1054 {strides = array<i32>} : memref<64xi32, #tpu.memory_space<vmem>>, vector<16xi32>,
    %add3A_1055 = arith.constant 1 : i32
    %add3A_1056 = vector.broadcast %add3A_1055 : i32 to vector<16xi32>
    %add3A_1057 = arith.addi %add3A_1050, %add3A_1056 : vector<16xi32>
    %swap3A_1058 = arith.constant 0 : index
    %swap3A_1059 = tpu.vector_load %arg9[%swap3A_1058] {strides = array<i32>} : memref<64xi32, #tpu.memory_space<vmem>>, vector<16xi32>,
    %swap3A_1060 = vector.shape_cast %swap3A_1059 : vector<16xi32> to vector<16xi32>
    %swap3A_1061 = vector.shape_cast %add3A_1057 : vector<16xi32> to vector<16xi32>
    tpu.vector_store %arg9[%swap3A_1058], %swap3A_1061 {strides = array<i32>} : memref<64xi32, #tpu.memory_space<vmem>>, vector<16xi32>,
    %add3A_1062 = arith.constant 224 : i32
    %add3A_1063 = vector.broadcast %add3A_1062 : i32 to vector<16xi32>
    %add3A_1064 = arith.addi %add3A_1050, %add3A_1063 : vector<16xi32>
    %swap3A_1065 = arith.constant 0 : index
    %swap3A_1066 = tpu.vector_load %arg10[%swap3A_1065] {strides = array<i32>} : memref<64xi32, #tpu.memory_space<vmem>>, vector<16xi32>,
    %swap3A_1067 = vector.shape_cast %swap3A_1066 : vector<16xi32> to vector<16xi32>
    %swap3A_1068 = vector.shape_cast %add3A_1064 : vector<16xi32> to vector<16xi32>
    tpu.vector_store %arg10[%swap3A_1065], %swap3A_1068 {strides = array<i32>} : memref<64xi32, #tpu.memory_space<vmem>>, vector<16xi32>,
    %add3A_1069 = arith.constant 224 : i32
    %add3A_1070 = vector.broadcast %add3A_1069 : i32 to vector<16xi32>
    %add3A_1071 = arith.addi %add3A_1050, %add3A_1070 : vector<16xi32>
    %add3A_1072 = arith.constant 1 : i32
    %add3A_1073 = vector.broadcast %add3A_1072 : i32 to vector<16xi32>
    %add3A_1074 = arith.addi %add3A_1071, %add3A_1073 : vector<16xi32>
    %swap3A_1075 = arith.constant 0 : index
    %swap3A_1076 = tpu.vector_load %arg11[%swap3A_1075] {strides = array<i32>} : memref<64xi32, #tpu.memory_space<vmem>>, vector<16xi32>,
    %swap3A_1077 = vector.shape_cast %swap3A_1076 : vector<16xi32> to vector<16xi32>
    %swap3A_1078 = vector.shape_cast %add3A_1074 : vector<16xi32> to vector<16xi32>
    tpu.vector_store %arg11[%swap3A_1075], %swap3A_1078 {strides = array<i32>} : memref<64xi32, #tpu.memory_space<vmem>>, vector<16xi32>,
    %mul3A_1079 = arith.mulf %sub3A_1010, %select_n3A_1032 : vector<16xf32>
    %sub3A_1080 = arith.subf %select_n3A_1032, %mul3A_1079 : vector<16xf32>
    %sub3A_1081 = arith.constant 1.000000e+00 : f32
    %sub3A_1082 = vector.broadcast %sub3A_1081 : f32 to vector<16xf32>
    %sub3A_1083 = arith.subf %sub3A_1082, %sub3A_1012 : vector<16xf32>
    %mul3A_1084 = arith.mulf %sub3A_1080, %sub3A_1083 : vector<16xf32>
    %swap3A_1085 = arith.constant 0 : index
    %swap3A_1086 = tpu.vector_load %arg12[%swap3A_1085] {strides = array<i32>} : memref<64xf32, #tpu.memory_space<vmem>>, vector<16xf32>,
    %swap3A_1087 = vector.shape_cast %swap3A_1086 : vector<16xf32> to vector<16xf32>
    %swap3A_1088 = vector.shape_cast %mul3A_1084 : vector<16xf32> to vector<16xf32>
    tpu.vector_store %arg12[%swap3A_1085], %swap3A_1088 {strides = array<i32>} : memref<64xf32, #tpu.memory_space<vmem>>, vector<16xf32>,
    %sub3A_1089 = arith.constant 1.000000e+00 : f32
    %sub3A_1090 = vector.broadcast %sub3A_1089 : f32 to vector<16xf32>
    %sub3A_1091 = arith.subf %sub3A_1090, %sub3A_1012 : vector<16xf32>
    %mul3A_1092 = arith.mulf %mul3A_1079, %sub3A_1091 : vector<16xf32>
    %swap3A_1093 = arith.constant 0 : index
    %swap3A_1094 = tpu.vector_load %arg13[%swap3A_1093] {strides = array<i32>} : memref<64xf32, #tpu.memory_space<vmem>>, vector<16xf32>,
    %swap3A_1095 = vector.shape_cast %swap3A_1094 : vector<16xf32> to vector<16xf32>
    %swap3A_1096 = vector.shape_cast %mul3A_1092 : vector<16xf32> to vector<16xf32>
    tpu.vector_store %arg13[%swap3A_1093], %swap3A_1096 {strides = array<i32>} : memref<64xf32, #tpu.memory_space<vmem>>, vector<16xf32>,
    %mul3A_1097 = arith.mulf %sub3A_1080, %sub3A_1012 : vector<16xf32>
    %swap3A_1098 = arith.constant 0 : index
    %swap3A_1099 = tpu.vector_load %arg14[%swap3A_1098] {strides = array<i32>} : memref<64xf32, #tpu.memory_space<vmem>>, vector<16xf32>,
    %swap3A_1100 = vector.shape_cast %swap3A_1099 : vector<16xf32> to vector<16xf32>
    %swap3A_1101 = vector.shape_cast %mul3A_1097 : vector<16xf32> to vector<16xf32>
    tpu.vector_store %arg14[%swap3A_1098], %swap3A_1101 {strides = array<i32>} : memref<64xf32, #tpu.memory_space<vmem>>, vector<16xf32>,
    %mul3A_1102 = arith.mulf %mul3A_1079, %sub3A_1012 : vector<16xf32>
    %swap3A_1103 = arith.constant 0 : index
    %swap3A_1104 = tpu.vector_load %arg15[%swap3A_1103] {strides = array<i32>} : memref<64xf32, #tpu.memory_space<vmem>>, vector<16xf32>,
    %swap3A_1105 = vector.shape_cast %swap3A_1104 : vector<16xf32> to vector<16xf32>
    %swap3A_1106 = vector.shape_cast %mul3A_1102 : vector<16xf32> to vector<16xf32>
    tpu.vector_store %arg15[%swap3A_1103], %swap3A_1106 {strides = array<i32>} : memref<64xf32, #tpu.memory_space<vmem>>, vector<16xf32>,
    %get3A_1107 = arith.constant 16 : index
    %get3A_1108 = tpu.vector_load %arg6[%get3A_1107] {strides = array<i32>} : memref<64xf32, #tpu.memory_space<vmem>>, vector<16xf32>,
    %get3A_1109 = vector.shape_cast %get3A_1108 : vector<16xf32> to vector<16xf32>
    %get3A_1110 = arith.constant 16 : index
    %get3A_1111 = tpu.vector_load %arg7[%get3A_1110] {strides = array<i32>} : memref<64xf32, #tpu.memory_space<vmem>>, vector<16xf32>,
    %get3A_1112 = vector.shape_cast %get3A_1111 : vector<16xf32> to vector<16xf32>
    %convert_element_type3A_1113 = arith.fptosi %get3A_1109 : vector<16xf32> to vector<16xi32>
    %convert_element_type3A_1114 = arith.sitofp %convert_element_type3A_1113 : vector<16xi32> to vector<16xf32>
    %lt3A_1115 = arith.cmpf olt, %get3A_1109, %convert_element_type3A_1114 : vector<16xf32>
    %sub3A_1116 = arith.constant 1 : i32
    %sub3A_1117 = vector.broadcast %sub3A_1116 : i32 to vector<16xi32>
    %sub3A_1118 = arith.subi %convert_element_type3A_1113, %sub3A_1117 : vector<16xi32>
    %select_n3A_1119 = arith.select %lt3A_1115, %sub3A_1118, %convert_element_type3A_1113 : vector<16xi1>, vector<16xi32>
    %convert_element_type3A_1120 = arith.fptosi %get3A_1112 : vector<16xf32> to vector<16xi32>
    %convert_element_type3A_1121 = arith.sitofp %convert_element_type3A_1120 : vector<16xi32> to vector<16xf32>
    %lt3A_1122 = arith.cmpf olt, %get3A_1112, %convert_element_type3A_1121 : vector<16xf32>
    %sub3A_1123 = arith.constant 1 : i32
    %sub3A_1124 = vector.broadcast %sub3A_1123 : i32 to vector<16xi32>
    %sub3A_1125 = arith.subi %convert_element_type3A_1120, %sub3A_1124 : vector<16xi32>
    %select_n3A_1126 = arith.select %lt3A_1122, %sub3A_1125, %convert_element_type3A_1120 : vector<16xi1>, vector<16xi32>
    %convert_element_type3A_1127 = arith.sitofp %select_n3A_1119 : vector<16xi32> to vector<16xf32>
    %sub3A_1128 = arith.subf %get3A_1109, %convert_element_type3A_1127 : vector<16xf32>
    %convert_element_type3A_1129 = arith.sitofp %select_n3A_1126 : vector<16xi32> to vector<16xf32>
    %sub3A_1130 = arith.subf %get3A_1112, %convert_element_type3A_1129 : vector<16xf32>
    %ge3A_1131 = arith.constant 0 : i32
    %ge3A_1132 = vector.broadcast %ge3A_1131 : i32 to vector<16xi32>
    %ge3A_1133 = arith.cmpi sge, %select_n3A_1119, %ge3A_1132 : vector<16xi32>
    %le3A_1134 = arith.constant 222 : i32
    %le3A_1135 = vector.broadcast %le3A_1134 : i32 to vector<16xi32>
    %le3A_1136 = arith.cmpi sle, %select_n3A_1119, %le3A_1135 : vector<16xi32>
    %and3A_1137 = arith.andi %ge3A_1133, %le3A_1136 : vector<16xi1>
    %ge3A_1138 = arith.constant 0 : i32
    %ge3A_1139 = vector.broadcast %ge3A_1138 : i32 to vector<16xi32>
    %ge3A_1140 = arith.cmpi sge, %select_n3A_1126, %ge3A_1139 : vector<16xi32>
    %and3A_1141 = arith.andi %and3A_1137, %ge3A_1140 : vector<16xi1>
    %le3A_1142 = arith.constant 222 : i32
    %le3A_1143 = vector.broadcast %le3A_1142 : i32 to vector<16xi32>
    %le3A_1144 = arith.cmpi sle, %select_n3A_1126, %le3A_1143 : vector<16xi32>
    %and3A_1145 = arith.andi %and3A_1141, %le3A_1144 : vector<16xi1>
    %jit3A_1146 = arith.constant 1.000000e+00 : f32
    %jit3A_1147 = arith.constant 0.000000e+00 : f32
    %broadcast_in_dim3A_1148 = vector.broadcast %jit3A_1146 : f32 to vector<16xf32>
    %broadcast_in_dim3A_1149 = vector.broadcast %jit3A_1147 : f32 to vector<16xf32>
    %select_n3A_1150 = arith.select %and3A_1145, %broadcast_in_dim3A_1148, %broadcast_in_dim3A_1149 : vector<16xi1>, vector<16xf32>
    %jit3A_1151 = arith.constant 0 : i32
    %jit3A_1152 = arith.constant 222 : i32
    %max3A_1153 = vector.broadcast %jit3A_1151 : i32 to vector<16xi32>
    %max3A_1154 = arith.maxsi %max3A_1153, %select_n3A_1119 : vector<16xi32>
    %min3A_1155 = vector.broadcast %jit3A_1152 : i32 to vector<16xi32>
    %min3A_1156 = arith.minsi %min3A_1155, %max3A_1154 : vector<16xi32>
    %jit3A_1157 = arith.constant 0 : i32
    %jit3A_1158 = arith.constant 222 : i32
    %max3A_1159 = vector.broadcast %jit3A_1157 : i32 to vector<16xi32>
    %max3A_1160 = arith.maxsi %max3A_1159, %select_n3A_1126 : vector<16xi32>
    %min3A_1161 = vector.broadcast %jit3A_1158 : i32 to vector<16xi32>
    %min3A_1162 = arith.minsi %min3A_1161, %max3A_1160 : vector<16xi32>
    %mul3A_1163 = arith.constant 224 : i32
    %mul3A_1164 = vector.broadcast %mul3A_1163 : i32 to vector<16xi32>
    %mul3A_1165 = arith.muli %min3A_1162, %mul3A_1164 : vector<16xi32>
    %add3A_1166 = vector.broadcast %mul3A_5 : i32 to vector<16xi32>
    %add3A_1167 = arith.addi %add3A_1166, %mul3A_1165 : vector<16xi32>
    %add3A_1168 = arith.addi %add3A_1167, %min3A_1156 : vector<16xi32>
    %swap3A_1169 = arith.constant 16 : index
    %swap3A_1170 = tpu.vector_load %arg8[%swap3A_1169] {strides = array<i32>} : memref<64xi32, #tpu.memory_space<vmem>>, vector<16xi32>,
    %swap3A_1171 = vector.shape_cast %swap3A_1170 : vector<16xi32> to vector<16xi32>
    %swap3A_1172 = vector.shape_cast %add3A_1168 : vector<16xi32> to vector<16xi32>
    tpu.vector_store %arg8[%swap3A_1169], %swap3A_1172 {strides = array<i32>} : memref<64xi32, #tpu.memory_space<vmem>>, vector<16xi32>,
    %add3A_1173 = arith.constant 1 : i32
    %add3A_1174 = vector.broadcast %add3A_1173 : i32 to vector<16xi32>
    %add3A_1175 = arith.addi %add3A_1168, %add3A_1174 : vector<16xi32>
    %swap3A_1176 = arith.constant 16 : index
    %swap3A_1177 = tpu.vector_load %arg9[%swap3A_1176] {strides = array<i32>} : memref<64xi32, #tpu.memory_space<vmem>>, vector<16xi32>,
    %swap3A_1178 = vector.shape_cast %swap3A_1177 : vector<16xi32> to vector<16xi32>
    %swap3A_1179 = vector.shape_cast %add3A_1175 : vector<16xi32> to vector<16xi32>
    tpu.vector_store %arg9[%swap3A_1176], %swap3A_1179 {strides = array<i32>} : memref<64xi32, #tpu.memory_space<vmem>>, vector<16xi32>,
    %add3A_1180 = arith.constant 224 : i32
    %add3A_1181 = vector.broadcast %add3A_1180 : i32 to vector<16xi32>
    %add3A_1182 = arith.addi %add3A_1168, %add3A_1181 : vector<16xi32>
    %swap3A_1183 = arith.constant 16 : index
    %swap3A_1184 = tpu.vector_load %arg10[%swap3A_1183] {strides = array<i32>} : memref<64xi32, #tpu.memory_space<vmem>>, vector<16xi32>,
    %swap3A_1185 = vector.shape_cast %swap3A_1184 : vector<16xi32> to vector<16xi32>
    %swap3A_1186 = vector.shape_cast %add3A_1182 : vector<16xi32> to vector<16xi32>
    tpu.vector_store %arg10[%swap3A_1183], %swap3A_1186 {strides = array<i32>} : memref<64xi32, #tpu.memory_space<vmem>>, vector<16xi32>,
    %add3A_1187 = arith.constant 224 : i32
    %add3A_1188 = vector.broadcast %add3A_1187 : i32 to vector<16xi32>
    %add3A_1189 = arith.addi %add3A_1168, %add3A_1188 : vector<16xi32>
    %add3A_1190 = arith.constant 1 : i32
    %add3A_1191 = vector.broadcast %add3A_1190 : i32 to vector<16xi32>
    %add3A_1192 = arith.addi %add3A_1189, %add3A_1191 : vector<16xi32>
    %swap3A_1193 = arith.constant 16 : index
    %swap3A_1194 = tpu.vector_load %arg11[%swap3A_1193] {strides = array<i32>} : memref<64xi32, #tpu.memory_space<vmem>>, vector<16xi32>,
    %swap3A_1195 = vector.shape_cast %swap3A_1194 : vector<16xi32> to vector<16xi32>
    %swap3A_1196 = vector.shape_cast %add3A_1192 : vector<16xi32> to vector<16xi32>
    tpu.vector_store %arg11[%swap3A_1193], %swap3A_1196 {strides = array<i32>} : memref<64xi32, #tpu.memory_space<vmem>>, vector<16xi32>,
    %mul3A_1197 = arith.mulf %sub3A_1128, %select_n3A_1150 : vector<16xf32>
    %sub3A_1198 = arith.subf %select_n3A_1150, %mul3A_1197 : vector<16xf32>
    %sub3A_1199 = arith.constant 1.000000e+00 : f32
    %sub3A_1200 = vector.broadcast %sub3A_1199 : f32 to vector<16xf32>
    %sub3A_1201 = arith.subf %sub3A_1200, %sub3A_1130 : vector<16xf32>
    %mul3A_1202 = arith.mulf %sub3A_1198, %sub3A_1201 : vector<16xf32>
    %swap3A_1203 = arith.constant 16 : index
    %swap3A_1204 = tpu.vector_load %arg12[%swap3A_1203] {strides = array<i32>} : memref<64xf32, #tpu.memory_space<vmem>>, vector<16xf32>,
    %swap3A_1205 = vector.shape_cast %swap3A_1204 : vector<16xf32> to vector<16xf32>
    %swap3A_1206 = vector.shape_cast %mul3A_1202 : vector<16xf32> to vector<16xf32>
    tpu.vector_store %arg12[%swap3A_1203], %swap3A_1206 {strides = array<i32>} : memref<64xf32, #tpu.memory_space<vmem>>, vector<16xf32>,
    %sub3A_1207 = arith.constant 1.000000e+00 : f32
    %sub3A_1208 = vector.broadcast %sub3A_1207 : f32 to vector<16xf32>
    %sub3A_1209 = arith.subf %sub3A_1208, %sub3A_1130 : vector<16xf32>
    %mul3A_1210 = arith.mulf %mul3A_1197, %sub3A_1209 : vector<16xf32>
    %swap3A_1211 = arith.constant 16 : index
    %swap3A_1212 = tpu.vector_load %arg13[%swap3A_1211] {strides = array<i32>} : memref<64xf32, #tpu.memory_space<vmem>>, vector<16xf32>,
    %swap3A_1213 = vector.shape_cast %swap3A_1212 : vector<16xf32> to vector<16xf32>
    %swap3A_1214 = vector.shape_cast %mul3A_1210 : vector<16xf32> to vector<16xf32>
    tpu.vector_store %arg13[%swap3A_1211], %swap3A_1214 {strides = array<i32>} : memref<64xf32, #tpu.memory_space<vmem>>, vector<16xf32>,
    %mul3A_1215 = arith.mulf %sub3A_1198, %sub3A_1130 : vector<16xf32>
    %swap3A_1216 = arith.constant 16 : index
    %swap3A_1217 = tpu.vector_load %arg14[%swap3A_1216] {strides = array<i32>} : memref<64xf32, #tpu.memory_space<vmem>>, vector<16xf32>,
    %swap3A_1218 = vector.shape_cast %swap3A_1217 : vector<16xf32> to vector<16xf32>
    %swap3A_1219 = vector.shape_cast %mul3A_1215 : vector<16xf32> to vector<16xf32>
    tpu.vector_store %arg14[%swap3A_1216], %swap3A_1219 {strides = array<i32>} : memref<64xf32, #tpu.memory_space<vmem>>, vector<16xf32>,
    %mul3A_1220 = arith.mulf %mul3A_1197, %sub3A_1130 : vector<16xf32>
    %swap3A_1221 = arith.constant 16 : index
    %swap3A_1222 = tpu.vector_load %arg15[%swap3A_1221] {strides = array<i32>} : memref<64xf32, #tpu.memory_space<vmem>>, vector<16xf32>,
    %swap3A_1223 = vector.shape_cast %swap3A_1222 : vector<16xf32> to vector<16xf32>
    %swap3A_1224 = vector.shape_cast %mul3A_1220 : vector<16xf32> to vector<16xf32>
    tpu.vector_store %arg15[%swap3A_1221], %swap3A_1224 {strides = array<i32>} : memref<64xf32, #tpu.memory_space<vmem>>, vector<16xf32>,
    %get3A_1225 = arith.constant 32 : index
    %get3A_1226 = tpu.vector_load %arg6[%get3A_1225] {strides = array<i32>} : memref<64xf32, #tpu.memory_space<vmem>>, vector<16xf32>,
    %get3A_1227 = vector.shape_cast %get3A_1226 : vector<16xf32> to vector<16xf32>
    %get3A_1228 = arith.constant 32 : index
    %get3A_1229 = tpu.vector_load %arg7[%get3A_1228] {strides = array<i32>} : memref<64xf32, #tpu.memory_space<vmem>>, vector<16xf32>,
    %get3A_1230 = vector.shape_cast %get3A_1229 : vector<16xf32> to vector<16xf32>
    %convert_element_type3A_1231 = arith.fptosi %get3A_1227 : vector<16xf32> to vector<16xi32>
    %convert_element_type3A_1232 = arith.sitofp %convert_element_type3A_1231 : vector<16xi32> to vector<16xf32>
    %lt3A_1233 = arith.cmpf olt, %get3A_1227, %convert_element_type3A_1232 : vector<16xf32>
    %sub3A_1234 = arith.constant 1 : i32
    %sub3A_1235 = vector.broadcast %sub3A_1234 : i32 to vector<16xi32>
    %sub3A_1236 = arith.subi %convert_element_type3A_1231, %sub3A_1235 : vector<16xi32>
    %select_n3A_1237 = arith.select %lt3A_1233, %sub3A_1236, %convert_element_type3A_1231 : vector<16xi1>, vector<16xi32>
    %convert_element_type3A_1238 = arith.fptosi %get3A_1230 : vector<16xf32> to vector<16xi32>
    %convert_element_type3A_1239 = arith.sitofp %convert_element_type3A_1238 : vector<16xi32> to vector<16xf32>
    %lt3A_1240 = arith.cmpf olt, %get3A_1230, %convert_element_type3A_1239 : vector<16xf32>
    %sub3A_1241 = arith.constant 1 : i32
    %sub3A_1242 = vector.broadcast %sub3A_1241 : i32 to vector<16xi32>
    %sub3A_1243 = arith.subi %convert_element_type3A_1238, %sub3A_1242 : vector<16xi32>
    %select_n3A_1244 = arith.select %lt3A_1240, %sub3A_1243, %convert_element_type3A_1238 : vector<16xi1>, vector<16xi32>
    %convert_element_type3A_1245 = arith.sitofp %select_n3A_1237 : vector<16xi32> to vector<16xf32>
    %sub3A_1246 = arith.subf %get3A_1227, %convert_element_type3A_1245 : vector<16xf32>
    %convert_element_type3A_1247 = arith.sitofp %select_n3A_1244 : vector<16xi32> to vector<16xf32>
    %sub3A_1248 = arith.subf %get3A_1230, %convert_element_type3A_1247 : vector<16xf32>
    %ge3A_1249 = arith.constant 0 : i32
    %ge3A_1250 = vector.broadcast %ge3A_1249 : i32 to vector<16xi32>
    %ge3A_1251 = arith.cmpi sge, %select_n3A_1237, %ge3A_1250 : vector<16xi32>
    %le3A_1252 = arith.constant 222 : i32
    %le3A_1253 = vector.broadcast %le3A_1252 : i32 to vector<16xi32>
    %le3A_1254 = arith.cmpi sle, %select_n3A_1237, %le3A_1253 : vector<16xi32>
    %and3A_1255 = arith.andi %ge3A_1251, %le3A_1254 : vector<16xi1>
    %ge3A_1256 = arith.constant 0 : i32
    %ge3A_1257 = vector.broadcast %ge3A_1256 : i32 to vector<16xi32>
    %ge3A_1258 = arith.cmpi sge, %select_n3A_1244, %ge3A_1257 : vector<16xi32>
    %and3A_1259 = arith.andi %and3A_1255, %ge3A_1258 : vector<16xi1>
    %le3A_1260 = arith.constant 222 : i32
    %le3A_1261 = vector.broadcast %le3A_1260 : i32 to vector<16xi32>
    %le3A_1262 = arith.cmpi sle, %select_n3A_1244, %le3A_1261 : vector<16xi32>
    %and3A_1263 = arith.andi %and3A_1259, %le3A_1262 : vector<16xi1>
    %jit3A_1264 = arith.constant 1.000000e+00 : f32
    %jit3A_1265 = arith.constant 0.000000e+00 : f32
    %broadcast_in_dim3A_1266 = vector.broadcast %jit3A_1264 : f32 to vector<16xf32>
    %broadcast_in_dim3A_1267 = vector.broadcast %jit3A_1265 : f32 to vector<16xf32>
    %select_n3A_1268 = arith.select %and3A_1263, %broadcast_in_dim3A_1266, %broadcast_in_dim3A_1267 : vector<16xi1>, vector<16xf32>
    %jit3A_1269 = arith.constant 0 : i32
    %jit3A_1270 = arith.constant 222 : i32
    %max3A_1271 = vector.broadcast %jit3A_1269 : i32 to vector<16xi32>
    %max3A_1272 = arith.maxsi %max3A_1271, %select_n3A_1237 : vector<16xi32>
    %min3A_1273 = vector.broadcast %jit3A_1270 : i32 to vector<16xi32>
    %min3A_1274 = arith.minsi %min3A_1273, %max3A_1272 : vector<16xi32>
    %jit3A_1275 = arith.constant 0 : i32
    %jit3A_1276 = arith.constant 222 : i32
    %max3A_1277 = vector.broadcast %jit3A_1275 : i32 to vector<16xi32>
    %max3A_1278 = arith.maxsi %max3A_1277, %select_n3A_1244 : vector<16xi32>
    %min3A_1279 = vector.broadcast %jit3A_1276 : i32 to vector<16xi32>
    %min3A_1280 = arith.minsi %min3A_1279, %max3A_1278 : vector<16xi32>
    %mul3A_1281 = arith.constant 224 : i32
    %mul3A_1282 = vector.broadcast %mul3A_1281 : i32 to vector<16xi32>
    %mul3A_1283 = arith.muli %min3A_1280, %mul3A_1282 : vector<16xi32>
    %add3A_1284 = vector.broadcast %mul3A_5 : i32 to vector<16xi32>
    %add3A_1285 = arith.addi %add3A_1284, %mul3A_1283 : vector<16xi32>
    %add3A_1286 = arith.addi %add3A_1285, %min3A_1274 : vector<16xi32>
    %swap3A_1287 = arith.constant 32 : index
    %swap3A_1288 = tpu.vector_load %arg8[%swap3A_1287] {strides = array<i32>} : memref<64xi32, #tpu.memory_space<vmem>>, vector<16xi32>,
    %swap3A_1289 = vector.shape_cast %swap3A_1288 : vector<16xi32> to vector<16xi32>
    %swap3A_1290 = vector.shape_cast %add3A_1286 : vector<16xi32> to vector<16xi32>
    tpu.vector_store %arg8[%swap3A_1287], %swap3A_1290 {strides = array<i32>} : memref<64xi32, #tpu.memory_space<vmem>>, vector<16xi32>,
    %add3A_1291 = arith.constant 1 : i32
    %add3A_1292 = vector.broadcast %add3A_1291 : i32 to vector<16xi32>
    %add3A_1293 = arith.addi %add3A_1286, %add3A_1292 : vector<16xi32>
    %swap3A_1294 = arith.constant 32 : index
    %swap3A_1295 = tpu.vector_load %arg9[%swap3A_1294] {strides = array<i32>} : memref<64xi32, #tpu.memory_space<vmem>>, vector<16xi32>,
    %swap3A_1296 = vector.shape_cast %swap3A_1295 : vector<16xi32> to vector<16xi32>
    %swap3A_1297 = vector.shape_cast %add3A_1293 : vector<16xi32> to vector<16xi32>
    tpu.vector_store %arg9[%swap3A_1294], %swap3A_1297 {strides = array<i32>} : memref<64xi32, #tpu.memory_space<vmem>>, vector<16xi32>,
    %add3A_1298 = arith.constant 224 : i32
    %add3A_1299 = vector.broadcast %add3A_1298 : i32 to vector<16xi32>
    %add3A_1300 = arith.addi %add3A_1286, %add3A_1299 : vector<16xi32>
    %swap3A_1301 = arith.constant 32 : index
    %swap3A_1302 = tpu.vector_load %arg10[%swap3A_1301] {strides = array<i32>} : memref<64xi32, #tpu.memory_space<vmem>>, vector<16xi32>,
    %swap3A_1303 = vector.shape_cast %swap3A_1302 : vector<16xi32> to vector<16xi32>
    %swap3A_1304 = vector.shape_cast %add3A_1300 : vector<16xi32> to vector<16xi32>
    tpu.vector_store %arg10[%swap3A_1301], %swap3A_1304 {strides = array<i32>} : memref<64xi32, #tpu.memory_space<vmem>>, vector<16xi32>,
    %add3A_1305 = arith.constant 224 : i32
    %add3A_1306 = vector.broadcast %add3A_1305 : i32 to vector<16xi32>
    %add3A_1307 = arith.addi %add3A_1286, %add3A_1306 : vector<16xi32>
    %add3A_1308 = arith.constant 1 : i32
    %add3A_1309 = vector.broadcast %add3A_1308 : i32 to vector<16xi32>
    %add3A_1310 = arith.addi %add3A_1307, %add3A_1309 : vector<16xi32>
    %swap3A_1311 = arith.constant 32 : index
    %swap3A_1312 = tpu.vector_load %arg11[%swap3A_1311] {strides = array<i32>} : memref<64xi32, #tpu.memory_space<vmem>>, vector<16xi32>,
    %swap3A_1313 = vector.shape_cast %swap3A_1312 : vector<16xi32> to vector<16xi32>
    %swap3A_1314 = vector.shape_cast %add3A_1310 : vector<16xi32> to vector<16xi32>
    tpu.vector_store %arg11[%swap3A_1311], %swap3A_1314 {strides = array<i32>} : memref<64xi32, #tpu.memory_space<vmem>>, vector<16xi32>,
    %mul3A_1315 = arith.mulf %sub3A_1246, %select_n3A_1268 : vector<16xf32>
    %sub3A_1316 = arith.subf %select_n3A_1268, %mul3A_1315 : vector<16xf32>
    %sub3A_1317 = arith.constant 1.000000e+00 : f32
    %sub3A_1318 = vector.broadcast %sub3A_1317 : f32 to vector<16xf32>
    %sub3A_1319 = arith.subf %sub3A_1318, %sub3A_1248 : vector<16xf32>
    %mul3A_1320 = arith.mulf %sub3A_1316, %sub3A_1319 : vector<16xf32>
    %swap3A_1321 = arith.constant 32 : index
    %swap3A_1322 = tpu.vector_load %arg12[%swap3A_1321] {strides = array<i32>} : memref<64xf32, #tpu.memory_space<vmem>>, vector<16xf32>,
    %swap3A_1323 = vector.shape_cast %swap3A_1322 : vector<16xf32> to vector<16xf32>
    %swap3A_1324 = vector.shape_cast %mul3A_1320 : vector<16xf32> to vector<16xf32>
    tpu.vector_store %arg12[%swap3A_1321], %swap3A_1324 {strides = array<i32>} : memref<64xf32, #tpu.memory_space<vmem>>, vector<16xf32>,
    %sub3A_1325 = arith.constant 1.000000e+00 : f32
    %sub3A_1326 = vector.broadcast %sub3A_1325 : f32 to vector<16xf32>
    %sub3A_1327 = arith.subf %sub3A_1326, %sub3A_1248 : vector<16xf32>
    %mul3A_1328 = arith.mulf %mul3A_1315, %sub3A_1327 : vector<16xf32>
    %swap3A_1329 = arith.constant 32 : index
    %swap3A_1330 = tpu.vector_load %arg13[%swap3A_1329] {strides = array<i32>} : memref<64xf32, #tpu.memory_space<vmem>>, vector<16xf32>,
    %swap3A_1331 = vector.shape_cast %swap3A_1330 : vector<16xf32> to vector<16xf32>
    %swap3A_1332 = vector.shape_cast %mul3A_1328 : vector<16xf32> to vector<16xf32>
    tpu.vector_store %arg13[%swap3A_1329], %swap3A_1332 {strides = array<i32>} : memref<64xf32, #tpu.memory_space<vmem>>, vector<16xf32>,
    %mul3A_1333 = arith.mulf %sub3A_1316, %sub3A_1248 : vector<16xf32>
    %swap3A_1334 = arith.constant 32 : index
    %swap3A_1335 = tpu.vector_load %arg14[%swap3A_1334] {strides = array<i32>} : memref<64xf32, #tpu.memory_space<vmem>>, vector<16xf32>,
    %swap3A_1336 = vector.shape_cast %swap3A_1335 : vector<16xf32> to vector<16xf32>
    %swap3A_1337 = vector.shape_cast %mul3A_1333 : vector<16xf32> to vector<16xf32>
    tpu.vector_store %arg14[%swap3A_1334], %swap3A_1337 {strides = array<i32>} : memref<64xf32, #tpu.memory_space<vmem>>, vector<16xf32>,
    %mul3A_1338 = arith.mulf %mul3A_1315, %sub3A_1248 : vector<16xf32>
    %swap3A_1339 = arith.constant 32 : index
    %swap3A_1340 = tpu.vector_load %arg15[%swap3A_1339] {strides = array<i32>} : memref<64xf32, #tpu.memory_space<vmem>>, vector<16xf32>,
    %swap3A_1341 = vector.shape_cast %swap3A_1340 : vector<16xf32> to vector<16xf32>
    %swap3A_1342 = vector.shape_cast %mul3A_1338 : vector<16xf32> to vector<16xf32>
    tpu.vector_store %arg15[%swap3A_1339], %swap3A_1342 {strides = array<i32>} : memref<64xf32, #tpu.memory_space<vmem>>, vector<16xf32>,
    %get3A_1343 = arith.constant 48 : index
    %get3A_1344 = tpu.vector_load %arg6[%get3A_1343] {strides = array<i32>} : memref<64xf32, #tpu.memory_space<vmem>>, vector<16xf32>,
    %get3A_1345 = vector.shape_cast %get3A_1344 : vector<16xf32> to vector<16xf32>
    %get3A_1346 = arith.constant 48 : index
    %get3A_1347 = tpu.vector_load %arg7[%get3A_1346] {strides = array<i32>} : memref<64xf32, #tpu.memory_space<vmem>>, vector<16xf32>,
    %get3A_1348 = vector.shape_cast %get3A_1347 : vector<16xf32> to vector<16xf32>
    %convert_element_type3A_1349 = arith.fptosi %get3A_1345 : vector<16xf32> to vector<16xi32>
    %convert_element_type3A_1350 = arith.sitofp %convert_element_type3A_1349 : vector<16xi32> to vector<16xf32>
    %lt3A_1351 = arith.cmpf olt, %get3A_1345, %convert_element_type3A_1350 : vector<16xf32>
    %sub3A_1352 = arith.constant 1 : i32
    %sub3A_1353 = vector.broadcast %sub3A_1352 : i32 to vector<16xi32>
    %sub3A_1354 = arith.subi %convert_element_type3A_1349, %sub3A_1353 : vector<16xi32>
    %select_n3A_1355 = arith.select %lt3A_1351, %sub3A_1354, %convert_element_type3A_1349 : vector<16xi1>, vector<16xi32>
    %convert_element_type3A_1356 = arith.fptosi %get3A_1348 : vector<16xf32> to vector<16xi32>
    %convert_element_type3A_1357 = arith.sitofp %convert_element_type3A_1356 : vector<16xi32> to vector<16xf32>
    %lt3A_1358 = arith.cmpf olt, %get3A_1348, %convert_element_type3A_1357 : vector<16xf32>
    %sub3A_1359 = arith.constant 1 : i32
    %sub3A_1360 = vector.broadcast %sub3A_1359 : i32 to vector<16xi32>
    %sub3A_1361 = arith.subi %convert_element_type3A_1356, %sub3A_1360 : vector<16xi32>
    %select_n3A_1362 = arith.select %lt3A_1358, %sub3A_1361, %convert_element_type3A_1356 : vector<16xi1>, vector<16xi32>
    %convert_element_type3A_1363 = arith.sitofp %select_n3A_1355 : vector<16xi32> to vector<16xf32>
    %sub3A_1364 = arith.subf %get3A_1345, %convert_element_type3A_1363 : vector<16xf32>
    %convert_element_type3A_1365 = arith.sitofp %select_n3A_1362 : vector<16xi32> to vector<16xf32>
    %sub3A_1366 = arith.subf %get3A_1348, %convert_element_type3A_1365 : vector<16xf32>
    %ge3A_1367 = arith.constant 0 : i32
    %ge3A_1368 = vector.broadcast %ge3A_1367 : i32 to vector<16xi32>
    %ge3A_1369 = arith.cmpi sge, %select_n3A_1355, %ge3A_1368 : vector<16xi32>
    %le3A_1370 = arith.constant 222 : i32
    %le3A_1371 = vector.broadcast %le3A_1370 : i32 to vector<16xi32>
    %le3A_1372 = arith.cmpi sle, %select_n3A_1355, %le3A_1371 : vector<16xi32>
    %and3A_1373 = arith.andi %ge3A_1369, %le3A_1372 : vector<16xi1>
    %ge3A_1374 = arith.constant 0 : i32
    %ge3A_1375 = vector.broadcast %ge3A_1374 : i32 to vector<16xi32>
    %ge3A_1376 = arith.cmpi sge, %select_n3A_1362, %ge3A_1375 : vector<16xi32>
    %and3A_1377 = arith.andi %and3A_1373, %ge3A_1376 : vector<16xi1>
    %le3A_1378 = arith.constant 222 : i32
    %le3A_1379 = vector.broadcast %le3A_1378 : i32 to vector<16xi32>
    %le3A_1380 = arith.cmpi sle, %select_n3A_1362, %le3A_1379 : vector<16xi32>
    %and3A_1381 = arith.andi %and3A_1377, %le3A_1380 : vector<16xi1>
    %jit3A_1382 = arith.constant 1.000000e+00 : f32
    %jit3A_1383 = arith.constant 0.000000e+00 : f32
    %broadcast_in_dim3A_1384 = vector.broadcast %jit3A_1382 : f32 to vector<16xf32>
    %broadcast_in_dim3A_1385 = vector.broadcast %jit3A_1383 : f32 to vector<16xf32>
    %select_n3A_1386 = arith.select %and3A_1381, %broadcast_in_dim3A_1384, %broadcast_in_dim3A_1385 : vector<16xi1>, vector<16xf32>
    %jit3A_1387 = arith.constant 0 : i32
    %jit3A_1388 = arith.constant 222 : i32
    %max3A_1389 = vector.broadcast %jit3A_1387 : i32 to vector<16xi32>
    %max3A_1390 = arith.maxsi %max3A_1389, %select_n3A_1355 : vector<16xi32>
    %min3A_1391 = vector.broadcast %jit3A_1388 : i32 to vector<16xi32>
    %min3A_1392 = arith.minsi %min3A_1391, %max3A_1390 : vector<16xi32>
    %jit3A_1393 = arith.constant 0 : i32
    %jit3A_1394 = arith.constant 222 : i32
    %max3A_1395 = vector.broadcast %jit3A_1393 : i32 to vector<16xi32>
    %max3A_1396 = arith.maxsi %max3A_1395, %select_n3A_1362 : vector<16xi32>
    %min3A_1397 = vector.broadcast %jit3A_1394 : i32 to vector<16xi32>
    %min3A_1398 = arith.minsi %min3A_1397, %max3A_1396 : vector<16xi32>
    %mul3A_1399 = arith.constant 224 : i32
    %mul3A_1400 = vector.broadcast %mul3A_1399 : i32 to vector<16xi32>
    %mul3A_1401 = arith.muli %min3A_1398, %mul3A_1400 : vector<16xi32>
    %add3A_1402 = vector.broadcast %mul3A_5 : i32 to vector<16xi32>
    %add3A_1403 = arith.addi %add3A_1402, %mul3A_1401 : vector<16xi32>
    %add3A_1404 = arith.addi %add3A_1403, %min3A_1392 : vector<16xi32>
    %swap3A_1405 = arith.constant 48 : index
    %swap3A_1406 = tpu.vector_load %arg8[%swap3A_1405] {strides = array<i32>} : memref<64xi32, #tpu.memory_space<vmem>>, vector<16xi32>,
    %swap3A_1407 = vector.shape_cast %swap3A_1406 : vector<16xi32> to vector<16xi32>
    %swap3A_1408 = vector.shape_cast %add3A_1404 : vector<16xi32> to vector<16xi32>
    tpu.vector_store %arg8[%swap3A_1405], %swap3A_1408 {strides = array<i32>} : memref<64xi32, #tpu.memory_space<vmem>>, vector<16xi32>,
    %add3A_1409 = arith.constant 1 : i32
    %add3A_1410 = vector.broadcast %add3A_1409 : i32 to vector<16xi32>
    %add3A_1411 = arith.addi %add3A_1404, %add3A_1410 : vector<16xi32>
    %swap3A_1412 = arith.constant 48 : index
    %swap3A_1413 = tpu.vector_load %arg9[%swap3A_1412] {strides = array<i32>} : memref<64xi32, #tpu.memory_space<vmem>>, vector<16xi32>,
    %swap3A_1414 = vector.shape_cast %swap3A_1413 : vector<16xi32> to vector<16xi32>
    %swap3A_1415 = vector.shape_cast %add3A_1411 : vector<16xi32> to vector<16xi32>
    tpu.vector_store %arg9[%swap3A_1412], %swap3A_1415 {strides = array<i32>} : memref<64xi32, #tpu.memory_space<vmem>>, vector<16xi32>,
    %add3A_1416 = arith.constant 224 : i32
    %add3A_1417 = vector.broadcast %add3A_1416 : i32 to vector<16xi32>
    %add3A_1418 = arith.addi %add3A_1404, %add3A_1417 : vector<16xi32>
    %swap3A_1419 = arith.constant 48 : index
    %swap3A_1420 = tpu.vector_load %arg10[%swap3A_1419] {strides = array<i32>} : memref<64xi32, #tpu.memory_space<vmem>>, vector<16xi32>,
    %swap3A_1421 = vector.shape_cast %swap3A_1420 : vector<16xi32> to vector<16xi32>
    %swap3A_1422 = vector.shape_cast %add3A_1418 : vector<16xi32> to vector<16xi32>
    tpu.vector_store %arg10[%swap3A_1419], %swap3A_1422 {strides = array<i32>} : memref<64xi32, #tpu.memory_space<vmem>>, vector<16xi32>,
    %add3A_1423 = arith.constant 224 : i32
    %add3A_1424 = vector.broadcast %add3A_1423 : i32 to vector<16xi32>
    %add3A_1425 = arith.addi %add3A_1404, %add3A_1424 : vector<16xi32>
    %add3A_1426 = arith.constant 1 : i32
    %add3A_1427 = vector.broadcast %add3A_1426 : i32 to vector<16xi32>
    %add3A_1428 = arith.addi %add3A_1425, %add3A_1427 : vector<16xi32>
    %swap3A_1429 = arith.constant 48 : index
    %swap3A_1430 = tpu.vector_load %arg11[%swap3A_1429] {strides = array<i32>} : memref<64xi32, #tpu.memory_space<vmem>>, vector<16xi32>,
    %swap3A_1431 = vector.shape_cast %swap3A_1430 : vector<16xi32> to vector<16xi32>
    %swap3A_1432 = vector.shape_cast %add3A_1428 : vector<16xi32> to vector<16xi32>
    tpu.vector_store %arg11[%swap3A_1429], %swap3A_1432 {strides = array<i32>} : memref<64xi32, #tpu.memory_space<vmem>>, vector<16xi32>,
    %mul3A_1433 = arith.mulf %sub3A_1364, %select_n3A_1386 : vector<16xf32>
    %sub3A_1434 = arith.subf %select_n3A_1386, %mul3A_1433 : vector<16xf32>
    %sub3A_1435 = arith.constant 1.000000e+00 : f32
    %sub3A_1436 = vector.broadcast %sub3A_1435 : f32 to vector<16xf32>
    %sub3A_1437 = arith.subf %sub3A_1436, %sub3A_1366 : vector<16xf32>
    %mul3A_1438 = arith.mulf %sub3A_1434, %sub3A_1437 : vector<16xf32>
    %swap3A_1439 = arith.constant 48 : index
    %swap3A_1440 = tpu.vector_load %arg12[%swap3A_1439] {strides = array<i32>} : memref<64xf32, #tpu.memory_space<vmem>>, vector<16xf32>,
    %swap3A_1441 = vector.shape_cast %swap3A_1440 : vector<16xf32> to vector<16xf32>
    %swap3A_1442 = vector.shape_cast %mul3A_1438 : vector<16xf32> to vector<16xf32>
    tpu.vector_store %arg12[%swap3A_1439], %swap3A_1442 {strides = array<i32>} : memref<64xf32, #tpu.memory_space<vmem>>, vector<16xf32>,
    %sub3A_1443 = arith.constant 1.000000e+00 : f32
    %sub3A_1444 = vector.broadcast %sub3A_1443 : f32 to vector<16xf32>
    %sub3A_1445 = arith.subf %sub3A_1444, %sub3A_1366 : vector<16xf32>
    %mul3A_1446 = arith.mulf %mul3A_1433, %sub3A_1445 : vector<16xf32>
    %swap3A_1447 = arith.constant 48 : index
    %swap3A_1448 = tpu.vector_load %arg13[%swap3A_1447] {strides = array<i32>} : memref<64xf32, #tpu.memory_space<vmem>>, vector<16xf32>,
    %swap3A_1449 = vector.shape_cast %swap3A_1448 : vector<16xf32> to vector<16xf32>
    %swap3A_1450 = vector.shape_cast %mul3A_1446 : vector<16xf32> to vector<16xf32>
    tpu.vector_store %arg13[%swap3A_1447], %swap3A_1450 {strides = array<i32>} : memref<64xf32, #tpu.memory_space<vmem>>, vector<16xf32>,
    %mul3A_1451 = arith.mulf %sub3A_1434, %sub3A_1366 : vector<16xf32>
    %swap3A_1452 = arith.constant 48 : index
    %swap3A_1453 = tpu.vector_load %arg14[%swap3A_1452] {strides = array<i32>} : memref<64xf32, #tpu.memory_space<vmem>>, vector<16xf32>,
    %swap3A_1454 = vector.shape_cast %swap3A_1453 : vector<16xf32> to vector<16xf32>
    %swap3A_1455 = vector.shape_cast %mul3A_1451 : vector<16xf32> to vector<16xf32>
    tpu.vector_store %arg14[%swap3A_1452], %swap3A_1455 {strides = array<i32>} : memref<64xf32, #tpu.memory_space<vmem>>, vector<16xf32>,
    %mul3A_1456 = arith.mulf %mul3A_1433, %sub3A_1366 : vector<16xf32>
    %swap3A_1457 = arith.constant 48 : index
    %swap3A_1458 = tpu.vector_load %arg15[%swap3A_1457] {strides = array<i32>} : memref<64xf32, #tpu.memory_space<vmem>>, vector<16xf32>,
    %swap3A_1459 = vector.shape_cast %swap3A_1458 : vector<16xf32> to vector<16xf32>
    %swap3A_1460 = vector.shape_cast %mul3A_1456 : vector<16xf32> to vector<16xf32>
    tpu.vector_store %arg15[%swap3A_1457], %swap3A_1460 {strides = array<i32>} : memref<64xf32, #tpu.memory_space<vmem>>, vector<16xf32>,
    %dma_start3A_1461 = arith.constant 0 : i32
    %dma_start3A_1462 = arith.constant 0 : i32
    %dma_start3A_1463 = tpu.memref_slice %arg2[%dma_start3A_1461, %dma_start3A_1462] : memref<401408x128xf32, #tpu.memory_space<hbm>> -> memref<401408x128xf32, #tpu.memory_space<hbm>>
    tpu.enqueue_indirect_dma source(%dma_start3A_1463 : memref<401408x128xf32, #tpu.memory_space<hbm>>) target(%arg24 : memref<64x128xf32, #tpu.memory_space<vmem>>) offsets(%arg8 : memref<64xi32, #tpu.memory_space<vmem>>) semaphore(%arg34 : memref<!tpu.dma_semaphore, #tpu.memory_space<semaphore_mem>>)
    %dma_start3A_1464 = arith.constant 0 : i32
    %dma_start3A_1465 = arith.constant 0 : i32
    %dma_start3A_1466 = tpu.memref_slice %arg2[%dma_start3A_1464, %dma_start3A_1465] : memref<401408x128xf32, #tpu.memory_space<hbm>> -> memref<401408x128xf32, #tpu.memory_space<hbm>>
    tpu.enqueue_indirect_dma source(%dma_start3A_1466 : memref<401408x128xf32, #tpu.memory_space<hbm>>) target(%arg25 : memref<64x128xf32, #tpu.memory_space<vmem>>) offsets(%arg9 : memref<64xi32, #tpu.memory_space<vmem>>) semaphore(%arg34 : memref<!tpu.dma_semaphore, #tpu.memory_space<semaphore_mem>>)
    %dma_start3A_1467 = arith.constant 0 : i32
    %dma_start3A_1468 = arith.constant 0 : i32
    %dma_start3A_1469 = tpu.memref_slice %arg2[%dma_start3A_1467, %dma_start3A_1468] : memref<401408x128xf32, #tpu.memory_space<hbm>> -> memref<401408x128xf32, #tpu.memory_space<hbm>>
    tpu.enqueue_indirect_dma source(%dma_start3A_1469 : memref<401408x128xf32, #tpu.memory_space<hbm>>) target(%arg26 : memref<64x128xf32, #tpu.memory_space<vmem>>) offsets(%arg10 : memref<64xi32, #tpu.memory_space<vmem>>) semaphore(%arg34 : memref<!tpu.dma_semaphore, #tpu.memory_space<semaphore_mem>>)
    %dma_start3A_1470 = arith.constant 0 : i32
    %dma_start3A_1471 = arith.constant 0 : i32
    %dma_start3A_1472 = tpu.memref_slice %arg2[%dma_start3A_1470, %dma_start3A_1471] : memref<401408x128xf32, #tpu.memory_space<hbm>> -> memref<401408x128xf32, #tpu.memory_space<hbm>>
    tpu.enqueue_indirect_dma source(%dma_start3A_1472 : memref<401408x128xf32, #tpu.memory_space<hbm>>) target(%arg27 : memref<64x128xf32, #tpu.memory_space<vmem>>) offsets(%arg11 : memref<64xi32, #tpu.memory_space<vmem>>) semaphore(%arg34 : memref<!tpu.dma_semaphore, #tpu.memory_space<semaphore_mem>>)
    %dma_wait3A_1473 = arith.constant 0 : i32
    %dma_wait3A_1474 = arith.constant 0 : i32
    %dma_wait3A_1475 = tpu.memref_slice %arg2[%dma_wait3A_1473, %dma_wait3A_1474] : memref<401408x128xf32, #tpu.memory_space<hbm>> -> memref<401408x128xf32, #tpu.memory_space<hbm>>
    tpu.wait_indirect_dma semaphore(%arg35 : memref<!tpu.dma_semaphore, #tpu.memory_space<semaphore_mem>>) src(%dma_wait3A_1475 : memref<401408x128xf32, #tpu.memory_space<hbm>>) dst(%arg28 : memref<64x128xf32, #tpu.memory_space<vmem>>)
    %dma_wait3A_1476 = arith.constant 0 : i32
    %dma_wait3A_1477 = arith.constant 0 : i32
    %dma_wait3A_1478 = tpu.memref_slice %arg2[%dma_wait3A_1476, %dma_wait3A_1477] : memref<401408x128xf32, #tpu.memory_space<hbm>> -> memref<401408x128xf32, #tpu.memory_space<hbm>>
    tpu.wait_indirect_dma semaphore(%arg35 : memref<!tpu.dma_semaphore, #tpu.memory_space<semaphore_mem>>) src(%dma_wait3A_1478 : memref<401408x128xf32, #tpu.memory_space<hbm>>) dst(%arg29 : memref<64x128xf32, #tpu.memory_space<vmem>>)
    %dma_wait3A_1479 = arith.constant 0 : i32
    %dma_wait3A_1480 = arith.constant 0 : i32
    %dma_wait3A_1481 = tpu.memref_slice %arg2[%dma_wait3A_1479, %dma_wait3A_1480] : memref<401408x128xf32, #tpu.memory_space<hbm>> -> memref<401408x128xf32, #tpu.memory_space<hbm>>
    tpu.wait_indirect_dma semaphore(%arg35 : memref<!tpu.dma_semaphore, #tpu.memory_space<semaphore_mem>>) src(%dma_wait3A_1481 : memref<401408x128xf32, #tpu.memory_space<hbm>>) dst(%arg30 : memref<64x128xf32, #tpu.memory_space<vmem>>)
    %dma_wait3A_1482 = arith.constant 0 : i32
    %dma_wait3A_1483 = arith.constant 0 : i32
    %dma_wait3A_1484 = tpu.memref_slice %arg2[%dma_wait3A_1482, %dma_wait3A_1483] : memref<401408x128xf32, #tpu.memory_space<hbm>> -> memref<401408x128xf32, #tpu.memory_space<hbm>>
    tpu.wait_indirect_dma semaphore(%arg35 : memref<!tpu.dma_semaphore, #tpu.memory_space<semaphore_mem>>) src(%dma_wait3A_1484 : memref<401408x128xf32, #tpu.memory_space<hbm>>) dst(%arg31 : memref<64x128xf32, #tpu.memory_space<vmem>>)
    %add3A_1485 = arith.constant 64 : i32
    %add3A_1486 = arith.addi %mul3A_2, %add3A_1485 : i32
    %dma_start3A_1487 = arith.constant 0 : i32
    %dma_start3A_1488 = tpu.memref_slice %arg5[%add3A_1486, %dma_start3A_1487] : memref<401408x96xf32, #tpu.memory_space<hbm>> -> memref<64x96xf32, #tpu.memory_space<hbm>>
    %dma_start3A_1489 = arith.constant 0 : i32
    %dma_start3A_1490 = tpu.memref_slice %arg5[%add3A_1486, %dma_start3A_1489] : memref<401408x96xf32, #tpu.memory_space<hbm>> -> memref<64x96xf32, #tpu.memory_space<hbm>>
    tpu.enqueue_dma source(%arg33 : memref<64x96xf32, #tpu.memory_space<vmem>>) target(%dma_start3A_1490 : memref<64x96xf32, #tpu.memory_space<hbm>>) target_semaphore(%arg37 : memref<!tpu.dma_semaphore, #tpu.memory_space<semaphore_mem>>)
    %scan3A = arith.constant 1 : i32
    %scan3A_1491 = arith.constant 3 : i32
    %scan3A_1492 = arith.addi %scan3A, %scan3A_1491 : i32
    %scan3A_1493 = arith.constant 1 : i32
    scf.for %scan3A_2035 = %scan3A to %scan3A_1492 step %scan3A_1493  : i32 {
      %mul3A_2036 = arith.constant 2 : i32
      %mul3A_2037 = arith.muli %mul3A_2036, %scan3A_2035 : i32
      %add3A_2038 = arith.constant 1 : i32
      %add3A_2039 = arith.addi %mul3A_2037, %add3A_2038 : i32
      %mul3A_2040 = arith.constant 64 : i32
      %mul3A_2041 = arith.muli %add3A_2039, %mul3A_2040 : i32
      %add3A_2042 = arith.addi %mul3A_2, %mul3A_2041 : i32
      "tpu.region"() ({
        %run_scoped3A = tpu.sem_alloc : memref<!tpu.dma_semaphore, #tpu.memory_space<semaphore_mem>>
        %dma_start3A_3072 = tpu.memref_slice %arg3[%add3A_2042] : memref<401408xf32, #tpu.memory_space<hbm>> -> memref<64xf32, #tpu.memory_space<hbm>>
        %dma_start3A_3073 = tpu.memref_slice %arg3[%add3A_2042] : memref<401408xf32, #tpu.memory_space<hbm>> -> memref<64xf32, #tpu.memory_space<hbm>>
        tpu.enqueue_dma source(%dma_start3A_3073 : memref<64xf32, #tpu.memory_space<hbm>>) target(%arg6 : memref<64xf32, #tpu.memory_space<vmem>>) target_semaphore(%run_scoped3A : memref<!tpu.dma_semaphore, #tpu.memory_space<semaphore_mem>>)
        %dma_wait3A_3074 = tpu.memref_slice %arg3[%add3A_2042] : memref<401408xf32, #tpu.memory_space<hbm>> -> memref<64xf32, #tpu.memory_space<hbm>>
        %dma_wait3A_3075 = tpu.memref_slice %arg3[%add3A_2042] : memref<401408xf32, #tpu.memory_space<hbm>> -> memref<64xf32, #tpu.memory_space<hbm>>
        tpu.wait_dma2 semaphore(%run_scoped3A : memref<!tpu.dma_semaphore, #tpu.memory_space<semaphore_mem>>) src(%dma_wait3A_3075 : memref<64xf32, #tpu.memory_space<hbm>>) dst(%arg6 : memref<64xf32, #tpu.memory_space<vmem>>)
        tpu.yield
      }) : () -> ()
      %mul3A_2043 = arith.constant 64 : i32
      %mul3A_2044 = arith.muli %add3A_2039, %mul3A_2043 : i32
      %add3A_2045 = arith.addi %mul3A_2, %mul3A_2044 : i32
      "tpu.region"() ({
        %run_scoped3A = tpu.sem_alloc : memref<!tpu.dma_semaphore, #tpu.memory_space<semaphore_mem>>
        %dma_start3A_3072 = tpu.memref_slice %arg4[%add3A_2045] : memref<401408xf32, #tpu.memory_space<hbm>> -> memref<64xf32, #tpu.memory_space<hbm>>
        %dma_start3A_3073 = tpu.memref_slice %arg4[%add3A_2045] : memref<401408xf32, #tpu.memory_space<hbm>> -> memref<64xf32, #tpu.memory_space<hbm>>
        tpu.enqueue_dma source(%dma_start3A_3073 : memref<64xf32, #tpu.memory_space<hbm>>) target(%arg7 : memref<64xf32, #tpu.memory_space<vmem>>) target_semaphore(%run_scoped3A : memref<!tpu.dma_semaphore, #tpu.memory_space<semaphore_mem>>)
        %dma_wait3A_3074 = tpu.memref_slice %arg4[%add3A_2045] : memref<401408xf32, #tpu.memory_space<hbm>> -> memref<64xf32, #tpu.memory_space<hbm>>
        %dma_wait3A_3075 = tpu.memref_slice %arg4[%add3A_2045] : memref<401408xf32, #tpu.memory_space<hbm>> -> memref<64xf32, #tpu.memory_space<hbm>>
        tpu.wait_dma2 semaphore(%run_scoped3A : memref<!tpu.dma_semaphore, #tpu.memory_space<semaphore_mem>>) src(%dma_wait3A_3075 : memref<64xf32, #tpu.memory_space<hbm>>) dst(%arg7 : memref<64xf32, #tpu.memory_space<vmem>>)
        tpu.yield
      }) : () -> ()
      %get3A_2046 = arith.constant 0 : index
      %get3A_2047 = tpu.vector_load %arg6[%get3A_2046] {strides = array<i32>} : memref<64xf32, #tpu.memory_space<vmem>>, vector<16xf32>,
      %get3A_2048 = vector.shape_cast %get3A_2047 : vector<16xf32> to vector<16xf32>
      %get3A_2049 = arith.constant 0 : index
      %get3A_2050 = tpu.vector_load %arg7[%get3A_2049] {strides = array<i32>} : memref<64xf32, #tpu.memory_space<vmem>>, vector<16xf32>,
      %get3A_2051 = vector.shape_cast %get3A_2050 : vector<16xf32> to vector<16xf32>
      %convert_element_type3A_2052 = arith.fptosi %get3A_2048 : vector<16xf32> to vector<16xi32>
      %convert_element_type3A_2053 = arith.sitofp %convert_element_type3A_2052 : vector<16xi32> to vector<16xf32>
      %lt3A_2054 = arith.cmpf olt, %get3A_2048, %convert_element_type3A_2053 : vector<16xf32>
      %sub3A_2055 = arith.constant 1 : i32
      %sub3A_2056 = vector.broadcast %sub3A_2055 : i32 to vector<16xi32>
      %sub3A_2057 = arith.subi %convert_element_type3A_2052, %sub3A_2056 : vector<16xi32>
      %select_n3A_2058 = arith.select %lt3A_2054, %sub3A_2057, %convert_element_type3A_2052 : vector<16xi1>, vector<16xi32>
      %convert_element_type3A_2059 = arith.fptosi %get3A_2051 : vector<16xf32> to vector<16xi32>
      %convert_element_type3A_2060 = arith.sitofp %convert_element_type3A_2059 : vector<16xi32> to vector<16xf32>
      %lt3A_2061 = arith.cmpf olt, %get3A_2051, %convert_element_type3A_2060 : vector<16xf32>
      %sub3A_2062 = arith.constant 1 : i32
      %sub3A_2063 = vector.broadcast %sub3A_2062 : i32 to vector<16xi32>
      %sub3A_2064 = arith.subi %convert_element_type3A_2059, %sub3A_2063 : vector<16xi32>
      %select_n3A_2065 = arith.select %lt3A_2061, %sub3A_2064, %convert_element_type3A_2059 : vector<16xi1>, vector<16xi32>
      %convert_element_type3A_2066 = arith.sitofp %select_n3A_2058 : vector<16xi32> to vector<16xf32>
      %sub3A_2067 = arith.subf %get3A_2048, %convert_element_type3A_2066 : vector<16xf32>
      %convert_element_type3A_2068 = arith.sitofp %select_n3A_2065 : vector<16xi32> to vector<16xf32>
      %sub3A_2069 = arith.subf %get3A_2051, %convert_element_type3A_2068 : vector<16xf32>
      %ge3A_2070 = arith.constant 0 : i32
      %ge3A_2071 = vector.broadcast %ge3A_2070 : i32 to vector<16xi32>
      %ge3A_2072 = arith.cmpi sge, %select_n3A_2058, %ge3A_2071 : vector<16xi32>
      %le3A_2073 = arith.constant 222 : i32
      %le3A_2074 = vector.broadcast %le3A_2073 : i32 to vector<16xi32>
      %le3A_2075 = arith.cmpi sle, %select_n3A_2058, %le3A_2074 : vector<16xi32>
      %and3A_2076 = arith.andi %ge3A_2072, %le3A_2075 : vector<16xi1>
      %ge3A_2077 = arith.constant 0 : i32
      %ge3A_2078 = vector.broadcast %ge3A_2077 : i32 to vector<16xi32>
      %ge3A_2079 = arith.cmpi sge, %select_n3A_2065, %ge3A_2078 : vector<16xi32>
      %and3A_2080 = arith.andi %and3A_2076, %ge3A_2079 : vector<16xi1>
      %le3A_2081 = arith.constant 222 : i32
      %le3A_2082 = vector.broadcast %le3A_2081 : i32 to vector<16xi32>
      %le3A_2083 = arith.cmpi sle, %select_n3A_2065, %le3A_2082 : vector<16xi32>
      %and3A_2084 = arith.andi %and3A_2080, %le3A_2083 : vector<16xi1>
      %jit3A_2085 = arith.constant 1.000000e+00 : f32
      %jit3A_2086 = arith.constant 0.000000e+00 : f32
      %broadcast_in_dim3A_2087 = vector.broadcast %jit3A_2085 : f32 to vector<16xf32>
      %broadcast_in_dim3A_2088 = vector.broadcast %jit3A_2086 : f32 to vector<16xf32>
      %select_n3A_2089 = arith.select %and3A_2084, %broadcast_in_dim3A_2087, %broadcast_in_dim3A_2088 : vector<16xi1>, vector<16xf32>
      %jit3A_2090 = arith.constant 0 : i32
      %jit3A_2091 = arith.constant 222 : i32
      %max3A_2092 = vector.broadcast %jit3A_2090 : i32 to vector<16xi32>
      %max3A_2093 = arith.maxsi %max3A_2092, %select_n3A_2058 : vector<16xi32>
      %min3A_2094 = vector.broadcast %jit3A_2091 : i32 to vector<16xi32>
      %min3A_2095 = arith.minsi %min3A_2094, %max3A_2093 : vector<16xi32>
      %jit3A_2096 = arith.constant 0 : i32
      %jit3A_2097 = arith.constant 222 : i32
      %max3A_2098 = vector.broadcast %jit3A_2096 : i32 to vector<16xi32>
      %max3A_2099 = arith.maxsi %max3A_2098, %select_n3A_2065 : vector<16xi32>
      %min3A_2100 = vector.broadcast %jit3A_2097 : i32 to vector<16xi32>
      %min3A_2101 = arith.minsi %min3A_2100, %max3A_2099 : vector<16xi32>
      %mul3A_2102 = arith.constant 224 : i32
      %mul3A_2103 = vector.broadcast %mul3A_2102 : i32 to vector<16xi32>
      %mul3A_2104 = arith.muli %min3A_2101, %mul3A_2103 : vector<16xi32>
      %add3A_2105 = vector.broadcast %mul3A_5 : i32 to vector<16xi32>
      %add3A_2106 = arith.addi %add3A_2105, %mul3A_2104 : vector<16xi32>
      %add3A_2107 = arith.addi %add3A_2106, %min3A_2095 : vector<16xi32>
      %swap3A_2108 = arith.constant 0 : index
      %swap3A_2109 = tpu.vector_load %arg16[%swap3A_2108] {strides = array<i32>} : memref<64xi32, #tpu.memory_space<vmem>>, vector<16xi32>,
      %swap3A_2110 = vector.shape_cast %swap3A_2109 : vector<16xi32> to vector<16xi32>
      %swap3A_2111 = vector.shape_cast %add3A_2107 : vector<16xi32> to vector<16xi32>
      tpu.vector_store %arg16[%swap3A_2108], %swap3A_2111 {strides = array<i32>} : memref<64xi32, #tpu.memory_space<vmem>>, vector<16xi32>,
      %add3A_2112 = arith.constant 1 : i32
      %add3A_2113 = vector.broadcast %add3A_2112 : i32 to vector<16xi32>
      %add3A_2114 = arith.addi %add3A_2107, %add3A_2113 : vector<16xi32>
      %swap3A_2115 = arith.constant 0 : index
      %swap3A_2116 = tpu.vector_load %arg17[%swap3A_2115] {strides = array<i32>} : memref<64xi32, #tpu.memory_space<vmem>>, vector<16xi32>,
      %swap3A_2117 = vector.shape_cast %swap3A_2116 : vector<16xi32> to vector<16xi32>
      %swap3A_2118 = vector.shape_cast %add3A_2114 : vector<16xi32> to vector<16xi32>
      tpu.vector_store %arg17[%swap3A_2115], %swap3A_2118 {strides = array<i32>} : memref<64xi32, #tpu.memory_space<vmem>>, vector<16xi32>,
      %add3A_2119 = arith.constant 224 : i32
      %add3A_2120 = vector.broadcast %add3A_2119 : i32 to vector<16xi32>
      %add3A_2121 = arith.addi %add3A_2107, %add3A_2120 : vector<16xi32>
      %swap3A_2122 = arith.constant 0 : index
      %swap3A_2123 = tpu.vector_load %arg18[%swap3A_2122] {strides = array<i32>} : memref<64xi32, #tpu.memory_space<vmem>>, vector<16xi32>,
      %swap3A_2124 = vector.shape_cast %swap3A_2123 : vector<16xi32> to vector<16xi32>
      %swap3A_2125 = vector.shape_cast %add3A_2121 : vector<16xi32> to vector<16xi32>
      tpu.vector_store %arg18[%swap3A_2122], %swap3A_2125 {strides = array<i32>} : memref<64xi32, #tpu.memory_space<vmem>>, vector<16xi32>,
      %add3A_2126 = arith.constant 224 : i32
      %add3A_2127 = vector.broadcast %add3A_2126 : i32 to vector<16xi32>
      %add3A_2128 = arith.addi %add3A_2107, %add3A_2127 : vector<16xi32>
      %add3A_2129 = arith.constant 1 : i32
      %add3A_2130 = vector.broadcast %add3A_2129 : i32 to vector<16xi32>
      %add3A_2131 = arith.addi %add3A_2128, %add3A_2130 : vector<16xi32>
      %swap3A_2132 = arith.constant 0 : index
      %swap3A_2133 = tpu.vector_load %arg19[%swap3A_2132] {strides = array<i32>} : memref<64xi32, #tpu.memory_space<vmem>>, vector<16xi32>,
      %swap3A_2134 = vector.shape_cast %swap3A_2133 : vector<16xi32> to vector<16xi32>
      %swap3A_2135 = vector.shape_cast %add3A_2131 : vector<16xi32> to vector<16xi32>
      tpu.vector_store %arg19[%swap3A_2132], %swap3A_2135 {strides = array<i32>} : memref<64xi32, #tpu.memory_space<vmem>>, vector<16xi32>,
      %mul3A_2136 = arith.mulf %sub3A_2067, %select_n3A_2089 : vector<16xf32>
      %sub3A_2137 = arith.subf %select_n3A_2089, %mul3A_2136 : vector<16xf32>
      %sub3A_2138 = arith.constant 1.000000e+00 : f32
      %sub3A_2139 = vector.broadcast %sub3A_2138 : f32 to vector<16xf32>
      %sub3A_2140 = arith.subf %sub3A_2139, %sub3A_2069 : vector<16xf32>
      %mul3A_2141 = arith.mulf %sub3A_2137, %sub3A_2140 : vector<16xf32>
      %swap3A_2142 = arith.constant 0 : index
      %swap3A_2143 = tpu.vector_load %arg20[%swap3A_2142] {strides = array<i32>} : memref<64xf32, #tpu.memory_space<vmem>>, vector<16xf32>,
      %swap3A_2144 = vector.shape_cast %swap3A_2143 : vector<16xf32> to vector<16xf32>
      %swap3A_2145 = vector.shape_cast %mul3A_2141 : vector<16xf32> to vector<16xf32>
      tpu.vector_store %arg20[%swap3A_2142], %swap3A_2145 {strides = array<i32>} : memref<64xf32, #tpu.memory_space<vmem>>, vector<16xf32>,
      %sub3A_2146 = arith.constant 1.000000e+00 : f32
      %sub3A_2147 = vector.broadcast %sub3A_2146 : f32 to vector<16xf32>
      %sub3A_2148 = arith.subf %sub3A_2147, %sub3A_2069 : vector<16xf32>
      %mul3A_2149 = arith.mulf %mul3A_2136, %sub3A_2148 : vector<16xf32>
      %swap3A_2150 = arith.constant 0 : index
      %swap3A_2151 = tpu.vector_load %arg21[%swap3A_2150] {strides = array<i32>} : memref<64xf32, #tpu.memory_space<vmem>>, vector<16xf32>,
      %swap3A_2152 = vector.shape_cast %swap3A_2151 : vector<16xf32> to vector<16xf32>
      %swap3A_2153 = vector.shape_cast %mul3A_2149 : vector<16xf32> to vector<16xf32>
      tpu.vector_store %arg21[%swap3A_2150], %swap3A_2153 {strides = array<i32>} : memref<64xf32, #tpu.memory_space<vmem>>, vector<16xf32>,
      %mul3A_2154 = arith.mulf %sub3A_2137, %sub3A_2069 : vector<16xf32>
      %swap3A_2155 = arith.constant 0 : index
      %swap3A_2156 = tpu.vector_load %arg22[%swap3A_2155] {strides = array<i32>} : memref<64xf32, #tpu.memory_space<vmem>>, vector<16xf32>,
      %swap3A_2157 = vector.shape_cast %swap3A_2156 : vector<16xf32> to vector<16xf32>
      %swap3A_2158 = vector.shape_cast %mul3A_2154 : vector<16xf32> to vector<16xf32>
      tpu.vector_store %arg22[%swap3A_2155], %swap3A_2158 {strides = array<i32>} : memref<64xf32, #tpu.memory_space<vmem>>, vector<16xf32>,
      %mul3A_2159 = arith.mulf %mul3A_2136, %sub3A_2069 : vector<16xf32>
      %swap3A_2160 = arith.constant 0 : index
      %swap3A_2161 = tpu.vector_load %arg23[%swap3A_2160] {strides = array<i32>} : memref<64xf32, #tpu.memory_space<vmem>>, vector<16xf32>,
      %swap3A_2162 = vector.shape_cast %swap3A_2161 : vector<16xf32> to vector<16xf32>
      %swap3A_2163 = vector.shape_cast %mul3A_2159 : vector<16xf32> to vector<16xf32>
      tpu.vector_store %arg23[%swap3A_2160], %swap3A_2163 {strides = array<i32>} : memref<64xf32, #tpu.memory_space<vmem>>, vector<16xf32>,
      %get3A_2164 = arith.constant 16 : index
      %get3A_2165 = tpu.vector_load %arg6[%get3A_2164] {strides = array<i32>} : memref<64xf32, #tpu.memory_space<vmem>>, vector<16xf32>,
      %get3A_2166 = vector.shape_cast %get3A_2165 : vector<16xf32> to vector<16xf32>
      %get3A_2167 = arith.constant 16 : index
      %get3A_2168 = tpu.vector_load %arg7[%get3A_2167] {strides = array<i32>} : memref<64xf32, #tpu.memory_space<vmem>>, vector<16xf32>,
      %get3A_2169 = vector.shape_cast %get3A_2168 : vector<16xf32> to vector<16xf32>
      %convert_element_type3A_2170 = arith.fptosi %get3A_2166 : vector<16xf32> to vector<16xi32>
      %convert_element_type3A_2171 = arith.sitofp %convert_element_type3A_2170 : vector<16xi32> to vector<16xf32>
      %lt3A_2172 = arith.cmpf olt, %get3A_2166, %convert_element_type3A_2171 : vector<16xf32>
      %sub3A_2173 = arith.constant 1 : i32
      %sub3A_2174 = vector.broadcast %sub3A_2173 : i32 to vector<16xi32>
      %sub3A_2175 = arith.subi %convert_element_type3A_2170, %sub3A_2174 : vector<16xi32>
      %select_n3A_2176 = arith.select %lt3A_2172, %sub3A_2175, %convert_element_type3A_2170 : vector<16xi1>, vector<16xi32>
      %convert_element_type3A_2177 = arith.fptosi %get3A_2169 : vector<16xf32> to vector<16xi32>
      %convert_element_type3A_2178 = arith.sitofp %convert_element_type3A_2177 : vector<16xi32> to vector<16xf32>
      %lt3A_2179 = arith.cmpf olt, %get3A_2169, %convert_element_type3A_2178 : vector<16xf32>
      %sub3A_2180 = arith.constant 1 : i32
      %sub3A_2181 = vector.broadcast %sub3A_2180 : i32 to vector<16xi32>
      %sub3A_2182 = arith.subi %convert_element_type3A_2177, %sub3A_2181 : vector<16xi32>
      %select_n3A_2183 = arith.select %lt3A_2179, %sub3A_2182, %convert_element_type3A_2177 : vector<16xi1>, vector<16xi32>
      %convert_element_type3A_2184 = arith.sitofp %select_n3A_2176 : vector<16xi32> to vector<16xf32>
      %sub3A_2185 = arith.subf %get3A_2166, %convert_element_type3A_2184 : vector<16xf32>
      %convert_element_type3A_2186 = arith.sitofp %select_n3A_2183 : vector<16xi32> to vector<16xf32>
      %sub3A_2187 = arith.subf %get3A_2169, %convert_element_type3A_2186 : vector<16xf32>
      %ge3A_2188 = arith.constant 0 : i32
      %ge3A_2189 = vector.broadcast %ge3A_2188 : i32 to vector<16xi32>
      %ge3A_2190 = arith.cmpi sge, %select_n3A_2176, %ge3A_2189 : vector<16xi32>
      %le3A_2191 = arith.constant 222 : i32
      %le3A_2192 = vector.broadcast %le3A_2191 : i32 to vector<16xi32>
      %le3A_2193 = arith.cmpi sle, %select_n3A_2176, %le3A_2192 : vector<16xi32>
      %and3A_2194 = arith.andi %ge3A_2190, %le3A_2193 : vector<16xi1>
      %ge3A_2195 = arith.constant 0 : i32
      %ge3A_2196 = vector.broadcast %ge3A_2195 : i32 to vector<16xi32>
      %ge3A_2197 = arith.cmpi sge, %select_n3A_2183, %ge3A_2196 : vector<16xi32>
      %and3A_2198 = arith.andi %and3A_2194, %ge3A_2197 : vector<16xi1>
      %le3A_2199 = arith.constant 222 : i32
      %le3A_2200 = vector.broadcast %le3A_2199 : i32 to vector<16xi32>
      %le3A_2201 = arith.cmpi sle, %select_n3A_2183, %le3A_2200 : vector<16xi32>
      %and3A_2202 = arith.andi %and3A_2198, %le3A_2201 : vector<16xi1>
      %jit3A_2203 = arith.constant 1.000000e+00 : f32
      %jit3A_2204 = arith.constant 0.000000e+00 : f32
      %broadcast_in_dim3A_2205 = vector.broadcast %jit3A_2203 : f32 to vector<16xf32>
      %broadcast_in_dim3A_2206 = vector.broadcast %jit3A_2204 : f32 to vector<16xf32>
      %select_n3A_2207 = arith.select %and3A_2202, %broadcast_in_dim3A_2205, %broadcast_in_dim3A_2206 : vector<16xi1>, vector<16xf32>
      %jit3A_2208 = arith.constant 0 : i32
      %jit3A_2209 = arith.constant 222 : i32
      %max3A_2210 = vector.broadcast %jit3A_2208 : i32 to vector<16xi32>
      %max3A_2211 = arith.maxsi %max3A_2210, %select_n3A_2176 : vector<16xi32>
      %min3A_2212 = vector.broadcast %jit3A_2209 : i32 to vector<16xi32>
      %min3A_2213 = arith.minsi %min3A_2212, %max3A_2211 : vector<16xi32>
      %jit3A_2214 = arith.constant 0 : i32
      %jit3A_2215 = arith.constant 222 : i32
      %max3A_2216 = vector.broadcast %jit3A_2214 : i32 to vector<16xi32>
      %max3A_2217 = arith.maxsi %max3A_2216, %select_n3A_2183 : vector<16xi32>
      %min3A_2218 = vector.broadcast %jit3A_2215 : i32 to vector<16xi32>
      %min3A_2219 = arith.minsi %min3A_2218, %max3A_2217 : vector<16xi32>
      %mul3A_2220 = arith.constant 224 : i32
      %mul3A_2221 = vector.broadcast %mul3A_2220 : i32 to vector<16xi32>
      %mul3A_2222 = arith.muli %min3A_2219, %mul3A_2221 : vector<16xi32>
      %add3A_2223 = vector.broadcast %mul3A_5 : i32 to vector<16xi32>
      %add3A_2224 = arith.addi %add3A_2223, %mul3A_2222 : vector<16xi32>
      %add3A_2225 = arith.addi %add3A_2224, %min3A_2213 : vector<16xi32>
      %swap3A_2226 = arith.constant 16 : index
      %swap3A_2227 = tpu.vector_load %arg16[%swap3A_2226] {strides = array<i32>} : memref<64xi32, #tpu.memory_space<vmem>>, vector<16xi32>,
      %swap3A_2228 = vector.shape_cast %swap3A_2227 : vector<16xi32> to vector<16xi32>
      %swap3A_2229 = vector.shape_cast %add3A_2225 : vector<16xi32> to vector<16xi32>
      tpu.vector_store %arg16[%swap3A_2226], %swap3A_2229 {strides = array<i32>} : memref<64xi32, #tpu.memory_space<vmem>>, vector<16xi32>,
      %add3A_2230 = arith.constant 1 : i32
      %add3A_2231 = vector.broadcast %add3A_2230 : i32 to vector<16xi32>
      %add3A_2232 = arith.addi %add3A_2225, %add3A_2231 : vector<16xi32>
      %swap3A_2233 = arith.constant 16 : index
      %swap3A_2234 = tpu.vector_load %arg17[%swap3A_2233] {strides = array<i32>} : memref<64xi32, #tpu.memory_space<vmem>>, vector<16xi32>,
      %swap3A_2235 = vector.shape_cast %swap3A_2234 : vector<16xi32> to vector<16xi32>
      %swap3A_2236 = vector.shape_cast %add3A_2232 : vector<16xi32> to vector<16xi32>
      tpu.vector_store %arg17[%swap3A_2233], %swap3A_2236 {strides = array<i32>} : memref<64xi32, #tpu.memory_space<vmem>>, vector<16xi32>,
      %add3A_2237 = arith.constant 224 : i32
      %add3A_2238 = vector.broadcast %add3A_2237 : i32 to vector<16xi32>
      %add3A_2239 = arith.addi %add3A_2225, %add3A_2238 : vector<16xi32>
      %swap3A_2240 = arith.constant 16 : index
      %swap3A_2241 = tpu.vector_load %arg18[%swap3A_2240] {strides = array<i32>} : memref<64xi32, #tpu.memory_space<vmem>>, vector<16xi32>,
      %swap3A_2242 = vector.shape_cast %swap3A_2241 : vector<16xi32> to vector<16xi32>
      %swap3A_2243 = vector.shape_cast %add3A_2239 : vector<16xi32> to vector<16xi32>
      tpu.vector_store %arg18[%swap3A_2240], %swap3A_2243 {strides = array<i32>} : memref<64xi32, #tpu.memory_space<vmem>>, vector<16xi32>,
      %add3A_2244 = arith.constant 224 : i32
      %add3A_2245 = vector.broadcast %add3A_2244 : i32 to vector<16xi32>
      %add3A_2246 = arith.addi %add3A_2225, %add3A_2245 : vector<16xi32>
      %add3A_2247 = arith.constant 1 : i32
      %add3A_2248 = vector.broadcast %add3A_2247 : i32 to vector<16xi32>
      %add3A_2249 = arith.addi %add3A_2246, %add3A_2248 : vector<16xi32>
      %swap3A_2250 = arith.constant 16 : index
      %swap3A_2251 = tpu.vector_load %arg19[%swap3A_2250] {strides = array<i32>} : memref<64xi32, #tpu.memory_space<vmem>>, vector<16xi32>,
      %swap3A_2252 = vector.shape_cast %swap3A_2251 : vector<16xi32> to vector<16xi32>
      %swap3A_2253 = vector.shape_cast %add3A_2249 : vector<16xi32> to vector<16xi32>
      tpu.vector_store %arg19[%swap3A_2250], %swap3A_2253 {strides = array<i32>} : memref<64xi32, #tpu.memory_space<vmem>>, vector<16xi32>,
      %mul3A_2254 = arith.mulf %sub3A_2185, %select_n3A_2207 : vector<16xf32>
      %sub3A_2255 = arith.subf %select_n3A_2207, %mul3A_2254 : vector<16xf32>
      %sub3A_2256 = arith.constant 1.000000e+00 : f32
      %sub3A_2257 = vector.broadcast %sub3A_2256 : f32 to vector<16xf32>
      %sub3A_2258 = arith.subf %sub3A_2257, %sub3A_2187 : vector<16xf32>
      %mul3A_2259 = arith.mulf %sub3A_2255, %sub3A_2258 : vector<16xf32>
      %swap3A_2260 = arith.constant 16 : index
      %swap3A_2261 = tpu.vector_load %arg20[%swap3A_2260] {strides = array<i32>} : memref<64xf32, #tpu.memory_space<vmem>>, vector<16xf32>,
      %swap3A_2262 = vector.shape_cast %swap3A_2261 : vector<16xf32> to vector<16xf32>
      %swap3A_2263 = vector.shape_cast %mul3A_2259 : vector<16xf32> to vector<16xf32>
      tpu.vector_store %arg20[%swap3A_2260], %swap3A_2263 {strides = array<i32>} : memref<64xf32, #tpu.memory_space<vmem>>, vector<16xf32>,
      %sub3A_2264 = arith.constant 1.000000e+00 : f32
      %sub3A_2265 = vector.broadcast %sub3A_2264 : f32 to vector<16xf32>
      %sub3A_2266 = arith.subf %sub3A_2265, %sub3A_2187 : vector<16xf32>
      %mul3A_2267 = arith.mulf %mul3A_2254, %sub3A_2266 : vector<16xf32>
      %swap3A_2268 = arith.constant 16 : index
      %swap3A_2269 = tpu.vector_load %arg21[%swap3A_2268] {strides = array<i32>} : memref<64xf32, #tpu.memory_space<vmem>>, vector<16xf32>,
      %swap3A_2270 = vector.shape_cast %swap3A_2269 : vector<16xf32> to vector<16xf32>
      %swap3A_2271 = vector.shape_cast %mul3A_2267 : vector<16xf32> to vector<16xf32>
      tpu.vector_store %arg21[%swap3A_2268], %swap3A_2271 {strides = array<i32>} : memref<64xf32, #tpu.memory_space<vmem>>, vector<16xf32>,
      %mul3A_2272 = arith.mulf %sub3A_2255, %sub3A_2187 : vector<16xf32>
      %swap3A_2273 = arith.constant 16 : index
      %swap3A_2274 = tpu.vector_load %arg22[%swap3A_2273] {strides = array<i32>} : memref<64xf32, #tpu.memory_space<vmem>>, vector<16xf32>,
      %swap3A_2275 = vector.shape_cast %swap3A_2274 : vector<16xf32> to vector<16xf32>
      %swap3A_2276 = vector.shape_cast %mul3A_2272 : vector<16xf32> to vector<16xf32>
      tpu.vector_store %arg22[%swap3A_2273], %swap3A_2276 {strides = array<i32>} : memref<64xf32, #tpu.memory_space<vmem>>, vector<16xf32>,
      %mul3A_2277 = arith.mulf %mul3A_2254, %sub3A_2187 : vector<16xf32>
      %swap3A_2278 = arith.constant 16 : index
      %swap3A_2279 = tpu.vector_load %arg23[%swap3A_2278] {strides = array<i32>} : memref<64xf32, #tpu.memory_space<vmem>>, vector<16xf32>,
      %swap3A_2280 = vector.shape_cast %swap3A_2279 : vector<16xf32> to vector<16xf32>
      %swap3A_2281 = vector.shape_cast %mul3A_2277 : vector<16xf32> to vector<16xf32>
      tpu.vector_store %arg23[%swap3A_2278], %swap3A_2281 {strides = array<i32>} : memref<64xf32, #tpu.memory_space<vmem>>, vector<16xf32>,
      %get3A_2282 = arith.constant 32 : index
      %get3A_2283 = tpu.vector_load %arg6[%get3A_2282] {strides = array<i32>} : memref<64xf32, #tpu.memory_space<vmem>>, vector<16xf32>,
      %get3A_2284 = vector.shape_cast %get3A_2283 : vector<16xf32> to vector<16xf32>
      %get3A_2285 = arith.constant 32 : index
      %get3A_2286 = tpu.vector_load %arg7[%get3A_2285] {strides = array<i32>} : memref<64xf32, #tpu.memory_space<vmem>>, vector<16xf32>,
      %get3A_2287 = vector.shape_cast %get3A_2286 : vector<16xf32> to vector<16xf32>
      %convert_element_type3A_2288 = arith.fptosi %get3A_2284 : vector<16xf32> to vector<16xi32>
      %convert_element_type3A_2289 = arith.sitofp %convert_element_type3A_2288 : vector<16xi32> to vector<16xf32>
      %lt3A_2290 = arith.cmpf olt, %get3A_2284, %convert_element_type3A_2289 : vector<16xf32>
      %sub3A_2291 = arith.constant 1 : i32
      %sub3A_2292 = vector.broadcast %sub3A_2291 : i32 to vector<16xi32>
      %sub3A_2293 = arith.subi %convert_element_type3A_2288, %sub3A_2292 : vector<16xi32>
      %select_n3A_2294 = arith.select %lt3A_2290, %sub3A_2293, %convert_element_type3A_2288 : vector<16xi1>, vector<16xi32>
      %convert_element_type3A_2295 = arith.fptosi %get3A_2287 : vector<16xf32> to vector<16xi32>
      %convert_element_type3A_2296 = arith.sitofp %convert_element_type3A_2295 : vector<16xi32> to vector<16xf32>
      %lt3A_2297 = arith.cmpf olt, %get3A_2287, %convert_element_type3A_2296 : vector<16xf32>
      %sub3A_2298 = arith.constant 1 : i32
      %sub3A_2299 = vector.broadcast %sub3A_2298 : i32 to vector<16xi32>
      %sub3A_2300 = arith.subi %convert_element_type3A_2295, %sub3A_2299 : vector<16xi32>
      %select_n3A_2301 = arith.select %lt3A_2297, %sub3A_2300, %convert_element_type3A_2295 : vector<16xi1>, vector<16xi32>
      %convert_element_type3A_2302 = arith.sitofp %select_n3A_2294 : vector<16xi32> to vector<16xf32>
      %sub3A_2303 = arith.subf %get3A_2284, %convert_element_type3A_2302 : vector<16xf32>
      %convert_element_type3A_2304 = arith.sitofp %select_n3A_2301 : vector<16xi32> to vector<16xf32>
      %sub3A_2305 = arith.subf %get3A_2287, %convert_element_type3A_2304 : vector<16xf32>
      %ge3A_2306 = arith.constant 0 : i32
      %ge3A_2307 = vector.broadcast %ge3A_2306 : i32 to vector<16xi32>
      %ge3A_2308 = arith.cmpi sge, %select_n3A_2294, %ge3A_2307 : vector<16xi32>
      %le3A_2309 = arith.constant 222 : i32
      %le3A_2310 = vector.broadcast %le3A_2309 : i32 to vector<16xi32>
      %le3A_2311 = arith.cmpi sle, %select_n3A_2294, %le3A_2310 : vector<16xi32>
      %and3A_2312 = arith.andi %ge3A_2308, %le3A_2311 : vector<16xi1>
      %ge3A_2313 = arith.constant 0 : i32
      %ge3A_2314 = vector.broadcast %ge3A_2313 : i32 to vector<16xi32>
      %ge3A_2315 = arith.cmpi sge, %select_n3A_2301, %ge3A_2314 : vector<16xi32>
      %and3A_2316 = arith.andi %and3A_2312, %ge3A_2315 : vector<16xi1>
      %le3A_2317 = arith.constant 222 : i32
      %le3A_2318 = vector.broadcast %le3A_2317 : i32 to vector<16xi32>
      %le3A_2319 = arith.cmpi sle, %select_n3A_2301, %le3A_2318 : vector<16xi32>
      %and3A_2320 = arith.andi %and3A_2316, %le3A_2319 : vector<16xi1>
      %jit3A_2321 = arith.constant 1.000000e+00 : f32
      %jit3A_2322 = arith.constant 0.000000e+00 : f32
      %broadcast_in_dim3A_2323 = vector.broadcast %jit3A_2321 : f32 to vector<16xf32>
      %broadcast_in_dim3A_2324 = vector.broadcast %jit3A_2322 : f32 to vector<16xf32>
      %select_n3A_2325 = arith.select %and3A_2320, %broadcast_in_dim3A_2323, %broadcast_in_dim3A_2324 : vector<16xi1>, vector<16xf32>
      %jit3A_2326 = arith.constant 0 : i32
      %jit3A_2327 = arith.constant 222 : i32
      %max3A_2328 = vector.broadcast %jit3A_2326 : i32 to vector<16xi32>
      %max3A_2329 = arith.maxsi %max3A_2328, %select_n3A_2294 : vector<16xi32>
      %min3A_2330 = vector.broadcast %jit3A_2327 : i32 to vector<16xi32>
      %min3A_2331 = arith.minsi %min3A_2330, %max3A_2329 : vector<16xi32>
      %jit3A_2332 = arith.constant 0 : i32
      %jit3A_2333 = arith.constant 222 : i32
      %max3A_2334 = vector.broadcast %jit3A_2332 : i32 to vector<16xi32>
      %max3A_2335 = arith.maxsi %max3A_2334, %select_n3A_2301 : vector<16xi32>
      %min3A_2336 = vector.broadcast %jit3A_2333 : i32 to vector<16xi32>
      %min3A_2337 = arith.minsi %min3A_2336, %max3A_2335 : vector<16xi32>
      %mul3A_2338 = arith.constant 224 : i32
      %mul3A_2339 = vector.broadcast %mul3A_2338 : i32 to vector<16xi32>
      %mul3A_2340 = arith.muli %min3A_2337, %mul3A_2339 : vector<16xi32>
      %add3A_2341 = vector.broadcast %mul3A_5 : i32 to vector<16xi32>
      %add3A_2342 = arith.addi %add3A_2341, %mul3A_2340 : vector<16xi32>
      %add3A_2343 = arith.addi %add3A_2342, %min3A_2331 : vector<16xi32>
      %swap3A_2344 = arith.constant 32 : index
      %swap3A_2345 = tpu.vector_load %arg16[%swap3A_2344] {strides = array<i32>} : memref<64xi32, #tpu.memory_space<vmem>>, vector<16xi32>,
      %swap3A_2346 = vector.shape_cast %swap3A_2345 : vector<16xi32> to vector<16xi32>
      %swap3A_2347 = vector.shape_cast %add3A_2343 : vector<16xi32> to vector<16xi32>
      tpu.vector_store %arg16[%swap3A_2344], %swap3A_2347 {strides = array<i32>} : memref<64xi32, #tpu.memory_space<vmem>>, vector<16xi32>,
      %add3A_2348 = arith.constant 1 : i32
      %add3A_2349 = vector.broadcast %add3A_2348 : i32 to vector<16xi32>
      %add3A_2350 = arith.addi %add3A_2343, %add3A_2349 : vector<16xi32>
      %swap3A_2351 = arith.constant 32 : index
      %swap3A_2352 = tpu.vector_load %arg17[%swap3A_2351] {strides = array<i32>} : memref<64xi32, #tpu.memory_space<vmem>>, vector<16xi32>,
      %swap3A_2353 = vector.shape_cast %swap3A_2352 : vector<16xi32> to vector<16xi32>
      %swap3A_2354 = vector.shape_cast %add3A_2350 : vector<16xi32> to vector<16xi32>
      tpu.vector_store %arg17[%swap3A_2351], %swap3A_2354 {strides = array<i32>} : memref<64xi32, #tpu.memory_space<vmem>>, vector<16xi32>,
      %add3A_2355 = arith.constant 224 : i32
      %add3A_2356 = vector.broadcast %add3A_2355 : i32 to vector<16xi32>
      %add3A_2357 = arith.addi %add3A_2343, %add3A_2356 : vector<16xi32>
      %swap3A_2358 = arith.constant 32 : index
      %swap3A_2359 = tpu.vector_load %arg18[%swap3A_2358] {strides = array<i32>} : memref<64xi32, #tpu.memory_space<vmem>>, vector<16xi32>,
      %swap3A_2360 = vector.shape_cast %swap3A_2359 : vector<16xi32> to vector<16xi32>
      %swap3A_2361 = vector.shape_cast %add3A_2357 : vector<16xi32> to vector<16xi32>
      tpu.vector_store %arg18[%swap3A_2358], %swap3A_2361 {strides = array<i32>} : memref<64xi32, #tpu.memory_space<vmem>>, vector<16xi32>,
      %add3A_2362 = arith.constant 224 : i32
      %add3A_2363 = vector.broadcast %add3A_2362 : i32 to vector<16xi32>
      %add3A_2364 = arith.addi %add3A_2343, %add3A_2363 : vector<16xi32>
      %add3A_2365 = arith.constant 1 : i32
      %add3A_2366 = vector.broadcast %add3A_2365 : i32 to vector<16xi32>
      %add3A_2367 = arith.addi %add3A_2364, %add3A_2366 : vector<16xi32>
      %swap3A_2368 = arith.constant 32 : index
      %swap3A_2369 = tpu.vector_load %arg19[%swap3A_2368] {strides = array<i32>} : memref<64xi32, #tpu.memory_space<vmem>>, vector<16xi32>,
      %swap3A_2370 = vector.shape_cast %swap3A_2369 : vector<16xi32> to vector<16xi32>
      %swap3A_2371 = vector.shape_cast %add3A_2367 : vector<16xi32> to vector<16xi32>
      tpu.vector_store %arg19[%swap3A_2368], %swap3A_2371 {strides = array<i32>} : memref<64xi32, #tpu.memory_space<vmem>>, vector<16xi32>,
      %mul3A_2372 = arith.mulf %sub3A_2303, %select_n3A_2325 : vector<16xf32>
      %sub3A_2373 = arith.subf %select_n3A_2325, %mul3A_2372 : vector<16xf32>
      %sub3A_2374 = arith.constant 1.000000e+00 : f32
      %sub3A_2375 = vector.broadcast %sub3A_2374 : f32 to vector<16xf32>
      %sub3A_2376 = arith.subf %sub3A_2375, %sub3A_2305 : vector<16xf32>
      %mul3A_2377 = arith.mulf %sub3A_2373, %sub3A_2376 : vector<16xf32>
      %swap3A_2378 = arith.constant 32 : index
      %swap3A_2379 = tpu.vector_load %arg20[%swap3A_2378] {strides = array<i32>} : memref<64xf32, #tpu.memory_space<vmem>>, vector<16xf32>,
      %swap3A_2380 = vector.shape_cast %swap3A_2379 : vector<16xf32> to vector<16xf32>
      %swap3A_2381 = vector.shape_cast %mul3A_2377 : vector<16xf32> to vector<16xf32>
      tpu.vector_store %arg20[%swap3A_2378], %swap3A_2381 {strides = array<i32>} : memref<64xf32, #tpu.memory_space<vmem>>, vector<16xf32>,
      %sub3A_2382 = arith.constant 1.000000e+00 : f32
      %sub3A_2383 = vector.broadcast %sub3A_2382 : f32 to vector<16xf32>
      %sub3A_2384 = arith.subf %sub3A_2383, %sub3A_2305 : vector<16xf32>
      %mul3A_2385 = arith.mulf %mul3A_2372, %sub3A_2384 : vector<16xf32>
      %swap3A_2386 = arith.constant 32 : index
      %swap3A_2387 = tpu.vector_load %arg21[%swap3A_2386] {strides = array<i32>} : memref<64xf32, #tpu.memory_space<vmem>>, vector<16xf32>,
      %swap3A_2388 = vector.shape_cast %swap3A_2387 : vector<16xf32> to vector<16xf32>
      %swap3A_2389 = vector.shape_cast %mul3A_2385 : vector<16xf32> to vector<16xf32>
      tpu.vector_store %arg21[%swap3A_2386], %swap3A_2389 {strides = array<i32>} : memref<64xf32, #tpu.memory_space<vmem>>, vector<16xf32>,
      %mul3A_2390 = arith.mulf %sub3A_2373, %sub3A_2305 : vector<16xf32>
      %swap3A_2391 = arith.constant 32 : index
      %swap3A_2392 = tpu.vector_load %arg22[%swap3A_2391] {strides = array<i32>} : memref<64xf32, #tpu.memory_space<vmem>>, vector<16xf32>,
      %swap3A_2393 = vector.shape_cast %swap3A_2392 : vector<16xf32> to vector<16xf32>
      %swap3A_2394 = vector.shape_cast %mul3A_2390 : vector<16xf32> to vector<16xf32>
      tpu.vector_store %arg22[%swap3A_2391], %swap3A_2394 {strides = array<i32>} : memref<64xf32, #tpu.memory_space<vmem>>, vector<16xf32>,
      %mul3A_2395 = arith.mulf %mul3A_2372, %sub3A_2305 : vector<16xf32>
      %swap3A_2396 = arith.constant 32 : index
      %swap3A_2397 = tpu.vector_load %arg23[%swap3A_2396] {strides = array<i32>} : memref<64xf32, #tpu.memory_space<vmem>>, vector<16xf32>,
      %swap3A_2398 = vector.shape_cast %swap3A_2397 : vector<16xf32> to vector<16xf32>
      %swap3A_2399 = vector.shape_cast %mul3A_2395 : vector<16xf32> to vector<16xf32>
      tpu.vector_store %arg23[%swap3A_2396], %swap3A_2399 {strides = array<i32>} : memref<64xf32, #tpu.memory_space<vmem>>, vector<16xf32>,
      %get3A_2400 = arith.constant 48 : index
      %get3A_2401 = tpu.vector_load %arg6[%get3A_2400] {strides = array<i32>} : memref<64xf32, #tpu.memory_space<vmem>>, vector<16xf32>,
      %get3A_2402 = vector.shape_cast %get3A_2401 : vector<16xf32> to vector<16xf32>
      %get3A_2403 = arith.constant 48 : index
      %get3A_2404 = tpu.vector_load %arg7[%get3A_2403] {strides = array<i32>} : memref<64xf32, #tpu.memory_space<vmem>>, vector<16xf32>,
      %get3A_2405 = vector.shape_cast %get3A_2404 : vector<16xf32> to vector<16xf32>
      %convert_element_type3A_2406 = arith.fptosi %get3A_2402 : vector<16xf32> to vector<16xi32>
      %convert_element_type3A_2407 = arith.sitofp %convert_element_type3A_2406 : vector<16xi32> to vector<16xf32>
      %lt3A_2408 = arith.cmpf olt, %get3A_2402, %convert_element_type3A_2407 : vector<16xf32>
      %sub3A_2409 = arith.constant 1 : i32
      %sub3A_2410 = vector.broadcast %sub3A_2409 : i32 to vector<16xi32>
      %sub3A_2411 = arith.subi %convert_element_type3A_2406, %sub3A_2410 : vector<16xi32>
      %select_n3A_2412 = arith.select %lt3A_2408, %sub3A_2411, %convert_element_type3A_2406 : vector<16xi1>, vector<16xi32>
      %convert_element_type3A_2413 = arith.fptosi %get3A_2405 : vector<16xf32> to vector<16xi32>
      %convert_element_type3A_2414 = arith.sitofp %convert_element_type3A_2413 : vector<16xi32> to vector<16xf32>
      %lt3A_2415 = arith.cmpf olt, %get3A_2405, %convert_element_type3A_2414 : vector<16xf32>
      %sub3A_2416 = arith.constant 1 : i32
      %sub3A_2417 = vector.broadcast %sub3A_2416 : i32 to vector<16xi32>
      %sub3A_2418 = arith.subi %convert_element_type3A_2413, %sub3A_2417 : vector<16xi32>
      %select_n3A_2419 = arith.select %lt3A_2415, %sub3A_2418, %convert_element_type3A_2413 : vector<16xi1>, vector<16xi32>
      %convert_element_type3A_2420 = arith.sitofp %select_n3A_2412 : vector<16xi32> to vector<16xf32>
      %sub3A_2421 = arith.subf %get3A_2402, %convert_element_type3A_2420 : vector<16xf32>
      %convert_element_type3A_2422 = arith.sitofp %select_n3A_2419 : vector<16xi32> to vector<16xf32>
      %sub3A_2423 = arith.subf %get3A_2405, %convert_element_type3A_2422 : vector<16xf32>
      %ge3A_2424 = arith.constant 0 : i32
      %ge3A_2425 = vector.broadcast %ge3A_2424 : i32 to vector<16xi32>
      %ge3A_2426 = arith.cmpi sge, %select_n3A_2412, %ge3A_2425 : vector<16xi32>
      %le3A_2427 = arith.constant 222 : i32
      %le3A_2428 = vector.broadcast %le3A_2427 : i32 to vector<16xi32>
      %le3A_2429 = arith.cmpi sle, %select_n3A_2412, %le3A_2428 : vector<16xi32>
      %and3A_2430 = arith.andi %ge3A_2426, %le3A_2429 : vector<16xi1>
      %ge3A_2431 = arith.constant 0 : i32
      %ge3A_2432 = vector.broadcast %ge3A_2431 : i32 to vector<16xi32>
      %ge3A_2433 = arith.cmpi sge, %select_n3A_2419, %ge3A_2432 : vector<16xi32>
      %and3A_2434 = arith.andi %and3A_2430, %ge3A_2433 : vector<16xi1>
      %le3A_2435 = arith.constant 222 : i32
      %le3A_2436 = vector.broadcast %le3A_2435 : i32 to vector<16xi32>
      %le3A_2437 = arith.cmpi sle, %select_n3A_2419, %le3A_2436 : vector<16xi32>
      %and3A_2438 = arith.andi %and3A_2434, %le3A_2437 : vector<16xi1>
      %jit3A_2439 = arith.constant 1.000000e+00 : f32
      %jit3A_2440 = arith.constant 0.000000e+00 : f32
      %broadcast_in_dim3A_2441 = vector.broadcast %jit3A_2439 : f32 to vector<16xf32>
      %broadcast_in_dim3A_2442 = vector.broadcast %jit3A_2440 : f32 to vector<16xf32>
      %select_n3A_2443 = arith.select %and3A_2438, %broadcast_in_dim3A_2441, %broadcast_in_dim3A_2442 : vector<16xi1>, vector<16xf32>
      %jit3A_2444 = arith.constant 0 : i32
      %jit3A_2445 = arith.constant 222 : i32
      %max3A_2446 = vector.broadcast %jit3A_2444 : i32 to vector<16xi32>
      %max3A_2447 = arith.maxsi %max3A_2446, %select_n3A_2412 : vector<16xi32>
      %min3A_2448 = vector.broadcast %jit3A_2445 : i32 to vector<16xi32>
      %min3A_2449 = arith.minsi %min3A_2448, %max3A_2447 : vector<16xi32>
      %jit3A_2450 = arith.constant 0 : i32
      %jit3A_2451 = arith.constant 222 : i32
      %max3A_2452 = vector.broadcast %jit3A_2450 : i32 to vector<16xi32>
      %max3A_2453 = arith.maxsi %max3A_2452, %select_n3A_2419 : vector<16xi32>
      %min3A_2454 = vector.broadcast %jit3A_2451 : i32 to vector<16xi32>
      %min3A_2455 = arith.minsi %min3A_2454, %max3A_2453 : vector<16xi32>
      %mul3A_2456 = arith.constant 224 : i32
      %mul3A_2457 = vector.broadcast %mul3A_2456 : i32 to vector<16xi32>
      %mul3A_2458 = arith.muli %min3A_2455, %mul3A_2457 : vector<16xi32>
      %add3A_2459 = vector.broadcast %mul3A_5 : i32 to vector<16xi32>
      %add3A_2460 = arith.addi %add3A_2459, %mul3A_2458 : vector<16xi32>
      %add3A_2461 = arith.addi %add3A_2460, %min3A_2449 : vector<16xi32>
      %swap3A_2462 = arith.constant 48 : index
      %swap3A_2463 = tpu.vector_load %arg16[%swap3A_2462] {strides = array<i32>} : memref<64xi32, #tpu.memory_space<vmem>>, vector<16xi32>,
      %swap3A_2464 = vector.shape_cast %swap3A_2463 : vector<16xi32> to vector<16xi32>
      %swap3A_2465 = vector.shape_cast %add3A_2461 : vector<16xi32> to vector<16xi32>
      tpu.vector_store %arg16[%swap3A_2462], %swap3A_2465 {strides = array<i32>} : memref<64xi32, #tpu.memory_space<vmem>>, vector<16xi32>,
      %add3A_2466 = arith.constant 1 : i32
      %add3A_2467 = vector.broadcast %add3A_2466 : i32 to vector<16xi32>
      %add3A_2468 = arith.addi %add3A_2461, %add3A_2467 : vector<16xi32>
      %swap3A_2469 = arith.constant 48 : index
      %swap3A_2470 = tpu.vector_load %arg17[%swap3A_2469] {strides = array<i32>} : memref<64xi32, #tpu.memory_space<vmem>>, vector<16xi32>,
      %swap3A_2471 = vector.shape_cast %swap3A_2470 : vector<16xi32> to vector<16xi32>
      %swap3A_2472 = vector.shape_cast %add3A_2468 : vector<16xi32> to vector<16xi32>
      tpu.vector_store %arg17[%swap3A_2469], %swap3A_2472 {strides = array<i32>} : memref<64xi32, #tpu.memory_space<vmem>>, vector<16xi32>,
      %add3A_2473 = arith.constant 224 : i32
      %add3A_2474 = vector.broadcast %add3A_2473 : i32 to vector<16xi32>
      %add3A_2475 = arith.addi %add3A_2461, %add3A_2474 : vector<16xi32>
      %swap3A_2476 = arith.constant 48 : index
      %swap3A_2477 = tpu.vector_load %arg18[%swap3A_2476] {strides = array<i32>} : memref<64xi32, #tpu.memory_space<vmem>>, vector<16xi32>,
      %swap3A_2478 = vector.shape_cast %swap3A_2477 : vector<16xi32> to vector<16xi32>
      %swap3A_2479 = vector.shape_cast %add3A_2475 : vector<16xi32> to vector<16xi32>
      tpu.vector_store %arg18[%swap3A_2476], %swap3A_2479 {strides = array<i32>} : memref<64xi32, #tpu.memory_space<vmem>>, vector<16xi32>,
      %add3A_2480 = arith.constant 224 : i32
      %add3A_2481 = vector.broadcast %add3A_2480 : i32 to vector<16xi32>
      %add3A_2482 = arith.addi %add3A_2461, %add3A_2481 : vector<16xi32>
      %add3A_2483 = arith.constant 1 : i32
      %add3A_2484 = vector.broadcast %add3A_2483 : i32 to vector<16xi32>
      %add3A_2485 = arith.addi %add3A_2482, %add3A_2484 : vector<16xi32>
      %swap3A_2486 = arith.constant 48 : index
      %swap3A_2487 = tpu.vector_load %arg19[%swap3A_2486] {strides = array<i32>} : memref<64xi32, #tpu.memory_space<vmem>>, vector<16xi32>,
      %swap3A_2488 = vector.shape_cast %swap3A_2487 : vector<16xi32> to vector<16xi32>
      %swap3A_2489 = vector.shape_cast %add3A_2485 : vector<16xi32> to vector<16xi32>
      tpu.vector_store %arg19[%swap3A_2486], %swap3A_2489 {strides = array<i32>} : memref<64xi32, #tpu.memory_space<vmem>>, vector<16xi32>,
      %mul3A_2490 = arith.mulf %sub3A_2421, %select_n3A_2443 : vector<16xf32>
      %sub3A_2491 = arith.subf %select_n3A_2443, %mul3A_2490 : vector<16xf32>
      %sub3A_2492 = arith.constant 1.000000e+00 : f32
      %sub3A_2493 = vector.broadcast %sub3A_2492 : f32 to vector<16xf32>
      %sub3A_2494 = arith.subf %sub3A_2493, %sub3A_2423 : vector<16xf32>
      %mul3A_2495 = arith.mulf %sub3A_2491, %sub3A_2494 : vector<16xf32>
      %swap3A_2496 = arith.constant 48 : index
      %swap3A_2497 = tpu.vector_load %arg20[%swap3A_2496] {strides = array<i32>} : memref<64xf32, #tpu.memory_space<vmem>>, vector<16xf32>,
      %swap3A_2498 = vector.shape_cast %swap3A_2497 : vector<16xf32> to vector<16xf32>
      %swap3A_2499 = vector.shape_cast %mul3A_2495 : vector<16xf32> to vector<16xf32>
      tpu.vector_store %arg20[%swap3A_2496], %swap3A_2499 {strides = array<i32>} : memref<64xf32, #tpu.memory_space<vmem>>, vector<16xf32>,
      %sub3A_2500 = arith.constant 1.000000e+00 : f32
      %sub3A_2501 = vector.broadcast %sub3A_2500 : f32 to vector<16xf32>
      %sub3A_2502 = arith.subf %sub3A_2501, %sub3A_2423 : vector<16xf32>
      %mul3A_2503 = arith.mulf %mul3A_2490, %sub3A_2502 : vector<16xf32>
      %swap3A_2504 = arith.constant 48 : index
      %swap3A_2505 = tpu.vector_load %arg21[%swap3A_2504] {strides = array<i32>} : memref<64xf32, #tpu.memory_space<vmem>>, vector<16xf32>,
      %swap3A_2506 = vector.shape_cast %swap3A_2505 : vector<16xf32> to vector<16xf32>
      %swap3A_2507 = vector.shape_cast %mul3A_2503 : vector<16xf32> to vector<16xf32>
      tpu.vector_store %arg21[%swap3A_2504], %swap3A_2507 {strides = array<i32>} : memref<64xf32, #tpu.memory_space<vmem>>, vector<16xf32>,
      %mul3A_2508 = arith.mulf %sub3A_2491, %sub3A_2423 : vector<16xf32>
      %swap3A_2509 = arith.constant 48 : index
      %swap3A_2510 = tpu.vector_load %arg22[%swap3A_2509] {strides = array<i32>} : memref<64xf32, #tpu.memory_space<vmem>>, vector<16xf32>,
      %swap3A_2511 = vector.shape_cast %swap3A_2510 : vector<16xf32> to vector<16xf32>
      %swap3A_2512 = vector.shape_cast %mul3A_2508 : vector<16xf32> to vector<16xf32>
      tpu.vector_store %arg22[%swap3A_2509], %swap3A_2512 {strides = array<i32>} : memref<64xf32, #tpu.memory_space<vmem>>, vector<16xf32>,
      %mul3A_2513 = arith.mulf %mul3A_2490, %sub3A_2423 : vector<16xf32>
      %swap3A_2514 = arith.constant 48 : index
      %swap3A_2515 = tpu.vector_load %arg23[%swap3A_2514] {strides = array<i32>} : memref<64xf32, #tpu.memory_space<vmem>>, vector<16xf32>,
      %swap3A_2516 = vector.shape_cast %swap3A_2515 : vector<16xf32> to vector<16xf32>
      %swap3A_2517 = vector.shape_cast %mul3A_2513 : vector<16xf32> to vector<16xf32>
      tpu.vector_store %arg23[%swap3A_2514], %swap3A_2517 {strides = array<i32>} : memref<64xf32, #tpu.memory_space<vmem>>, vector<16xf32>,
      %dma_start3A_2518 = arith.constant 0 : i32
      %dma_start3A_2519 = arith.constant 0 : i32
      %dma_start3A_2520 = tpu.memref_slice %arg2[%dma_start3A_2518, %dma_start3A_2519] : memref<401408x128xf32, #tpu.memory_space<hbm>> -> memref<401408x128xf32, #tpu.memory_space<hbm>>
      tpu.enqueue_indirect_dma source(%dma_start3A_2520 : memref<401408x128xf32, #tpu.memory_space<hbm>>) target(%arg28 : memref<64x128xf32, #tpu.memory_space<vmem>>) offsets(%arg16 : memref<64xi32, #tpu.memory_space<vmem>>) semaphore(%arg35 : memref<!tpu.dma_semaphore, #tpu.memory_space<semaphore_mem>>)
      %dma_start3A_2521 = arith.constant 0 : i32
      %dma_start3A_2522 = arith.constant 0 : i32
      %dma_start3A_2523 = tpu.memref_slice %arg2[%dma_start3A_2521, %dma_start3A_2522] : memref<401408x128xf32, #tpu.memory_space<hbm>> -> memref<401408x128xf32, #tpu.memory_space<hbm>>
      tpu.enqueue_indirect_dma source(%dma_start3A_2523 : memref<401408x128xf32, #tpu.memory_space<hbm>>) target(%arg29 : memref<64x128xf32, #tpu.memory_space<vmem>>) offsets(%arg17 : memref<64xi32, #tpu.memory_space<vmem>>) semaphore(%arg35 : memref<!tpu.dma_semaphore, #tpu.memory_space<semaphore_mem>>)
      %dma_start3A_2524 = arith.constant 0 : i32
      %dma_start3A_2525 = arith.constant 0 : i32
      %dma_start3A_2526 = tpu.memref_slice %arg2[%dma_start3A_2524, %dma_start3A_2525] : memref<401408x128xf32, #tpu.memory_space<hbm>> -> memref<401408x128xf32, #tpu.memory_space<hbm>>
      tpu.enqueue_indirect_dma source(%dma_start3A_2526 : memref<401408x128xf32, #tpu.memory_space<hbm>>) target(%arg30 : memref<64x128xf32, #tpu.memory_space<vmem>>) offsets(%arg18 : memref<64xi32, #tpu.memory_space<vmem>>) semaphore(%arg35 : memref<!tpu.dma_semaphore, #tpu.memory_space<semaphore_mem>>)
      %dma_start3A_2527 = arith.constant 0 : i32
      %dma_start3A_2528 = arith.constant 0 : i32
      %dma_start3A_2529 = tpu.memref_slice %arg2[%dma_start3A_2527, %dma_start3A_2528] : memref<401408x128xf32, #tpu.memory_space<hbm>> -> memref<401408x128xf32, #tpu.memory_space<hbm>>
      tpu.enqueue_indirect_dma source(%dma_start3A_2529 : memref<401408x128xf32, #tpu.memory_space<hbm>>) target(%arg31 : memref<64x128xf32, #tpu.memory_space<vmem>>) offsets(%arg19 : memref<64xi32, #tpu.memory_space<vmem>>) semaphore(%arg35 : memref<!tpu.dma_semaphore, #tpu.memory_space<semaphore_mem>>)
      %dma_wait3A_2530 = arith.constant 0 : i32
      %dma_wait3A_2531 = arith.constant 0 : i32
      %dma_wait3A_2532 = tpu.memref_slice %arg2[%dma_wait3A_2530, %dma_wait3A_2531] : memref<401408x128xf32, #tpu.memory_space<hbm>> -> memref<401408x128xf32, #tpu.memory_space<hbm>>
      tpu.wait_indirect_dma semaphore(%arg34 : memref<!tpu.dma_semaphore, #tpu.memory_space<semaphore_mem>>) src(%dma_wait3A_2532 : memref<401408x128xf32, #tpu.memory_space<hbm>>) dst(%arg24 : memref<64x128xf32, #tpu.memory_space<vmem>>)
      %dma_wait3A_2533 = arith.constant 0 : i32
      %dma_wait3A_2534 = arith.constant 0 : i32
      %dma_wait3A_2535 = tpu.memref_slice %arg2[%dma_wait3A_2533, %dma_wait3A_2534] : memref<401408x128xf32, #tpu.memory_space<hbm>> -> memref<401408x128xf32, #tpu.memory_space<hbm>>
      tpu.wait_indirect_dma semaphore(%arg34 : memref<!tpu.dma_semaphore, #tpu.memory_space<semaphore_mem>>) src(%dma_wait3A_2535 : memref<401408x128xf32, #tpu.memory_space<hbm>>) dst(%arg25 : memref<64x128xf32, #tpu.memory_space<vmem>>)
      %dma_wait3A_2536 = arith.constant 0 : i32
      %dma_wait3A_2537 = arith.constant 0 : i32
      %dma_wait3A_2538 = tpu.memref_slice %arg2[%dma_wait3A_2536, %dma_wait3A_2537] : memref<401408x128xf32, #tpu.memory_space<hbm>> -> memref<401408x128xf32, #tpu.memory_space<hbm>>
      tpu.wait_indirect_dma semaphore(%arg34 : memref<!tpu.dma_semaphore, #tpu.memory_space<semaphore_mem>>) src(%dma_wait3A_2538 : memref<401408x128xf32, #tpu.memory_space<hbm>>) dst(%arg26 : memref<64x128xf32, #tpu.memory_space<vmem>>)
      %dma_wait3A_2539 = arith.constant 0 : i32
      %dma_wait3A_2540 = arith.constant 0 : i32
      %dma_wait3A_2541 = tpu.memref_slice %arg2[%dma_wait3A_2539, %dma_wait3A_2540] : memref<401408x128xf32, #tpu.memory_space<hbm>> -> memref<401408x128xf32, #tpu.memory_space<hbm>>
      tpu.wait_indirect_dma semaphore(%arg34 : memref<!tpu.dma_semaphore, #tpu.memory_space<semaphore_mem>>) src(%dma_wait3A_2541 : memref<401408x128xf32, #tpu.memory_space<hbm>>) dst(%arg27 : memref<64x128xf32, #tpu.memory_space<vmem>>)
      %dma_wait3A_2542 = arith.constant 0 : i32
      %dma_wait3A_2543 = tpu.memref_slice %arg5[%mul3A_2, %dma_wait3A_2542] : memref<401408x96xf32, #tpu.memory_space<hbm>> -> memref<64x96xf32, #tpu.memory_space<hbm>>
      %dma_wait3A_2544 = arith.constant 0 : i32
      %dma_wait3A_2545 = tpu.memref_slice %arg5[%mul3A_2, %dma_wait3A_2544] : memref<401408x96xf32, #tpu.memory_space<hbm>> -> memref<64x96xf32, #tpu.memory_space<hbm>>
      tpu.wait_dma2 semaphore(%arg36 : memref<!tpu.dma_semaphore, #tpu.memory_space<semaphore_mem>>) src(%arg32 : memref<64x96xf32, #tpu.memory_space<vmem>>) dst(%dma_wait3A_2545 : memref<64x96xf32, #tpu.memory_space<hbm>>)
      %mul3A_2546 = arith.constant 64 : i32
      %mul3A_2547 = arith.muli %mul3A_2037, %mul3A_2546 : i32
      %add3A_2548 = arith.addi %mul3A_2, %mul3A_2547 : i32
      %dma_start3A_2549 = arith.constant 0 : i32
      %dma_start3A_2550 = tpu.memref_slice %arg5[%add3A_2548, %dma_start3A_2549] : memref<401408x96xf32, #tpu.memory_space<hbm>> -> memref<64x96xf32, #tpu.memory_space<hbm>>
      %dma_start3A_2551 = arith.constant 0 : i32
      %dma_start3A_2552 = tpu.memref_slice %arg5[%add3A_2548, %dma_start3A_2551] : memref<401408x96xf32, #tpu.memory_space<hbm>> -> memref<64x96xf32, #tpu.memory_space<hbm>>
      tpu.enqueue_dma source(%arg32 : memref<64x96xf32, #tpu.memory_space<vmem>>) target(%dma_start3A_2552 : memref<64x96xf32, #tpu.memory_space<hbm>>) target_semaphore(%arg36 : memref<!tpu.dma_semaphore, #tpu.memory_space<semaphore_mem>>)
      %add3A_2553 = arith.constant 2 : i32
      %add3A_2554 = arith.addi %mul3A_2037, %add3A_2553 : i32
      %mul3A_2555 = arith.constant 64 : i32
      %mul3A_2556 = arith.muli %add3A_2554, %mul3A_2555 : i32
      %add3A_2557 = arith.addi %mul3A_2, %mul3A_2556 : i32
      "tpu.region"() ({
        %run_scoped3A = tpu.sem_alloc : memref<!tpu.dma_semaphore, #tpu.memory_space<semaphore_mem>>
        %dma_start3A_3072 = tpu.memref_slice %arg3[%add3A_2557] : memref<401408xf32, #tpu.memory_space<hbm>> -> memref<64xf32, #tpu.memory_space<hbm>>
        %dma_start3A_3073 = tpu.memref_slice %arg3[%add3A_2557] : memref<401408xf32, #tpu.memory_space<hbm>> -> memref<64xf32, #tpu.memory_space<hbm>>
        tpu.enqueue_dma source(%dma_start3A_3073 : memref<64xf32, #tpu.memory_space<hbm>>) target(%arg6 : memref<64xf32, #tpu.memory_space<vmem>>) target_semaphore(%run_scoped3A : memref<!tpu.dma_semaphore, #tpu.memory_space<semaphore_mem>>)
        %dma_wait3A_3074 = tpu.memref_slice %arg3[%add3A_2557] : memref<401408xf32, #tpu.memory_space<hbm>> -> memref<64xf32, #tpu.memory_space<hbm>>
        %dma_wait3A_3075 = tpu.memref_slice %arg3[%add3A_2557] : memref<401408xf32, #tpu.memory_space<hbm>> -> memref<64xf32, #tpu.memory_space<hbm>>
        tpu.wait_dma2 semaphore(%run_scoped3A : memref<!tpu.dma_semaphore, #tpu.memory_space<semaphore_mem>>) src(%dma_wait3A_3075 : memref<64xf32, #tpu.memory_space<hbm>>) dst(%arg6 : memref<64xf32, #tpu.memory_space<vmem>>)
        tpu.yield
      }) : () -> ()
      %mul3A_2558 = arith.constant 64 : i32
      %mul3A_2559 = arith.muli %add3A_2554, %mul3A_2558 : i32
      %add3A_2560 = arith.addi %mul3A_2, %mul3A_2559 : i32
      "tpu.region"() ({
        %run_scoped3A = tpu.sem_alloc : memref<!tpu.dma_semaphore, #tpu.memory_space<semaphore_mem>>
        %dma_start3A_3072 = tpu.memref_slice %arg4[%add3A_2560] : memref<401408xf32, #tpu.memory_space<hbm>> -> memref<64xf32, #tpu.memory_space<hbm>>
        %dma_start3A_3073 = tpu.memref_slice %arg4[%add3A_2560] : memref<401408xf32, #tpu.memory_space<hbm>> -> memref<64xf32, #tpu.memory_space<hbm>>
        tpu.enqueue_dma source(%dma_start3A_3073 : memref<64xf32, #tpu.memory_space<hbm>>) target(%arg7 : memref<64xf32, #tpu.memory_space<vmem>>) target_semaphore(%run_scoped3A : memref<!tpu.dma_semaphore, #tpu.memory_space<semaphore_mem>>)
        %dma_wait3A_3074 = tpu.memref_slice %arg4[%add3A_2560] : memref<401408xf32, #tpu.memory_space<hbm>> -> memref<64xf32, #tpu.memory_space<hbm>>
        %dma_wait3A_3075 = tpu.memref_slice %arg4[%add3A_2560] : memref<401408xf32, #tpu.memory_space<hbm>> -> memref<64xf32, #tpu.memory_space<hbm>>
        tpu.wait_dma2 semaphore(%run_scoped3A : memref<!tpu.dma_semaphore, #tpu.memory_space<semaphore_mem>>) src(%dma_wait3A_3075 : memref<64xf32, #tpu.memory_space<hbm>>) dst(%arg7 : memref<64xf32, #tpu.memory_space<vmem>>)
        tpu.yield
      }) : () -> ()
      %get3A_2561 = arith.constant 0 : index
      %get3A_2562 = tpu.vector_load %arg6[%get3A_2561] {strides = array<i32>} : memref<64xf32, #tpu.memory_space<vmem>>, vector<16xf32>,
      %get3A_2563 = vector.shape_cast %get3A_2562 : vector<16xf32> to vector<16xf32>
      %get3A_2564 = arith.constant 0 : index
      %get3A_2565 = tpu.vector_load %arg7[%get3A_2564] {strides = array<i32>} : memref<64xf32, #tpu.memory_space<vmem>>, vector<16xf32>,
      %get3A_2566 = vector.shape_cast %get3A_2565 : vector<16xf32> to vector<16xf32>
      %convert_element_type3A_2567 = arith.fptosi %get3A_2563 : vector<16xf32> to vector<16xi32>
      %convert_element_type3A_2568 = arith.sitofp %convert_element_type3A_2567 : vector<16xi32> to vector<16xf32>
      %lt3A_2569 = arith.cmpf olt, %get3A_2563, %convert_element_type3A_2568 : vector<16xf32>
      %sub3A_2570 = arith.constant 1 : i32
      %sub3A_2571 = vector.broadcast %sub3A_2570 : i32 to vector<16xi32>
      %sub3A_2572 = arith.subi %convert_element_type3A_2567, %sub3A_2571 : vector<16xi32>
      %select_n3A_2573 = arith.select %lt3A_2569, %sub3A_2572, %convert_element_type3A_2567 : vector<16xi1>, vector<16xi32>
      %convert_element_type3A_2574 = arith.fptosi %get3A_2566 : vector<16xf32> to vector<16xi32>
      %convert_element_type3A_2575 = arith.sitofp %convert_element_type3A_2574 : vector<16xi32> to vector<16xf32>
      %lt3A_2576 = arith.cmpf olt, %get3A_2566, %convert_element_type3A_2575 : vector<16xf32>
      %sub3A_2577 = arith.constant 1 : i32
      %sub3A_2578 = vector.broadcast %sub3A_2577 : i32 to vector<16xi32>
      %sub3A_2579 = arith.subi %convert_element_type3A_2574, %sub3A_2578 : vector<16xi32>
      %select_n3A_2580 = arith.select %lt3A_2576, %sub3A_2579, %convert_element_type3A_2574 : vector<16xi1>, vector<16xi32>
      %convert_element_type3A_2581 = arith.sitofp %select_n3A_2573 : vector<16xi32> to vector<16xf32>
      %sub3A_2582 = arith.subf %get3A_2563, %convert_element_type3A_2581 : vector<16xf32>
      %convert_element_type3A_2583 = arith.sitofp %select_n3A_2580 : vector<16xi32> to vector<16xf32>
      %sub3A_2584 = arith.subf %get3A_2566, %convert_element_type3A_2583 : vector<16xf32>
      %ge3A_2585 = arith.constant 0 : i32
      %ge3A_2586 = vector.broadcast %ge3A_2585 : i32 to vector<16xi32>
      %ge3A_2587 = arith.cmpi sge, %select_n3A_2573, %ge3A_2586 : vector<16xi32>
      %le3A_2588 = arith.constant 222 : i32
      %le3A_2589 = vector.broadcast %le3A_2588 : i32 to vector<16xi32>
      %le3A_2590 = arith.cmpi sle, %select_n3A_2573, %le3A_2589 : vector<16xi32>
      %and3A_2591 = arith.andi %ge3A_2587, %le3A_2590 : vector<16xi1>
      %ge3A_2592 = arith.constant 0 : i32
      %ge3A_2593 = vector.broadcast %ge3A_2592 : i32 to vector<16xi32>
      %ge3A_2594 = arith.cmpi sge, %select_n3A_2580, %ge3A_2593 : vector<16xi32>
      %and3A_2595 = arith.andi %and3A_2591, %ge3A_2594 : vector<16xi1>
      %le3A_2596 = arith.constant 222 : i32
      %le3A_2597 = vector.broadcast %le3A_2596 : i32 to vector<16xi32>
      %le3A_2598 = arith.cmpi sle, %select_n3A_2580, %le3A_2597 : vector<16xi32>
      %and3A_2599 = arith.andi %and3A_2595, %le3A_2598 : vector<16xi1>
      %jit3A_2600 = arith.constant 1.000000e+00 : f32
      %jit3A_2601 = arith.constant 0.000000e+00 : f32
      %broadcast_in_dim3A_2602 = vector.broadcast %jit3A_2600 : f32 to vector<16xf32>
      %broadcast_in_dim3A_2603 = vector.broadcast %jit3A_2601 : f32 to vector<16xf32>
      %select_n3A_2604 = arith.select %and3A_2599, %broadcast_in_dim3A_2602, %broadcast_in_dim3A_2603 : vector<16xi1>, vector<16xf32>
      %jit3A_2605 = arith.constant 0 : i32
      %jit3A_2606 = arith.constant 222 : i32
      %max3A_2607 = vector.broadcast %jit3A_2605 : i32 to vector<16xi32>
      %max3A_2608 = arith.maxsi %max3A_2607, %select_n3A_2573 : vector<16xi32>
      %min3A_2609 = vector.broadcast %jit3A_2606 : i32 to vector<16xi32>
      %min3A_2610 = arith.minsi %min3A_2609, %max3A_2608 : vector<16xi32>
      %jit3A_2611 = arith.constant 0 : i32
      %jit3A_2612 = arith.constant 222 : i32
      %max3A_2613 = vector.broadcast %jit3A_2611 : i32 to vector<16xi32>
      %max3A_2614 = arith.maxsi %max3A_2613, %select_n3A_2580 : vector<16xi32>
      %min3A_2615 = vector.broadcast %jit3A_2612 : i32 to vector<16xi32>
      %min3A_2616 = arith.minsi %min3A_2615, %max3A_2614 : vector<16xi32>
      %mul3A_2617 = arith.constant 224 : i32
      %mul3A_2618 = vector.broadcast %mul3A_2617 : i32 to vector<16xi32>
      %mul3A_2619 = arith.muli %min3A_2616, %mul3A_2618 : vector<16xi32>
      %add3A_2620 = vector.broadcast %mul3A_5 : i32 to vector<16xi32>
      %add3A_2621 = arith.addi %add3A_2620, %mul3A_2619 : vector<16xi32>
      %add3A_2622 = arith.addi %add3A_2621, %min3A_2610 : vector<16xi32>
      %swap3A_2623 = arith.constant 0 : index
      %swap3A_2624 = tpu.vector_load %arg8[%swap3A_2623] {strides = array<i32>} : memref<64xi32, #tpu.memory_space<vmem>>, vector<16xi32>,
      %swap3A_2625 = vector.shape_cast %swap3A_2624 : vector<16xi32> to vector<16xi32>
      %swap3A_2626 = vector.shape_cast %add3A_2622 : vector<16xi32> to vector<16xi32>
      tpu.vector_store %arg8[%swap3A_2623], %swap3A_2626 {strides = array<i32>} : memref<64xi32, #tpu.memory_space<vmem>>, vector<16xi32>,
      %add3A_2627 = arith.constant 1 : i32
      %add3A_2628 = vector.broadcast %add3A_2627 : i32 to vector<16xi32>
      %add3A_2629 = arith.addi %add3A_2622, %add3A_2628 : vector<16xi32>
      %swap3A_2630 = arith.constant 0 : index
      %swap3A_2631 = tpu.vector_load %arg9[%swap3A_2630] {strides = array<i32>} : memref<64xi32, #tpu.memory_space<vmem>>, vector<16xi32>,
      %swap3A_2632 = vector.shape_cast %swap3A_2631 : vector<16xi32> to vector<16xi32>
      %swap3A_2633 = vector.shape_cast %add3A_2629 : vector<16xi32> to vector<16xi32>
      tpu.vector_store %arg9[%swap3A_2630], %swap3A_2633 {strides = array<i32>} : memref<64xi32, #tpu.memory_space<vmem>>, vector<16xi32>,
      %add3A_2634 = arith.constant 224 : i32
      %add3A_2635 = vector.broadcast %add3A_2634 : i32 to vector<16xi32>
      %add3A_2636 = arith.addi %add3A_2622, %add3A_2635 : vector<16xi32>
      %swap3A_2637 = arith.constant 0 : index
      %swap3A_2638 = tpu.vector_load %arg10[%swap3A_2637] {strides = array<i32>} : memref<64xi32, #tpu.memory_space<vmem>>, vector<16xi32>,
      %swap3A_2639 = vector.shape_cast %swap3A_2638 : vector<16xi32> to vector<16xi32>
      %swap3A_2640 = vector.shape_cast %add3A_2636 : vector<16xi32> to vector<16xi32>
      tpu.vector_store %arg10[%swap3A_2637], %swap3A_2640 {strides = array<i32>} : memref<64xi32, #tpu.memory_space<vmem>>, vector<16xi32>,
      %add3A_2641 = arith.constant 224 : i32
      %add3A_2642 = vector.broadcast %add3A_2641 : i32 to vector<16xi32>
      %add3A_2643 = arith.addi %add3A_2622, %add3A_2642 : vector<16xi32>
      %add3A_2644 = arith.constant 1 : i32
      %add3A_2645 = vector.broadcast %add3A_2644 : i32 to vector<16xi32>
      %add3A_2646 = arith.addi %add3A_2643, %add3A_2645 : vector<16xi32>
      %swap3A_2647 = arith.constant 0 : index
      %swap3A_2648 = tpu.vector_load %arg11[%swap3A_2647] {strides = array<i32>} : memref<64xi32, #tpu.memory_space<vmem>>, vector<16xi32>,
      %swap3A_2649 = vector.shape_cast %swap3A_2648 : vector<16xi32> to vector<16xi32>
      %swap3A_2650 = vector.shape_cast %add3A_2646 : vector<16xi32> to vector<16xi32>
      tpu.vector_store %arg11[%swap3A_2647], %swap3A_2650 {strides = array<i32>} : memref<64xi32, #tpu.memory_space<vmem>>, vector<16xi32>,
      %mul3A_2651 = arith.mulf %sub3A_2582, %select_n3A_2604 : vector<16xf32>
      %sub3A_2652 = arith.subf %select_n3A_2604, %mul3A_2651 : vector<16xf32>
      %sub3A_2653 = arith.constant 1.000000e+00 : f32
      %sub3A_2654 = vector.broadcast %sub3A_2653 : f32 to vector<16xf32>
      %sub3A_2655 = arith.subf %sub3A_2654, %sub3A_2584 : vector<16xf32>
      %mul3A_2656 = arith.mulf %sub3A_2652, %sub3A_2655 : vector<16xf32>
      %swap3A_2657 = arith.constant 0 : index
      %swap3A_2658 = tpu.vector_load %arg12[%swap3A_2657] {strides = array<i32>} : memref<64xf32, #tpu.memory_space<vmem>>, vector<16xf32>,
      %swap3A_2659 = vector.shape_cast %swap3A_2658 : vector<16xf32> to vector<16xf32>
      %swap3A_2660 = vector.shape_cast %mul3A_2656 : vector<16xf32> to vector<16xf32>
      tpu.vector_store %arg12[%swap3A_2657], %swap3A_2660 {strides = array<i32>} : memref<64xf32, #tpu.memory_space<vmem>>, vector<16xf32>,
      %sub3A_2661 = arith.constant 1.000000e+00 : f32
      %sub3A_2662 = vector.broadcast %sub3A_2661 : f32 to vector<16xf32>
      %sub3A_2663 = arith.subf %sub3A_2662, %sub3A_2584 : vector<16xf32>
      %mul3A_2664 = arith.mulf %mul3A_2651, %sub3A_2663 : vector<16xf32>
      %swap3A_2665 = arith.constant 0 : index
      %swap3A_2666 = tpu.vector_load %arg13[%swap3A_2665] {strides = array<i32>} : memref<64xf32, #tpu.memory_space<vmem>>, vector<16xf32>,
      %swap3A_2667 = vector.shape_cast %swap3A_2666 : vector<16xf32> to vector<16xf32>
      %swap3A_2668 = vector.shape_cast %mul3A_2664 : vector<16xf32> to vector<16xf32>
      tpu.vector_store %arg13[%swap3A_2665], %swap3A_2668 {strides = array<i32>} : memref<64xf32, #tpu.memory_space<vmem>>, vector<16xf32>,
      %mul3A_2669 = arith.mulf %sub3A_2652, %sub3A_2584 : vector<16xf32>
      %swap3A_2670 = arith.constant 0 : index
      %swap3A_2671 = tpu.vector_load %arg14[%swap3A_2670] {strides = array<i32>} : memref<64xf32, #tpu.memory_space<vmem>>, vector<16xf32>,
      %swap3A_2672 = vector.shape_cast %swap3A_2671 : vector<16xf32> to vector<16xf32>
      %swap3A_2673 = vector.shape_cast %mul3A_2669 : vector<16xf32> to vector<16xf32>
      tpu.vector_store %arg14[%swap3A_2670], %swap3A_2673 {strides = array<i32>} : memref<64xf32, #tpu.memory_space<vmem>>, vector<16xf32>,
      %mul3A_2674 = arith.mulf %mul3A_2651, %sub3A_2584 : vector<16xf32>
      %swap3A_2675 = arith.constant 0 : index
      %swap3A_2676 = tpu.vector_load %arg15[%swap3A_2675] {strides = array<i32>} : memref<64xf32, #tpu.memory_space<vmem>>, vector<16xf32>,
      %swap3A_2677 = vector.shape_cast %swap3A_2676 : vector<16xf32> to vector<16xf32>
      %swap3A_2678 = vector.shape_cast %mul3A_2674 : vector<16xf32> to vector<16xf32>
      tpu.vector_store %arg15[%swap3A_2675], %swap3A_2678 {strides = array<i32>} : memref<64xf32, #tpu.memory_space<vmem>>, vector<16xf32>,
      %get3A_2679 = arith.constant 16 : index
      %get3A_2680 = tpu.vector_load %arg6[%get3A_2679] {strides = array<i32>} : memref<64xf32, #tpu.memory_space<vmem>>, vector<16xf32>,
      %get3A_2681 = vector.shape_cast %get3A_2680 : vector<16xf32> to vector<16xf32>
      %get3A_2682 = arith.constant 16 : index
      %get3A_2683 = tpu.vector_load %arg7[%get3A_2682] {strides = array<i32>} : memref<64xf32, #tpu.memory_space<vmem>>, vector<16xf32>,
      %get3A_2684 = vector.shape_cast %get3A_2683 : vector<16xf32> to vector<16xf32>
      %convert_element_type3A_2685 = arith.fptosi %get3A_2681 : vector<16xf32> to vector<16xi32>
      %convert_element_type3A_2686 = arith.sitofp %convert_element_type3A_2685 : vector<16xi32> to vector<16xf32>
      %lt3A_2687 = arith.cmpf olt, %get3A_2681, %convert_element_type3A_2686 : vector<16xf32>
      %sub3A_2688 = arith.constant 1 : i32
      %sub3A_2689 = vector.broadcast %sub3A_2688 : i32 to vector<16xi32>
      %sub3A_2690 = arith.subi %convert_element_type3A_2685, %sub3A_2689 : vector<16xi32>
      %select_n3A_2691 = arith.select %lt3A_2687, %sub3A_2690, %convert_element_type3A_2685 : vector<16xi1>, vector<16xi32>
      %convert_element_type3A_2692 = arith.fptosi %get3A_2684 : vector<16xf32> to vector<16xi32>
      %convert_element_type3A_2693 = arith.sitofp %convert_element_type3A_2692 : vector<16xi32> to vector<16xf32>
      %lt3A_2694 = arith.cmpf olt, %get3A_2684, %convert_element_type3A_2693 : vector<16xf32>
      %sub3A_2695 = arith.constant 1 : i32
      %sub3A_2696 = vector.broadcast %sub3A_2695 : i32 to vector<16xi32>
      %sub3A_2697 = arith.subi %convert_element_type3A_2692, %sub3A_2696 : vector<16xi32>
      %select_n3A_2698 = arith.select %lt3A_2694, %sub3A_2697, %convert_element_type3A_2692 : vector<16xi1>, vector<16xi32>
      %convert_element_type3A_2699 = arith.sitofp %select_n3A_2691 : vector<16xi32> to vector<16xf32>
      %sub3A_2700 = arith.subf %get3A_2681, %convert_element_type3A_2699 : vector<16xf32>
      %convert_element_type3A_2701 = arith.sitofp %select_n3A_2698 : vector<16xi32> to vector<16xf32>
      %sub3A_2702 = arith.subf %get3A_2684, %convert_element_type3A_2701 : vector<16xf32>
      %ge3A_2703 = arith.constant 0 : i32
      %ge3A_2704 = vector.broadcast %ge3A_2703 : i32 to vector<16xi32>
      %ge3A_2705 = arith.cmpi sge, %select_n3A_2691, %ge3A_2704 : vector<16xi32>
      %le3A_2706 = arith.constant 222 : i32
      %le3A_2707 = vector.broadcast %le3A_2706 : i32 to vector<16xi32>
      %le3A_2708 = arith.cmpi sle, %select_n3A_2691, %le3A_2707 : vector<16xi32>
      %and3A_2709 = arith.andi %ge3A_2705, %le3A_2708 : vector<16xi1>
      %ge3A_2710 = arith.constant 0 : i32
      %ge3A_2711 = vector.broadcast %ge3A_2710 : i32 to vector<16xi32>
      %ge3A_2712 = arith.cmpi sge, %select_n3A_2698, %ge3A_2711 : vector<16xi32>
      %and3A_2713 = arith.andi %and3A_2709, %ge3A_2712 : vector<16xi1>
      %le3A_2714 = arith.constant 222 : i32
      %le3A_2715 = vector.broadcast %le3A_2714 : i32 to vector<16xi32>
      %le3A_2716 = arith.cmpi sle, %select_n3A_2698, %le3A_2715 : vector<16xi32>
      %and3A_2717 = arith.andi %and3A_2713, %le3A_2716 : vector<16xi1>
      %jit3A_2718 = arith.constant 1.000000e+00 : f32
      %jit3A_2719 = arith.constant 0.000000e+00 : f32
      %broadcast_in_dim3A_2720 = vector.broadcast %jit3A_2718 : f32 to vector<16xf32>
      %broadcast_in_dim3A_2721 = vector.broadcast %jit3A_2719 : f32 to vector<16xf32>
      %select_n3A_2722 = arith.select %and3A_2717, %broadcast_in_dim3A_2720, %broadcast_in_dim3A_2721 : vector<16xi1>, vector<16xf32>
      %jit3A_2723 = arith.constant 0 : i32
      %jit3A_2724 = arith.constant 222 : i32
      %max3A_2725 = vector.broadcast %jit3A_2723 : i32 to vector<16xi32>
      %max3A_2726 = arith.maxsi %max3A_2725, %select_n3A_2691 : vector<16xi32>
      %min3A_2727 = vector.broadcast %jit3A_2724 : i32 to vector<16xi32>
      %min3A_2728 = arith.minsi %min3A_2727, %max3A_2726 : vector<16xi32>
      %jit3A_2729 = arith.constant 0 : i32
      %jit3A_2730 = arith.constant 222 : i32
      %max3A_2731 = vector.broadcast %jit3A_2729 : i32 to vector<16xi32>
      %max3A_2732 = arith.maxsi %max3A_2731, %select_n3A_2698 : vector<16xi32>
      %min3A_2733 = vector.broadcast %jit3A_2730 : i32 to vector<16xi32>
      %min3A_2734 = arith.minsi %min3A_2733, %max3A_2732 : vector<16xi32>
      %mul3A_2735 = arith.constant 224 : i32
      %mul3A_2736 = vector.broadcast %mul3A_2735 : i32 to vector<16xi32>
      %mul3A_2737 = arith.muli %min3A_2734, %mul3A_2736 : vector<16xi32>
      %add3A_2738 = vector.broadcast %mul3A_5 : i32 to vector<16xi32>
      %add3A_2739 = arith.addi %add3A_2738, %mul3A_2737 : vector<16xi32>
      %add3A_2740 = arith.addi %add3A_2739, %min3A_2728 : vector<16xi32>
      %swap3A_2741 = arith.constant 16 : index
      %swap3A_2742 = tpu.vector_load %arg8[%swap3A_2741] {strides = array<i32>} : memref<64xi32, #tpu.memory_space<vmem>>, vector<16xi32>,
      %swap3A_2743 = vector.shape_cast %swap3A_2742 : vector<16xi32> to vector<16xi32>
      %swap3A_2744 = vector.shape_cast %add3A_2740 : vector<16xi32> to vector<16xi32>
      tpu.vector_store %arg8[%swap3A_2741], %swap3A_2744 {strides = array<i32>} : memref<64xi32, #tpu.memory_space<vmem>>, vector<16xi32>,
      %add3A_2745 = arith.constant 1 : i32
      %add3A_2746 = vector.broadcast %add3A_2745 : i32 to vector<16xi32>
      %add3A_2747 = arith.addi %add3A_2740, %add3A_2746 : vector<16xi32>
      %swap3A_2748 = arith.constant 16 : index
      %swap3A_2749 = tpu.vector_load %arg9[%swap3A_2748] {strides = array<i32>} : memref<64xi32, #tpu.memory_space<vmem>>, vector<16xi32>,
      %swap3A_2750 = vector.shape_cast %swap3A_2749 : vector<16xi32> to vector<16xi32>
      %swap3A_2751 = vector.shape_cast %add3A_2747 : vector<16xi32> to vector<16xi32>
      tpu.vector_store %arg9[%swap3A_2748], %swap3A_2751 {strides = array<i32>} : memref<64xi32, #tpu.memory_space<vmem>>, vector<16xi32>,
      %add3A_2752 = arith.constant 224 : i32
      %add3A_2753 = vector.broadcast %add3A_2752 : i32 to vector<16xi32>
      %add3A_2754 = arith.addi %add3A_2740, %add3A_2753 : vector<16xi32>
      %swap3A_2755 = arith.constant 16 : index
      %swap3A_2756 = tpu.vector_load %arg10[%swap3A_2755] {strides = array<i32>} : memref<64xi32, #tpu.memory_space<vmem>>, vector<16xi32>,
      %swap3A_2757 = vector.shape_cast %swap3A_2756 : vector<16xi32> to vector<16xi32>
      %swap3A_2758 = vector.shape_cast %add3A_2754 : vector<16xi32> to vector<16xi32>
      tpu.vector_store %arg10[%swap3A_2755], %swap3A_2758 {strides = array<i32>} : memref<64xi32, #tpu.memory_space<vmem>>, vector<16xi32>,
      %add3A_2759 = arith.constant 224 : i32
      %add3A_2760 = vector.broadcast %add3A_2759 : i32 to vector<16xi32>
      %add3A_2761 = arith.addi %add3A_2740, %add3A_2760 : vector<16xi32>
      %add3A_2762 = arith.constant 1 : i32
      %add3A_2763 = vector.broadcast %add3A_2762 : i32 to vector<16xi32>
      %add3A_2764 = arith.addi %add3A_2761, %add3A_2763 : vector<16xi32>
      %swap3A_2765 = arith.constant 16 : index
      %swap3A_2766 = tpu.vector_load %arg11[%swap3A_2765] {strides = array<i32>} : memref<64xi32, #tpu.memory_space<vmem>>, vector<16xi32>,
      %swap3A_2767 = vector.shape_cast %swap3A_2766 : vector<16xi32> to vector<16xi32>
      %swap3A_2768 = vector.shape_cast %add3A_2764 : vector<16xi32> to vector<16xi32>
      tpu.vector_store %arg11[%swap3A_2765], %swap3A_2768 {strides = array<i32>} : memref<64xi32, #tpu.memory_space<vmem>>, vector<16xi32>,
      %mul3A_2769 = arith.mulf %sub3A_2700, %select_n3A_2722 : vector<16xf32>
      %sub3A_2770 = arith.subf %select_n3A_2722, %mul3A_2769 : vector<16xf32>
      %sub3A_2771 = arith.constant 1.000000e+00 : f32
      %sub3A_2772 = vector.broadcast %sub3A_2771 : f32 to vector<16xf32>
      %sub3A_2773 = arith.subf %sub3A_2772, %sub3A_2702 : vector<16xf32>
      %mul3A_2774 = arith.mulf %sub3A_2770, %sub3A_2773 : vector<16xf32>
      %swap3A_2775 = arith.constant 16 : index
      %swap3A_2776 = tpu.vector_load %arg12[%swap3A_2775] {strides = array<i32>} : memref<64xf32, #tpu.memory_space<vmem>>, vector<16xf32>,
      %swap3A_2777 = vector.shape_cast %swap3A_2776 : vector<16xf32> to vector<16xf32>
      %swap3A_2778 = vector.shape_cast %mul3A_2774 : vector<16xf32> to vector<16xf32>
      tpu.vector_store %arg12[%swap3A_2775], %swap3A_2778 {strides = array<i32>} : memref<64xf32, #tpu.memory_space<vmem>>, vector<16xf32>,
      %sub3A_2779 = arith.constant 1.000000e+00 : f32
      %sub3A_2780 = vector.broadcast %sub3A_2779 : f32 to vector<16xf32>
      %sub3A_2781 = arith.subf %sub3A_2780, %sub3A_2702 : vector<16xf32>
      %mul3A_2782 = arith.mulf %mul3A_2769, %sub3A_2781 : vector<16xf32>
      %swap3A_2783 = arith.constant 16 : index
      %swap3A_2784 = tpu.vector_load %arg13[%swap3A_2783] {strides = array<i32>} : memref<64xf32, #tpu.memory_space<vmem>>, vector<16xf32>,
      %swap3A_2785 = vector.shape_cast %swap3A_2784 : vector<16xf32> to vector<16xf32>
      %swap3A_2786 = vector.shape_cast %mul3A_2782 : vector<16xf32> to vector<16xf32>
      tpu.vector_store %arg13[%swap3A_2783], %swap3A_2786 {strides = array<i32>} : memref<64xf32, #tpu.memory_space<vmem>>, vector<16xf32>,
      %mul3A_2787 = arith.mulf %sub3A_2770, %sub3A_2702 : vector<16xf32>
      %swap3A_2788 = arith.constant 16 : index
      %swap3A_2789 = tpu.vector_load %arg14[%swap3A_2788] {strides = array<i32>} : memref<64xf32, #tpu.memory_space<vmem>>, vector<16xf32>,
      %swap3A_2790 = vector.shape_cast %swap3A_2789 : vector<16xf32> to vector<16xf32>
      %swap3A_2791 = vector.shape_cast %mul3A_2787 : vector<16xf32> to vector<16xf32>
      tpu.vector_store %arg14[%swap3A_2788], %swap3A_2791 {strides = array<i32>} : memref<64xf32, #tpu.memory_space<vmem>>, vector<16xf32>,
      %mul3A_2792 = arith.mulf %mul3A_2769, %sub3A_2702 : vector<16xf32>
      %swap3A_2793 = arith.constant 16 : index
      %swap3A_2794 = tpu.vector_load %arg15[%swap3A_2793] {strides = array<i32>} : memref<64xf32, #tpu.memory_space<vmem>>, vector<16xf32>,
      %swap3A_2795 = vector.shape_cast %swap3A_2794 : vector<16xf32> to vector<16xf32>
      %swap3A_2796 = vector.shape_cast %mul3A_2792 : vector<16xf32> to vector<16xf32>
      tpu.vector_store %arg15[%swap3A_2793], %swap3A_2796 {strides = array<i32>} : memref<64xf32, #tpu.memory_space<vmem>>, vector<16xf32>,
      %get3A_2797 = arith.constant 32 : index
      %get3A_2798 = tpu.vector_load %arg6[%get3A_2797] {strides = array<i32>} : memref<64xf32, #tpu.memory_space<vmem>>, vector<16xf32>,
      %get3A_2799 = vector.shape_cast %get3A_2798 : vector<16xf32> to vector<16xf32>
      %get3A_2800 = arith.constant 32 : index
      %get3A_2801 = tpu.vector_load %arg7[%get3A_2800] {strides = array<i32>} : memref<64xf32, #tpu.memory_space<vmem>>, vector<16xf32>,
      %get3A_2802 = vector.shape_cast %get3A_2801 : vector<16xf32> to vector<16xf32>
      %convert_element_type3A_2803 = arith.fptosi %get3A_2799 : vector<16xf32> to vector<16xi32>
      %convert_element_type3A_2804 = arith.sitofp %convert_element_type3A_2803 : vector<16xi32> to vector<16xf32>
      %lt3A_2805 = arith.cmpf olt, %get3A_2799, %convert_element_type3A_2804 : vector<16xf32>
      %sub3A_2806 = arith.constant 1 : i32
      %sub3A_2807 = vector.broadcast %sub3A_2806 : i32 to vector<16xi32>
      %sub3A_2808 = arith.subi %convert_element_type3A_2803, %sub3A_2807 : vector<16xi32>
      %select_n3A_2809 = arith.select %lt3A_2805, %sub3A_2808, %convert_element_type3A_2803 : vector<16xi1>, vector<16xi32>
      %convert_element_type3A_2810 = arith.fptosi %get3A_2802 : vector<16xf32> to vector<16xi32>
      %convert_element_type3A_2811 = arith.sitofp %convert_element_type3A_2810 : vector<16xi32> to vector<16xf32>
      %lt3A_2812 = arith.cmpf olt, %get3A_2802, %convert_element_type3A_2811 : vector<16xf32>
      %sub3A_2813 = arith.constant 1 : i32
      %sub3A_2814 = vector.broadcast %sub3A_2813 : i32 to vector<16xi32>
      %sub3A_2815 = arith.subi %convert_element_type3A_2810, %sub3A_2814 : vector<16xi32>
      %select_n3A_2816 = arith.select %lt3A_2812, %sub3A_2815, %convert_element_type3A_2810 : vector<16xi1>, vector<16xi32>
      %convert_element_type3A_2817 = arith.sitofp %select_n3A_2809 : vector<16xi32> to vector<16xf32>
      %sub3A_2818 = arith.subf %get3A_2799, %convert_element_type3A_2817 : vector<16xf32>
      %convert_element_type3A_2819 = arith.sitofp %select_n3A_2816 : vector<16xi32> to vector<16xf32>
      %sub3A_2820 = arith.subf %get3A_2802, %convert_element_type3A_2819 : vector<16xf32>
      %ge3A_2821 = arith.constant 0 : i32
      %ge3A_2822 = vector.broadcast %ge3A_2821 : i32 to vector<16xi32>
      %ge3A_2823 = arith.cmpi sge, %select_n3A_2809, %ge3A_2822 : vector<16xi32>
      %le3A_2824 = arith.constant 222 : i32
      %le3A_2825 = vector.broadcast %le3A_2824 : i32 to vector<16xi32>
      %le3A_2826 = arith.cmpi sle, %select_n3A_2809, %le3A_2825 : vector<16xi32>
      %and3A_2827 = arith.andi %ge3A_2823, %le3A_2826 : vector<16xi1>
      %ge3A_2828 = arith.constant 0 : i32
      %ge3A_2829 = vector.broadcast %ge3A_2828 : i32 to vector<16xi32>
      %ge3A_2830 = arith.cmpi sge, %select_n3A_2816, %ge3A_2829 : vector<16xi32>
      %and3A_2831 = arith.andi %and3A_2827, %ge3A_2830 : vector<16xi1>
      %le3A_2832 = arith.constant 222 : i32
      %le3A_2833 = vector.broadcast %le3A_2832 : i32 to vector<16xi32>
      %le3A_2834 = arith.cmpi sle, %select_n3A_2816, %le3A_2833 : vector<16xi32>
      %and3A_2835 = arith.andi %and3A_2831, %le3A_2834 : vector<16xi1>
      %jit3A_2836 = arith.constant 1.000000e+00 : f32
      %jit3A_2837 = arith.constant 0.000000e+00 : f32
      %broadcast_in_dim3A_2838 = vector.broadcast %jit3A_2836 : f32 to vector<16xf32>
      %broadcast_in_dim3A_2839 = vector.broadcast %jit3A_2837 : f32 to vector<16xf32>
      %select_n3A_2840 = arith.select %and3A_2835, %broadcast_in_dim3A_2838, %broadcast_in_dim3A_2839 : vector<16xi1>, vector<16xf32>
      %jit3A_2841 = arith.constant 0 : i32
      %jit3A_2842 = arith.constant 222 : i32
      %max3A_2843 = vector.broadcast %jit3A_2841 : i32 to vector<16xi32>
      %max3A_2844 = arith.maxsi %max3A_2843, %select_n3A_2809 : vector<16xi32>
      %min3A_2845 = vector.broadcast %jit3A_2842 : i32 to vector<16xi32>
      %min3A_2846 = arith.minsi %min3A_2845, %max3A_2844 : vector<16xi32>
      %jit3A_2847 = arith.constant 0 : i32
      %jit3A_2848 = arith.constant 222 : i32
      %max3A_2849 = vector.broadcast %jit3A_2847 : i32 to vector<16xi32>
      %max3A_2850 = arith.maxsi %max3A_2849, %select_n3A_2816 : vector<16xi32>
      %min3A_2851 = vector.broadcast %jit3A_2848 : i32 to vector<16xi32>
      %min3A_2852 = arith.minsi %min3A_2851, %max3A_2850 : vector<16xi32>
      %mul3A_2853 = arith.constant 224 : i32
      %mul3A_2854 = vector.broadcast %mul3A_2853 : i32 to vector<16xi32>
      %mul3A_2855 = arith.muli %min3A_2852, %mul3A_2854 : vector<16xi32>
      %add3A_2856 = vector.broadcast %mul3A_5 : i32 to vector<16xi32>
      %add3A_2857 = arith.addi %add3A_2856, %mul3A_2855 : vector<16xi32>
      %add3A_2858 = arith.addi %add3A_2857, %min3A_2846 : vector<16xi32>
      %swap3A_2859 = arith.constant 32 : index
      %swap3A_2860 = tpu.vector_load %arg8[%swap3A_2859] {strides = array<i32>} : memref<64xi32, #tpu.memory_space<vmem>>, vector<16xi32>,
      %swap3A_2861 = vector.shape_cast %swap3A_2860 : vector<16xi32> to vector<16xi32>
      %swap3A_2862 = vector.shape_cast %add3A_2858 : vector<16xi32> to vector<16xi32>
      tpu.vector_store %arg8[%swap3A_2859], %swap3A_2862 {strides = array<i32>} : memref<64xi32, #tpu.memory_space<vmem>>, vector<16xi32>,
      %add3A_2863 = arith.constant 1 : i32
      %add3A_2864 = vector.broadcast %add3A_2863 : i32 to vector<16xi32>
      %add3A_2865 = arith.addi %add3A_2858, %add3A_2864 : vector<16xi32>
      %swap3A_2866 = arith.constant 32 : index
      %swap3A_2867 = tpu.vector_load %arg9[%swap3A_2866] {strides = array<i32>} : memref<64xi32, #tpu.memory_space<vmem>>, vector<16xi32>,
      %swap3A_2868 = vector.shape_cast %swap3A_2867 : vector<16xi32> to vector<16xi32>
      %swap3A_2869 = vector.shape_cast %add3A_2865 : vector<16xi32> to vector<16xi32>
      tpu.vector_store %arg9[%swap3A_2866], %swap3A_2869 {strides = array<i32>} : memref<64xi32, #tpu.memory_space<vmem>>, vector<16xi32>,
      %add3A_2870 = arith.constant 224 : i32
      %add3A_2871 = vector.broadcast %add3A_2870 : i32 to vector<16xi32>
      %add3A_2872 = arith.addi %add3A_2858, %add3A_2871 : vector<16xi32>
      %swap3A_2873 = arith.constant 32 : index
      %swap3A_2874 = tpu.vector_load %arg10[%swap3A_2873] {strides = array<i32>} : memref<64xi32, #tpu.memory_space<vmem>>, vector<16xi32>,
      %swap3A_2875 = vector.shape_cast %swap3A_2874 : vector<16xi32> to vector<16xi32>
      %swap3A_2876 = vector.shape_cast %add3A_2872 : vector<16xi32> to vector<16xi32>
      tpu.vector_store %arg10[%swap3A_2873], %swap3A_2876 {strides = array<i32>} : memref<64xi32, #tpu.memory_space<vmem>>, vector<16xi32>,
      %add3A_2877 = arith.constant 224 : i32
      %add3A_2878 = vector.broadcast %add3A_2877 : i32 to vector<16xi32>
      %add3A_2879 = arith.addi %add3A_2858, %add3A_2878 : vector<16xi32>
      %add3A_2880 = arith.constant 1 : i32
      %add3A_2881 = vector.broadcast %add3A_2880 : i32 to vector<16xi32>
      %add3A_2882 = arith.addi %add3A_2879, %add3A_2881 : vector<16xi32>
      %swap3A_2883 = arith.constant 32 : index
      %swap3A_2884 = tpu.vector_load %arg11[%swap3A_2883] {strides = array<i32>} : memref<64xi32, #tpu.memory_space<vmem>>, vector<16xi32>,
      %swap3A_2885 = vector.shape_cast %swap3A_2884 : vector<16xi32> to vector<16xi32>
      %swap3A_2886 = vector.shape_cast %add3A_2882 : vector<16xi32> to vector<16xi32>
      tpu.vector_store %arg11[%swap3A_2883], %swap3A_2886 {strides = array<i32>} : memref<64xi32, #tpu.memory_space<vmem>>, vector<16xi32>,
      %mul3A_2887 = arith.mulf %sub3A_2818, %select_n3A_2840 : vector<16xf32>
      %sub3A_2888 = arith.subf %select_n3A_2840, %mul3A_2887 : vector<16xf32>
      %sub3A_2889 = arith.constant 1.000000e+00 : f32
      %sub3A_2890 = vector.broadcast %sub3A_2889 : f32 to vector<16xf32>
      %sub3A_2891 = arith.subf %sub3A_2890, %sub3A_2820 : vector<16xf32>
      %mul3A_2892 = arith.mulf %sub3A_2888, %sub3A_2891 : vector<16xf32>
      %swap3A_2893 = arith.constant 32 : index
      %swap3A_2894 = tpu.vector_load %arg12[%swap3A_2893] {strides = array<i32>} : memref<64xf32, #tpu.memory_space<vmem>>, vector<16xf32>,
      %swap3A_2895 = vector.shape_cast %swap3A_2894 : vector<16xf32> to vector<16xf32>
      %swap3A_2896 = vector.shape_cast %mul3A_2892 : vector<16xf32> to vector<16xf32>
      tpu.vector_store %arg12[%swap3A_2893], %swap3A_2896 {strides = array<i32>} : memref<64xf32, #tpu.memory_space<vmem>>, vector<16xf32>,
      %sub3A_2897 = arith.constant 1.000000e+00 : f32
      %sub3A_2898 = vector.broadcast %sub3A_2897 : f32 to vector<16xf32>
      %sub3A_2899 = arith.subf %sub3A_2898, %sub3A_2820 : vector<16xf32>
      %mul3A_2900 = arith.mulf %mul3A_2887, %sub3A_2899 : vector<16xf32>
      %swap3A_2901 = arith.constant 32 : index
      %swap3A_2902 = tpu.vector_load %arg13[%swap3A_2901] {strides = array<i32>} : memref<64xf32, #tpu.memory_space<vmem>>, vector<16xf32>,
      %swap3A_2903 = vector.shape_cast %swap3A_2902 : vector<16xf32> to vector<16xf32>
      %swap3A_2904 = vector.shape_cast %mul3A_2900 : vector<16xf32> to vector<16xf32>
      tpu.vector_store %arg13[%swap3A_2901], %swap3A_2904 {strides = array<i32>} : memref<64xf32, #tpu.memory_space<vmem>>, vector<16xf32>,
      %mul3A_2905 = arith.mulf %sub3A_2888, %sub3A_2820 : vector<16xf32>
      %swap3A_2906 = arith.constant 32 : index
      %swap3A_2907 = tpu.vector_load %arg14[%swap3A_2906] {strides = array<i32>} : memref<64xf32, #tpu.memory_space<vmem>>, vector<16xf32>,
      %swap3A_2908 = vector.shape_cast %swap3A_2907 : vector<16xf32> to vector<16xf32>
      %swap3A_2909 = vector.shape_cast %mul3A_2905 : vector<16xf32> to vector<16xf32>
      tpu.vector_store %arg14[%swap3A_2906], %swap3A_2909 {strides = array<i32>} : memref<64xf32, #tpu.memory_space<vmem>>, vector<16xf32>,
      %mul3A_2910 = arith.mulf %mul3A_2887, %sub3A_2820 : vector<16xf32>
      %swap3A_2911 = arith.constant 32 : index
      %swap3A_2912 = tpu.vector_load %arg15[%swap3A_2911] {strides = array<i32>} : memref<64xf32, #tpu.memory_space<vmem>>, vector<16xf32>,
      %swap3A_2913 = vector.shape_cast %swap3A_2912 : vector<16xf32> to vector<16xf32>
      %swap3A_2914 = vector.shape_cast %mul3A_2910 : vector<16xf32> to vector<16xf32>
      tpu.vector_store %arg15[%swap3A_2911], %swap3A_2914 {strides = array<i32>} : memref<64xf32, #tpu.memory_space<vmem>>, vector<16xf32>,
      %get3A_2915 = arith.constant 48 : index
      %get3A_2916 = tpu.vector_load %arg6[%get3A_2915] {strides = array<i32>} : memref<64xf32, #tpu.memory_space<vmem>>, vector<16xf32>,
      %get3A_2917 = vector.shape_cast %get3A_2916 : vector<16xf32> to vector<16xf32>
      %get3A_2918 = arith.constant 48 : index
      %get3A_2919 = tpu.vector_load %arg7[%get3A_2918] {strides = array<i32>} : memref<64xf32, #tpu.memory_space<vmem>>, vector<16xf32>,
      %get3A_2920 = vector.shape_cast %get3A_2919 : vector<16xf32> to vector<16xf32>
      %convert_element_type3A_2921 = arith.fptosi %get3A_2917 : vector<16xf32> to vector<16xi32>
      %convert_element_type3A_2922 = arith.sitofp %convert_element_type3A_2921 : vector<16xi32> to vector<16xf32>
      %lt3A_2923 = arith.cmpf olt, %get3A_2917, %convert_element_type3A_2922 : vector<16xf32>
      %sub3A_2924 = arith.constant 1 : i32
      %sub3A_2925 = vector.broadcast %sub3A_2924 : i32 to vector<16xi32>
      %sub3A_2926 = arith.subi %convert_element_type3A_2921, %sub3A_2925 : vector<16xi32>
      %select_n3A_2927 = arith.select %lt3A_2923, %sub3A_2926, %convert_element_type3A_2921 : vector<16xi1>, vector<16xi32>
      %convert_element_type3A_2928 = arith.fptosi %get3A_2920 : vector<16xf32> to vector<16xi32>
      %convert_element_type3A_2929 = arith.sitofp %convert_element_type3A_2928 : vector<16xi32> to vector<16xf32>
      %lt3A_2930 = arith.cmpf olt, %get3A_2920, %convert_element_type3A_2929 : vector<16xf32>
      %sub3A_2931 = arith.constant 1 : i32
      %sub3A_2932 = vector.broadcast %sub3A_2931 : i32 to vector<16xi32>
      %sub3A_2933 = arith.subi %convert_element_type3A_2928, %sub3A_2932 : vector<16xi32>
      %select_n3A_2934 = arith.select %lt3A_2930, %sub3A_2933, %convert_element_type3A_2928 : vector<16xi1>, vector<16xi32>
      %convert_element_type3A_2935 = arith.sitofp %select_n3A_2927 : vector<16xi32> to vector<16xf32>
      %sub3A_2936 = arith.subf %get3A_2917, %convert_element_type3A_2935 : vector<16xf32>
      %convert_element_type3A_2937 = arith.sitofp %select_n3A_2934 : vector<16xi32> to vector<16xf32>
      %sub3A_2938 = arith.subf %get3A_2920, %convert_element_type3A_2937 : vector<16xf32>
      %ge3A_2939 = arith.constant 0 : i32
      %ge3A_2940 = vector.broadcast %ge3A_2939 : i32 to vector<16xi32>
      %ge3A_2941 = arith.cmpi sge, %select_n3A_2927, %ge3A_2940 : vector<16xi32>
      %le3A_2942 = arith.constant 222 : i32
      %le3A_2943 = vector.broadcast %le3A_2942 : i32 to vector<16xi32>
      %le3A_2944 = arith.cmpi sle, %select_n3A_2927, %le3A_2943 : vector<16xi32>
      %and3A_2945 = arith.andi %ge3A_2941, %le3A_2944 : vector<16xi1>
      %ge3A_2946 = arith.constant 0 : i32
      %ge3A_2947 = vector.broadcast %ge3A_2946 : i32 to vector<16xi32>
      %ge3A_2948 = arith.cmpi sge, %select_n3A_2934, %ge3A_2947 : vector<16xi32>
      %and3A_2949 = arith.andi %and3A_2945, %ge3A_2948 : vector<16xi1>
      %le3A_2950 = arith.constant 222 : i32
      %le3A_2951 = vector.broadcast %le3A_2950 : i32 to vector<16xi32>
      %le3A_2952 = arith.cmpi sle, %select_n3A_2934, %le3A_2951 : vector<16xi32>
      %and3A_2953 = arith.andi %and3A_2949, %le3A_2952 : vector<16xi1>
      %jit3A_2954 = arith.constant 1.000000e+00 : f32
      %jit3A_2955 = arith.constant 0.000000e+00 : f32
      %broadcast_in_dim3A_2956 = vector.broadcast %jit3A_2954 : f32 to vector<16xf32>
      %broadcast_in_dim3A_2957 = vector.broadcast %jit3A_2955 : f32 to vector<16xf32>
      %select_n3A_2958 = arith.select %and3A_2953, %broadcast_in_dim3A_2956, %broadcast_in_dim3A_2957 : vector<16xi1>, vector<16xf32>
      %jit3A_2959 = arith.constant 0 : i32
      %jit3A_2960 = arith.constant 222 : i32
      %max3A_2961 = vector.broadcast %jit3A_2959 : i32 to vector<16xi32>
      %max3A_2962 = arith.maxsi %max3A_2961, %select_n3A_2927 : vector<16xi32>
      %min3A_2963 = vector.broadcast %jit3A_2960 : i32 to vector<16xi32>
      %min3A_2964 = arith.minsi %min3A_2963, %max3A_2962 : vector<16xi32>
      %jit3A_2965 = arith.constant 0 : i32
      %jit3A_2966 = arith.constant 222 : i32
      %max3A_2967 = vector.broadcast %jit3A_2965 : i32 to vector<16xi32>
      %max3A_2968 = arith.maxsi %max3A_2967, %select_n3A_2934 : vector<16xi32>
      %min3A_2969 = vector.broadcast %jit3A_2966 : i32 to vector<16xi32>
      %min3A_2970 = arith.minsi %min3A_2969, %max3A_2968 : vector<16xi32>
      %mul3A_2971 = arith.constant 224 : i32
      %mul3A_2972 = vector.broadcast %mul3A_2971 : i32 to vector<16xi32>
      %mul3A_2973 = arith.muli %min3A_2970, %mul3A_2972 : vector<16xi32>
      %add3A_2974 = vector.broadcast %mul3A_5 : i32 to vector<16xi32>
      %add3A_2975 = arith.addi %add3A_2974, %mul3A_2973 : vector<16xi32>
      %add3A_2976 = arith.addi %add3A_2975, %min3A_2964 : vector<16xi32>
      %swap3A_2977 = arith.constant 48 : index
      %swap3A_2978 = tpu.vector_load %arg8[%swap3A_2977] {strides = array<i32>} : memref<64xi32, #tpu.memory_space<vmem>>, vector<16xi32>,
      %swap3A_2979 = vector.shape_cast %swap3A_2978 : vector<16xi32> to vector<16xi32>
      %swap3A_2980 = vector.shape_cast %add3A_2976 : vector<16xi32> to vector<16xi32>
      tpu.vector_store %arg8[%swap3A_2977], %swap3A_2980 {strides = array<i32>} : memref<64xi32, #tpu.memory_space<vmem>>, vector<16xi32>,
      %add3A_2981 = arith.constant 1 : i32
      %add3A_2982 = vector.broadcast %add3A_2981 : i32 to vector<16xi32>
      %add3A_2983 = arith.addi %add3A_2976, %add3A_2982 : vector<16xi32>
      %swap3A_2984 = arith.constant 48 : index
      %swap3A_2985 = tpu.vector_load %arg9[%swap3A_2984] {strides = array<i32>} : memref<64xi32, #tpu.memory_space<vmem>>, vector<16xi32>,
      %swap3A_2986 = vector.shape_cast %swap3A_2985 : vector<16xi32> to vector<16xi32>
      %swap3A_2987 = vector.shape_cast %add3A_2983 : vector<16xi32> to vector<16xi32>
      tpu.vector_store %arg9[%swap3A_2984], %swap3A_2987 {strides = array<i32>} : memref<64xi32, #tpu.memory_space<vmem>>, vector<16xi32>,
      %add3A_2988 = arith.constant 224 : i32
      %add3A_2989 = vector.broadcast %add3A_2988 : i32 to vector<16xi32>
      %add3A_2990 = arith.addi %add3A_2976, %add3A_2989 : vector<16xi32>
      %swap3A_2991 = arith.constant 48 : index
      %swap3A_2992 = tpu.vector_load %arg10[%swap3A_2991] {strides = array<i32>} : memref<64xi32, #tpu.memory_space<vmem>>, vector<16xi32>,
      %swap3A_2993 = vector.shape_cast %swap3A_2992 : vector<16xi32> to vector<16xi32>
      %swap3A_2994 = vector.shape_cast %add3A_2990 : vector<16xi32> to vector<16xi32>
      tpu.vector_store %arg10[%swap3A_2991], %swap3A_2994 {strides = array<i32>} : memref<64xi32, #tpu.memory_space<vmem>>, vector<16xi32>,
      %add3A_2995 = arith.constant 224 : i32
      %add3A_2996 = vector.broadcast %add3A_2995 : i32 to vector<16xi32>
      %add3A_2997 = arith.addi %add3A_2976, %add3A_2996 : vector<16xi32>
      %add3A_2998 = arith.constant 1 : i32
      %add3A_2999 = vector.broadcast %add3A_2998 : i32 to vector<16xi32>
      %add3A_3000 = arith.addi %add3A_2997, %add3A_2999 : vector<16xi32>
      %swap3A_3001 = arith.constant 48 : index
      %swap3A_3002 = tpu.vector_load %arg11[%swap3A_3001] {strides = array<i32>} : memref<64xi32, #tpu.memory_space<vmem>>, vector<16xi32>,
      %swap3A_3003 = vector.shape_cast %swap3A_3002 : vector<16xi32> to vector<16xi32>
      %swap3A_3004 = vector.shape_cast %add3A_3000 : vector<16xi32> to vector<16xi32>
      tpu.vector_store %arg11[%swap3A_3001], %swap3A_3004 {strides = array<i32>} : memref<64xi32, #tpu.memory_space<vmem>>, vector<16xi32>,
      %mul3A_3005 = arith.mulf %sub3A_2936, %select_n3A_2958 : vector<16xf32>
      %sub3A_3006 = arith.subf %select_n3A_2958, %mul3A_3005 : vector<16xf32>
      %sub3A_3007 = arith.constant 1.000000e+00 : f32
      %sub3A_3008 = vector.broadcast %sub3A_3007 : f32 to vector<16xf32>
      %sub3A_3009 = arith.subf %sub3A_3008, %sub3A_2938 : vector<16xf32>
      %mul3A_3010 = arith.mulf %sub3A_3006, %sub3A_3009 : vector<16xf32>
      %swap3A_3011 = arith.constant 48 : index
      %swap3A_3012 = tpu.vector_load %arg12[%swap3A_3011] {strides = array<i32>} : memref<64xf32, #tpu.memory_space<vmem>>, vector<16xf32>,
      %swap3A_3013 = vector.shape_cast %swap3A_3012 : vector<16xf32> to vector<16xf32>
      %swap3A_3014 = vector.shape_cast %mul3A_3010 : vector<16xf32> to vector<16xf32>
      tpu.vector_store %arg12[%swap3A_3011], %swap3A_3014 {strides = array<i32>} : memref<64xf32, #tpu.memory_space<vmem>>, vector<16xf32>,
      %sub3A_3015 = arith.constant 1.000000e+00 : f32
      %sub3A_3016 = vector.broadcast %sub3A_3015 : f32 to vector<16xf32>
      %sub3A_3017 = arith.subf %sub3A_3016, %sub3A_2938 : vector<16xf32>
      %mul3A_3018 = arith.mulf %mul3A_3005, %sub3A_3017 : vector<16xf32>
      %swap3A_3019 = arith.constant 48 : index
      %swap3A_3020 = tpu.vector_load %arg13[%swap3A_3019] {strides = array<i32>} : memref<64xf32, #tpu.memory_space<vmem>>, vector<16xf32>,
      %swap3A_3021 = vector.shape_cast %swap3A_3020 : vector<16xf32> to vector<16xf32>
      %swap3A_3022 = vector.shape_cast %mul3A_3018 : vector<16xf32> to vector<16xf32>
      tpu.vector_store %arg13[%swap3A_3019], %swap3A_3022 {strides = array<i32>} : memref<64xf32, #tpu.memory_space<vmem>>, vector<16xf32>,
      %mul3A_3023 = arith.mulf %sub3A_3006, %sub3A_2938 : vector<16xf32>
      %swap3A_3024 = arith.constant 48 : index
      %swap3A_3025 = tpu.vector_load %arg14[%swap3A_3024] {strides = array<i32>} : memref<64xf32, #tpu.memory_space<vmem>>, vector<16xf32>,
      %swap3A_3026 = vector.shape_cast %swap3A_3025 : vector<16xf32> to vector<16xf32>
      %swap3A_3027 = vector.shape_cast %mul3A_3023 : vector<16xf32> to vector<16xf32>
      tpu.vector_store %arg14[%swap3A_3024], %swap3A_3027 {strides = array<i32>} : memref<64xf32, #tpu.memory_space<vmem>>, vector<16xf32>,
      %mul3A_3028 = arith.mulf %mul3A_3005, %sub3A_2938 : vector<16xf32>
      %swap3A_3029 = arith.constant 48 : index
      %swap3A_3030 = tpu.vector_load %arg15[%swap3A_3029] {strides = array<i32>} : memref<64xf32, #tpu.memory_space<vmem>>, vector<16xf32>,
      %swap3A_3031 = vector.shape_cast %swap3A_3030 : vector<16xf32> to vector<16xf32>
      %swap3A_3032 = vector.shape_cast %mul3A_3028 : vector<16xf32> to vector<16xf32>
      tpu.vector_store %arg15[%swap3A_3029], %swap3A_3032 {strides = array<i32>} : memref<64xf32, #tpu.memory_space<vmem>>, vector<16xf32>,
      %dma_start3A_3033 = arith.constant 0 : i32
      %dma_start3A_3034 = arith.constant 0 : i32
      %dma_start3A_3035 = tpu.memref_slice %arg2[%dma_start3A_3033, %dma_start3A_3034] : memref<401408x128xf32, #tpu.memory_space<hbm>> -> memref<401408x128xf32, #tpu.memory_space<hbm>>
      tpu.enqueue_indirect_dma source(%dma_start3A_3035 : memref<401408x128xf32, #tpu.memory_space<hbm>>) target(%arg24 : memref<64x128xf32, #tpu.memory_space<vmem>>) offsets(%arg8 : memref<64xi32, #tpu.memory_space<vmem>>) semaphore(%arg34 : memref<!tpu.dma_semaphore, #tpu.memory_space<semaphore_mem>>)
      %dma_start3A_3036 = arith.constant 0 : i32
      %dma_start3A_3037 = arith.constant 0 : i32
      %dma_start3A_3038 = tpu.memref_slice %arg2[%dma_start3A_3036, %dma_start3A_3037] : memref<401408x128xf32, #tpu.memory_space<hbm>> -> memref<401408x128xf32, #tpu.memory_space<hbm>>
      tpu.enqueue_indirect_dma source(%dma_start3A_3038 : memref<401408x128xf32, #tpu.memory_space<hbm>>) target(%arg25 : memref<64x128xf32, #tpu.memory_space<vmem>>) offsets(%arg9 : memref<64xi32, #tpu.memory_space<vmem>>) semaphore(%arg34 : memref<!tpu.dma_semaphore, #tpu.memory_space<semaphore_mem>>)
      %dma_start3A_3039 = arith.constant 0 : i32
      %dma_start3A_3040 = arith.constant 0 : i32
      %dma_start3A_3041 = tpu.memref_slice %arg2[%dma_start3A_3039, %dma_start3A_3040] : memref<401408x128xf32, #tpu.memory_space<hbm>> -> memref<401408x128xf32, #tpu.memory_space<hbm>>
      tpu.enqueue_indirect_dma source(%dma_start3A_3041 : memref<401408x128xf32, #tpu.memory_space<hbm>>) target(%arg26 : memref<64x128xf32, #tpu.memory_space<vmem>>) offsets(%arg10 : memref<64xi32, #tpu.memory_space<vmem>>) semaphore(%arg34 : memref<!tpu.dma_semaphore, #tpu.memory_space<semaphore_mem>>)
      %dma_start3A_3042 = arith.constant 0 : i32
      %dma_start3A_3043 = arith.constant 0 : i32
      %dma_start3A_3044 = tpu.memref_slice %arg2[%dma_start3A_3042, %dma_start3A_3043] : memref<401408x128xf32, #tpu.memory_space<hbm>> -> memref<401408x128xf32, #tpu.memory_space<hbm>>
      tpu.enqueue_indirect_dma source(%dma_start3A_3044 : memref<401408x128xf32, #tpu.memory_space<hbm>>) target(%arg27 : memref<64x128xf32, #tpu.memory_space<vmem>>) offsets(%arg11 : memref<64xi32, #tpu.memory_space<vmem>>) semaphore(%arg34 : memref<!tpu.dma_semaphore, #tpu.memory_space<semaphore_mem>>)
      %dma_wait3A_3045 = arith.constant 0 : i32
      %dma_wait3A_3046 = arith.constant 0 : i32
      %dma_wait3A_3047 = tpu.memref_slice %arg2[%dma_wait3A_3045, %dma_wait3A_3046] : memref<401408x128xf32, #tpu.memory_space<hbm>> -> memref<401408x128xf32, #tpu.memory_space<hbm>>
      tpu.wait_indirect_dma semaphore(%arg35 : memref<!tpu.dma_semaphore, #tpu.memory_space<semaphore_mem>>) src(%dma_wait3A_3047 : memref<401408x128xf32, #tpu.memory_space<hbm>>) dst(%arg28 : memref<64x128xf32, #tpu.memory_space<vmem>>)
      %dma_wait3A_3048 = arith.constant 0 : i32
      %dma_wait3A_3049 = arith.constant 0 : i32
      %dma_wait3A_3050 = tpu.memref_slice %arg2[%dma_wait3A_3048, %dma_wait3A_3049] : memref<401408x128xf32, #tpu.memory_space<hbm>> -> memref<401408x128xf32, #tpu.memory_space<hbm>>
      tpu.wait_indirect_dma semaphore(%arg35 : memref<!tpu.dma_semaphore, #tpu.memory_space<semaphore_mem>>) src(%dma_wait3A_3050 : memref<401408x128xf32, #tpu.memory_space<hbm>>) dst(%arg29 : memref<64x128xf32, #tpu.memory_space<vmem>>)
      %dma_wait3A_3051 = arith.constant 0 : i32
      %dma_wait3A_3052 = arith.constant 0 : i32
      %dma_wait3A_3053 = tpu.memref_slice %arg2[%dma_wait3A_3051, %dma_wait3A_3052] : memref<401408x128xf32, #tpu.memory_space<hbm>> -> memref<401408x128xf32, #tpu.memory_space<hbm>>
      tpu.wait_indirect_dma semaphore(%arg35 : memref<!tpu.dma_semaphore, #tpu.memory_space<semaphore_mem>>) src(%dma_wait3A_3053 : memref<401408x128xf32, #tpu.memory_space<hbm>>) dst(%arg30 : memref<64x128xf32, #tpu.memory_space<vmem>>)
      %dma_wait3A_3054 = arith.constant 0 : i32
      %dma_wait3A_3055 = arith.constant 0 : i32
      %dma_wait3A_3056 = tpu.memref_slice %arg2[%dma_wait3A_3054, %dma_wait3A_3055] : memref<401408x128xf32, #tpu.memory_space<hbm>> -> memref<401408x128xf32, #tpu.memory_space<hbm>>
      tpu.wait_indirect_dma semaphore(%arg35 : memref<!tpu.dma_semaphore, #tpu.memory_space<semaphore_mem>>) src(%dma_wait3A_3056 : memref<401408x128xf32, #tpu.memory_space<hbm>>) dst(%arg31 : memref<64x128xf32, #tpu.memory_space<vmem>>)
      %dma_wait3A_3057 = arith.constant 0 : i32
      %dma_wait3A_3058 = tpu.memref_slice %arg5[%mul3A_2, %dma_wait3A_3057] : memref<401408x96xf32, #tpu.memory_space<hbm>> -> memref<64x96xf32, #tpu.memory_space<hbm>>
      %dma_wait3A_3059 = arith.constant 0 : i32
      %dma_wait3A_3060 = tpu.memref_slice %arg5[%mul3A_2, %dma_wait3A_3059] : memref<401408x96xf32, #tpu.memory_space<hbm>> -> memref<64x96xf32, #tpu.memory_space<hbm>>
      tpu.wait_dma2 semaphore(%arg37 : memref<!tpu.dma_semaphore, #tpu.memory_space<semaphore_mem>>) src(%arg33 : memref<64x96xf32, #tpu.memory_space<vmem>>) dst(%dma_wait3A_3060 : memref<64x96xf32, #tpu.memory_space<hbm>>)
      %add3A_3061 = arith.constant 1 : i32
      %add3A_3062 = arith.addi %mul3A_2037, %add3A_3061 : i32
      %add3A_3063 = arith.constant 1 : i32
      %add3A_3064 = arith.addi %mul3A_2037, %add3A_3063 : i32
      %mul3A_3065 = arith.constant 64 : i32
      %mul3A_3066 = arith.muli %add3A_3064, %mul3A_3065 : i32
      %add3A_3067 = arith.addi %mul3A_2, %mul3A_3066 : i32
      %dma_start3A_3068 = arith.constant 0 : i32
      %dma_start3A_3069 = tpu.memref_slice %arg5[%add3A_3067, %dma_start3A_3068] : memref<401408x96xf32, #tpu.memory_space<hbm>> -> memref<64x96xf32, #tpu.memory_space<hbm>>
      %dma_start3A_3070 = arith.constant 0 : i32
      %dma_start3A_3071 = tpu.memref_slice %arg5[%add3A_3067, %dma_start3A_3070] : memref<401408x96xf32, #tpu.memory_space<hbm>> -> memref<64x96xf32, #tpu.memory_space<hbm>>
      tpu.enqueue_dma source(%arg33 : memref<64x96xf32, #tpu.memory_space<vmem>>) target(%dma_start3A_3071 : memref<64x96xf32, #tpu.memory_space<hbm>>) target_semaphore(%arg37 : memref<!tpu.dma_semaphore, #tpu.memory_space<semaphore_mem>>)
    }
    %scan3A_1494 = arith.constant 3 : i32
    %add3A_1495 = arith.constant 12480 : i32
    %add3A_1496 = arith.addi %mul3A_2, %add3A_1495 : i32
    "tpu.region"() ({
      %run_scoped3A = tpu.sem_alloc : memref<!tpu.dma_semaphore, #tpu.memory_space<semaphore_mem>>
      %dma_start3A_2035 = tpu.memref_slice %arg3[%add3A_1496] : memref<401408xf32, #tpu.memory_space<hbm>> -> memref<64xf32, #tpu.memory_space<hbm>>
      %dma_start3A_2036 = tpu.memref_slice %arg3[%add3A_1496] : memref<401408xf32, #tpu.memory_space<hbm>> -> memref<64xf32, #tpu.memory_space<hbm>>
      tpu.enqueue_dma source(%dma_start3A_2036 : memref<64xf32, #tpu.memory_space<hbm>>) target(%arg6 : memref<64xf32, #tpu.memory_space<vmem>>) target_semaphore(%run_scoped3A : memref<!tpu.dma_semaphore, #tpu.memory_space<semaphore_mem>>)
      %dma_wait3A_2037 = tpu.memref_slice %arg3[%add3A_1496] : memref<401408xf32, #tpu.memory_space<hbm>> -> memref<64xf32, #tpu.memory_space<hbm>>
      %dma_wait3A_2038 = tpu.memref_slice %arg3[%add3A_1496] : memref<401408xf32, #tpu.memory_space<hbm>> -> memref<64xf32, #tpu.memory_space<hbm>>
      tpu.wait_dma2 semaphore(%run_scoped3A : memref<!tpu.dma_semaphore, #tpu.memory_space<semaphore_mem>>) src(%dma_wait3A_2038 : memref<64xf32, #tpu.memory_space<hbm>>) dst(%arg6 : memref<64xf32, #tpu.memory_space<vmem>>)
      tpu.yield
    }) : () -> ()
    %add3A_1497 = arith.constant 12480 : i32
    %add3A_1498 = arith.addi %mul3A_2, %add3A_1497 : i32
    "tpu.region"() ({
      %run_scoped3A = tpu.sem_alloc : memref<!tpu.dma_semaphore, #tpu.memory_space<semaphore_mem>>
      %dma_start3A_2035 = tpu.memref_slice %arg4[%add3A_1498] : memref<401408xf32, #tpu.memory_space<hbm>> -> memref<64xf32, #tpu.memory_space<hbm>>
      %dma_start3A_2036 = tpu.memref_slice %arg4[%add3A_1498] : memref<401408xf32, #tpu.memory_space<hbm>> -> memref<64xf32, #tpu.memory_space<hbm>>
      tpu.enqueue_dma source(%dma_start3A_2036 : memref<64xf32, #tpu.memory_space<hbm>>) target(%arg7 : memref<64xf32, #tpu.memory_space<vmem>>) target_semaphore(%run_scoped3A : memref<!tpu.dma_semaphore, #tpu.memory_space<semaphore_mem>>)
      %dma_wait3A_2037 = tpu.memref_slice %arg4[%add3A_1498] : memref<401408xf32, #tpu.memory_space<hbm>> -> memref<64xf32, #tpu.memory_space<hbm>>
      %dma_wait3A_2038 = tpu.memref_slice %arg4[%add3A_1498] : memref<401408xf32, #tpu.memory_space<hbm>> -> memref<64xf32, #tpu.memory_space<hbm>>
      tpu.wait_dma2 semaphore(%run_scoped3A : memref<!tpu.dma_semaphore, #tpu.memory_space<semaphore_mem>>) src(%dma_wait3A_2038 : memref<64xf32, #tpu.memory_space<hbm>>) dst(%arg7 : memref<64xf32, #tpu.memory_space<vmem>>)
      tpu.yield
    }) : () -> ()
    %get3A_1499 = arith.constant 0 : index
    %get3A_1500 = tpu.vector_load %arg6[%get3A_1499] {strides = array<i32>} : memref<64xf32, #tpu.memory_space<vmem>>, vector<16xf32>,
    %get3A_1501 = vector.shape_cast %get3A_1500 : vector<16xf32> to vector<16xf32>
    %get3A_1502 = arith.constant 0 : index
    %get3A_1503 = tpu.vector_load %arg7[%get3A_1502] {strides = array<i32>} : memref<64xf32, #tpu.memory_space<vmem>>, vector<16xf32>,
    %get3A_1504 = vector.shape_cast %get3A_1503 : vector<16xf32> to vector<16xf32>
    %convert_element_type3A_1505 = arith.fptosi %get3A_1501 : vector<16xf32> to vector<16xi32>
    %convert_element_type3A_1506 = arith.sitofp %convert_element_type3A_1505 : vector<16xi32> to vector<16xf32>
    %lt3A_1507 = arith.cmpf olt, %get3A_1501, %convert_element_type3A_1506 : vector<16xf32>
    %sub3A_1508 = arith.constant 1 : i32
    %sub3A_1509 = vector.broadcast %sub3A_1508 : i32 to vector<16xi32>
    %sub3A_1510 = arith.subi %convert_element_type3A_1505, %sub3A_1509 : vector<16xi32>
    %select_n3A_1511 = arith.select %lt3A_1507, %sub3A_1510, %convert_element_type3A_1505 : vector<16xi1>, vector<16xi32>
    %convert_element_type3A_1512 = arith.fptosi %get3A_1504 : vector<16xf32> to vector<16xi32>
    %convert_element_type3A_1513 = arith.sitofp %convert_element_type3A_1512 : vector<16xi32> to vector<16xf32>
    %lt3A_1514 = arith.cmpf olt, %get3A_1504, %convert_element_type3A_1513 : vector<16xf32>
    %sub3A_1515 = arith.constant 1 : i32
    %sub3A_1516 = vector.broadcast %sub3A_1515 : i32 to vector<16xi32>
    %sub3A_1517 = arith.subi %convert_element_type3A_1512, %sub3A_1516 : vector<16xi32>
    %select_n3A_1518 = arith.select %lt3A_1514, %sub3A_1517, %convert_element_type3A_1512 : vector<16xi1>, vector<16xi32>
    %convert_element_type3A_1519 = arith.sitofp %select_n3A_1511 : vector<16xi32> to vector<16xf32>
    %sub3A_1520 = arith.subf %get3A_1501, %convert_element_type3A_1519 : vector<16xf32>
    %convert_element_type3A_1521 = arith.sitofp %select_n3A_1518 : vector<16xi32> to vector<16xf32>
    %sub3A_1522 = arith.subf %get3A_1504, %convert_element_type3A_1521 : vector<16xf32>
    %ge3A_1523 = arith.constant 0 : i32
    %ge3A_1524 = vector.broadcast %ge3A_1523 : i32 to vector<16xi32>
    %ge3A_1525 = arith.cmpi sge, %select_n3A_1511, %ge3A_1524 : vector<16xi32>
    %le3A_1526 = arith.constant 222 : i32
    %le3A_1527 = vector.broadcast %le3A_1526 : i32 to vector<16xi32>
    %le3A_1528 = arith.cmpi sle, %select_n3A_1511, %le3A_1527 : vector<16xi32>
    %and3A_1529 = arith.andi %ge3A_1525, %le3A_1528 : vector<16xi1>
    %ge3A_1530 = arith.constant 0 : i32
    %ge3A_1531 = vector.broadcast %ge3A_1530 : i32 to vector<16xi32>
    %ge3A_1532 = arith.cmpi sge, %select_n3A_1518, %ge3A_1531 : vector<16xi32>
    %and3A_1533 = arith.andi %and3A_1529, %ge3A_1532 : vector<16xi1>
    %le3A_1534 = arith.constant 222 : i32
    %le3A_1535 = vector.broadcast %le3A_1534 : i32 to vector<16xi32>
    %le3A_1536 = arith.cmpi sle, %select_n3A_1518, %le3A_1535 : vector<16xi32>
    %and3A_1537 = arith.andi %and3A_1533, %le3A_1536 : vector<16xi1>
    %jit3A_1538 = arith.constant 1.000000e+00 : f32
    %jit3A_1539 = arith.constant 0.000000e+00 : f32
    %broadcast_in_dim3A_1540 = vector.broadcast %jit3A_1538 : f32 to vector<16xf32>
    %broadcast_in_dim3A_1541 = vector.broadcast %jit3A_1539 : f32 to vector<16xf32>
    %select_n3A_1542 = arith.select %and3A_1537, %broadcast_in_dim3A_1540, %broadcast_in_dim3A_1541 : vector<16xi1>, vector<16xf32>
    %jit3A_1543 = arith.constant 0 : i32
    %jit3A_1544 = arith.constant 222 : i32
    %max3A_1545 = vector.broadcast %jit3A_1543 : i32 to vector<16xi32>
    %max3A_1546 = arith.maxsi %max3A_1545, %select_n3A_1511 : vector<16xi32>
    %min3A_1547 = vector.broadcast %jit3A_1544 : i32 to vector<16xi32>
    %min3A_1548 = arith.minsi %min3A_1547, %max3A_1546 : vector<16xi32>
    %jit3A_1549 = arith.constant 0 : i32
    %jit3A_1550 = arith.constant 222 : i32
    %max3A_1551 = vector.broadcast %jit3A_1549 : i32 to vector<16xi32>
    %max3A_1552 = arith.maxsi %max3A_1551, %select_n3A_1518 : vector<16xi32>
    %min3A_1553 = vector.broadcast %jit3A_1550 : i32 to vector<16xi32>
    %min3A_1554 = arith.minsi %min3A_1553, %max3A_1552 : vector<16xi32>
    %mul3A_1555 = arith.constant 224 : i32
    %mul3A_1556 = vector.broadcast %mul3A_1555 : i32 to vector<16xi32>
    %mul3A_1557 = arith.muli %min3A_1554, %mul3A_1556 : vector<16xi32>
    %add3A_1558 = vector.broadcast %mul3A_5 : i32 to vector<16xi32>
    %add3A_1559 = arith.addi %add3A_1558, %mul3A_1557 : vector<16xi32>
    %add3A_1560 = arith.addi %add3A_1559, %min3A_1548 : vector<16xi32>
    %swap3A_1561 = arith.constant 0 : index
    %swap3A_1562 = tpu.vector_load %arg16[%swap3A_1561] {strides = array<i32>} : memref<64xi32, #tpu.memory_space<vmem>>, vector<16xi32>,
    %swap3A_1563 = vector.shape_cast %swap3A_1562 : vector<16xi32> to vector<16xi32>
    %swap3A_1564 = vector.shape_cast %add3A_1560 : vector<16xi32> to vector<16xi32>
    tpu.vector_store %arg16[%swap3A_1561], %swap3A_1564 {strides = array<i32>} : memref<64xi32, #tpu.memory_space<vmem>>, vector<16xi32>,
    %add3A_1565 = arith.constant 1 : i32
    %add3A_1566 = vector.broadcast %add3A_1565 : i32 to vector<16xi32>
    %add3A_1567 = arith.addi %add3A_1560, %add3A_1566 : vector<16xi32>
    %swap3A_1568 = arith.constant 0 : index
    %swap3A_1569 = tpu.vector_load %arg17[%swap3A_1568] {strides = array<i32>} : memref<64xi32, #tpu.memory_space<vmem>>, vector<16xi32>,
    %swap3A_1570 = vector.shape_cast %swap3A_1569 : vector<16xi32> to vector<16xi32>
    %swap3A_1571 = vector.shape_cast %add3A_1567 : vector<16xi32> to vector<16xi32>
    tpu.vector_store %arg17[%swap3A_1568], %swap3A_1571 {strides = array<i32>} : memref<64xi32, #tpu.memory_space<vmem>>, vector<16xi32>,
    %add3A_1572 = arith.constant 224 : i32
    %add3A_1573 = vector.broadcast %add3A_1572 : i32 to vector<16xi32>
    %add3A_1574 = arith.addi %add3A_1560, %add3A_1573 : vector<16xi32>
    %swap3A_1575 = arith.constant 0 : index
    %swap3A_1576 = tpu.vector_load %arg18[%swap3A_1575] {strides = array<i32>} : memref<64xi32, #tpu.memory_space<vmem>>, vector<16xi32>,
    %swap3A_1577 = vector.shape_cast %swap3A_1576 : vector<16xi32> to vector<16xi32>
    %swap3A_1578 = vector.shape_cast %add3A_1574 : vector<16xi32> to vector<16xi32>
    tpu.vector_store %arg18[%swap3A_1575], %swap3A_1578 {strides = array<i32>} : memref<64xi32, #tpu.memory_space<vmem>>, vector<16xi32>,
    %add3A_1579 = arith.constant 224 : i32
    %add3A_1580 = vector.broadcast %add3A_1579 : i32 to vector<16xi32>
    %add3A_1581 = arith.addi %add3A_1560, %add3A_1580 : vector<16xi32>
    %add3A_1582 = arith.constant 1 : i32
    %add3A_1583 = vector.broadcast %add3A_1582 : i32 to vector<16xi32>
    %add3A_1584 = arith.addi %add3A_1581, %add3A_1583 : vector<16xi32>
    %swap3A_1585 = arith.constant 0 : index
    %swap3A_1586 = tpu.vector_load %arg19[%swap3A_1585] {strides = array<i32>} : memref<64xi32, #tpu.memory_space<vmem>>, vector<16xi32>,
    %swap3A_1587 = vector.shape_cast %swap3A_1586 : vector<16xi32> to vector<16xi32>
    %swap3A_1588 = vector.shape_cast %add3A_1584 : vector<16xi32> to vector<16xi32>
    tpu.vector_store %arg19[%swap3A_1585], %swap3A_1588 {strides = array<i32>} : memref<64xi32, #tpu.memory_space<vmem>>, vector<16xi32>,
    %mul3A_1589 = arith.mulf %sub3A_1520, %select_n3A_1542 : vector<16xf32>
    %sub3A_1590 = arith.subf %select_n3A_1542, %mul3A_1589 : vector<16xf32>
    %sub3A_1591 = arith.constant 1.000000e+00 : f32
    %sub3A_1592 = vector.broadcast %sub3A_1591 : f32 to vector<16xf32>
    %sub3A_1593 = arith.subf %sub3A_1592, %sub3A_1522 : vector<16xf32>
    %mul3A_1594 = arith.mulf %sub3A_1590, %sub3A_1593 : vector<16xf32>
    %swap3A_1595 = arith.constant 0 : index
    %swap3A_1596 = tpu.vector_load %arg20[%swap3A_1595] {strides = array<i32>} : memref<64xf32, #tpu.memory_space<vmem>>, vector<16xf32>,
    %swap3A_1597 = vector.shape_cast %swap3A_1596 : vector<16xf32> to vector<16xf32>
    %swap3A_1598 = vector.shape_cast %mul3A_1594 : vector<16xf32> to vector<16xf32>
    tpu.vector_store %arg20[%swap3A_1595], %swap3A_1598 {strides = array<i32>} : memref<64xf32, #tpu.memory_space<vmem>>, vector<16xf32>,
    %sub3A_1599 = arith.constant 1.000000e+00 : f32
    %sub3A_1600 = vector.broadcast %sub3A_1599 : f32 to vector<16xf32>
    %sub3A_1601 = arith.subf %sub3A_1600, %sub3A_1522 : vector<16xf32>
    %mul3A_1602 = arith.mulf %mul3A_1589, %sub3A_1601 : vector<16xf32>
    %swap3A_1603 = arith.constant 0 : index
    %swap3A_1604 = tpu.vector_load %arg21[%swap3A_1603] {strides = array<i32>} : memref<64xf32, #tpu.memory_space<vmem>>, vector<16xf32>,
    %swap3A_1605 = vector.shape_cast %swap3A_1604 : vector<16xf32> to vector<16xf32>
    %swap3A_1606 = vector.shape_cast %mul3A_1602 : vector<16xf32> to vector<16xf32>
    tpu.vector_store %arg21[%swap3A_1603], %swap3A_1606 {strides = array<i32>} : memref<64xf32, #tpu.memory_space<vmem>>, vector<16xf32>,
    %mul3A_1607 = arith.mulf %sub3A_1590, %sub3A_1522 : vector<16xf32>
    %swap3A_1608 = arith.constant 0 : index
    %swap3A_1609 = tpu.vector_load %arg22[%swap3A_1608] {strides = array<i32>} : memref<64xf32, #tpu.memory_space<vmem>>, vector<16xf32>,
    %swap3A_1610 = vector.shape_cast %swap3A_1609 : vector<16xf32> to vector<16xf32>
    %swap3A_1611 = vector.shape_cast %mul3A_1607 : vector<16xf32> to vector<16xf32>
    tpu.vector_store %arg22[%swap3A_1608], %swap3A_1611 {strides = array<i32>} : memref<64xf32, #tpu.memory_space<vmem>>, vector<16xf32>,
    %mul3A_1612 = arith.mulf %mul3A_1589, %sub3A_1522 : vector<16xf32>
    %swap3A_1613 = arith.constant 0 : index
    %swap3A_1614 = tpu.vector_load %arg23[%swap3A_1613] {strides = array<i32>} : memref<64xf32, #tpu.memory_space<vmem>>, vector<16xf32>,
    %swap3A_1615 = vector.shape_cast %swap3A_1614 : vector<16xf32> to vector<16xf32>
    %swap3A_1616 = vector.shape_cast %mul3A_1612 : vector<16xf32> to vector<16xf32>
    tpu.vector_store %arg23[%swap3A_1613], %swap3A_1616 {strides = array<i32>} : memref<64xf32, #tpu.memory_space<vmem>>, vector<16xf32>,
    %get3A_1617 = arith.constant 16 : index
    %get3A_1618 = tpu.vector_load %arg6[%get3A_1617] {strides = array<i32>} : memref<64xf32, #tpu.memory_space<vmem>>, vector<16xf32>,
    %get3A_1619 = vector.shape_cast %get3A_1618 : vector<16xf32> to vector<16xf32>
    %get3A_1620 = arith.constant 16 : index
    %get3A_1621 = tpu.vector_load %arg7[%get3A_1620] {strides = array<i32>} : memref<64xf32, #tpu.memory_space<vmem>>, vector<16xf32>,
    %get3A_1622 = vector.shape_cast %get3A_1621 : vector<16xf32> to vector<16xf32>
    %convert_element_type3A_1623 = arith.fptosi %get3A_1619 : vector<16xf32> to vector<16xi32>
    %convert_element_type3A_1624 = arith.sitofp %convert_element_type3A_1623 : vector<16xi32> to vector<16xf32>
    %lt3A_1625 = arith.cmpf olt, %get3A_1619, %convert_element_type3A_1624 : vector<16xf32>
    %sub3A_1626 = arith.constant 1 : i32
    %sub3A_1627 = vector.broadcast %sub3A_1626 : i32 to vector<16xi32>
    %sub3A_1628 = arith.subi %convert_element_type3A_1623, %sub3A_1627 : vector<16xi32>
    %select_n3A_1629 = arith.select %lt3A_1625, %sub3A_1628, %convert_element_type3A_1623 : vector<16xi1>, vector<16xi32>
    %convert_element_type3A_1630 = arith.fptosi %get3A_1622 : vector<16xf32> to vector<16xi32>
    %convert_element_type3A_1631 = arith.sitofp %convert_element_type3A_1630 : vector<16xi32> to vector<16xf32>
    %lt3A_1632 = arith.cmpf olt, %get3A_1622, %convert_element_type3A_1631 : vector<16xf32>
    %sub3A_1633 = arith.constant 1 : i32
    %sub3A_1634 = vector.broadcast %sub3A_1633 : i32 to vector<16xi32>
    %sub3A_1635 = arith.subi %convert_element_type3A_1630, %sub3A_1634 : vector<16xi32>
    %select_n3A_1636 = arith.select %lt3A_1632, %sub3A_1635, %convert_element_type3A_1630 : vector<16xi1>, vector<16xi32>
    %convert_element_type3A_1637 = arith.sitofp %select_n3A_1629 : vector<16xi32> to vector<16xf32>
    %sub3A_1638 = arith.subf %get3A_1619, %convert_element_type3A_1637 : vector<16xf32>
    %convert_element_type3A_1639 = arith.sitofp %select_n3A_1636 : vector<16xi32> to vector<16xf32>
    %sub3A_1640 = arith.subf %get3A_1622, %convert_element_type3A_1639 : vector<16xf32>
    %ge3A_1641 = arith.constant 0 : i32
    %ge3A_1642 = vector.broadcast %ge3A_1641 : i32 to vector<16xi32>
    %ge3A_1643 = arith.cmpi sge, %select_n3A_1629, %ge3A_1642 : vector<16xi32>
    %le3A_1644 = arith.constant 222 : i32
    %le3A_1645 = vector.broadcast %le3A_1644 : i32 to vector<16xi32>
    %le3A_1646 = arith.cmpi sle, %select_n3A_1629, %le3A_1645 : vector<16xi32>
    %and3A_1647 = arith.andi %ge3A_1643, %le3A_1646 : vector<16xi1>
    %ge3A_1648 = arith.constant 0 : i32
    %ge3A_1649 = vector.broadcast %ge3A_1648 : i32 to vector<16xi32>
    %ge3A_1650 = arith.cmpi sge, %select_n3A_1636, %ge3A_1649 : vector<16xi32>
    %and3A_1651 = arith.andi %and3A_1647, %ge3A_1650 : vector<16xi1>
    %le3A_1652 = arith.constant 222 : i32
    %le3A_1653 = vector.broadcast %le3A_1652 : i32 to vector<16xi32>
    %le3A_1654 = arith.cmpi sle, %select_n3A_1636, %le3A_1653 : vector<16xi32>
    %and3A_1655 = arith.andi %and3A_1651, %le3A_1654 : vector<16xi1>
    %jit3A_1656 = arith.constant 1.000000e+00 : f32
    %jit3A_1657 = arith.constant 0.000000e+00 : f32
    %broadcast_in_dim3A_1658 = vector.broadcast %jit3A_1656 : f32 to vector<16xf32>
    %broadcast_in_dim3A_1659 = vector.broadcast %jit3A_1657 : f32 to vector<16xf32>
    %select_n3A_1660 = arith.select %and3A_1655, %broadcast_in_dim3A_1658, %broadcast_in_dim3A_1659 : vector<16xi1>, vector<16xf32>
    %jit3A_1661 = arith.constant 0 : i32
    %jit3A_1662 = arith.constant 222 : i32
    %max3A_1663 = vector.broadcast %jit3A_1661 : i32 to vector<16xi32>
    %max3A_1664 = arith.maxsi %max3A_1663, %select_n3A_1629 : vector<16xi32>
    %min3A_1665 = vector.broadcast %jit3A_1662 : i32 to vector<16xi32>
    %min3A_1666 = arith.minsi %min3A_1665, %max3A_1664 : vector<16xi32>
    %jit3A_1667 = arith.constant 0 : i32
    %jit3A_1668 = arith.constant 222 : i32
    %max3A_1669 = vector.broadcast %jit3A_1667 : i32 to vector<16xi32>
    %max3A_1670 = arith.maxsi %max3A_1669, %select_n3A_1636 : vector<16xi32>
    %min3A_1671 = vector.broadcast %jit3A_1668 : i32 to vector<16xi32>
    %min3A_1672 = arith.minsi %min3A_1671, %max3A_1670 : vector<16xi32>
    %mul3A_1673 = arith.constant 224 : i32
    %mul3A_1674 = vector.broadcast %mul3A_1673 : i32 to vector<16xi32>
    %mul3A_1675 = arith.muli %min3A_1672, %mul3A_1674 : vector<16xi32>
    %add3A_1676 = vector.broadcast %mul3A_5 : i32 to vector<16xi32>
    %add3A_1677 = arith.addi %add3A_1676, %mul3A_1675 : vector<16xi32>
    %add3A_1678 = arith.addi %add3A_1677, %min3A_1666 : vector<16xi32>
    %swap3A_1679 = arith.constant 16 : index
    %swap3A_1680 = tpu.vector_load %arg16[%swap3A_1679] {strides = array<i32>} : memref<64xi32, #tpu.memory_space<vmem>>, vector<16xi32>,
    %swap3A_1681 = vector.shape_cast %swap3A_1680 : vector<16xi32> to vector<16xi32>
    %swap3A_1682 = vector.shape_cast %add3A_1678 : vector<16xi32> to vector<16xi32>
    tpu.vector_store %arg16[%swap3A_1679], %swap3A_1682 {strides = array<i32>} : memref<64xi32, #tpu.memory_space<vmem>>, vector<16xi32>,
    %add3A_1683 = arith.constant 1 : i32
    %add3A_1684 = vector.broadcast %add3A_1683 : i32 to vector<16xi32>
    %add3A_1685 = arith.addi %add3A_1678, %add3A_1684 : vector<16xi32>
    %swap3A_1686 = arith.constant 16 : index
    %swap3A_1687 = tpu.vector_load %arg17[%swap3A_1686] {strides = array<i32>} : memref<64xi32, #tpu.memory_space<vmem>>, vector<16xi32>,
    %swap3A_1688 = vector.shape_cast %swap3A_1687 : vector<16xi32> to vector<16xi32>
    %swap3A_1689 = vector.shape_cast %add3A_1685 : vector<16xi32> to vector<16xi32>
    tpu.vector_store %arg17[%swap3A_1686], %swap3A_1689 {strides = array<i32>} : memref<64xi32, #tpu.memory_space<vmem>>, vector<16xi32>,
    %add3A_1690 = arith.constant 224 : i32
    %add3A_1691 = vector.broadcast %add3A_1690 : i32 to vector<16xi32>
    %add3A_1692 = arith.addi %add3A_1678, %add3A_1691 : vector<16xi32>
    %swap3A_1693 = arith.constant 16 : index
    %swap3A_1694 = tpu.vector_load %arg18[%swap3A_1693] {strides = array<i32>} : memref<64xi32, #tpu.memory_space<vmem>>, vector<16xi32>,
    %swap3A_1695 = vector.shape_cast %swap3A_1694 : vector<16xi32> to vector<16xi32>
    %swap3A_1696 = vector.shape_cast %add3A_1692 : vector<16xi32> to vector<16xi32>
    tpu.vector_store %arg18[%swap3A_1693], %swap3A_1696 {strides = array<i32>} : memref<64xi32, #tpu.memory_space<vmem>>, vector<16xi32>,
    %add3A_1697 = arith.constant 224 : i32
    %add3A_1698 = vector.broadcast %add3A_1697 : i32 to vector<16xi32>
    %add3A_1699 = arith.addi %add3A_1678, %add3A_1698 : vector<16xi32>
    %add3A_1700 = arith.constant 1 : i32
    %add3A_1701 = vector.broadcast %add3A_1700 : i32 to vector<16xi32>
    %add3A_1702 = arith.addi %add3A_1699, %add3A_1701 : vector<16xi32>
    %swap3A_1703 = arith.constant 16 : index
    %swap3A_1704 = tpu.vector_load %arg19[%swap3A_1703] {strides = array<i32>} : memref<64xi32, #tpu.memory_space<vmem>>, vector<16xi32>,
    %swap3A_1705 = vector.shape_cast %swap3A_1704 : vector<16xi32> to vector<16xi32>
    %swap3A_1706 = vector.shape_cast %add3A_1702 : vector<16xi32> to vector<16xi32>
    tpu.vector_store %arg19[%swap3A_1703], %swap3A_1706 {strides = array<i32>} : memref<64xi32, #tpu.memory_space<vmem>>, vector<16xi32>,
    %mul3A_1707 = arith.mulf %sub3A_1638, %select_n3A_1660 : vector<16xf32>
    %sub3A_1708 = arith.subf %select_n3A_1660, %mul3A_1707 : vector<16xf32>
    %sub3A_1709 = arith.constant 1.000000e+00 : f32
    %sub3A_1710 = vector.broadcast %sub3A_1709 : f32 to vector<16xf32>
    %sub3A_1711 = arith.subf %sub3A_1710, %sub3A_1640 : vector<16xf32>
    %mul3A_1712 = arith.mulf %sub3A_1708, %sub3A_1711 : vector<16xf32>
    %swap3A_1713 = arith.constant 16 : index
    %swap3A_1714 = tpu.vector_load %arg20[%swap3A_1713] {strides = array<i32>} : memref<64xf32, #tpu.memory_space<vmem>>, vector<16xf32>,
    %swap3A_1715 = vector.shape_cast %swap3A_1714 : vector<16xf32> to vector<16xf32>
    %swap3A_1716 = vector.shape_cast %mul3A_1712 : vector<16xf32> to vector<16xf32>
    tpu.vector_store %arg20[%swap3A_1713], %swap3A_1716 {strides = array<i32>} : memref<64xf32, #tpu.memory_space<vmem>>, vector<16xf32>,
    %sub3A_1717 = arith.constant 1.000000e+00 : f32
    %sub3A_1718 = vector.broadcast %sub3A_1717 : f32 to vector<16xf32>
    %sub3A_1719 = arith.subf %sub3A_1718, %sub3A_1640 : vector<16xf32>
    %mul3A_1720 = arith.mulf %mul3A_1707, %sub3A_1719 : vector<16xf32>
    %swap3A_1721 = arith.constant 16 : index
    %swap3A_1722 = tpu.vector_load %arg21[%swap3A_1721] {strides = array<i32>} : memref<64xf32, #tpu.memory_space<vmem>>, vector<16xf32>,
    %swap3A_1723 = vector.shape_cast %swap3A_1722 : vector<16xf32> to vector<16xf32>
    %swap3A_1724 = vector.shape_cast %mul3A_1720 : vector<16xf32> to vector<16xf32>
    tpu.vector_store %arg21[%swap3A_1721], %swap3A_1724 {strides = array<i32>} : memref<64xf32, #tpu.memory_space<vmem>>, vector<16xf32>,
    %mul3A_1725 = arith.mulf %sub3A_1708, %sub3A_1640 : vector<16xf32>
    %swap3A_1726 = arith.constant 16 : index
    %swap3A_1727 = tpu.vector_load %arg22[%swap3A_1726] {strides = array<i32>} : memref<64xf32, #tpu.memory_space<vmem>>, vector<16xf32>,
    %swap3A_1728 = vector.shape_cast %swap3A_1727 : vector<16xf32> to vector<16xf32>
    %swap3A_1729 = vector.shape_cast %mul3A_1725 : vector<16xf32> to vector<16xf32>
    tpu.vector_store %arg22[%swap3A_1726], %swap3A_1729 {strides = array<i32>} : memref<64xf32, #tpu.memory_space<vmem>>, vector<16xf32>,
    %mul3A_1730 = arith.mulf %mul3A_1707, %sub3A_1640 : vector<16xf32>
    %swap3A_1731 = arith.constant 16 : index
    %swap3A_1732 = tpu.vector_load %arg23[%swap3A_1731] {strides = array<i32>} : memref<64xf32, #tpu.memory_space<vmem>>, vector<16xf32>,
    %swap3A_1733 = vector.shape_cast %swap3A_1732 : vector<16xf32> to vector<16xf32>
    %swap3A_1734 = vector.shape_cast %mul3A_1730 : vector<16xf32> to vector<16xf32>
    tpu.vector_store %arg23[%swap3A_1731], %swap3A_1734 {strides = array<i32>} : memref<64xf32, #tpu.memory_space<vmem>>, vector<16xf32>,
    %get3A_1735 = arith.constant 32 : index
    %get3A_1736 = tpu.vector_load %arg6[%get3A_1735] {strides = array<i32>} : memref<64xf32, #tpu.memory_space<vmem>>, vector<16xf32>,
    %get3A_1737 = vector.shape_cast %get3A_1736 : vector<16xf32> to vector<16xf32>
    %get3A_1738 = arith.constant 32 : index
    %get3A_1739 = tpu.vector_load %arg7[%get3A_1738] {strides = array<i32>} : memref<64xf32, #tpu.memory_space<vmem>>, vector<16xf32>,
    %get3A_1740 = vector.shape_cast %get3A_1739 : vector<16xf32> to vector<16xf32>
    %convert_element_type3A_1741 = arith.fptosi %get3A_1737 : vector<16xf32> to vector<16xi32>
    %convert_element_type3A_1742 = arith.sitofp %convert_element_type3A_1741 : vector<16xi32> to vector<16xf32>
    %lt3A_1743 = arith.cmpf olt, %get3A_1737, %convert_element_type3A_1742 : vector<16xf32>
    %sub3A_1744 = arith.constant 1 : i32
    %sub3A_1745 = vector.broadcast %sub3A_1744 : i32 to vector<16xi32>
    %sub3A_1746 = arith.subi %convert_element_type3A_1741, %sub3A_1745 : vector<16xi32>
    %select_n3A_1747 = arith.select %lt3A_1743, %sub3A_1746, %convert_element_type3A_1741 : vector<16xi1>, vector<16xi32>
    %convert_element_type3A_1748 = arith.fptosi %get3A_1740 : vector<16xf32> to vector<16xi32>
    %convert_element_type3A_1749 = arith.sitofp %convert_element_type3A_1748 : vector<16xi32> to vector<16xf32>
    %lt3A_1750 = arith.cmpf olt, %get3A_1740, %convert_element_type3A_1749 : vector<16xf32>
    %sub3A_1751 = arith.constant 1 : i32
    %sub3A_1752 = vector.broadcast %sub3A_1751 : i32 to vector<16xi32>
    %sub3A_1753 = arith.subi %convert_element_type3A_1748, %sub3A_1752 : vector<16xi32>
    %select_n3A_1754 = arith.select %lt3A_1750, %sub3A_1753, %convert_element_type3A_1748 : vector<16xi1>, vector<16xi32>
    %convert_element_type3A_1755 = arith.sitofp %select_n3A_1747 : vector<16xi32> to vector<16xf32>
    %sub3A_1756 = arith.subf %get3A_1737, %convert_element_type3A_1755 : vector<16xf32>
    %convert_element_type3A_1757 = arith.sitofp %select_n3A_1754 : vector<16xi32> to vector<16xf32>
    %sub3A_1758 = arith.subf %get3A_1740, %convert_element_type3A_1757 : vector<16xf32>
    %ge3A_1759 = arith.constant 0 : i32
    %ge3A_1760 = vector.broadcast %ge3A_1759 : i32 to vector<16xi32>
    %ge3A_1761 = arith.cmpi sge, %select_n3A_1747, %ge3A_1760 : vector<16xi32>
    %le3A_1762 = arith.constant 222 : i32
    %le3A_1763 = vector.broadcast %le3A_1762 : i32 to vector<16xi32>
    %le3A_1764 = arith.cmpi sle, %select_n3A_1747, %le3A_1763 : vector<16xi32>
    %and3A_1765 = arith.andi %ge3A_1761, %le3A_1764 : vector<16xi1>
    %ge3A_1766 = arith.constant 0 : i32
    %ge3A_1767 = vector.broadcast %ge3A_1766 : i32 to vector<16xi32>
    %ge3A_1768 = arith.cmpi sge, %select_n3A_1754, %ge3A_1767 : vector<16xi32>
    %and3A_1769 = arith.andi %and3A_1765, %ge3A_1768 : vector<16xi1>
    %le3A_1770 = arith.constant 222 : i32
    %le3A_1771 = vector.broadcast %le3A_1770 : i32 to vector<16xi32>
    %le3A_1772 = arith.cmpi sle, %select_n3A_1754, %le3A_1771 : vector<16xi32>
    %and3A_1773 = arith.andi %and3A_1769, %le3A_1772 : vector<16xi1>
    %jit3A_1774 = arith.constant 1.000000e+00 : f32
    %jit3A_1775 = arith.constant 0.000000e+00 : f32
    %broadcast_in_dim3A_1776 = vector.broadcast %jit3A_1774 : f32 to vector<16xf32>
    %broadcast_in_dim3A_1777 = vector.broadcast %jit3A_1775 : f32 to vector<16xf32>
    %select_n3A_1778 = arith.select %and3A_1773, %broadcast_in_dim3A_1776, %broadcast_in_dim3A_1777 : vector<16xi1>, vector<16xf32>
    %jit3A_1779 = arith.constant 0 : i32
    %jit3A_1780 = arith.constant 222 : i32
    %max3A_1781 = vector.broadcast %jit3A_1779 : i32 to vector<16xi32>
    %max3A_1782 = arith.maxsi %max3A_1781, %select_n3A_1747 : vector<16xi32>
    %min3A_1783 = vector.broadcast %jit3A_1780 : i32 to vector<16xi32>
    %min3A_1784 = arith.minsi %min3A_1783, %max3A_1782 : vector<16xi32>
    %jit3A_1785 = arith.constant 0 : i32
    %jit3A_1786 = arith.constant 222 : i32
    %max3A_1787 = vector.broadcast %jit3A_1785 : i32 to vector<16xi32>
    %max3A_1788 = arith.maxsi %max3A_1787, %select_n3A_1754 : vector<16xi32>
    %min3A_1789 = vector.broadcast %jit3A_1786 : i32 to vector<16xi32>
    %min3A_1790 = arith.minsi %min3A_1789, %max3A_1788 : vector<16xi32>
    %mul3A_1791 = arith.constant 224 : i32
    %mul3A_1792 = vector.broadcast %mul3A_1791 : i32 to vector<16xi32>
    %mul3A_1793 = arith.muli %min3A_1790, %mul3A_1792 : vector<16xi32>
    %add3A_1794 = vector.broadcast %mul3A_5 : i32 to vector<16xi32>
    %add3A_1795 = arith.addi %add3A_1794, %mul3A_1793 : vector<16xi32>
    %add3A_1796 = arith.addi %add3A_1795, %min3A_1784 : vector<16xi32>
    %swap3A_1797 = arith.constant 32 : index
    %swap3A_1798 = tpu.vector_load %arg16[%swap3A_1797] {strides = array<i32>} : memref<64xi32, #tpu.memory_space<vmem>>, vector<16xi32>,
    %swap3A_1799 = vector.shape_cast %swap3A_1798 : vector<16xi32> to vector<16xi32>
    %swap3A_1800 = vector.shape_cast %add3A_1796 : vector<16xi32> to vector<16xi32>
    tpu.vector_store %arg16[%swap3A_1797], %swap3A_1800 {strides = array<i32>} : memref<64xi32, #tpu.memory_space<vmem>>, vector<16xi32>,
    %add3A_1801 = arith.constant 1 : i32
    %add3A_1802 = vector.broadcast %add3A_1801 : i32 to vector<16xi32>
    %add3A_1803 = arith.addi %add3A_1796, %add3A_1802 : vector<16xi32>
    %swap3A_1804 = arith.constant 32 : index
    %swap3A_1805 = tpu.vector_load %arg17[%swap3A_1804] {strides = array<i32>} : memref<64xi32, #tpu.memory_space<vmem>>, vector<16xi32>,
    %swap3A_1806 = vector.shape_cast %swap3A_1805 : vector<16xi32> to vector<16xi32>
    %swap3A_1807 = vector.shape_cast %add3A_1803 : vector<16xi32> to vector<16xi32>
    tpu.vector_store %arg17[%swap3A_1804], %swap3A_1807 {strides = array<i32>} : memref<64xi32, #tpu.memory_space<vmem>>, vector<16xi32>,
    %add3A_1808 = arith.constant 224 : i32
    %add3A_1809 = vector.broadcast %add3A_1808 : i32 to vector<16xi32>
    %add3A_1810 = arith.addi %add3A_1796, %add3A_1809 : vector<16xi32>
    %swap3A_1811 = arith.constant 32 : index
    %swap3A_1812 = tpu.vector_load %arg18[%swap3A_1811] {strides = array<i32>} : memref<64xi32, #tpu.memory_space<vmem>>, vector<16xi32>,
    %swap3A_1813 = vector.shape_cast %swap3A_1812 : vector<16xi32> to vector<16xi32>
    %swap3A_1814 = vector.shape_cast %add3A_1810 : vector<16xi32> to vector<16xi32>
    tpu.vector_store %arg18[%swap3A_1811], %swap3A_1814 {strides = array<i32>} : memref<64xi32, #tpu.memory_space<vmem>>, vector<16xi32>,
    %add3A_1815 = arith.constant 224 : i32
    %add3A_1816 = vector.broadcast %add3A_1815 : i32 to vector<16xi32>
    %add3A_1817 = arith.addi %add3A_1796, %add3A_1816 : vector<16xi32>
    %add3A_1818 = arith.constant 1 : i32
    %add3A_1819 = vector.broadcast %add3A_1818 : i32 to vector<16xi32>
    %add3A_1820 = arith.addi %add3A_1817, %add3A_1819 : vector<16xi32>
    %swap3A_1821 = arith.constant 32 : index
    %swap3A_1822 = tpu.vector_load %arg19[%swap3A_1821] {strides = array<i32>} : memref<64xi32, #tpu.memory_space<vmem>>, vector<16xi32>,
    %swap3A_1823 = vector.shape_cast %swap3A_1822 : vector<16xi32> to vector<16xi32>
    %swap3A_1824 = vector.shape_cast %add3A_1820 : vector<16xi32> to vector<16xi32>
    tpu.vector_store %arg19[%swap3A_1821], %swap3A_1824 {strides = array<i32>} : memref<64xi32, #tpu.memory_space<vmem>>, vector<16xi32>,
    %mul3A_1825 = arith.mulf %sub3A_1756, %select_n3A_1778 : vector<16xf32>
    %sub3A_1826 = arith.subf %select_n3A_1778, %mul3A_1825 : vector<16xf32>
    %sub3A_1827 = arith.constant 1.000000e+00 : f32
    %sub3A_1828 = vector.broadcast %sub3A_1827 : f32 to vector<16xf32>
    %sub3A_1829 = arith.subf %sub3A_1828, %sub3A_1758 : vector<16xf32>
    %mul3A_1830 = arith.mulf %sub3A_1826, %sub3A_1829 : vector<16xf32>
    %swap3A_1831 = arith.constant 32 : index
    %swap3A_1832 = tpu.vector_load %arg20[%swap3A_1831] {strides = array<i32>} : memref<64xf32, #tpu.memory_space<vmem>>, vector<16xf32>,
    %swap3A_1833 = vector.shape_cast %swap3A_1832 : vector<16xf32> to vector<16xf32>
    %swap3A_1834 = vector.shape_cast %mul3A_1830 : vector<16xf32> to vector<16xf32>
    tpu.vector_store %arg20[%swap3A_1831], %swap3A_1834 {strides = array<i32>} : memref<64xf32, #tpu.memory_space<vmem>>, vector<16xf32>,
    %sub3A_1835 = arith.constant 1.000000e+00 : f32
    %sub3A_1836 = vector.broadcast %sub3A_1835 : f32 to vector<16xf32>
    %sub3A_1837 = arith.subf %sub3A_1836, %sub3A_1758 : vector<16xf32>
    %mul3A_1838 = arith.mulf %mul3A_1825, %sub3A_1837 : vector<16xf32>
    %swap3A_1839 = arith.constant 32 : index
    %swap3A_1840 = tpu.vector_load %arg21[%swap3A_1839] {strides = array<i32>} : memref<64xf32, #tpu.memory_space<vmem>>, vector<16xf32>,
    %swap3A_1841 = vector.shape_cast %swap3A_1840 : vector<16xf32> to vector<16xf32>
    %swap3A_1842 = vector.shape_cast %mul3A_1838 : vector<16xf32> to vector<16xf32>
    tpu.vector_store %arg21[%swap3A_1839], %swap3A_1842 {strides = array<i32>} : memref<64xf32, #tpu.memory_space<vmem>>, vector<16xf32>,
    %mul3A_1843 = arith.mulf %sub3A_1826, %sub3A_1758 : vector<16xf32>
    %swap3A_1844 = arith.constant 32 : index
    %swap3A_1845 = tpu.vector_load %arg22[%swap3A_1844] {strides = array<i32>} : memref<64xf32, #tpu.memory_space<vmem>>, vector<16xf32>,
    %swap3A_1846 = vector.shape_cast %swap3A_1845 : vector<16xf32> to vector<16xf32>
    %swap3A_1847 = vector.shape_cast %mul3A_1843 : vector<16xf32> to vector<16xf32>
    tpu.vector_store %arg22[%swap3A_1844], %swap3A_1847 {strides = array<i32>} : memref<64xf32, #tpu.memory_space<vmem>>, vector<16xf32>,
    %mul3A_1848 = arith.mulf %mul3A_1825, %sub3A_1758 : vector<16xf32>
    %swap3A_1849 = arith.constant 32 : index
    %swap3A_1850 = tpu.vector_load %arg23[%swap3A_1849] {strides = array<i32>} : memref<64xf32, #tpu.memory_space<vmem>>, vector<16xf32>,
    %swap3A_1851 = vector.shape_cast %swap3A_1850 : vector<16xf32> to vector<16xf32>
    %swap3A_1852 = vector.shape_cast %mul3A_1848 : vector<16xf32> to vector<16xf32>
    tpu.vector_store %arg23[%swap3A_1849], %swap3A_1852 {strides = array<i32>} : memref<64xf32, #tpu.memory_space<vmem>>, vector<16xf32>,
    %get3A_1853 = arith.constant 48 : index
    %get3A_1854 = tpu.vector_load %arg6[%get3A_1853] {strides = array<i32>} : memref<64xf32, #tpu.memory_space<vmem>>, vector<16xf32>,
    %get3A_1855 = vector.shape_cast %get3A_1854 : vector<16xf32> to vector<16xf32>
    %get3A_1856 = arith.constant 48 : index
    %get3A_1857 = tpu.vector_load %arg7[%get3A_1856] {strides = array<i32>} : memref<64xf32, #tpu.memory_space<vmem>>, vector<16xf32>,
    %get3A_1858 = vector.shape_cast %get3A_1857 : vector<16xf32> to vector<16xf32>
    %convert_element_type3A_1859 = arith.fptosi %get3A_1855 : vector<16xf32> to vector<16xi32>
    %convert_element_type3A_1860 = arith.sitofp %convert_element_type3A_1859 : vector<16xi32> to vector<16xf32>
    %lt3A_1861 = arith.cmpf olt, %get3A_1855, %convert_element_type3A_1860 : vector<16xf32>
    %sub3A_1862 = arith.constant 1 : i32
    %sub3A_1863 = vector.broadcast %sub3A_1862 : i32 to vector<16xi32>
    %sub3A_1864 = arith.subi %convert_element_type3A_1859, %sub3A_1863 : vector<16xi32>
    %select_n3A_1865 = arith.select %lt3A_1861, %sub3A_1864, %convert_element_type3A_1859 : vector<16xi1>, vector<16xi32>
    %convert_element_type3A_1866 = arith.fptosi %get3A_1858 : vector<16xf32> to vector<16xi32>
    %convert_element_type3A_1867 = arith.sitofp %convert_element_type3A_1866 : vector<16xi32> to vector<16xf32>
    %lt3A_1868 = arith.cmpf olt, %get3A_1858, %convert_element_type3A_1867 : vector<16xf32>
    %sub3A_1869 = arith.constant 1 : i32
    %sub3A_1870 = vector.broadcast %sub3A_1869 : i32 to vector<16xi32>
    %sub3A_1871 = arith.subi %convert_element_type3A_1866, %sub3A_1870 : vector<16xi32>
    %select_n3A_1872 = arith.select %lt3A_1868, %sub3A_1871, %convert_element_type3A_1866 : vector<16xi1>, vector<16xi32>
    %convert_element_type3A_1873 = arith.sitofp %select_n3A_1865 : vector<16xi32> to vector<16xf32>
    %sub3A_1874 = arith.subf %get3A_1855, %convert_element_type3A_1873 : vector<16xf32>
    %convert_element_type3A_1875 = arith.sitofp %select_n3A_1872 : vector<16xi32> to vector<16xf32>
    %sub3A_1876 = arith.subf %get3A_1858, %convert_element_type3A_1875 : vector<16xf32>
    %ge3A_1877 = arith.constant 0 : i32
    %ge3A_1878 = vector.broadcast %ge3A_1877 : i32 to vector<16xi32>
    %ge3A_1879 = arith.cmpi sge, %select_n3A_1865, %ge3A_1878 : vector<16xi32>
    %le3A_1880 = arith.constant 222 : i32
    %le3A_1881 = vector.broadcast %le3A_1880 : i32 to vector<16xi32>
    %le3A_1882 = arith.cmpi sle, %select_n3A_1865, %le3A_1881 : vector<16xi32>
    %and3A_1883 = arith.andi %ge3A_1879, %le3A_1882 : vector<16xi1>
    %ge3A_1884 = arith.constant 0 : i32
    %ge3A_1885 = vector.broadcast %ge3A_1884 : i32 to vector<16xi32>
    %ge3A_1886 = arith.cmpi sge, %select_n3A_1872, %ge3A_1885 : vector<16xi32>
    %and3A_1887 = arith.andi %and3A_1883, %ge3A_1886 : vector<16xi1>
    %le3A_1888 = arith.constant 222 : i32
    %le3A_1889 = vector.broadcast %le3A_1888 : i32 to vector<16xi32>
    %le3A_1890 = arith.cmpi sle, %select_n3A_1872, %le3A_1889 : vector<16xi32>
    %and3A_1891 = arith.andi %and3A_1887, %le3A_1890 : vector<16xi1>
    %jit3A_1892 = arith.constant 1.000000e+00 : f32
    %jit3A_1893 = arith.constant 0.000000e+00 : f32
    %broadcast_in_dim3A_1894 = vector.broadcast %jit3A_1892 : f32 to vector<16xf32>
    %broadcast_in_dim3A_1895 = vector.broadcast %jit3A_1893 : f32 to vector<16xf32>
    %select_n3A_1896 = arith.select %and3A_1891, %broadcast_in_dim3A_1894, %broadcast_in_dim3A_1895 : vector<16xi1>, vector<16xf32>
    %jit3A_1897 = arith.constant 0 : i32
    %jit3A_1898 = arith.constant 222 : i32
    %max3A_1899 = vector.broadcast %jit3A_1897 : i32 to vector<16xi32>
    %max3A_1900 = arith.maxsi %max3A_1899, %select_n3A_1865 : vector<16xi32>
    %min3A_1901 = vector.broadcast %jit3A_1898 : i32 to vector<16xi32>
    %min3A_1902 = arith.minsi %min3A_1901, %max3A_1900 : vector<16xi32>
    %jit3A_1903 = arith.constant 0 : i32
    %jit3A_1904 = arith.constant 222 : i32
    %max3A_1905 = vector.broadcast %jit3A_1903 : i32 to vector<16xi32>
    %max3A_1906 = arith.maxsi %max3A_1905, %select_n3A_1872 : vector<16xi32>
    %min3A_1907 = vector.broadcast %jit3A_1904 : i32 to vector<16xi32>
    %min3A_1908 = arith.minsi %min3A_1907, %max3A_1906 : vector<16xi32>
    %mul3A_1909 = arith.constant 224 : i32
    %mul3A_1910 = vector.broadcast %mul3A_1909 : i32 to vector<16xi32>
    %mul3A_1911 = arith.muli %min3A_1908, %mul3A_1910 : vector<16xi32>
    %add3A_1912 = vector.broadcast %mul3A_5 : i32 to vector<16xi32>
    %add3A_1913 = arith.addi %add3A_1912, %mul3A_1911 : vector<16xi32>
    %add3A_1914 = arith.addi %add3A_1913, %min3A_1902 : vector<16xi32>
    %swap3A_1915 = arith.constant 48 : index
    %swap3A_1916 = tpu.vector_load %arg16[%swap3A_1915] {strides = array<i32>} : memref<64xi32, #tpu.memory_space<vmem>>, vector<16xi32>,
    %swap3A_1917 = vector.shape_cast %swap3A_1916 : vector<16xi32> to vector<16xi32>
    %swap3A_1918 = vector.shape_cast %add3A_1914 : vector<16xi32> to vector<16xi32>
    tpu.vector_store %arg16[%swap3A_1915], %swap3A_1918 {strides = array<i32>} : memref<64xi32, #tpu.memory_space<vmem>>, vector<16xi32>,
    %add3A_1919 = arith.constant 1 : i32
    %add3A_1920 = vector.broadcast %add3A_1919 : i32 to vector<16xi32>
    %add3A_1921 = arith.addi %add3A_1914, %add3A_1920 : vector<16xi32>
    %swap3A_1922 = arith.constant 48 : index
    %swap3A_1923 = tpu.vector_load %arg17[%swap3A_1922] {strides = array<i32>} : memref<64xi32, #tpu.memory_space<vmem>>, vector<16xi32>,
    %swap3A_1924 = vector.shape_cast %swap3A_1923 : vector<16xi32> to vector<16xi32>
    %swap3A_1925 = vector.shape_cast %add3A_1921 : vector<16xi32> to vector<16xi32>
    tpu.vector_store %arg17[%swap3A_1922], %swap3A_1925 {strides = array<i32>} : memref<64xi32, #tpu.memory_space<vmem>>, vector<16xi32>,
    %add3A_1926 = arith.constant 224 : i32
    %add3A_1927 = vector.broadcast %add3A_1926 : i32 to vector<16xi32>
    %add3A_1928 = arith.addi %add3A_1914, %add3A_1927 : vector<16xi32>
    %swap3A_1929 = arith.constant 48 : index
    %swap3A_1930 = tpu.vector_load %arg18[%swap3A_1929] {strides = array<i32>} : memref<64xi32, #tpu.memory_space<vmem>>, vector<16xi32>,
    %swap3A_1931 = vector.shape_cast %swap3A_1930 : vector<16xi32> to vector<16xi32>
    %swap3A_1932 = vector.shape_cast %add3A_1928 : vector<16xi32> to vector<16xi32>
    tpu.vector_store %arg18[%swap3A_1929], %swap3A_1932 {strides = array<i32>} : memref<64xi32, #tpu.memory_space<vmem>>, vector<16xi32>,
    %add3A_1933 = arith.constant 224 : i32
    %add3A_1934 = vector.broadcast %add3A_1933 : i32 to vector<16xi32>
    %add3A_1935 = arith.addi %add3A_1914, %add3A_1934 : vector<16xi32>
    %add3A_1936 = arith.constant 1 : i32
    %add3A_1937 = vector.broadcast %add3A_1936 : i32 to vector<16xi32>
    %add3A_1938 = arith.addi %add3A_1935, %add3A_1937 : vector<16xi32>
    %swap3A_1939 = arith.constant 48 : index
    %swap3A_1940 = tpu.vector_load %arg19[%swap3A_1939] {strides = array<i32>} : memref<64xi32, #tpu.memory_space<vmem>>, vector<16xi32>,
    %swap3A_1941 = vector.shape_cast %swap3A_1940 : vector<16xi32> to vector<16xi32>
    %swap3A_1942 = vector.shape_cast %add3A_1938 : vector<16xi32> to vector<16xi32>
    tpu.vector_store %arg19[%swap3A_1939], %swap3A_1942 {strides = array<i32>} : memref<64xi32, #tpu.memory_space<vmem>>, vector<16xi32>,
    %mul3A_1943 = arith.mulf %sub3A_1874, %select_n3A_1896 : vector<16xf32>
    %sub3A_1944 = arith.subf %select_n3A_1896, %mul3A_1943 : vector<16xf32>
    %sub3A_1945 = arith.constant 1.000000e+00 : f32
    %sub3A_1946 = vector.broadcast %sub3A_1945 : f32 to vector<16xf32>
    %sub3A_1947 = arith.subf %sub3A_1946, %sub3A_1876 : vector<16xf32>
    %mul3A_1948 = arith.mulf %sub3A_1944, %sub3A_1947 : vector<16xf32>
    %swap3A_1949 = arith.constant 48 : index
    %swap3A_1950 = tpu.vector_load %arg20[%swap3A_1949] {strides = array<i32>} : memref<64xf32, #tpu.memory_space<vmem>>, vector<16xf32>,
    %swap3A_1951 = vector.shape_cast %swap3A_1950 : vector<16xf32> to vector<16xf32>
    %swap3A_1952 = vector.shape_cast %mul3A_1948 : vector<16xf32> to vector<16xf32>
    tpu.vector_store %arg20[%swap3A_1949], %swap3A_1952 {strides = array<i32>} : memref<64xf32, #tpu.memory_space<vmem>>, vector<16xf32>,
    %sub3A_1953 = arith.constant 1.000000e+00 : f32
    %sub3A_1954 = vector.broadcast %sub3A_1953 : f32 to vector<16xf32>
    %sub3A_1955 = arith.subf %sub3A_1954, %sub3A_1876 : vector<16xf32>
    %mul3A_1956 = arith.mulf %mul3A_1943, %sub3A_1955 : vector<16xf32>
    %swap3A_1957 = arith.constant 48 : index
    %swap3A_1958 = tpu.vector_load %arg21[%swap3A_1957] {strides = array<i32>} : memref<64xf32, #tpu.memory_space<vmem>>, vector<16xf32>,
    %swap3A_1959 = vector.shape_cast %swap3A_1958 : vector<16xf32> to vector<16xf32>
    %swap3A_1960 = vector.shape_cast %mul3A_1956 : vector<16xf32> to vector<16xf32>
    tpu.vector_store %arg21[%swap3A_1957], %swap3A_1960 {strides = array<i32>} : memref<64xf32, #tpu.memory_space<vmem>>, vector<16xf32>,
    %mul3A_1961 = arith.mulf %sub3A_1944, %sub3A_1876 : vector<16xf32>
    %swap3A_1962 = arith.constant 48 : index
    %swap3A_1963 = tpu.vector_load %arg22[%swap3A_1962] {strides = array<i32>} : memref<64xf32, #tpu.memory_space<vmem>>, vector<16xf32>,
    %swap3A_1964 = vector.shape_cast %swap3A_1963 : vector<16xf32> to vector<16xf32>
    %swap3A_1965 = vector.shape_cast %mul3A_1961 : vector<16xf32> to vector<16xf32>
    tpu.vector_store %arg22[%swap3A_1962], %swap3A_1965 {strides = array<i32>} : memref<64xf32, #tpu.memory_space<vmem>>, vector<16xf32>,
    %mul3A_1966 = arith.mulf %mul3A_1943, %sub3A_1876 : vector<16xf32>
    %swap3A_1967 = arith.constant 48 : index
    %swap3A_1968 = tpu.vector_load %arg23[%swap3A_1967] {strides = array<i32>} : memref<64xf32, #tpu.memory_space<vmem>>, vector<16xf32>,
    %swap3A_1969 = vector.shape_cast %swap3A_1968 : vector<16xf32> to vector<16xf32>
    %swap3A_1970 = vector.shape_cast %mul3A_1966 : vector<16xf32> to vector<16xf32>
    tpu.vector_store %arg23[%swap3A_1967], %swap3A_1970 {strides = array<i32>} : memref<64xf32, #tpu.memory_space<vmem>>, vector<16xf32>,
    %dma_start3A_1971 = arith.constant 0 : i32
    %dma_start3A_1972 = arith.constant 0 : i32
    %dma_start3A_1973 = tpu.memref_slice %arg2[%dma_start3A_1971, %dma_start3A_1972] : memref<401408x128xf32, #tpu.memory_space<hbm>> -> memref<401408x128xf32, #tpu.memory_space<hbm>>
    tpu.enqueue_indirect_dma source(%dma_start3A_1973 : memref<401408x128xf32, #tpu.memory_space<hbm>>) target(%arg28 : memref<64x128xf32, #tpu.memory_space<vmem>>) offsets(%arg16 : memref<64xi32, #tpu.memory_space<vmem>>) semaphore(%arg35 : memref<!tpu.dma_semaphore, #tpu.memory_space<semaphore_mem>>)
    %dma_start3A_1974 = arith.constant 0 : i32
    %dma_start3A_1975 = arith.constant 0 : i32
    %dma_start3A_1976 = tpu.memref_slice %arg2[%dma_start3A_1974, %dma_start3A_1975] : memref<401408x128xf32, #tpu.memory_space<hbm>> -> memref<401408x128xf32, #tpu.memory_space<hbm>>
    tpu.enqueue_indirect_dma source(%dma_start3A_1976 : memref<401408x128xf32, #tpu.memory_space<hbm>>) target(%arg29 : memref<64x128xf32, #tpu.memory_space<vmem>>) offsets(%arg17 : memref<64xi32, #tpu.memory_space<vmem>>) semaphore(%arg35 : memref<!tpu.dma_semaphore, #tpu.memory_space<semaphore_mem>>)
    %dma_start3A_1977 = arith.constant 0 : i32
    %dma_start3A_1978 = arith.constant 0 : i32
    %dma_start3A_1979 = tpu.memref_slice %arg2[%dma_start3A_1977, %dma_start3A_1978] : memref<401408x128xf32, #tpu.memory_space<hbm>> -> memref<401408x128xf32, #tpu.memory_space<hbm>>
    tpu.enqueue_indirect_dma source(%dma_start3A_1979 : memref<401408x128xf32, #tpu.memory_space<hbm>>) target(%arg30 : memref<64x128xf32, #tpu.memory_space<vmem>>) offsets(%arg18 : memref<64xi32, #tpu.memory_space<vmem>>) semaphore(%arg35 : memref<!tpu.dma_semaphore, #tpu.memory_space<semaphore_mem>>)
    %dma_start3A_1980 = arith.constant 0 : i32
    %dma_start3A_1981 = arith.constant 0 : i32
    %dma_start3A_1982 = tpu.memref_slice %arg2[%dma_start3A_1980, %dma_start3A_1981] : memref<401408x128xf32, #tpu.memory_space<hbm>> -> memref<401408x128xf32, #tpu.memory_space<hbm>>
    tpu.enqueue_indirect_dma source(%dma_start3A_1982 : memref<401408x128xf32, #tpu.memory_space<hbm>>) target(%arg31 : memref<64x128xf32, #tpu.memory_space<vmem>>) offsets(%arg19 : memref<64xi32, #tpu.memory_space<vmem>>) semaphore(%arg35 : memref<!tpu.dma_semaphore, #tpu.memory_space<semaphore_mem>>)
    %dma_wait3A_1983 = arith.constant 0 : i32
    %dma_wait3A_1984 = arith.constant 0 : i32
    %dma_wait3A_1985 = tpu.memref_slice %arg2[%dma_wait3A_1983, %dma_wait3A_1984] : memref<401408x128xf32, #tpu.memory_space<hbm>> -> memref<401408x128xf32, #tpu.memory_space<hbm>>
    tpu.wait_indirect_dma semaphore(%arg34 : memref<!tpu.dma_semaphore, #tpu.memory_space<semaphore_mem>>) src(%dma_wait3A_1985 : memref<401408x128xf32, #tpu.memory_space<hbm>>) dst(%arg24 : memref<64x128xf32, #tpu.memory_space<vmem>>)
    %dma_wait3A_1986 = arith.constant 0 : i32
    %dma_wait3A_1987 = arith.constant 0 : i32
    %dma_wait3A_1988 = tpu.memref_slice %arg2[%dma_wait3A_1986, %dma_wait3A_1987] : memref<401408x128xf32, #tpu.memory_space<hbm>> -> memref<401408x128xf32, #tpu.memory_space<hbm>>
    tpu.wait_indirect_dma semaphore(%arg34 : memref<!tpu.dma_semaphore, #tpu.memory_space<semaphore_mem>>) src(%dma_wait3A_1988 : memref<401408x128xf32, #tpu.memory_space<hbm>>) dst(%arg25 : memref<64x128xf32, #tpu.memory_space<vmem>>)
    %dma_wait3A_1989 = arith.constant 0 : i32
    %dma_wait3A_1990 = arith.constant 0 : i32
    %dma_wait3A_1991 = tpu.memref_slice %arg2[%dma_wait3A_1989, %dma_wait3A_1990] : memref<401408x128xf32, #tpu.memory_space<hbm>> -> memref<401408x128xf32, #tpu.memory_space<hbm>>
    tpu.wait_indirect_dma semaphore(%arg34 : memref<!tpu.dma_semaphore, #tpu.memory_space<semaphore_mem>>) src(%dma_wait3A_1991 : memref<401408x128xf32, #tpu.memory_space<hbm>>) dst(%arg26 : memref<64x128xf32, #tpu.memory_space<vmem>>)
    %dma_wait3A_1992 = arith.constant 0 : i32
    %dma_wait3A_1993 = arith.constant 0 : i32
    %dma_wait3A_1994 = tpu.memref_slice %arg2[%dma_wait3A_1992, %dma_wait3A_1993] : memref<401408x128xf32, #tpu.memory_space<hbm>> -> memref<401408x128xf32, #tpu.memory_space<hbm>>
    tpu.wait_indirect_dma semaphore(%arg34 : memref<!tpu.dma_semaphore, #tpu.memory_space<semaphore_mem>>) src(%dma_wait3A_1994 : memref<401408x128xf32, #tpu.memory_space<hbm>>) dst(%arg27 : memref<64x128xf32, #tpu.memory_space<vmem>>)
    %dma_wait3A_1995 = arith.constant 0 : i32
    %dma_wait3A_1996 = tpu.memref_slice %arg5[%mul3A_2, %dma_wait3A_1995] : memref<401408x96xf32, #tpu.memory_space<hbm>> -> memref<64x96xf32, #tpu.memory_space<hbm>>
    %dma_wait3A_1997 = arith.constant 0 : i32
    %dma_wait3A_1998 = tpu.memref_slice %arg5[%mul3A_2, %dma_wait3A_1997] : memref<401408x96xf32, #tpu.memory_space<hbm>> -> memref<64x96xf32, #tpu.memory_space<hbm>>
    tpu.wait_dma2 semaphore(%arg36 : memref<!tpu.dma_semaphore, #tpu.memory_space<semaphore_mem>>) src(%arg32 : memref<64x96xf32, #tpu.memory_space<vmem>>) dst(%dma_wait3A_1998 : memref<64x96xf32, #tpu.memory_space<hbm>>)
    %add3A_1999 = arith.constant 12416 : i32
    %add3A_2000 = arith.addi %mul3A_2, %add3A_1999 : i32
    %dma_start3A_2001 = arith.constant 0 : i32
    %dma_start3A_2002 = tpu.memref_slice %arg5[%add3A_2000, %dma_start3A_2001] : memref<401408x96xf32, #tpu.memory_space<hbm>> -> memref<64x96xf32, #tpu.memory_space<hbm>>
    %dma_start3A_2003 = arith.constant 0 : i32
    %dma_start3A_2004 = tpu.memref_slice %arg5[%add3A_2000, %dma_start3A_2003] : memref<401408x96xf32, #tpu.memory_space<hbm>> -> memref<64x96xf32, #tpu.memory_space<hbm>>
    tpu.enqueue_dma source(%arg32 : memref<64x96xf32, #tpu.memory_space<vmem>>) target(%dma_start3A_2004 : memref<64x96xf32, #tpu.memory_space<hbm>>) target_semaphore(%arg36 : memref<!tpu.dma_semaphore, #tpu.memory_space<semaphore_mem>>)
    %dma_wait3A_2005 = arith.constant 0 : i32
    %dma_wait3A_2006 = arith.constant 0 : i32
    %dma_wait3A_2007 = tpu.memref_slice %arg2[%dma_wait3A_2005, %dma_wait3A_2006] : memref<401408x128xf32, #tpu.memory_space<hbm>> -> memref<401408x128xf32, #tpu.memory_space<hbm>>
    tpu.wait_indirect_dma semaphore(%arg35 : memref<!tpu.dma_semaphore, #tpu.memory_space<semaphore_mem>>) src(%dma_wait3A_2007 : memref<401408x128xf32, #tpu.memory_space<hbm>>) dst(%arg28 : memref<64x128xf32, #tpu.memory_space<vmem>>)
    %dma_wait3A_2008 = arith.constant 0 : i32
    %dma_wait3A_2009 = arith.constant 0 : i32
    %dma_wait3A_2010 = tpu.memref_slice %arg2[%dma_wait3A_2008, %dma_wait3A_2009] : memref<401408x128xf32, #tpu.memory_space<hbm>> -> memref<401408x128xf32, #tpu.memory_space<hbm>>
    tpu.wait_indirect_dma semaphore(%arg35 : memref<!tpu.dma_semaphore, #tpu.memory_space<semaphore_mem>>) src(%dma_wait3A_2010 : memref<401408x128xf32, #tpu.memory_space<hbm>>) dst(%arg29 : memref<64x128xf32, #tpu.memory_space<vmem>>)
    %dma_wait3A_2011 = arith.constant 0 : i32
    %dma_wait3A_2012 = arith.constant 0 : i32
    %dma_wait3A_2013 = tpu.memref_slice %arg2[%dma_wait3A_2011, %dma_wait3A_2012] : memref<401408x128xf32, #tpu.memory_space<hbm>> -> memref<401408x128xf32, #tpu.memory_space<hbm>>
    tpu.wait_indirect_dma semaphore(%arg35 : memref<!tpu.dma_semaphore, #tpu.memory_space<semaphore_mem>>) src(%dma_wait3A_2013 : memref<401408x128xf32, #tpu.memory_space<hbm>>) dst(%arg30 : memref<64x128xf32, #tpu.memory_space<vmem>>)
    %dma_wait3A_2014 = arith.constant 0 : i32
    %dma_wait3A_2015 = arith.constant 0 : i32
    %dma_wait3A_2016 = tpu.memref_slice %arg2[%dma_wait3A_2014, %dma_wait3A_2015] : memref<401408x128xf32, #tpu.memory_space<hbm>> -> memref<401408x128xf32, #tpu.memory_space<hbm>>
    tpu.wait_indirect_dma semaphore(%arg35 : memref<!tpu.dma_semaphore, #tpu.memory_space<semaphore_mem>>) src(%dma_wait3A_2016 : memref<401408x128xf32, #tpu.memory_space<hbm>>) dst(%arg31 : memref<64x128xf32, #tpu.memory_space<vmem>>)
    %dma_wait3A_2017 = arith.constant 0 : i32
    %dma_wait3A_2018 = tpu.memref_slice %arg5[%mul3A_2, %dma_wait3A_2017] : memref<401408x96xf32, #tpu.memory_space<hbm>> -> memref<64x96xf32, #tpu.memory_space<hbm>>
    %dma_wait3A_2019 = arith.constant 0 : i32
    %dma_wait3A_2020 = tpu.memref_slice %arg5[%mul3A_2, %dma_wait3A_2019] : memref<401408x96xf32, #tpu.memory_space<hbm>> -> memref<64x96xf32, #tpu.memory_space<hbm>>
    tpu.wait_dma2 semaphore(%arg37 : memref<!tpu.dma_semaphore, #tpu.memory_space<semaphore_mem>>) src(%arg33 : memref<64x96xf32, #tpu.memory_space<vmem>>) dst(%dma_wait3A_2020 : memref<64x96xf32, #tpu.memory_space<hbm>>)
    %add3A_2021 = arith.constant 12480 : i32
    %add3A_2022 = arith.addi %mul3A_2, %add3A_2021 : i32
    %dma_start3A_2023 = arith.constant 0 : i32
    %dma_start3A_2024 = tpu.memref_slice %arg5[%add3A_2022, %dma_start3A_2023] : memref<401408x96xf32, #tpu.memory_space<hbm>> -> memref<64x96xf32, #tpu.memory_space<hbm>>
    %dma_start3A_2025 = arith.constant 0 : i32
    %dma_start3A_2026 = tpu.memref_slice %arg5[%add3A_2022, %dma_start3A_2025] : memref<401408x96xf32, #tpu.memory_space<hbm>> -> memref<64x96xf32, #tpu.memory_space<hbm>>
    tpu.enqueue_dma source(%arg33 : memref<64x96xf32, #tpu.memory_space<vmem>>) target(%dma_start3A_2026 : memref<64x96xf32, #tpu.memory_space<hbm>>) target_semaphore(%arg37 : memref<!tpu.dma_semaphore, #tpu.memory_space<semaphore_mem>>)
    %dma_wait3A_2027 = arith.constant 0 : i32
    %dma_wait3A_2028 = tpu.memref_slice %arg5[%mul3A_2, %dma_wait3A_2027] : memref<401408x96xf32, #tpu.memory_space<hbm>> -> memref<64x96xf32, #tpu.memory_space<hbm>>
    %dma_wait3A_2029 = arith.constant 0 : i32
    %dma_wait3A_2030 = tpu.memref_slice %arg5[%mul3A_2, %dma_wait3A_2029] : memref<401408x96xf32, #tpu.memory_space<hbm>> -> memref<64x96xf32, #tpu.memory_space<hbm>>
    tpu.wait_dma2 semaphore(%arg36 : memref<!tpu.dma_semaphore, #tpu.memory_space<semaphore_mem>>) src(%arg32 : memref<64x96xf32, #tpu.memory_space<vmem>>) dst(%dma_wait3A_2030 : memref<64x96xf32, #tpu.memory_space<hbm>>)
    %dma_wait3A_2031 = arith.constant 0 : i32
    %dma_wait3A_2032 = tpu.memref_slice %arg5[%mul3A_2, %dma_wait3A_2031] : memref<401408x96xf32, #tpu.memory_space<hbm>> -> memref<64x96xf32, #tpu.memory_space<hbm>>
    %dma_wait3A_2033 = arith.constant 0 : i32
    %dma_wait3A_2034 = tpu.memref_slice %arg5[%mul3A_2, %dma_wait3A_2033] : memref<401408x96xf32, #tpu.memory_space<hbm>> -> memref<64x96xf32, #tpu.memory_space<hbm>>
    tpu.wait_dma2 semaphore(%arg37 : memref<!tpu.dma_semaphore, #tpu.memory_space<semaphore_mem>>) src(%arg33 : memref<64x96xf32, #tpu.memory_space<vmem>>) dst(%dma_wait3A_2034 : memref<64x96xf32, #tpu.memory_space<hbm>>)
    return
  }
}

</mosaic_0001>

<sc_bundles>
// kernel: kernel.3.cloned.1.call-start
scs
__scs_entry_jumppad:
0x0: {  	(pc) =	sbr.rel $0x88, $3  }
0x1: {  	(tag) =	ssettag $0x0;
	lr =	simm.s32 $0x1  }
0x2: {  	[smem:$0x3F9F] =	sst lr;
	_ =	strace $0xD0000000  }
0x3: {  	_ = 	snop  }
0x4: {  	_ = 	snop  }
0x5: {  	_ = 	snop  }
0x6: {  	_ = 	snop  }
0x7: {  	_ = 	snop  }
__scs_overlays_trampoline_lowered:
0x8: {  	[smem:$0x3FAE] =	sst s0  }
0x9: {  	[smem:$0x3FAF] =	sst s1  }
0xa: {  	[smem:$0x3FB0] =	sst s2  }
0xb: {  	[smem:$0x3FB1] =	sst s3  }
0xc: {  	[smem:$0x3FB2] =	sst s4  }
0xd: {  	[smem:$0x3FB3] =	sst s5  }
0xe: {  	[smem:$0x3FB4] =	sst s6  }
0xf: {  	[smem:$0x3FB5] =	sst s7  }
0x10: {  	[smem:$0x3FB6] =	sst s8  }
0x11: {  	[smem:$0x3FB7] =	sst s9;
	s0 =	simm.s32 @!p0 $0x0  }
0x12: {  	s1 =	sld [smem:$0x3F9D];
	s0 =	simm.s32 @p0 $0x1  }
0x13: {  	[smem:$0x3FB8] =	sst s0;
	s0 =	simm.s32 @!p1 $0x0  }
0x14: {  	s2 =	sld [smem:$0x3F9C];
	s0 =	simm.s32 @p1 $0x1  }
0x15: {  	[smem:$0x3FB9] =	sst s0;
	s0 =	simm.s32 @!p2 $0x0  }
0x16: {  	s3 =	sld [smem:$0x3FDB];
	s0 =	simm.s32 @p2 $0x1  }
0x17: {  	s4 =	simm.s32 $0x1BF5;
	[smem:$0x3FBB] =	sst s0  }
0x18: {  	s0 =	sld [smem:$0x3F9E];
	_ =	swait.ge [sflag:s4], $0x0  }
0x19: {  	s7 =	sld [smem:$0x3F9F]  }
0x1a: {  	s8 =	sadd.s32 $0xFFFFE003, lr  }
0x1b: {  	s9 =	sadd.s32 $0xFFFFFEF7, lr;
	s5 =	simm.s32 $0xFFFFFFFF;
	p2 =	slt.u32 s8, $0xFFFFF086  }
0x1c: {  	p1 =	slt.u32 s9, $0xF7A;
	s5 =	simm.s32 @!p2 $0x0  }
0x1d: {  	s5 =	simm.s32 @p1 $0x1;
	p0 =	seq.s32 s7, s2  }
0x1e: {  	s7 =	smul.u32 @!p0 $0xF7A, s2;
	p2 =	seq.s32 @!p0 s5, $0x0  }
0x1f: {  	s9 =	smul.u32 $0xF7A, s1;
	s8 =	simm.s32 @!p0 $0x1BF5;
	p2 =	por !p2, p0  }
0x20: {  	[sflag:s8] =	ssyncset.s32 @!p0 $0xFFFFF086;
	s6 =	sadd.s32 @!p0 s3, s7;
	s7 =	simm.s32 @!p0 $0x108  }
0x21: {  	s3 =	sadd.s32 s3, s9;
	s6 =	sadd.s32 @!p0 $0x88, s6;
	s7 =	simm.s32 @p2 $0x1082  }
0x22: {  	[simem:s7], [sflag:s8] =	dma.local @!p0 [hbm:s6], $0xF7A  }
0x23: {  	s9 =	sor.u32 $0xD0000000, s2;
	s6 =	simm.s32 $0x108;
	_ =	swait.ge @!p0 [sflag:s8], $0x0  }
0x24: {  	s3 =	sadd.s32 $0x88, s3;
	s6 =	simm.s32 @!p1 $0x1082;
	[sflag:s4] =	ssyncset.s32 $0xFFFFF086  }
0x25: {  	[simem:s6], [sflag:s4] =	dma.local [hbm:s3], $0xF7A  }
0x26: {  	[smem:$0x3F9F] =	sst s1;
	(tag) =	ssettag s2;
	_ =	strace s9  }
0x27: {  	s1 =	sld [smem:$0x3FAF]  }
0x28: {  	s2 =	sld [smem:$0x3FB0]  }
0x29: {  	s4 =	sld [smem:$0x3FB2]  }
0x2a: {  	p0 =	seq.s32 s5, $0x0;
	s5 =	sld [smem:$0x3FB3]  }
0x2b: {  	s6 =	sld [smem:$0x3FB4]  }
0x2c: {  	s7 =	sld [smem:$0x3FB5]  }
0x2d: {  	s3 =	simm.s32 $0x108;
	s8 =	sld [smem:$0x3FB6]  }
0x2e: {  	s3 =	simm.s32 @!p0 $0x1082;
	s9 =	sld [smem:$0x3FB7]  }
0x2f: {  	lr =	sadd.s32 s0, s3;
	s0 =	sld [smem:$0x3FAE]  }
0x30: {  	s3 =	sld [smem:$0x3FB1]  }
0x31: {  	[smem:$0x3FBA] =	sst s10  }
0x32: {  	s10 =	sld [smem:$0x3FB8];
	_ =	sdelay $0x3  }
0x33: {  	p0 =	seq.s32 s10, $0x1;
	s10 =	sld [smem:$0x3FBA];
	_ =	sdelay $0x3  }
0x34: {  	[smem:$0x3FBA] =	sst s10  }
0x35: {  	s10 =	sld [smem:$0x3FB9];
	_ =	sdelay $0x3  }
0x36: {  	p1 =	seq.s32 s10, $0x1;
	s10 =	sld [smem:$0x3FBA];
	_ =	sdelay $0x3  }
0x37: {  	[smem:$0x3FBA] =	sst s10  }
0x38: {  	s10 =	sld [smem:$0x3FBB]  }
0x39: {  	_ = 	snop;
	(pc) =	sbr.ind lr, $3  }
0x3a: {  	_ = 	snop  }
0x3b: {  	_ = 	snop  }
0x3c: {  	p2 =	seq.s32 s10, $0x1;
	s10 =	sld [smem:$0x3FBA]  }
0x3d: {  	_ =	shalt  }
0x3e: {  	_ =	shalt  }
0x3f: {  	_ =	shalt  }
0x40: {  	_ =	shalt  }
0x41: {  	_ =	shalt  }
0x42: {  	_ =	shalt  }
0x43: {  	_ =	shalt  }
0x44: {  	_ =	shalt  }
0x45: {  	_ =	shalt  }
0x46: {  	_ =	shalt  }
0x47: {  	_ =	shalt  }
0x48: {  	_ =	shalt  }
0x49: {  	_ =	shalt  }
0x4a: {  	_ =	shalt  }
0x4b: {  	_ =	shalt  }
0x4c: {  	_ =	shalt  }
0x4d: {  	_ =	shalt  }
0x4e: {  	_ =	shalt  }
0x4f: {  	_ =	shalt  }
0x50: {  	_ =	shalt  }
0x51: {  	_ =	shalt  }
0x52: {  	_ =	shalt  }
0x53: {  	_ =	shalt  }
0x54: {  	_ =	shalt  }
0x55: {  	_ =	shalt  }
0x56: {  	_ =	shalt  }
0x57: {  	_ =	shalt  }
0x58: {  	_ =	shalt  }
0x59: {  	_ =	shalt  }
0x5a: {  	_ =	shalt  }
0x5b: {  	_ =	shalt  }
0x5c: {  	_ =	shalt  }
0x5d: {  	_ =	shalt  }
0x5e: {  	_ =	shalt  }
0x5f: {  	_ =	shalt  }
0x60: {  	_ =	shalt  }
0x61: {  	_ =	shalt  }
0x62: {  	_ =	shalt  }
0x63: {  	_ =	shalt  }
0x64: {  	_ =	shalt  }
0x65: {  	_ =	shalt  }
0x66: {  	_ =	shalt  }
0x67: {  	_ =	shalt  }
0x68: {  	_ =	shalt  }
0x69: {  	_ =	shalt  }
0x6a: {  	_ =	shalt  }
0x6b: {  	_ =	shalt  }
0x6c: {  	_ =	shalt  }
0x6d: {  	_ =	shalt  }
0x6e: {  	_ =	shalt  }
0x6f: {  	_ =	shalt  }
0x70: {  	_ =	shalt  }
0x71: {  	_ =	shalt  }
0x72: {  	_ =	shalt  }
0x73: {  	_ =	shalt  }
0x74: {  	_ =	shalt  }
0x75: {  	_ =	shalt  }
0x76: {  	_ =	shalt  }
0x77: {  	_ =	shalt  }
0x78: {  	_ =	shalt  }
0x79: {  	_ =	shalt  }
0x7a: {  	_ =	shalt  }
0x7b: {  	_ =	shalt  }
0x7c: {  	_ =	shalt  }
0x7d: {  	_ =	shalt  }
0x7e: {  	_ =	shalt  }
0x7f: {  	_ =	shalt  }
0x80: {  	_ =	shalt  }
0x81: {  	_ =	shalt  }
0x82: {  	_ =	shalt  }
0x83: {  	_ =	shalt  }
0x84: {  	_ =	shalt  }
0x85: {  	_ =	shalt  }
0x86: {  	_ =	shalt  }
0x87: {  	_ =	shalt  }
.Lfunc_end0:
.L_simem_size_0:
called_computation.1_lowered:
.L_overlay_start_0:
0x88: {  	s2 =	sld [smem:$0x3FD9]  }
0x89: {  	s3 =	sld [smem:$0x3FFE];
	_ =	sdelay $0x1  }
0x8a: {  	s1 =	srdreg.scid  }
0x8b: {  	s0 =	sand.u32 $0x1, s1  }
0x8c: {  	s17 =	sshll.u32 s0, $0xA;
	s2 =	sadd.s32 s3, s2  }
0x8d: {  	s2 =	sadd.s32 s2, s17  }
0x8e: {  	[smem:$0x3FC6] =	sst s2  }
0x8f: {  	_ = 	snop  }
0x90: {  	s2 =	sld [smem:$0x3FD0];
	(tm) =	ssettm $0x1  }
0x91: {  	s18 =	sld [smem:$0x3FFB];
	_ =	sdelay $0x3  }
0x92: {  	_ =	strace s18  }
0x93: {  	s3 =	sld [smem:$0x3FFC];
	_ =	sdelay $0x3  }
0x94: {  	_ =	strace s3  }
0x95: {  	s3 =	sld [smem:$0x3FFD];
	_ =	sdelay $0x3  }
0x96: {  	_ =	strace s3  }
0x97: {  	_ =	strace $0x8FFFFFFF  }
0x98: {  	s19 =	sld [smem:$0x3FDB];
	_ =	sdelay $0x1  }
0x99: {  	s4 =	simm.s32 $_scs_section_size  }
0x9a: {  	s5 =	simm.s32 $_size__tile_overlayer_lowered;
	s6 =	simm.s32 $_tile_overlayer_lowered  }
0x9b: {  	s22 =	simm.s32 $0x1BFF;
	s21 =	sshll.u32 s6, $0x1;
	s3 =	sadd.s32 s4, s19  }
0x9c: {  	s7 =	simm.s32 $0x0;
	s20 =	sshll.u32 s5, $0x1;
	s5 =	sadd.s32 s21, s3  }
0x9d: {  	[timem:s7], [sflag:s22] =	dma.local [hbm:s5], s20  }
0x9e: {  	_ =	swait.ge [sflag:s22], s20  }
0x9f: {  	s4 =	ssub.s32 $0x0, s20;
	[sflag:s22] =	ssyncset.done $0x0  }
0xa0: {  	[sflag:s22] =	ssyncadd.s32 s4;
	_ =	sdelay $0x1  }
0xa1: {  	s23 =	simm.s32 $0x1B8B  }
0xa2: {  	_ =	swait.ge [sflag:s23], $0x1  }
0xa3: {  	[sflag:s23] =	ssyncset.done $0x0  }
0xa4: {  	s25 =	simm.s32 $0x1B8E;
	s24 =	sld [smem:$0x3FFE];
	[sflag:s23] =	ssyncadd.s32 $0xFFFFFFFF  }
0xa5: {  	s26 =	simm.s32 $execute0_lowered;
	[smem:$0x3FD2] =	sst s25  }
0xa6: {  	s5 =	sshll.u32 s26, $0x1;
	_ =	strace $0x80000046;
	[dreg:$0x1] =	wrdreg $0xFFFFFFFF  }
0xa7: {  	s28 =	simm.s32 $_size_execute0_lowered;
	s3 =	sadd.s32 s3, s5;
	[dreg:$0x0] =	wrdreg $0x0  }
0xa8: {  	s5 =	sshll.u32 s28, $0x1;
	[dreg:$0x2] =	wrdreg s3  }
0xa9: {  	[dreg:$0x3] =	wrdreg s5  }
0xaa: {  	[dreg:$0x4] =	wrdreg $0xC0  }
0xab: {  	_ =	task [dreg:s7], $0x5FFFF  }
0xac: {  	[dreg:$0x1] =	wrdreg $0xFFFFFFFF  }
0xad: {  	[dreg:$0x0] =	wrdreg $0x60  }
0xae: {  	[dreg:$0x2] =	wrdreg s24  }
0xaf: {  	[dreg:$0x3] =	wrdreg s2  }
0xb0: {  	[dreg:$0x4] =	wrdreg $0x9  }
0xb1: {  	_ =	task.clear_ibuf [dreg:s7], $0x5FFFF;
	_ =	strace $0x90000046  }
0xb2: {  	s29 =	simm.s32 $0x9;
	_ =	strace $0x80000048  }
0xb3: {  	_ =	swait.ge [sflag:s29], $0x1  }
0xb4: {  	[sflag:s29] =	ssyncadd.s32 $0xFFFFFFFF  }
0xb5: {  	_ =	strace $0x90000048  }
0xb6: {  	_ =	sfence  }
0xb7: {  	s30 =	sld [smem:$0x0];
	_ =	sdelay $0x2  }
0xb8: {  	s31 =	sshll.u32 s1, $0xD;
	s1 =	sshrl.u32 s1, $0x2  }
0xb9: {  	s3 =	sand.u32 $0x4000, s31;
	s1 =	sadd.s32 s1, s30  }
0xba: {  	s0 =	sor.u32 s3, s0;
	s1 =	sshll.u32 s1, $0x11  }
0xbb: {  	s0 =	sor.u32 s1, s0  }
0xbc: {  	s0 =	sadd.s32 $0x8F2B, s0  }
0xbd: {  	[sflag:s0] =	ssyncadd.remote.s32 $0x1  }
0xbe: {  	_ =	sfence.sel $0xFFFF  }
0xbf: {  	[dreg:$0x0] =	wrdreg $0xFFFFFFFF;
	(pc) =	sbr.abs _section_cstart, $3  }
0xc0: {  	[dreg:$0x1] =	wrdreg $0xFFFFFFFF  }
0xc1: {  	_ =	task.clear_ibuf [dreg:s7], $0x2FFFF;
	_ =	strace $0x9FFFFFFF  }
0xc2: {  	(tm) =	ssettm $0x7FFFFFFF  }
0xc3: {  	_ =	shalt  }
tec
execute0_lowered:
.L_overlay_start_1:
0x0: {  	(tag) =	ssettag $0x1  }
0x1: {  	s1 =	rddreg [dreg:$0x0]  }
0x2: {  	s0 =	rddreg [dreg:$0x1];
	s2 =	simm.s32 $0x0  }
0x3: {  	s3 =	srdreg.scid;
	s14 =	stileid.u32;
	s28 =	simm.s32 $0x4900  }
0x4: {  	s29 =	simm.s32 $0x280;
	s20 =	sshrl.u32 s14, $0x1;
	s18 =	smul.u32 $0x310000, s14  }
0x5: {  	s30 =	simm.s32 $0x6900;
	s4 =	sand.u32 $0x1, s3;
	s13 =	smul.u32 $0xC400, s20  }
0x6: {  	s31 =	simm.s32 $0x500;
	[smem:$0x7FF] =	sst s2;
	s17 =	smul.u32 $0x3100, s4  }
0x7: {  	s5 =	sshll.u32 s14, $0x1;
	s3 =	sadd.s32 $0x62C600, s1;
	s19 =	smul.u32 $0x188000, s4  }
0x8: {  	s6 =	ssub.s32 $0x2, s4;
	s5 =	sor.u32 s4, s5;
	s4 =	smul.u32 $0x31000, s4  }
0x9: {  	s7 =	sadd.s32 $0x620200, s1;
	s1 =	sadd.s32 $0x200, s1;
	s9 =	smul.u32 $0x3100, s5  }
0xa: {  	_ =	strace $0x80000047;
	s8 =	sshrl.u32 s6, $0x1;
	s12 =	smul.u32 $0x31000, s5  }
0xb: {  	s5 =	smul.u32 $0x188000, s5;
	s6 =	ssub.s32 s6, s8;
	v0 =	vmov s13;
	s13 =	simm.s32 $0x3  }
0xc: {  	s21 =	sshrl.u32 s9, $0x3;
	s10 =	sor.u32 $0x40, s9;
	s24 =	sadd.s32 s1, s12  }
0xd: {  	s26 =	sadd.s32 $0x30C0, s9;
	s5 =	sshrl.u32 s5, $0x3;
	s6 =	smax.u32 s6, $0x1  }
0xe: {  	s11 =	sadd.s32 s0, s21;
	s22 =	sshrl.u32 s10, $0x3;
	s15 =	sadd.s32 s7, s21  }
0xf: {  	s8 =	sor.u32 $0x10, s21;
	[dreg:$0xb] =	wrdreg s24;
	s12 =	sshrl.u32 s26, $0x3  }
0x10: {  	s5 =	sadd.s32 s1, s5;
	s20 =	sshll.u32 s26, $0x4;
	[dreg:$0x13] =	wrdreg s6  }
0x11: {  	s24 =	smul.u32 $0x62000, s14;
	s6 =	simm.s32 $0xC900;
	[dreg:$0x7] =	wrdreg s11  }
0x12: {  	[dreg:$0x8] =	wrdreg s15;
	s23 =	sadd.s32 s0, s22;
	s11 =	sadd.s32 s7, s22  }
0x13: {  	s25 =	sadd.s32 s0, s8;
	s8 =	sadd.s32 s7, s8;
	[dreg:$0x9] =	wrdreg s23  }
0x14: {  	s15 =	smul.u32 $0x6200, s14;
	s16 =	sadd.s32 s0, s12;
	[dreg:$0xa] =	wrdreg s11  }
0x15: {  	s5 =	sadd.s32 $0x30800, s5;
	s22 =	sadd.s32 s19, s18;
	[dreg:$0xc] =	wrdreg s25  }
0x16: {  	s19 =	simm.s32 $0x5;
	s14 =	simm.s32 $0x4;
	[dreg:$0xd] =	wrdreg s8  }
0x17: {  	s11 =	sshll.u32 s10, $0x4;
	[dreg:$0xf] =	wrdreg s16;
	s10 =	sadd.s32 s7, s12  }
0x18: {  	[dreg:$0x11] =	wrdreg s5;
	s5 =	sadd.s32 s1, s20;
	s20 =	simm.s32 $0x80  }
0x19: {  	s12 =	simm.s32 $0x12900;
	s16 =	simm.s32 $0x0;
	[dreg:$0x10] =	wrdreg s10  }
0x1a: {  	s9 =	sadd.s32 s1, s11;
	[dreg:$0x12] =	wrdreg s5;
	s5 =	sor.u32 $0x4000, s22  }
0x1b: {  	s22 =	simm.s32 $0x100;
	s10 =	simm.s32 $0x10900;
	s11 =	simm.s32 $0x2  }
0x1c: {  	[dreg:$0xe] =	wrdreg s9;
	s9 =	sadd.s32 s17, s15;
	s5 =	sshrl.u32 s5, $0x3  }
0x1d: {  	s21 =	sadd.s32 $0x100, s9;
	s5 =	sadd.s32 s5, s1;
	s25 =	sor.u32 $0xC0, s9  }
0x1e: {  	s1 =	sadd.s32 s24, s1;
	s24 =	simm.s32 $0x180;
	s9 =	simm.s32 $0x1  }
0x1f: {  	s8 =	sshrl.u32 s21, $0x3;
	[dreg:$0x14] =	wrdreg s5;
	s5 =	sshrl.u32 s25, $0x3  }
0x20: {  	s1 =	sadd.s32 s4, s1;
	s21 =	simm.s32 $0x40;
	s23 =	sadd.s32 s8, s7  }
0x21: {  	s25 =	simm.s32 $0x2900;
	s8 =	sadd.s32 s8, s0;
	[dreg:$0x3] =	wrdreg s23  }
0x22: {  	s4 =	simm.s32 $0xA900;
	s1 =	sadd.s32 $0xC00, s1;
	[dreg:$0x4] =	wrdreg s8  }
0x23: {  	s26 =	sadd.s32 s5, s7;
	s0 =	sadd.s32 s5, s0;
	[dreg:$0x15] =	wrdreg s1  }
0x24: {  	s5 =	simm.s32 $0x600;
	s7 =	simm.s32 $0x680;
	[dreg:$0x5] =	wrdreg s26  }
0x25: {  	[dreg:$0x6] =	wrdreg s0;
	s23 =	simm.s32 $0x900;
	s26 =	simm.s32 $0x200  }
0x26: {  	v1 =	vimm.s32 $0x0;
	v2 =	vimm.f32 $0.0e+00;
	s0 =	simm.s32 $0x8900;
	s1 =	simm.s32 $0x580;
	s8 =	simm.s32 $0xE900  }
.LBB2_1:
0x27: {  	[dreg:$0x16] =	wrdreg s16  }
0x28: {  	s15 =	rddreg [dreg:$0x7]  }
0x29: {  	[tilespmem:s2], [sflag:$0x5] =	stream.linear.gather [hbm4b:s15+s2], $0x40, $0x38;
	[tilespmem:$0x14900] =	vst v63  }
0x2a: {  	_ =	swait.ge [sflag:s19], $0x40  }
0x2b: {  	[sflag:s19] =	ssyncset.done $0x0  }
0x2c: {  	s18 =	rddreg [dreg:$0x8];
	[sflag:s19] =	ssyncadd.s32 $0xFFFFFFC0  }
0x2d: {  	[tilespmem:s20], [sflag:$0x5] =	stream.linear.gather [hbm4b:s18+s2], $0x40, $0x38;
	[tilespmem:$0x14900] =	vst v63  }
0x2e: {  	_ =	swait.ge [sflag:s19], $0x40  }
0x2f: {  	[sflag:s19] =	ssyncset.done $0x0  }
0x30: {  	[sflag:s19] =	ssyncadd.s32 $0xFFFFFFC0  }
0x31: {  	v3 =	vld [tilespmem:$0x0]  }
0x32: {  	v4 =	vld [tilespmem:$0x80]  }
0x33: {  	v49 =	vld [tilespmem:$0x10]  }
0x34: {  	v9 =	vld [tilespmem:$0x90]  }
0x35: {  	v55 =	vld [tilespmem:$0x20]  }
0x36: {  	v19 =	vld [tilespmem:$0xA0]  }
0x37: {  	v29 =	vld [tilespmem:$0x30]  }
0x38: {  	v33 =	vld [tilespmem:$0xB0]  }
0x39: {  	v5 =	vtrunc.f32 v3  }
0x3a: {  	v7 =	vtrunc.f32 v4;
	v12 =	vtrunc.f32 v49  }
0x3b: {  	v15 =	vtrunc.f32 v9;
	v20 =	vtrunc.f32 v55  }
0x3c: {  	v62 =	vtrunc.f32 v19;
	v39 =	vtrunc.f32 v29  }
0x3d: {  	v42 =	vtrunc.f32 v33;
	v6 =	vcvt.f32.s32 v5  }
0x3e: {  	vm0 =	vlt.f32 v3, v5;
	v48 =	vcvt.f32.s32 v7;
	vm6 =	vlt.f32 v4, v7  }
0x3f: {  	v14 =	vcvt.f32.s32 v12;
	vm10 =	vlt.f32 v49, v12;
	v51 =	vcvt.f32.s32 v15  }
0x40: {  	vm11 =	vlt.f32 v9, v15;
	v61 =	vcvt.f32.s32 v20;
	vm4 =	vlt.f32 v55, v20  }
0x41: {  	vm5 =	vlt.f32 v19, v62;
	v20 =	vcvt.f32.s32 v62;
	v41 =	vcvt.f32.s32 v39  }
0x42: {  	v43 =	vcvt.f32.s32 v42;
	v5 =	vsel vm0, $0xFFFFFFFF, v1;
	v7 =	vsel vm6, $0xFFFFFFFF, v1  }
0x43: {  	v16 =	vsel vm10, $0xFFFFFFFF, v1;
	v17 =	vsel vm11, $0xFFFFFFFF, v1;
	v63 =	vsel vm4, $0xFFFFFFFF, v1  }
0x44: {  	v24 =	vsel vm5, $0xFFFFFFFF, v1;
	vm10 =	vlt.f32 v29, v39;
	vm11 =	vlt.f32 v33, v42  }
0x45: {  	v5 =	vadd.s32 v6, v5;
	v6 =	vadd.s32 v48, v7;
	v14 =	vadd.s32 v14, v16  }
0x46: {  	v12 =	vadd.s32 v51, v17;
	v44 =	vsel vm10, $0xFFFFFFFF, v1;
	v45 =	vsel vm11, $0xFFFFFFFF, v1  }
0x47: {  	v8 =	vcvt.s32.f32 v5;
	vm7 =	vgt.s32 v6, $0x0;
	vm1 =	vlt.u32 v5, $0xDF  }
0x48: {  	vm8 =	vgt.s32 v5, $0x0;
	vm9 =	vlt.u32 v6, $0xDF;
	v16 =	vcvt.s32.f32 v14  }
0x49: {  	vm12 =	vgt.s32 v12, $0x0;
	vm13 =	vgt.s32 v14, $0x0;
	v18 =	vcvt.s32.f32 v12  }
0x4a: {  	vm14 =	vlt.u32 v14, $0xDF;
	vm15 =	vlt.u32 v12, $0xDF;
	v46 =	vadd.s32 v41, v44  }
0x4b: {  	v7 =	vnsel vm7, $0x0, v6;
	v5 =	vnsel vm8, $0x0, v5;
	vm0 =	vmand vm1, vm9  }
0x4c: {  	v6 =	vcvt.s32.f32 v6;
	v53 =	vnsel vm12, $0x0, v12;
	v54 =	vnsel vm13, $0x0, v14  }
0x4d: {  	vm12 =	vlt.u32 v46, $0xDF;
	v3 =	vsub.f32 v3, v8;
	v7 =	vmin.u32 v7, $0xDE  }
0x4e: {  	v5 =	vmin.u32 v5, $0xDE;
	v10 =	vsel vm0, $0x3F800000, v2;
	v8 =	vsub.f32 v49, v16  }
0x4f: {  	v16 =	vmin.u32 v54, $0xDE;
	v9 =	vsub.f32 v9, v18;
	v7 =	vmul.u32 $0xE0, v7  }
0x50: {  	vm0 =	vmand vm14, vm15;
	v5 =	vor.u32 v0, v5;
	v4 =	vsub.f32 v4, v6  }
0x51: {  	v57 =	vsel vm0, $0x3F800000, v2;
	v3 =	vmul.f32 v10, v3;
	v5 =	vadd.s32 v7, v5  }
0x52: {  	v8 =	vmul.f32 v57, v8;
	v25 =	vsub.f32 $1.000000000e+00, v9;
	v50 =	vadd.s32 $0x1, v5;
	[tilespmem:$0x100] =	vst v5  }
0x53: {  	vm15 =	vgt.s32 v46, $0x0;
	v13 =	vsub.f32 $1.000000000e+00, v4;
	v11 =	vadd.s32 $0xE1, v5;
	[tilespmem:$0x180] =	vst v50  }
0x54: {  	v7 =	vadd.s32 $0xE0, v5;
	v10 =	vsub.f32 v10, v3;
	[tilespmem:$0x280] =	vst v11;
	v11 =	vmul.f32 v8, v25  }
0x55: {  	v6 =	vadd.s32 v20, v24;
	v23 =	vsub.f32 v57, v8;
	[tilespmem:$0x200] =	vst v7;
	v8 =	vmul.f32 v8, v9  }
0x56: {  	v56 =	vor.u32 v0, v16;
	v27 =	vcvt.s32.f32 v6;
	v52 =	vmul.f32 v10, v13;
	[tilespmem:$0x390] =	vst v11  }
0x57: {  	vm7 =	vlt.u32 v6, $0xDF;
	vm8 =	vgt.s32 v6, $0x0;
	v13 =	vmul.f32 v3, v13;
	[tilespmem:$0x490] =	vst v8  }
0x58: {  	v6 =	vnsel vm8, $0x0, v6;
	v5 =	vadd.s32 v61, v63;
	v10 =	vmul.f32 v10, v4;
	[tilespmem:$0x300] =	vst v52  }
0x59: {  	v28 =	vsub.f32 v19, v27;
	v6 =	vmin.u32 v6, $0xDE;
	v3 =	vmul.f32 v3, v4;
	[tilespmem:$0x380] =	vst v13  }
0x5a: {  	v26 =	vcvt.s32.f32 v5;
	v4 =	vmin.u32 v53, $0xDE;
	v34 =	vmul.f32 v23, v25;
	[tilespmem:$0x400] =	vst v10  }
0x5b: {  	vm6 =	vlt.u32 v5, $0xDF;
	v7 =	vmul.f32 v23, v9;
	v4 =	vmul.u32 $0xE0, v4;
	[tilespmem:$0x480] =	vst v3  }
0x5c: {  	vm9 =	vgt.s32 v5, $0x0;
	v31 =	vmul.u32 $0xE0, v6;
	vm0 =	vmand vm6, vm7;
	[tilespmem:$0x310] =	vst v34  }
0x5d: {  	v5 =	vnsel vm9, $0x0, v5;
	v35 =	vsub.f32 $1.000000000e+00, v28;
	[tilespmem:$0x410] =	vst v7;
	v4 =	vadd.s32 v4, v56  }
0x5e: {  	v12 =	vsub.f32 v55, v26;
	v30 =	vmin.u32 v5, $0xDE;
	v58 =	vadd.s32 $0x1, v4;
	[tilespmem:$0x110] =	vst v4  }
0x5f: {  	v8 =	vcvt.s32.f32 v46;
	v3 =	vsel vm0, $0x3F800000, v2;
	v59 =	vadd.s32 $0xE0, v4;
	[tilespmem:$0x190] =	vst v58  }
0x60: {  	v7 =	vadd.s32 v43, v45;
	v60 =	vadd.s32 $0xE1, v4;
	v4 =	vor.u32 v0, v30;
	[tilespmem:$0x210] =	vst v59  }
0x61: {  	v32 =	vmul.f32 v3, v12;
	vm13 =	vlt.u32 v7, $0xDF;
	v4 =	vadd.s32 v31, v4;
	[tilespmem:$0x290] =	vst v60  }
0x62: {  	vm14 =	vgt.s32 v7, $0x0;
	v8 =	vsub.f32 v29, v8;
	v36 =	vadd.s32 $0x1, v4;
	[tilespmem:$0x120] =	vst v4  }
0x63: {  	vm0 =	vmand vm12, vm13;
	v47 =	vnsel vm14, $0x0, v7;
	v37 =	vadd.s32 $0xE0, v4;
	[tilespmem:$0x1A0] =	vst v36  }
0x64: {  	v3 =	vsub.f32 v3, v32;
	v5 =	vmul.f32 v32, v35;
	v40 =	vadd.s32 $0xE1, v4;
	[tilespmem:$0x220] =	vst v37  }
0x65: {  	v7 =	vcvt.s32.f32 v7;
	v6 =	vmul.f32 v32, v28;
	v9 =	vmin.u32 v47, $0xDE;
	[tilespmem:$0x2A0] =	vst v40  }
0x66: {  	v4 =	vnsel vm15, $0x0, v46;
	v38 =	vmul.f32 v3, v35;
	v3 =	vmul.f32 v3, v28;
	[tilespmem:$0x3A0] =	vst v5  }
0x67: {  	v48 =	vsel vm0, $0x3F800000, v2;
	v9 =	vmul.u32 $0xE0, v9;
	v4 =	vmin.u32 v4, $0xDE;
	[tilespmem:$0x4A0] =	vst v6  }
0x68: {  	v49 =	vmul.f32 v48, v8;
	v4 =	vor.u32 v0, v4;
	[tilespmem:$0x420] =	vst v3;
	v3 =	vsub.f32 v33, v7  }
0x69: {  	[tilespmem:$0x320] =	vst v38;
	v4 =	vadd.s32 v9, v4  }
0x6a: {  	v5 =	vsub.f32 v48, v49;
	[tilespmem:$0x130] =	vst v4;
	v50 =	vadd.s32 $0x1, v4;
	v51 =	vsub.f32 $1.000000000e+00, v3  }
0x6b: {  	v52 =	vadd.s32 $0xE0, v4;
	[tilespmem:$0x1B0] =	vst v50  }
0x6c: {  	v4 =	vadd.s32 $0xE1, v4;
	[tilespmem:$0x230] =	vst v52;
	v53 =	vmul.f32 v5, v51  }
0x6d: {  	[tilespmem:$0x2B0] =	vst v4;
	v54 =	vmul.f32 v49, v51  }
0x6e: {  	v5 =	vmul.f32 v5, v3;
	[tilespmem:$0x330] =	vst v53  }
0x6f: {  	v3 =	vmul.f32 v49, v3;
	[tilespmem:$0x3B0] =	vst v54  }
0x70: {  	[tilespmem:$0x430] =	vst v5  }
0x71: {  	[tilespmem:$0x4B0] =	vst v3  }
0x72: {  	[tilespmem:s23], [sflag:$0x1] =	stream.indirect.gather [hbm4b:s3+s21], $0x80, s22, s21, $0xb8;
	[tilespmem:$0x14900] =	vst v63  }
0x73: {  	_ = 	snop  }
0x74: {  	[tilespmem:s25], [sflag:$0x1] =	stream.indirect.gather [hbm4b:s3+s21], $0x80, s24, s21, $0xb8;
	[tilespmem:$0x14900] =	vst v63  }
0x75: {  	_ = 	snop  }
0x76: {  	[tilespmem:s28], [sflag:$0x1] =	stream.indirect.gather [hbm4b:s3+s21], $0x80, s26, s21, $0xb8;
	[tilespmem:$0x14900] =	vst v63  }
0x77: {  	_ = 	snop  }
0x78: {  	[tilespmem:s30], [sflag:$0x1] =	stream.indirect.gather [hbm4b:s3+s21], $0x80, s29, s21, $0xb8;
	[tilespmem:$0x14900] =	vst v63  }
0x79: {  	s16 =	rddreg [dreg:$0x9]  }
0x7a: {  	[tilespmem:s2], [sflag:$0x5] =	stream.linear.gather [hbm4b:s16+s2], $0x40, $0x38;
	[tilespmem:$0x14900] =	vst v63  }
0x7b: {  	_ =	swait.ge [sflag:s19], $0x40  }
0x7c: {  	[sflag:s19] =	ssyncset.done $0x0  }
0x7d: {  	s17 =	rddreg [dreg:$0xa];
	[sflag:s19] =	ssyncadd.s32 $0xFFFFFFC0  }
0x7e: {  	[tilespmem:s20], [sflag:$0x5] =	stream.linear.gather [hbm4b:s17+s2], $0x40, $0x38;
	[tilespmem:$0x14900] =	vst v63  }
0x7f: {  	_ =	swait.ge [sflag:s19], $0x40  }
0x80: {  	[sflag:s19] =	ssyncset.done $0x0  }
0x81: {  	[sflag:s19] =	ssyncadd.s32 $0xFFFFFFC0  }
0x82: {  	v3 =	vld [tilespmem:$0x0]  }
0x83: {  	v55 =	vld [tilespmem:$0x80]  }
0x84: {  	v63 =	vld [tilespmem:$0x10]  }
0x85: {  	v21 =	vld [tilespmem:$0x90]  }
0x86: {  	v35 =	vld [tilespmem:$0x20]  }
0x87: {  	v39 =	vld [tilespmem:$0xA0];
	_ =	sdelay $0x2  }
0x88: {  	v56 =	vtrunc.f32 v3;
	v58 =	vtrunc.f32 v55  }
0x89: {  	v25 =	vtrunc.f32 v63;
	v27 =	vtrunc.f32 v21  }
0x8a: {  	v40 =	vtrunc.f32 v35;
	v46 =	vtrunc.f32 v39  }
0x8b: {  	v57 =	vcvt.f32.s32 v56;
	vm4 =	vlt.f32 v3, v56;
	v59 =	vcvt.f32.s32 v58  }
0x8c: {  	vm5 =	vlt.f32 v55, v58;
	v26 =	vcvt.f32.s32 v25;
	vm10 =	vlt.f32 v63, v25  }
0x8d: {  	v29 =	vcvt.f32.s32 v27;
	vm11 =	vlt.f32 v21, v27;
	v41 =	vcvt.f32.s32 v40  }
0x8e: {  	v47 =	vcvt.f32.s32 v46;
	v5 =	vsel vm4, $0xFFFFFFFF, v1;
	v7 =	vsel vm5, $0xFFFFFFFF, v1  }
0x8f: {  	v28 =	vsel vm10, $0xFFFFFFFF, v1;
	v31 =	vsel vm11, $0xFFFFFFFF, v1;
	vm4 =	vlt.f32 v35, v40  }
0x90: {  	vm5 =	vlt.f32 v39, v46;
	v5 =	vadd.s32 v57, v5;
	v6 =	vadd.s32 v59, v7  }
0x91: {  	v13 =	vadd.s32 v26, v28;
	v14 =	vadd.s32 v29, v31;
	v44 =	vsel vm4, $0xFFFFFFFF, v1  }
0x92: {  	v51 =	vsel vm5, $0xFFFFFFFF, v1;
	v60 =	vcvt.s32.f32 v5;
	v7 =	vcvt.s32.f32 v6  }
0x93: {  	vm6 =	vgt.s32 v6, $0x0;
	vm7 =	vlt.u32 v5, $0xDF;
	vm8 =	vgt.s32 v5, $0x0  }
0x94: {  	vm9 =	vlt.u32 v6, $0xDF;
	v32 =	vcvt.s32.f32 v13;
	v34 =	vcvt.s32.f32 v14  }
0x95: {  	vm12 =	vgt.s32 v14, $0x0;
	vm13 =	vgt.s32 v13, $0x0;
	vm14 =	vlt.u32 v13, $0xDF  }
0x96: {  	vm15 =	vlt.u32 v14, $0xDF;
	v45 =	vadd.s32 v41, v44;
	v61 =	vnsel vm6, $0x0, v6  }
0x97: {  	v5 =	vnsel vm8, $0x0, v5;
	vm0 =	vmand vm7, vm9;
	v38 =	vnsel vm12, $0x0, v14  }
0x98: {  	v13 =	vnsel vm13, $0x0, v13;
	v48 =	vcvt.s32.f32 v45;
	vm6 =	vlt.u32 v45, $0xDF  }
0x99: {  	vm9 =	vgt.s32 v45, $0x0;
	v3 =	vsub.f32 v3, v60;
	v62 =	vmin.u32 v61, $0xDE  }
0x9a: {  	v5 =	vmin.u32 v5, $0xDE;
	v22 =	vsel vm0, $0x3F800000, v2;
	v4 =	vsub.f32 v55, v7  }
0x9b: {  	v36 =	vsub.f32 v63, v32;
	v37 =	vsub.f32 v21, v34;
	v9 =	vmin.u32 v38, $0xDE  }
0x9c: {  	v13 =	vmin.u32 v13, $0xDE;
	vm0 =	vmand vm14, vm15;
	v6 =	vmul.u32 $0xE0, v62  }
0x9d: {  	v5 =	vor.u32 v0, v5;
	v9 =	vmul.u32 $0xE0, v9;
	v13 =	vor.u32 v0, v13  }
0x9e: {  	v55 =	vld [tilespmem:$0x30];
	v42 =	vsel vm0, $0x3F800000, v2;
	v3 =	vmul.f32 v22, v3;
	v24 =	vsub.f32 $1.000000000e+00, v4  }
0x9f: {  	v53 =	vsub.f32 $1.000000000e+00, v37;
	v5 =	vadd.s32 v6, v5;
	v9 =	vadd.s32 v9, v13  }
0xa0: {  	v13 =	vsub.f32 v35, v48;
	v6 =	vadd.s32 $0x1, v5;
	v23 =	vadd.s32 $0xE0, v5;
	[tilespmem:$0x500] =	vst v5  }
0xa1: {  	v10 =	vsub.f32 v22, v3;
	v11 =	vmul.f32 v3, v24;
	v33 =	vadd.s32 $0xE1, v5;
	[tilespmem:$0x510] =	vst v9  }
0xa2: {  	v57 =	vld [tilespmem:$0xB0];
	v3 =	vmul.f32 v3, v4;
	v43 =	vadd.s32 $0x1, v9;
	v49 =	vadd.s32 $0xE0, v9;
	[tilespmem:$0x580] =	vst v6  }
0xa3: {  	v50 =	vadd.s32 $0xE1, v9;
	v5 =	vnsel vm9, $0x0, v45;
	[tilespmem:$0x600] =	vst v23;
	v21 =	vtrunc.f32 v55  }
0xa4: {  	[tilespmem:$0x680] =	vst v33;
	v6 =	vadd.s32 v47, v51;
	v30 =	vmul.f32 v10, v24;
	v10 =	vmul.f32 v10, v4  }
0xa5: {  	v5 =	vmin.u32 v5, $0xDE;
	[tilespmem:$0x590] =	vst v43;
	v4 =	vmul.f32 v42, v36;
	v52 =	vcvt.s32.f32 v6  }
0xa6: {  	[tilespmem:$0x610] =	vst v49;
	vm7 =	vlt.u32 v6, $0xDF;
	vm8 =	vgt.s32 v6, $0x0;
	v5 =	vor.u32 v0, v5  }
0xa7: {  	[tilespmem:$0x690] =	vst v50;
	v23 =	vcvt.f32.s32 v21;
	v24 =	vtrunc.f32 v57;
	vm10 =	vlt.f32 v55, v21  }
0xa8: {  	[tilespmem:$0x780] =	vst v11;
	vm0 =	vmand vm6, vm7;
	v6 =	vnsel vm8, $0x0, v6;
	v25 =	vcvt.f32.s32 v24  }
0xa9: {  	[tilespmem:$0x880] =	vst v3;
	vm11 =	vlt.f32 v57, v24;
	v27 =	vsel vm10, $0xFFFFFFFF, v1;
	v14 =	vsub.f32 v42, v4  }
0xaa: {  	[tilespmem:$0x700] =	vst v30;
	v54 =	vsub.f32 v39, v52;
	v3 =	vsel vm0, $0x3F800000, v2;
	v11 =	vmul.f32 v4, v53  }
0xab: {  	[tilespmem:$0x800] =	vst v10;
	v6 =	vmin.u32 v6, $0xDE;
	v4 =	vmul.f32 v4, v37;
	v28 =	vsel vm11, $0xFFFFFFFF, v1  }
0xac: {  	v29 =	vadd.s32 v23, v27;
	v6 =	vmul.u32 $0xE0, v6;
	v58 =	vmul.f32 v14, v53;
	[tilespmem:$0x790] =	vst v11  }
0xad: {  	v56 =	vmul.f32 v3, v13;
	v30 =	vadd.s32 v25, v28;
	v60 =	vmul.f32 v14, v37;
	[tilespmem:$0x890] =	vst v4  }
0xae: {  	v31 =	vcvt.s32.f32 v29;
	vm12 =	vlt.u32 v29, $0xDF;
	vm15 =	vgt.s32 v29, $0x0;
	[tilespmem:$0x710] =	vst v58  }
0xaf: {  	v59 =	vsub.f32 $1.000000000e+00, v54;
	vm13 =	vlt.u32 v30, $0xDF;
	v5 =	vadd.s32 v6, v5;
	[tilespmem:$0x810] =	vst v60  }
0xb0: {  	vm14 =	vgt.s32 v30, $0x0;
	v3 =	vsub.f32 v3, v56;
	v61 =	vadd.s32 $0x1, v5;
	[tilespmem:$0x520] =	vst v5  }
0xb1: {  	v32 =	vmul.f32 v56, v54;
	vm0 =	vmand vm12, vm13;
	v62 =	vadd.s32 $0xE0, v5;
	[tilespmem:$0x5A0] =	vst v61  }
0xb2: {  	v7 =	vsub.f32 v55, v31;
	v33 =	vnsel vm14, $0x0, v30;
	v22 =	vadd.s32 $0xE1, v5;
	[tilespmem:$0x620] =	vst v62  }
0xb3: {  	v6 =	vcvt.s32.f32 v30;
	v26 =	vmul.f32 v56, v59;
	v5 =	vnsel vm15, $0x0, v29;
	[tilespmem:$0x6A0] =	vst v22  }
0xb4: {  	v9 =	vmin.u32 v33, $0xDE;
	v63 =	vmul.f32 v3, v59;
	v3 =	vmul.f32 v3, v54;
	[tilespmem:$0x8A0] =	vst v32  }
0xb5: {  	v34 =	vsel vm0, $0x3F800000, v2;
	v5 =	vmin.u32 v5, $0xDE;
	v9 =	vmul.u32 $0xE0, v9;
	[tilespmem:$0x7A0] =	vst v26  }
0xb6: {  	v35 =	vmul.f32 v34, v7;
	v5 =	vor.u32 v0, v5;
	[tilespmem:$0x820] =	vst v3;
	v3 =	vsub.f32 v57, v6  }
0xb7: {  	[tilespmem:$0x720] =	vst v63;
	v5 =	vadd.s32 v9, v5  }
0xb8: {  	v4 =	vsub.f32 v34, v35;
	[tilespmem:$0x530] =	vst v5;
	v36 =	vadd.s32 $0x1, v5;
	v37 =	vsub.f32 $1.000000000e+00, v3  }
0xb9: {  	v38 =	vadd.s32 $0xE0, v5;
	[tilespmem:$0x5B0] =	vst v36  }
0xba: {  	v5 =	vadd.s32 $0xE1, v5;
	[tilespmem:$0x630] =	vst v38;
	v39 =	vmul.f32 v4, v37  }
0xbb: {  	[tilespmem:$0x6B0] =	vst v5;
	v40 =	vmul.f32 v35, v37  }
0xbc: {  	v4 =	vmul.f32 v4, v3;
	[tilespmem:$0x730] =	vst v39  }
0xbd: {  	v3 =	vmul.f32 v35, v3;
	[tilespmem:$0x7B0] =	vst v40  }
0xbe: {  	[tilespmem:$0x830] =	vst v4  }
0xbf: {  	[tilespmem:$0x8B0] =	vst v3  }
0xc0: {  	[tilespmem:s0], [sflag:$0x2] =	stream.indirect.gather [hbm4b:s3+s21], $0x80, s31, s21, $0xb8;
	[tilespmem:$0x14900] =	vst v63  }
0xc1: {  	_ = 	snop  }
0xc2: {  	[tilespmem:s4], [sflag:$0x2] =	stream.indirect.gather [hbm4b:s3+s21], $0x80, s1, s21, $0xb8;
	[tilespmem:$0x14900] =	vst v63  }
0xc3: {  	_ = 	snop  }
0xc4: {  	[tilespmem:s6], [sflag:$0x2] =	stream.indirect.gather [hbm4b:s3+s21], $0x80, s5, s21, $0xb8;
	[tilespmem:$0x14900] =	vst v63  }
0xc5: {  	_ = 	snop  }
0xc6: {  	[tilespmem:s8], [sflag:$0x2] =	stream.indirect.gather [hbm4b:s3+s21], $0x80, s7, s21, $0xb8;
	[tilespmem:$0x14900] =	vst v63  }
0xc7: {  	_ =	swait.ge [sflag:s9], $0x2000  }
0xc8: {  	[sflag:s9] =	ssyncset.done $0x0  }
0xc9: {  	[sflag:s9] =	ssyncadd.s32 $0xFFFFE000  }
0xca: {  	_ =	swait.ge [sflag:s9], $0x2000  }
0xcb: {  	[sflag:s9] =	ssyncset.done $0x0  }
0xcc: {  	[sflag:s9] =	ssyncadd.s32 $0xFFFFE000  }
0xcd: {  	_ =	swait.ge [sflag:s9], $0x2000  }
0xce: {  	[sflag:s9] =	ssyncset.done $0x0  }
0xcf: {  	[sflag:s9] =	ssyncadd.s32 $0xFFFFE000  }
0xd0: {  	_ =	swait.ge [sflag:s9], $0x2000  }
0xd1: {  	[sflag:s9] =	ssyncset.done $0x0  }
0xd2: {  	s18 =	rddreg [dreg:$0xb];
	[sflag:s9] =	ssyncadd.s32 $0xFFFFE000  }
0xd3: {  	[hbm4b:s18+s2] =	stream.linear.scatter [tilespmem:s10], [sflag:$0x3], $0x2000, $0x38;
	[tilespmem:$0x14900] =	vst v63  }
0xd4: {  	s16 =	rddreg [dreg:$0xc]  }
0xd5: {  	[tilespmem:s2], [sflag:$0x5] =	stream.linear.gather [hbm4b:s16+s2], $0x40, $0x38;
	[tilespmem:$0x14900] =	vst v63  }
0xd6: {  	_ =	swait.ge [sflag:s19], $0x40  }
0xd7: {  	[sflag:s19] =	ssyncset.done $0x0  }
0xd8: {  	s17 =	rddreg [dreg:$0xd];
	[sflag:s19] =	ssyncadd.s32 $0xFFFFFFC0  }
0xd9: {  	[tilespmem:s20], [sflag:$0x5] =	stream.linear.gather [hbm4b:s17+s2], $0x40, $0x38;
	[tilespmem:$0x14900] =	vst v63  }
0xda: {  	_ =	swait.ge [sflag:s19], $0x40  }
0xdb: {  	[sflag:s19] =	ssyncset.done $0x0  }
0xdc: {  	[sflag:s19] =	ssyncadd.s32 $0xFFFFFFC0  }
0xdd: {  	v3 =	vld [tilespmem:$0x0]  }
0xde: {  	v41 =	vld [tilespmem:$0x80]  }
0xdf: {  	v50 =	vld [tilespmem:$0x10]  }
0xe0: {  	v51 =	vld [tilespmem:$0x90]  }
0xe1: {  	v61 =	vld [tilespmem:$0x20]  }
0xe2: {  	v24 =	vld [tilespmem:$0xA0];
	_ =	sdelay $0x2  }
0xe3: {  	v42 =	vtrunc.f32 v3;
	v44 =	vtrunc.f32 v41  }
0xe4: {  	v54 =	vtrunc.f32 v50;
	v57 =	vtrunc.f32 v51  }
0xe5: {  	v26 =	vtrunc.f32 v61;
	v28 =	vtrunc.f32 v24  }
0xe6: {  	v43 =	vcvt.f32.s32 v42;
	vm4 =	vlt.f32 v3, v42;
	v46 =	vcvt.f32.s32 v44  }
0xe7: {  	vm5 =	vlt.f32 v41, v44;
	v56 =	vcvt.f32.s32 v54;
	vm10 =	vlt.f32 v50, v54  }
0xe8: {  	v58 =	vcvt.f32.s32 v57;
	vm11 =	vlt.f32 v51, v57;
	v27 =	vcvt.f32.s32 v26  }
0xe9: {  	v29 =	vcvt.f32.s32 v28;
	v45 =	vsel vm4, $0xFFFFFFFF, v1;
	v48 =	vsel vm5, $0xFFFFFFFF, v1  }
0xea: {  	v59 =	vsel vm10, $0xFFFFFFFF, v1;
	v60 =	vsel vm11, $0xFFFFFFFF, v1;
	vm4 =	vlt.f32 v61, v26  }
0xeb: {  	vm5 =	vlt.f32 v24, v28;
	v47 =	vadd.s32 v43, v45;
	v6 =	vadd.s32 v46, v48  }
0xec: {  	v14 =	vadd.s32 v56, v59;
	v12 =	vadd.s32 v58, v60;
	v18 =	vsel vm4, $0xFFFFFFFF, v1  }
0xed: {  	v31 =	vsel vm5, $0xFFFFFFFF, v1;
	v7 =	vcvt.s32.f32 v47;
	v8 =	vcvt.s32.f32 v6  }
0xee: {  	vm6 =	vlt.u32 v47, $0xDF;
	vm7 =	vlt.u32 v6, $0xDF;
	vm8 =	vgt.s32 v6, $0x0  }
0xef: {  	vm9 =	vgt.s32 v47, $0x0;
	v63 =	vcvt.s32.f32 v14;
	v21 =	vcvt.s32.f32 v12  }
0xf0: {  	vm12 =	vlt.u32 v14, $0xDF;
	vm13 =	vlt.u32 v12, $0xDF;
	vm14 =	vgt.s32 v14, $0x0  }
0xf1: {  	vm15 =	vgt.s32 v12, $0x0;
	v18 =	vadd.s32 v27, v18;
	vm0 =	vmand vm6, vm7  }
0xf2: {  	v6 =	vnsel vm8, $0x0, v6;
	v5 =	vnsel vm9, $0x0, v47;
	v14 =	vnsel vm14, $0x0, v14  }
0xf3: {  	v12 =	vnsel vm15, $0x0, v12;
	v32 =	vcvt.s32.f32 v18;
	vm6 =	vlt.u32 v18, $0xDF  }
0xf4: {  	vm8 =	vgt.s32 v18, $0x0;
	v3 =	vsub.f32 v3, v7;
	v4 =	vsub.f32 v41, v8  }
0xf5: {  	v49 =	vsel vm0, $0x3F800000, v2;
	v6 =	vmin.u32 v6, $0xDE;
	v5 =	vmin.u32 v5, $0xDE  }
0xf6: {  	v22 =	vsub.f32 v50, v63;
	v23 =	vsub.f32 v51, v21;
	vm0 =	vmand vm12, vm13  }
0xf7: {  	v45 =	vld [tilespmem:$0xB0];
	v12 =	vmin.u32 v12, $0xDE;
	v14 =	vmin.u32 v14, $0xDE;
	v41 =	vnsel vm8, $0x0, v18  }
0xf8: {  	v6 =	vmul.u32 $0xE0, v6;
	v5 =	vor.u32 v0, v5;
	v25 =	vsel vm0, $0x3F800000, v2  }
0xf9: {  	v12 =	vmul.u32 $0xE0, v12;
	v14 =	vor.u32 v0, v14;
	v8 =	vmin.u32 v41, $0xDE  }
0xfa: {  	v3 =	vmul.f32 v49, v3;
	v52 =	vsub.f32 $1.000000000e+00, v4;
	v5 =	vadd.s32 v6, v5  }
0xfb: {  	v42 =	vld [tilespmem:$0x30];
	v34 =	vsub.f32 $1.000000000e+00, v23;
	v8 =	vor.u32 v0, v8;
	v30 =	vadd.s32 v12, v14;
	[tilespmem:$0x100] =	vst v5  }
0xfc: {  	v51 =	vtrunc.f32 v45;
	v14 =	vsub.f32 v61, v32;
	v6 =	vadd.s32 $0x1, v5;
	[tilespmem:$0x110] =	vst v30  }
0xfd: {  	vm11 =	vlt.f32 v45, v51;
	v7 =	vsub.f32 v49, v3;
	v55 =	vadd.s32 $0xE0, v5;
	[tilespmem:$0x180] =	vst v6  }
0xfe: {  	v10 =	vmul.f32 v3, v52;
	v62 =	vadd.s32 $0xE1, v5;
	v3 =	vmul.f32 v3, v4;
	[tilespmem:$0x200] =	vst v55  }
0xff: {  	v5 =	vadd.s32 v29, v31;
	v35 =	vadd.s32 $0x1, v30;
	v46 =	vadd.s32 $0xE0, v30;
	[tilespmem:$0x280] =	vst v62  }
0x100: {  	v49 =	vtrunc.f32 v42;
	vm7 =	vlt.u32 v5, $0xDF;
	v36 =	vcvt.s32.f32 v5;
	[tilespmem:$0x190] =	vst v35  }
0x101: {  	vm9 =	vgt.s32 v5, $0x0;
	v6 =	vadd.s32 $0xE1, v30;
	[tilespmem:$0x210] =	vst v46;
	v50 =	vcvt.f32.s32 v49  }
0x102: {  	vm10 =	vlt.f32 v42, v49;
	v53 =	vmul.f32 v7, v52;
	v7 =	vmul.f32 v7, v4;
	[tilespmem:$0x380] =	vst v10  }
0x103: {  	v4 =	vmul.f32 v25, v22;
	vm0 =	vmand vm6, vm7;
	[tilespmem:$0x480] =	vst v3;
	v5 =	vnsel vm9, $0x0, v5  }
0x104: {  	[tilespmem:$0x290] =	vst v6;
	v9 =	vsel vm10, $0xFFFFFFFF, v1;
	v10 =	vsel vm11, $0xFFFFFFFF, v1;
	v38 =	vsel vm0, $0x3F800000, v2  }
0x105: {  	v39 =	vsub.f32 v24, v36;
	v5 =	vmin.u32 v5, $0xDE;
	[tilespmem:$0x300] =	vst v53;
	v12 =	vmul.f32 v4, v34  }
0x106: {  	v33 =	vsub.f32 v25, v4;
	[tilespmem:$0x400] =	vst v7;
	v4 =	vmul.f32 v4, v23;
	v5 =	vmul.u32 $0xE0, v5  }
0x107: {  	v40 =	vmul.f32 v38, v14;
	v53 =	vadd.s32 v50, v9;
	v44 =	vsub.f32 $1.000000000e+00, v39;
	[tilespmem:$0x390] =	vst v12  }
0x108: {  	v55 =	vcvt.s32.f32 v53;
	v3 =	vmul.f32 v33, v23;
	v5 =	vadd.s32 v5, v8;
	[tilespmem:$0x490] =	vst v4  }
0x109: {  	vm12 =	vlt.u32 v53, $0xDF;
	vm15 =	vgt.s32 v53, $0x0;
	v37 =	vmul.f32 v33, v34;
	[tilespmem:$0x120] =	vst v5  }
0x10a: {  	v43 =	vsub.f32 v38, v40;
	v7 =	vmul.f32 v40, v39;
	[tilespmem:$0x410] =	vst v3;
	v3 =	vcvt.f32.s32 v51  }
0x10b: {  	v4 =	vnsel vm15, $0x0, v53;
	v48 =	vmul.f32 v40, v44;
	v52 =	vadd.s32 $0x1, v5;
	[tilespmem:$0x310] =	vst v37  }
0x10c: {  	v54 =	vadd.s32 $0xE0, v5;
	v5 =	vadd.s32 $0xE1, v5;
	[tilespmem:$0x1A0] =	vst v52;
	v3 =	vadd.s32 v3, v10  }
0x10d: {  	v56 =	vsub.f32 v42, v55;
	v4 =	vmin.u32 v4, $0xDE;
	[tilespmem:$0x220] =	vst v54;
	vm14 =	vgt.s32 v3, $0x0  }
0x10e: {  	v47 =	vmul.f32 v43, v44;
	[tilespmem:$0x2A0] =	vst v5;
	vm13 =	vlt.u32 v3, $0xDF;
	v57 =	vnsel vm14, $0x0, v3  }
0x10f: {  	[tilespmem:$0x4A0] =	vst v7;
	vm0 =	vmand vm12, vm13;
	v3 =	vcvt.s32.f32 v3;
	v8 =	vmin.u32 v57, $0xDE  }
0x110: {  	v11 =	vmul.f32 v43, v39;
	[tilespmem:$0x3A0] =	vst v48;
	v58 =	vsel vm0, $0x3F800000, v2;
	v8 =	vmul.u32 $0xE0, v8  }
0x111: {  	v4 =	vor.u32 v0, v4;
	[tilespmem:$0x320] =	vst v47;
	v3 =	vsub.f32 v45, v3;
	v5 =	vmul.f32 v58, v56  }
0x112: {  	[tilespmem:$0x420] =	vst v11;
	v4 =	vadd.s32 v8, v4  }
0x113: {  	v6 =	vsub.f32 v58, v5;
	v60 =	vsub.f32 $1.000000000e+00, v3;
	[tilespmem:$0x130] =	vst v4;
	v59 =	vadd.s32 $0x1, v4  }
0x114: {  	v61 =	vadd.s32 $0xE0, v4;
	[tilespmem:$0x1B0] =	vst v59  }
0x115: {  	v4 =	vadd.s32 $0xE1, v4;
	[tilespmem:$0x230] =	vst v61;
	v62 =	vmul.f32 v6, v60  }
0x116: {  	[tilespmem:$0x2B0] =	vst v4;
	v63 =	vmul.f32 v5, v60  }
0x117: {  	v6 =	vmul.f32 v6, v3;
	[tilespmem:$0x330] =	vst v62  }
0x118: {  	v3 =	vmul.f32 v5, v3;
	[tilespmem:$0x3B0] =	vst v63  }
0x119: {  	[tilespmem:$0x430] =	vst v6  }
0x11a: {  	[tilespmem:$0x4B0] =	vst v3  }
0x11b: {  	[tilespmem:s23], [sflag:$0x1] =	stream.indirect.gather [hbm4b:s3+s21], $0x80, s22, s21, $0xb8;
	[tilespmem:$0x14900] =	vst v63  }
0x11c: {  	_ = 	snop  }
0x11d: {  	[tilespmem:s25], [sflag:$0x1] =	stream.indirect.gather [hbm4b:s3+s21], $0x80, s24, s21, $0xb8;
	[tilespmem:$0x14900] =	vst v63  }
0x11e: {  	_ = 	snop  }
0x11f: {  	[tilespmem:s28], [sflag:$0x1] =	stream.indirect.gather [hbm4b:s3+s21], $0x80, s26, s21, $0xb8;
	[tilespmem:$0x14900] =	vst v63  }
0x120: {  	_ = 	snop  }
0x121: {  	[tilespmem:s30], [sflag:$0x1] =	stream.indirect.gather [hbm4b:s3+s21], $0x80, s29, s21, $0xb8;
	[tilespmem:$0x14900] =	vst v63  }
0x122: {  	_ =	swait.ge [sflag:s11], $0x2000  }
0x123: {  	[sflag:s11] =	ssyncset.done $0x0  }
0x124: {  	[sflag:s11] =	ssyncadd.s32 $0xFFFFE000  }
0x125: {  	_ =	swait.ge [sflag:s11], $0x2000  }
0x126: {  	[sflag:s11] =	ssyncset.done $0x0  }
0x127: {  	[sflag:s11] =	ssyncadd.s32 $0xFFFFE000  }
0x128: {  	_ =	swait.ge [sflag:s11], $0x2000  }
0x129: {  	[sflag:s11] =	ssyncset.done $0x0  }
0x12a: {  	[sflag:s11] =	ssyncadd.s32 $0xFFFFE000  }
0x12b: {  	_ =	swait.ge [sflag:s11], $0x2000  }
0x12c: {  	[sflag:s11] =	ssyncset.done $0x0;
	s18 =	rddreg [dreg:$0xe]  }
0x12d: {  	s16 =	rddreg [dreg:$0x14];
	[sflag:s11] =	ssyncadd.s32 $0xFFFFE000  }
0x12e: {  	[hbm4b:s18+s2] =	stream.linear.scatter [tilespmem:s12], [sflag:$0x4], $0x2000, $0x38;
	[tilespmem:$0x14900] =	vst v63  }
0x12f: {  	s17 =	simm.s32 $0x0;
	s18 =	rddreg [dreg:$0x15]  }
.LBB2_2:
0x130: {  	s15 =	rddreg [dreg:$0x6]  }
0x131: {  	s15 =	sadd.s32 s17, s15  }
0x132: {  	[tilespmem:s2], [sflag:$0x5] =	stream.linear.gather [hbm4b:s15+s2], $0x40, $0x38;
	[tilespmem:$0x14900] =	vst v63  }
0x133: {  	_ =	swait.ge [sflag:s19], $0x40  }
0x134: {  	s15 =	rddreg [dreg:$0x5];
	[sflag:s19] =	ssyncset.done $0x0  }
0x135: {  	[sflag:s19] =	ssyncadd.s32 $0xFFFFFFC0;
	s15 =	sadd.s32 s17, s15  }
0x136: {  	[tilespmem:s20], [sflag:$0x5] =	stream.linear.gather [hbm4b:s15+s2], $0x40, $0x38;
	[tilespmem:$0x14900] =	vst v63  }
0x137: {  	_ =	swait.ge [sflag:s19], $0x40  }
0x138: {  	[sflag:s19] =	ssyncset.done $0x0  }
0x139: {  	[sflag:s19] =	ssyncadd.s32 $0xFFFFFFC0  }
0x13a: {  	v3 =	vld [tilespmem:$0x0]  }
0x13b: {  	v4 =	vld [tilespmem:$0x80]  }
0x13c: {  	v32 =	vld [tilespmem:$0x10]  }
0x13d: {  	v9 =	vld [tilespmem:$0x90]  }
0x13e: {  	v18 =	vld [tilespmem:$0x20]  }
0x13f: {  	v41 =	vld [tilespmem:$0xA0]  }
0x140: {  	v55 =	vld [tilespmem:$0x30]  }
0x141: {  	v57 =	vld [tilespmem:$0xB0]  }
0x142: {  	v5 =	vtrunc.f32 v3  }
0x143: {  	v7 =	vtrunc.f32 v4;
	v12 =	vtrunc.f32 v32  }
0x144: {  	v34 =	vtrunc.f32 v9;
	v42 =	vtrunc.f32 v18  }
0x145: {  	v47 =	vtrunc.f32 v41;
	v21 =	vtrunc.f32 v55  }
0x146: {  	v24 =	vtrunc.f32 v57;
	v6 =	vcvt.f32.s32 v5  }
0x147: {  	vm0 =	vlt.f32 v3, v5;
	v29 =	vcvt.f32.s32 v7;
	vm6 =	vlt.f32 v4, v7  }
0x148: {  	v13 =	vcvt.f32.s32 v12;
	vm10 =	vlt.f32 v32, v12;
	v15 =	vcvt.f32.s32 v34  }
0x149: {  	vm11 =	vlt.f32 v9, v34;
	v43 =	vcvt.f32.s32 v42;
	vm4 =	vlt.f32 v18, v42  }
0x14a: {  	v48 =	vcvt.f32.s32 v47;
	vm5 =	vlt.f32 v41, v47;
	v23 =	vcvt.f32.s32 v21  }
0x14b: {  	v25 =	vcvt.f32.s32 v24;
	v5 =	vsel vm0, $0xFFFFFFFF, v1;
	v7 =	vsel vm6, $0xFFFFFFFF, v1  }
0x14c: {  	v14 =	vsel vm10, $0xFFFFFFFF, v1;
	v36 =	vsel vm11, $0xFFFFFFFF, v1;
	v19 =	vsel vm4, $0xFFFFFFFF, v1  }
0x14d: {  	v20 =	vsel vm5, $0xFFFFFFFF, v1;
	vm10 =	vlt.f32 v55, v21;
	vm11 =	vlt.f32 v57, v24  }
0x14e: {  	v5 =	vadd.s32 v6, v5;
	v6 =	vadd.s32 v29, v7;
	v13 =	vadd.s32 v13, v14  }
0x14f: {  	v14 =	vadd.s32 v15, v36;
	v46 =	vadd.s32 v43, v19;
	v27 =	vsel vm10, $0xFFFFFFFF, v1  }
0x150: {  	v28 =	vsel vm11, $0xFFFFFFFF, v1;
	v8 =	vcvt.s32.f32 v5;
	v7 =	vcvt.s32.f32 v6  }
0x151: {  	vm7 =	vgt.s32 v6, $0x0;
	vm1 =	vlt.u32 v5, $0xDF;
	vm8 =	vgt.s32 v5, $0x0  }
0x152: {  	vm9 =	vlt.u32 v6, $0xDF;
	v37 =	vcvt.s32.f32 v13;
	v17 =	vcvt.s32.f32 v14  }
0x153: {  	vm12 =	vgt.s32 v14, $0x0;
	vm13 =	vgt.s32 v13, $0x0;
	vm14 =	vlt.u32 v13, $0xDF  }
0x154: {  	vm15 =	vlt.u32 v14, $0xDF;
	v49 =	vcvt.s32.f32 v46;
	vm6 =	vlt.u32 v46, $0xDF  }
0x155: {  	v29 =	vadd.s32 v23, v27;
	v30 =	vnsel vm7, $0x0, v6;
	v5 =	vnsel vm8, $0x0, v5  }
0x156: {  	vm0 =	vmand vm1, vm9;
	v40 =	vnsel vm12, $0x0, v14;
	v13 =	vnsel vm13, $0x0, v13  }
0x157: {  	vm9 =	vgt.s32 v46, $0x0;
	v31 =	vmin.u32 v30, $0xDE;
	v5 =	vmin.u32 v5, $0xDE  }
0x158: {  	v39 =	vsub.f32 v9, v17;
	v9 =	vmin.u32 v40, $0xDE;
	v6 =	vmul.u32 $0xE0, v31  }
0x159: {  	v13 =	vmin.u32 v13, $0xDE;
	v5 =	vor.u32 v0, v5;
	v9 =	vmul.u32 $0xE0, v9  }
0x15a: {  	vm12 =	vlt.u32 v29, $0xDF;
	v13 =	vor.u32 v0, v13;
	v5 =	vadd.s32 v6, v5  }
0x15b: {  	v3 =	vsub.f32 v3, v8;
	v10 =	vsel vm0, $0x3F800000, v2;
	v9 =	vadd.s32 v9, v13;
	[tilespmem:$0x500] =	vst v5  }
0x15c: {  	v4 =	vsub.f32 v4, v7;
	v38 =	vsub.f32 v32, v37;
	v6 =	vadd.s32 $0x1, v5;
	[tilespmem:$0x510] =	vst v9  }
0x15d: {  	vm0 =	vmand vm14, vm15;
	v3 =	vmul.f32 v10, v3;
	v33 =	vadd.s32 $0xE0, v5;
	[tilespmem:$0x580] =	vst v6  }
0x15e: {  	v30 =	vadd.s32 v25, v28;
	vm15 =	vgt.s32 v29, $0x0;
	v16 =	vadd.s32 $0xE1, v5;
	[tilespmem:$0x600] =	vst v33  }
0x15f: {  	v11 =	vsub.f32 $1.000000000e+00, v4;
	v10 =	vsub.f32 v10, v3;
	v45 =	vadd.s32 $0x1, v9;
	[tilespmem:$0x680] =	vst v16  }
0x160: {  	v44 =	vsel vm0, $0x3F800000, v2;
	v31 =	vcvt.s32.f32 v29;
	v50 =	vadd.s32 $0xE0, v9;
	[tilespmem:$0x590] =	vst v45  }
0x161: {  	vm13 =	vlt.u32 v30, $0xDF;
	v51 =	vadd.s32 $0xE1, v9;
	[tilespmem:$0x610] =	vst v50;
	v35 =	vmul.f32 v10, v11  }
0x162: {  	v53 =	vsub.f32 $1.000000000e+00, v39;
	[tilespmem:$0x690] =	vst v51;
	v11 =	vmul.f32 v3, v11;
	v10 =	vmul.f32 v10, v4  }
0x163: {  	v6 =	vadd.s32 v48, v20;
	v3 =	vmul.f32 v3, v4;
	v4 =	vmul.f32 v44, v38;
	[tilespmem:$0x700] =	vst v35  }
0x164: {  	vm14 =	vgt.s32 v30, $0x0;
	v13 =	vsub.f32 v18, v49;
	v52 =	vcvt.s32.f32 v6;
	[tilespmem:$0x780] =	vst v11  }
0x165: {  	vm8 =	vgt.s32 v6, $0x0;
	v14 =	vsub.f32 v44, v4;
	[tilespmem:$0x800] =	vst v10;
	v11 =	vmul.f32 v4, v53  }
0x166: {  	vm7 =	vlt.u32 v6, $0xDF;
	v6 =	vnsel vm8, $0x0, v6;
	[tilespmem:$0x880] =	vst v3;
	v4 =	vmul.f32 v4, v39  }
0x167: {  	v5 =	vnsel vm9, $0x0, v46;
	v6 =	vmin.u32 v6, $0xDE;
	v58 =	vmul.f32 v14, v53;
	[tilespmem:$0x790] =	vst v11  }
0x168: {  	v5 =	vmin.u32 v5, $0xDE;
	v6 =	vmul.u32 $0xE0, v6;
	v60 =	vmul.f32 v14, v39;
	[tilespmem:$0x890] =	vst v4  }
0x169: {  	v7 =	vsub.f32 v55, v31;
	v5 =	vor.u32 v0, v5;
	vm0 =	vmand vm6, vm7;
	[tilespmem:$0x710] =	vst v58  }
0x16a: {  	v54 =	vsub.f32 v41, v52;
	v3 =	vsel vm0, $0x3F800000, v2;
	v5 =	vadd.s32 v6, v5;
	[tilespmem:$0x810] =	vst v60  }
0x16b: {  	v33 =	vnsel vm14, $0x0, v30;
	v56 =	vmul.f32 v3, v13;
	v61 =	vadd.s32 $0x1, v5;
	[tilespmem:$0x520] =	vst v5  }
0x16c: {  	v9 =	vmin.u32 v33, $0xDE;
	v59 =	vsub.f32 $1.000000000e+00, v54;
	v62 =	vadd.s32 $0xE0, v5;
	[tilespmem:$0x5A0] =	vst v61  }
0x16d: {  	v3 =	vsub.f32 v3, v56;
	v32 =	vmul.f32 v56, v54;
	v22 =	vadd.s32 $0xE1, v5;
	[tilespmem:$0x620] =	vst v62  }
0x16e: {  	vm0 =	vmand vm12, vm13;
	v6 =	vcvt.s32.f32 v30;
	v26 =	vmul.f32 v56, v59;
	[tilespmem:$0x6A0] =	vst v22  }
0x16f: {  	v5 =	vnsel vm15, $0x0, v29;
	v63 =	vmul.f32 v3, v59;
	v3 =	vmul.f32 v3, v54;
	[tilespmem:$0x8A0] =	vst v32  }
0x170: {  	v9 =	vmul.u32 $0xE0, v9;
	v34 =	vsel vm0, $0x3F800000, v2;
	v5 =	vmin.u32 v5, $0xDE;
	[tilespmem:$0x7A0] =	vst v26  }
0x171: {  	v35 =	vmul.f32 v34, v7;
	v5 =	vor.u32 v0, v5;
	[tilespmem:$0x820] =	vst v3;
	v3 =	vsub.f32 v57, v6  }
0x172: {  	[tilespmem:$0x720] =	vst v63;
	v5 =	vadd.s32 v9, v5  }
0x173: {  	v4 =	vsub.f32 v34, v35;
	[tilespmem:$0x530] =	vst v5;
	v36 =	vadd.s32 $0x1, v5;
	v37 =	vsub.f32 $1.000000000e+00, v3  }
0x174: {  	v38 =	vadd.s32 $0xE0, v5;
	[tilespmem:$0x5B0] =	vst v36  }
0x175: {  	v5 =	vadd.s32 $0xE1, v5;
	[tilespmem:$0x630] =	vst v38;
	v39 =	vmul.f32 v4, v37  }
0x176: {  	[tilespmem:$0x6B0] =	vst v5;
	v40 =	vmul.f32 v35, v37  }
0x177: {  	v4 =	vmul.f32 v4, v3;
	[tilespmem:$0x730] =	vst v39  }
0x178: {  	v3 =	vmul.f32 v35, v3;
	[tilespmem:$0x7B0] =	vst v40  }
0x179: {  	[tilespmem:$0x830] =	vst v4  }
0x17a: {  	[tilespmem:$0x8B0] =	vst v3  }
0x17b: {  	[tilespmem:s0], [sflag:$0x2] =	stream.indirect.gather [hbm4b:s3+s21], $0x80, s31, s21, $0xb8;
	[tilespmem:$0x14900] =	vst v63  }
0x17c: {  	_ = 	snop  }
0x17d: {  	[tilespmem:s4], [sflag:$0x2] =	stream.indirect.gather [hbm4b:s3+s21], $0x80, s1, s21, $0xb8;
	[tilespmem:$0x14900] =	vst v63  }
0x17e: {  	_ = 	snop  }
0x17f: {  	[tilespmem:s6], [sflag:$0x2] =	stream.indirect.gather [hbm4b:s3+s21], $0x80, s5, s21, $0xb8;
	[tilespmem:$0x14900] =	vst v63  }
0x180: {  	_ = 	snop  }
0x181: {  	[tilespmem:s8], [sflag:$0x2] =	stream.indirect.gather [hbm4b:s3+s21], $0x80, s7, s21, $0xb8;
	[tilespmem:$0x14900] =	vst v63  }
0x182: {  	_ =	swait.ge [sflag:s9], $0x2000  }
0x183: {  	[sflag:s9] =	ssyncset.done $0x0  }
0x184: {  	[sflag:s9] =	ssyncadd.s32 $0xFFFFE000  }
0x185: {  	_ =	swait.ge [sflag:s9], $0x2000  }
0x186: {  	[sflag:s9] =	ssyncset.done $0x0  }
0x187: {  	[sflag:s9] =	ssyncadd.s32 $0xFFFFE000  }
0x188: {  	_ =	swait.ge [sflag:s9], $0x2000  }
0x189: {  	[sflag:s9] =	ssyncset.done $0x0  }
0x18a: {  	[sflag:s9] =	ssyncadd.s32 $0xFFFFE000  }
0x18b: {  	_ =	swait.ge [sflag:s9], $0x2000  }
0x18c: {  	[sflag:s9] =	ssyncset.done $0x0  }
0x18d: {  	[sflag:s9] =	ssyncadd.s32 $0xFFFFE000  }
0x18e: {  	_ =	swait.ge [sflag:s13], $0x2000  }
0x18f: {  	[sflag:s13] =	ssyncset.done $0x0  }
0x190: {  	s15 =	rddreg [dreg:$0x4];
	[sflag:s13] =	ssyncadd.s32 $0xFFFFE000  }
0x191: {  	[hbm4b:s16+s2] =	stream.linear.scatter [tilespmem:s10], [sflag:$0x3], $0x2000, $0x38;
	[tilespmem:$0x14900] =	vst v63  }
0x192: {  	s15 =	sadd.s32 s17, s15  }
0x193: {  	[tilespmem:s2], [sflag:$0x5] =	stream.linear.gather [hbm4b:s15+s2], $0x40, $0x38;
	[tilespmem:$0x14900] =	vst v63  }
0x194: {  	_ =	swait.ge [sflag:s19], $0x40  }
0x195: {  	s15 =	rddreg [dreg:$0x3];
	[sflag:s19] =	ssyncset.done $0x0  }
0x196: {  	[sflag:s19] =	ssyncadd.s32 $0xFFFFFFC0;
	s15 =	sadd.s32 s17, s15  }
0x197: {  	[tilespmem:s20], [sflag:$0x5] =	stream.linear.gather [hbm4b:s15+s2], $0x40, $0x38;
	[tilespmem:$0x14900] =	vst v63  }
0x198: {  	_ =	swait.ge [sflag:s19], $0x40  }
0x199: {  	[sflag:s19] =	ssyncset.done $0x0  }
0x19a: {  	[sflag:s19] =	ssyncadd.s32 $0xFFFFFFC0  }
0x19b: {  	v3 =	vld [tilespmem:$0x0]  }
0x19c: {  	v41 =	vld [tilespmem:$0x80]  }
0x19d: {  	v50 =	vld [tilespmem:$0x10]  }
0x19e: {  	v51 =	vld [tilespmem:$0x90]  }
0x19f: {  	v61 =	vld [tilespmem:$0x20]  }
0x1a0: {  	v24 =	vld [tilespmem:$0xA0];
	_ =	sdelay $0x2  }
0x1a1: {  	v42 =	vtrunc.f32 v3;
	v44 =	vtrunc.f32 v41  }
0x1a2: {  	v54 =	vtrunc.f32 v50;
	v57 =	vtrunc.f32 v51  }
0x1a3: {  	v26 =	vtrunc.f32 v61;
	v28 =	vtrunc.f32 v24  }
0x1a4: {  	v43 =	vcvt.f32.s32 v42;
	vm4 =	vlt.f32 v3, v42;
	v46 =	vcvt.f32.s32 v44  }
0x1a5: {  	vm5 =	vlt.f32 v41, v44;
	v56 =	vcvt.f32.s32 v54;
	vm10 =	vlt.f32 v50, v54  }
0x1a6: {  	v58 =	vcvt.f32.s32 v57;
	vm11 =	vlt.f32 v51, v57;
	v27 =	vcvt.f32.s32 v26  }
0x1a7: {  	v29 =	vcvt.f32.s32 v28;
	v45 =	vsel vm4, $0xFFFFFFFF, v1;
	v48 =	vsel vm5, $0xFFFFFFFF, v1  }
0x1a8: {  	v59 =	vsel vm10, $0xFFFFFFFF, v1;
	v60 =	vsel vm11, $0xFFFFFFFF, v1;
	vm4 =	vlt.f32 v61, v26  }
0x1a9: {  	vm5 =	vlt.f32 v24, v28;
	v47 =	vadd.s32 v43, v45;
	v6 =	vadd.s32 v46, v48  }
0x1aa: {  	v14 =	vadd.s32 v56, v59;
	v12 =	vadd.s32 v58, v60;
	v18 =	vsel vm4, $0xFFFFFFFF, v1  }
0x1ab: {  	v31 =	vsel vm5, $0xFFFFFFFF, v1;
	v7 =	vcvt.s32.f32 v47;
	v8 =	vcvt.s32.f32 v6  }
0x1ac: {  	vm6 =	vlt.u32 v47, $0xDF;
	vm7 =	vlt.u32 v6, $0xDF;
	vm8 =	vgt.s32 v6, $0x0  }
0x1ad: {  	vm9 =	vgt.s32 v47, $0x0;
	v63 =	vcvt.s32.f32 v14;
	v21 =	vcvt.s32.f32 v12  }
0x1ae: {  	vm12 =	vlt.u32 v14, $0xDF;
	vm13 =	vlt.u32 v12, $0xDF;
	vm14 =	vgt.s32 v14, $0x0  }
0x1af: {  	vm15 =	vgt.s32 v12, $0x0;
	v18 =	vadd.s32 v27, v18;
	vm0 =	vmand vm6, vm7  }
0x1b0: {  	v6 =	vnsel vm8, $0x0, v6;
	v5 =	vnsel vm9, $0x0, v47;
	v14 =	vnsel vm14, $0x0, v14  }
0x1b1: {  	v12 =	vnsel vm15, $0x0, v12;
	v32 =	vcvt.s32.f32 v18;
	vm6 =	vlt.u32 v18, $0xDF  }
0x1b2: {  	vm8 =	vgt.s32 v18, $0x0;
	v3 =	vsub.f32 v3, v7;
	v4 =	vsub.f32 v41, v8  }
0x1b3: {  	v49 =	vsel vm0, $0x3F800000, v2;
	v6 =	vmin.u32 v6, $0xDE;
	v5 =	vmin.u32 v5, $0xDE  }
0x1b4: {  	v22 =	vsub.f32 v50, v63;
	v23 =	vsub.f32 v51, v21;
	vm0 =	vmand vm12, vm13  }
0x1b5: {  	v45 =	vld [tilespmem:$0xB0];
	v12 =	vmin.u32 v12, $0xDE;
	v14 =	vmin.u32 v14, $0xDE;
	v41 =	vnsel vm8, $0x0, v18  }
0x1b6: {  	v6 =	vmul.u32 $0xE0, v6;
	v5 =	vor.u32 v0, v5;
	v25 =	vsel vm0, $0x3F800000, v2  }
0x1b7: {  	v12 =	vmul.u32 $0xE0, v12;
	v14 =	vor.u32 v0, v14;
	v8 =	vmin.u32 v41, $0xDE  }
0x1b8: {  	v3 =	vmul.f32 v49, v3;
	v52 =	vsub.f32 $1.000000000e+00, v4;
	v5 =	vadd.s32 v6, v5  }
0x1b9: {  	v42 =	vld [tilespmem:$0x30];
	v34 =	vsub.f32 $1.000000000e+00, v23;
	v8 =	vor.u32 v0, v8;
	v30 =	vadd.s32 v12, v14;
	[tilespmem:$0x100] =	vst v5  }
0x1ba: {  	v51 =	vtrunc.f32 v45;
	v14 =	vsub.f32 v61, v32;
	v6 =	vadd.s32 $0x1, v5;
	[tilespmem:$0x110] =	vst v30  }
0x1bb: {  	vm11 =	vlt.f32 v45, v51;
	v7 =	vsub.f32 v49, v3;
	v55 =	vadd.s32 $0xE0, v5;
	[tilespmem:$0x180] =	vst v6  }
0x1bc: {  	v10 =	vmul.f32 v3, v52;
	v62 =	vadd.s32 $0xE1, v5;
	v3 =	vmul.f32 v3, v4;
	[tilespmem:$0x200] =	vst v55  }
0x1bd: {  	v5 =	vadd.s32 v29, v31;
	v35 =	vadd.s32 $0x1, v30;
	v46 =	vadd.s32 $0xE0, v30;
	[tilespmem:$0x280] =	vst v62  }
0x1be: {  	v49 =	vtrunc.f32 v42;
	vm7 =	vlt.u32 v5, $0xDF;
	v36 =	vcvt.s32.f32 v5;
	[tilespmem:$0x190] =	vst v35  }
0x1bf: {  	vm9 =	vgt.s32 v5, $0x0;
	v6 =	vadd.s32 $0xE1, v30;
	[tilespmem:$0x210] =	vst v46;
	v50 =	vcvt.f32.s32 v49  }
0x1c0: {  	vm10 =	vlt.f32 v42, v49;
	v53 =	vmul.f32 v7, v52;
	v7 =	vmul.f32 v7, v4;
	[tilespmem:$0x380] =	vst v10  }
0x1c1: {  	v4 =	vmul.f32 v25, v22;
	vm0 =	vmand vm6, vm7;
	[tilespmem:$0x480] =	vst v3;
	v5 =	vnsel vm9, $0x0, v5  }
0x1c2: {  	[tilespmem:$0x290] =	vst v6;
	v9 =	vsel vm10, $0xFFFFFFFF, v1;
	v10 =	vsel vm11, $0xFFFFFFFF, v1;
	v38 =	vsel vm0, $0x3F800000, v2  }
0x1c3: {  	v39 =	vsub.f32 v24, v36;
	v5 =	vmin.u32 v5, $0xDE;
	[tilespmem:$0x300] =	vst v53;
	v12 =	vmul.f32 v4, v34  }
0x1c4: {  	v33 =	vsub.f32 v25, v4;
	[tilespmem:$0x400] =	vst v7;
	v4 =	vmul.f32 v4, v23;
	v5 =	vmul.u32 $0xE0, v5  }
0x1c5: {  	v40 =	vmul.f32 v38, v14;
	v53 =	vadd.s32 v50, v9;
	v44 =	vsub.f32 $1.000000000e+00, v39;
	[tilespmem:$0x390] =	vst v12  }
0x1c6: {  	v55 =	vcvt.s32.f32 v53;
	v3 =	vmul.f32 v33, v23;
	v5 =	vadd.s32 v5, v8;
	[tilespmem:$0x490] =	vst v4  }
0x1c7: {  	vm12 =	vlt.u32 v53, $0xDF;
	vm15 =	vgt.s32 v53, $0x0;
	v37 =	vmul.f32 v33, v34;
	[tilespmem:$0x120] =	vst v5  }
0x1c8: {  	v43 =	vsub.f32 v38, v40;
	v7 =	vmul.f32 v40, v39;
	[tilespmem:$0x410] =	vst v3;
	v3 =	vcvt.f32.s32 v51  }
0x1c9: {  	v4 =	vnsel vm15, $0x0, v53;
	v48 =	vmul.f32 v40, v44;
	v52 =	vadd.s32 $0x1, v5;
	[tilespmem:$0x310] =	vst v37  }
0x1ca: {  	v54 =	vadd.s32 $0xE0, v5;
	v5 =	vadd.s32 $0xE1, v5;
	[tilespmem:$0x1A0] =	vst v52;
	v3 =	vadd.s32 v3, v10  }
0x1cb: {  	v56 =	vsub.f32 v42, v55;
	v4 =	vmin.u32 v4, $0xDE;
	[tilespmem:$0x220] =	vst v54;
	vm14 =	vgt.s32 v3, $0x0  }
0x1cc: {  	v47 =	vmul.f32 v43, v44;
	[tilespmem:$0x2A0] =	vst v5;
	vm13 =	vlt.u32 v3, $0xDF;
	v57 =	vnsel vm14, $0x0, v3  }
0x1cd: {  	[tilespmem:$0x4A0] =	vst v7;
	vm0 =	vmand vm12, vm13;
	v3 =	vcvt.s32.f32 v3;
	v8 =	vmin.u32 v57, $0xDE  }
0x1ce: {  	v11 =	vmul.f32 v43, v39;
	[tilespmem:$0x3A0] =	vst v48;
	v58 =	vsel vm0, $0x3F800000, v2;
	v8 =	vmul.u32 $0xE0, v8  }
0x1cf: {  	v4 =	vor.u32 v0, v4;
	[tilespmem:$0x320] =	vst v47;
	v3 =	vsub.f32 v45, v3;
	v5 =	vmul.f32 v58, v56  }
0x1d0: {  	[tilespmem:$0x420] =	vst v11;
	v4 =	vadd.s32 v8, v4  }
0x1d1: {  	v6 =	vsub.f32 v58, v5;
	v60 =	vsub.f32 $1.000000000e+00, v3;
	[tilespmem:$0x130] =	vst v4;
	v59 =	vadd.s32 $0x1, v4  }
0x1d2: {  	v61 =	vadd.s32 $0xE0, v4;
	[tilespmem:$0x1B0] =	vst v59  }
0x1d3: {  	v4 =	vadd.s32 $0xE1, v4;
	[tilespmem:$0x230] =	vst v61;
	v62 =	vmul.f32 v6, v60  }
0x1d4: {  	[tilespmem:$0x2B0] =	vst v4;
	v63 =	vmul.f32 v5, v60  }
0x1d5: {  	v6 =	vmul.f32 v6, v3;
	[tilespmem:$0x330] =	vst v62  }
0x1d6: {  	v3 =	vmul.f32 v5, v3;
	[tilespmem:$0x3B0] =	vst v63  }
0x1d7: {  	[tilespmem:$0x430] =	vst v6  }
0x1d8: {  	[tilespmem:$0x4B0] =	vst v3  }
0x1d9: {  	[tilespmem:s23], [sflag:$0x1] =	stream.indirect.gather [hbm4b:s3+s21], $0x80, s22, s21, $0xb8;
	[tilespmem:$0x14900] =	vst v63  }
0x1da: {  	_ = 	snop  }
0x1db: {  	[tilespmem:s25], [sflag:$0x1] =	stream.indirect.gather [hbm4b:s3+s21], $0x80, s24, s21, $0xb8;
	[tilespmem:$0x14900] =	vst v63  }
0x1dc: {  	_ = 	snop  }
0x1dd: {  	[tilespmem:s28], [sflag:$0x1] =	stream.indirect.gather [hbm4b:s3+s21], $0x80, s26, s21, $0xb8;
	[tilespmem:$0x14900] =	vst v63  }
0x1de: {  	_ = 	snop  }
0x1df: {  	[tilespmem:s30], [sflag:$0x1] =	stream.indirect.gather [hbm4b:s3+s21], $0x80, s29, s21, $0xb8;
	[tilespmem:$0x14900] =	vst v63  }
0x1e0: {  	_ =	swait.ge [sflag:s11], $0x2000  }
0x1e1: {  	[sflag:s11] =	ssyncset.done $0x0  }
0x1e2: {  	[sflag:s11] =	ssyncadd.s32 $0xFFFFE000  }
0x1e3: {  	_ =	swait.ge [sflag:s11], $0x2000  }
0x1e4: {  	[sflag:s11] =	ssyncset.done $0x0  }
0x1e5: {  	[sflag:s11] =	ssyncadd.s32 $0xFFFFE000  }
0x1e6: {  	_ =	swait.ge [sflag:s11], $0x2000  }
0x1e7: {  	[sflag:s11] =	ssyncset.done $0x0  }
0x1e8: {  	[sflag:s11] =	ssyncadd.s32 $0xFFFFE000  }
0x1e9: {  	_ =	swait.ge [sflag:s11], $0x2000  }
0x1ea: {  	[sflag:s11] =	ssyncset.done $0x0  }
0x1eb: {  	p0 =	sne.s32 s17, $0x20;
	[sflag:s11] =	ssyncadd.s32 $0xFFFFE000  }
.Ltmp0:
0x1ec: {  	_ =	swait.ge [sflag:s14], $0x2000;
	(pc) =	sbr.rel @p0 .LBB2_2-.Ltmp0, $4  }
0x1ed: {  	[sflag:s14] =	ssyncset.done $0x0  }
0x1ee: {  	[sflag:s14] =	ssyncadd.s32 $0xFFFFE000  }
0x1ef: {  	[hbm4b:s18+s2] =	stream.linear.scatter [tilespmem:s12], [sflag:$0x4], $0x2000, $0x38;
	[tilespmem:$0x14900] =	vst v63  }
0x1f0: {  	s16 =	sadd.s32 $0x800, s16;
	s17 =	sadd.s32 $0x10, s17;
	s18 =	sadd.s32 $0x800, s18  }
0x1f1: {  	s15 =	rddreg [dreg:$0xf]  }
0x1f2: {  	[tilespmem:s2], [sflag:$0x5] =	stream.linear.gather [hbm4b:s15+s2], $0x40, $0x38;
	[tilespmem:$0x14900] =	vst v63  }
0x1f3: {  	_ =	swait.ge [sflag:s19], $0x40  }
0x1f4: {  	[sflag:s19] =	ssyncset.done $0x0  }
0x1f5: {  	s18 =	rddreg [dreg:$0x10];
	[sflag:s19] =	ssyncadd.s32 $0xFFFFFFC0  }
0x1f6: {  	[tilespmem:s20], [sflag:$0x5] =	stream.linear.gather [hbm4b:s18+s2], $0x40, $0x38;
	[tilespmem:$0x14900] =	vst v63  }
0x1f7: {  	_ =	swait.ge [sflag:s19], $0x40  }
0x1f8: {  	[sflag:s19] =	ssyncset.done $0x0  }
0x1f9: {  	[sflag:s19] =	ssyncadd.s32 $0xFFFFFFC0  }
0x1fa: {  	v3 =	vld [tilespmem:$0x0]  }
0x1fb: {  	v4 =	vld [tilespmem:$0x80]  }
0x1fc: {  	v62 =	vld [tilespmem:$0x10]  }
0x1fd: {  	v9 =	vld [tilespmem:$0x90]  }
0x1fe: {  	v21 =	vld [tilespmem:$0x20]  }
0x1ff: {  	v25 =	vld [tilespmem:$0xA0]  }
0x200: {  	v42 =	vld [tilespmem:$0x30]  }
0x201: {  	v45 =	vld [tilespmem:$0xB0]  }
0x202: {  	v5 =	vtrunc.f32 v3  }
0x203: {  	v58 =	vtrunc.f32 v4;
	v12 =	vtrunc.f32 v62  }
0x204: {  	v15 =	vtrunc.f32 v9;
	v27 =	vtrunc.f32 v21  }
0x205: {  	v28 =	vtrunc.f32 v25;
	v49 =	vtrunc.f32 v42  }
0x206: {  	v51 =	vtrunc.f32 v45;
	v6 =	vcvt.f32.s32 v5  }
0x207: {  	vm0 =	vlt.f32 v3, v5;
	v8 =	vcvt.f32.s32 v58;
	vm6 =	vlt.f32 v4, v58  }
0x208: {  	v14 =	vcvt.f32.s32 v12;
	vm10 =	vlt.f32 v62, v12;
	v63 =	vcvt.f32.s32 v15  }
0x209: {  	vm11 =	vlt.f32 v9, v15;
	v19 =	vcvt.f32.s32 v27;
	vm4 =	vlt.f32 v21, v27  }
0x20a: {  	vm5 =	vlt.f32 v25, v28;
	v29 =	vcvt.f32.s32 v28;
	v50 =	vcvt.f32.s32 v49  }
0x20b: {  	v7 =	vsel vm0, $0xFFFFFFFF, v1;
	v60 =	vsel vm6, $0xFFFFFFFF, v1;
	v20 =	vsel vm10, $0xFFFFFFFF, v1  }
0x20c: {  	v16 =	vsel vm11, $0xFFFFFFFF, v1;
	v31 =	vsel vm5, $0xFFFFFFFF, v1;
	vm10 =	vlt.f32 v42, v49  }
0x20d: {  	vm11 =	vlt.f32 v45, v51;
	v59 =	vadd.s32 v6, v7;
	v6 =	vadd.s32 v8, v60  }
0x20e: {  	v14 =	vadd.s32 v14, v20;
	v12 =	vadd.s32 v63, v16;
	v7 =	vcvt.s32.f32 v59  }
0x20f: {  	v8 =	vcvt.s32.f32 v6;
	vm7 =	vlt.u32 v59, $0xDF;
	vm1 =	vlt.u32 v6, $0xDF  }
0x210: {  	vm8 =	vgt.s32 v6, $0x0;
	vm9 =	vgt.s32 v59, $0x0;
	v17 =	vcvt.s32.f32 v14  }
0x211: {  	v18 =	vcvt.s32.f32 v12;
	vm12 =	vlt.u32 v14, $0xDF;
	vm13 =	vlt.u32 v12, $0xDF  }
0x212: {  	vm14 =	vgt.s32 v14, $0x0;
	vm15 =	vgt.s32 v12, $0x0;
	vm0 =	vmand vm7, vm1  }
0x213: {  	v6 =	vnsel vm8, $0x0, v6;
	v5 =	vnsel vm9, $0x0, v59;
	v14 =	vnsel vm14, $0x0, v14  }
0x214: {  	v12 =	vnsel vm15, $0x0, v12;
	v3 =	vsub.f32 v3, v7;
	v4 =	vsub.f32 v4, v8  }
0x215: {  	v61 =	vsel vm0, $0x3F800000, v2;
	v6 =	vmin.u32 v6, $0xDE;
	v5 =	vmin.u32 v5, $0xDE  }
0x216: {  	v23 =	vsub.f32 v62, v17;
	v24 =	vsub.f32 v9, v18;
	vm0 =	vmand vm12, vm13  }
0x217: {  	v12 =	vmin.u32 v12, $0xDE;
	v14 =	vmin.u32 v14, $0xDE;
	v18 =	vsel vm4, $0xFFFFFFFF, v1  }
0x218: {  	v9 =	vsel vm10, $0xFFFFFFFF, v1;
	v6 =	vmul.u32 $0xE0, v6;
	v5 =	vor.u32 v0, v5  }
0x219: {  	v26 =	vsel vm0, $0x3F800000, v2;
	v12 =	vmul.u32 $0xE0, v12;
	v14 =	vor.u32 v0, v14  }
0x21a: {  	v18 =	vadd.s32 v19, v18;
	v53 =	vadd.s32 v50, v9;
	v5 =	vadd.s32 v6, v5  }
0x21b: {  	v3 =	vmul.f32 v61, v3;
	v10 =	vsub.f32 $1.000000000e+00, v4;
	v30 =	vadd.s32 v12, v14;
	[tilespmem:$0x500] =	vst v5  }
0x21c: {  	v32 =	vcvt.s32.f32 v18;
	v34 =	vsub.f32 $1.000000000e+00, v24;
	v6 =	vadd.s32 $0x1, v5;
	[tilespmem:$0x510] =	vst v30  }
0x21d: {  	vm6 =	vlt.u32 v18, $0xDF;
	vm8 =	vgt.s32 v18, $0x0;
	v13 =	vadd.s32 $0xE0, v5;
	[tilespmem:$0x580] =	vst v6  }
0x21e: {  	v55 =	vcvt.s32.f32 v53;
	vm12 =	vlt.u32 v53, $0xDF;
	v22 =	vadd.s32 $0xE1, v5;
	[tilespmem:$0x600] =	vst v13  }
0x21f: {  	vm15 =	vgt.s32 v53, $0x0;
	v7 =	vsub.f32 v61, v3;
	v35 =	vadd.s32 $0x1, v30;
	[tilespmem:$0x680] =	vst v22  }
0x220: {  	v41 =	vnsel vm8, $0x0, v18;
	v5 =	vadd.s32 v29, v31;
	v46 =	vadd.s32 $0xE0, v30;
	[tilespmem:$0x590] =	vst v35  }
0x221: {  	v14 =	vsub.f32 v21, v32;
	v6 =	vadd.s32 $0xE1, v30;
	[tilespmem:$0x610] =	vst v46;
	v11 =	vmul.f32 v7, v10  }
0x222: {  	v8 =	vmin.u32 v41, $0xDE;
	v10 =	vmul.f32 v3, v10;
	v7 =	vmul.f32 v7, v4;
	[tilespmem:$0x690] =	vst v6  }
0x223: {  	vm9 =	vgt.s32 v5, $0x0;
	v3 =	vmul.f32 v3, v4;
	v4 =	vmul.f32 v26, v23;
	[tilespmem:$0x700] =	vst v11  }
0x224: {  	vm7 =	vlt.u32 v5, $0xDF;
	v36 =	vcvt.s32.f32 v5;
	v5 =	vnsel vm9, $0x0, v5;
	[tilespmem:$0x780] =	vst v10  }
0x225: {  	vm0 =	vmand vm6, vm7;
	v5 =	vmin.u32 v5, $0xDE;
	v12 =	vmul.f32 v4, v34;
	[tilespmem:$0x800] =	vst v7  }
0x226: {  	v33 =	vsub.f32 v26, v4;
	[tilespmem:$0x880] =	vst v3;
	v4 =	vmul.f32 v4, v24;
	v5 =	vmul.u32 $0xE0, v5  }
0x227: {  	v8 =	vor.u32 v0, v8;
	v38 =	vsel vm0, $0x3F800000, v2;
	v39 =	vsub.f32 v25, v36;
	[tilespmem:$0x790] =	vst v12  }
0x228: {  	v40 =	vmul.f32 v38, v14;
	v3 =	vmul.f32 v33, v24;
	v5 =	vadd.s32 v5, v8;
	[tilespmem:$0x890] =	vst v4  }
0x229: {  	v56 =	vsub.f32 v42, v55;
	v10 =	vsel vm11, $0xFFFFFFFF, v1;
	v37 =	vmul.f32 v33, v34;
	[tilespmem:$0x520] =	vst v5  }
0x22a: {  	v44 =	vsub.f32 $1.000000000e+00, v39;
	v43 =	vsub.f32 v38, v40;
	[tilespmem:$0x810] =	vst v3;
	v3 =	vcvt.f32.s32 v51  }
0x22b: {  	v7 =	vmul.f32 v40, v39;
	v4 =	vnsel vm15, $0x0, v53;
	v52 =	vadd.s32 $0x1, v5;
	[tilespmem:$0x710] =	vst v37  }
0x22c: {  	v48 =	vmul.f32 v40, v44;
	v54 =	vadd.s32 $0xE0, v5;
	[tilespmem:$0x5A0] =	vst v52;
	v3 =	vadd.s32 v3, v10  }
0x22d: {  	v5 =	vadd.s32 $0xE1, v5;
	v4 =	vmin.u32 v4, $0xDE;
	[tilespmem:$0x620] =	vst v54;
	vm14 =	vgt.s32 v3, $0x0  }
0x22e: {  	v47 =	vmul.f32 v43, v44;
	[tilespmem:$0x6A0] =	vst v5;
	vm13 =	vlt.u32 v3, $0xDF;
	v57 =	vnsel vm14, $0x0, v3  }
0x22f: {  	[tilespmem:$0x8A0] =	vst v7;
	vm0 =	vmand vm12, vm13;
	v3 =	vcvt.s32.f32 v3;
	v8 =	vmin.u32 v57, $0xDE  }
0x230: {  	v11 =	vmul.f32 v43, v39;
	[tilespmem:$0x7A0] =	vst v48;
	v58 =	vsel vm0, $0x3F800000, v2;
	v8 =	vmul.u32 $0xE0, v8  }
0x231: {  	v4 =	vor.u32 v0, v4;
	[tilespmem:$0x720] =	vst v47;
	v3 =	vsub.f32 v45, v3;
	v5 =	vmul.f32 v58, v56  }
0x232: {  	[tilespmem:$0x820] =	vst v11;
	v4 =	vadd.s32 v8, v4  }
0x233: {  	v6 =	vsub.f32 v58, v5;
	v60 =	vsub.f32 $1.000000000e+00, v3;
	[tilespmem:$0x530] =	vst v4;
	v59 =	vadd.s32 $0x1, v4  }
0x234: {  	v61 =	vadd.s32 $0xE0, v4;
	[tilespmem:$0x5B0] =	vst v59  }
0x235: {  	v4 =	vadd.s32 $0xE1, v4;
	[tilespmem:$0x630] =	vst v61;
	v62 =	vmul.f32 v6, v60  }
0x236: {  	[tilespmem:$0x6B0] =	vst v4;
	v63 =	vmul.f32 v5, v60  }
0x237: {  	v6 =	vmul.f32 v6, v3;
	[tilespmem:$0x730] =	vst v62  }
0x238: {  	v3 =	vmul.f32 v5, v3;
	[tilespmem:$0x7B0] =	vst v63  }
0x239: {  	[tilespmem:$0x830] =	vst v6  }
0x23a: {  	[tilespmem:$0x8B0] =	vst v3  }
0x23b: {  	[tilespmem:s0], [sflag:$0x2] =	stream.indirect.gather [hbm4b:s3+s21], $0x80, s31, s21, $0xb8;
	[tilespmem:$0x14900] =	vst v63  }
0x23c: {  	_ = 	snop  }
0x23d: {  	[tilespmem:s4], [sflag:$0x2] =	stream.indirect.gather [hbm4b:s3+s21], $0x80, s1, s21, $0xb8;
	[tilespmem:$0x14900] =	vst v63  }
0x23e: {  	_ = 	snop  }
0x23f: {  	[tilespmem:s6], [sflag:$0x2] =	stream.indirect.gather [hbm4b:s3+s21], $0x80, s5, s21, $0xb8;
	[tilespmem:$0x14900] =	vst v63  }
0x240: {  	_ = 	snop  }
0x241: {  	[tilespmem:s8], [sflag:$0x2] =	stream.indirect.gather [hbm4b:s3+s21], $0x80, s7, s21, $0xb8;
	[tilespmem:$0x14900] =	vst v63  }
0x242: {  	_ =	swait.ge [sflag:s9], $0x2000  }
0x243: {  	[sflag:s9] =	ssyncset.done $0x0  }
0x244: {  	[sflag:s9] =	ssyncadd.s32 $0xFFFFE000  }
0x245: {  	_ =	swait.ge [sflag:s9], $0x2000  }
0x246: {  	[sflag:s9] =	ssyncset.done $0x0  }
0x247: {  	[sflag:s9] =	ssyncadd.s32 $0xFFFFE000  }
0x248: {  	_ =	swait.ge [sflag:s9], $0x2000  }
0x249: {  	[sflag:s9] =	ssyncset.done $0x0  }
0x24a: {  	[sflag:s9] =	ssyncadd.s32 $0xFFFFE000  }
0x24b: {  	_ =	swait.ge [sflag:s9], $0x2000  }
0x24c: {  	[sflag:s9] =	ssyncset.done $0x0  }
0x24d: {  	[sflag:s9] =	ssyncadd.s32 $0xFFFFE000  }
0x24e: {  	_ =	swait.ge [sflag:s13], $0x2000  }
0x24f: {  	[sflag:s13] =	ssyncset.done $0x0  }
0x250: {  	s16 =	rddreg [dreg:$0x11];
	[sflag:s13] =	ssyncadd.s32 $0xFFFFE000  }
0x251: {  	[hbm4b:s16+s2] =	stream.linear.scatter [tilespmem:s10], [sflag:$0x3], $0x2000, $0x38;
	[tilespmem:$0x14900] =	vst v63  }
0x252: {  	_ =	swait.ge [sflag:s11], $0x2000  }
0x253: {  	[sflag:s11] =	ssyncset.done $0x0  }
0x254: {  	[sflag:s11] =	ssyncadd.s32 $0xFFFFE000  }
0x255: {  	_ =	swait.ge [sflag:s11], $0x2000  }
0x256: {  	[sflag:s11] =	ssyncset.done $0x0  }
0x257: {  	[sflag:s11] =	ssyncadd.s32 $0xFFFFE000  }
0x258: {  	_ =	swait.ge [sflag:s11], $0x2000  }
0x259: {  	[sflag:s11] =	ssyncset.done $0x0  }
0x25a: {  	[sflag:s11] =	ssyncadd.s32 $0xFFFFE000  }
0x25b: {  	_ =	swait.ge [sflag:s11], $0x2000  }
0x25c: {  	[sflag:s11] =	ssyncset.done $0x0  }
0x25d: {  	[sflag:s11] =	ssyncadd.s32 $0xFFFFE000  }
0x25e: {  	_ =	swait.ge [sflag:s14], $0x2000  }
0x25f: {  	[sflag:s14] =	ssyncset.done $0x0  }
0x260: {  	s17 =	rddreg [dreg:$0x12];
	[sflag:s14] =	ssyncadd.s32 $0xFFFFE000  }
0x261: {  	[hbm4b:s17+s2] =	stream.linear.scatter [tilespmem:s12], [sflag:$0x4], $0x2000, $0x38;
	[tilespmem:$0x14900] =	vst v63  }
0x262: {  	_ =	swait.ge [sflag:s13], $0x2000  }
0x263: {  	[sflag:s13] =	ssyncset.done $0x0  }
0x264: {  	[sflag:s13] =	ssyncadd.s32 $0xFFFFE000  }
0x265: {  	_ =	swait.ge [sflag:s14], $0x2000  }
0x266: {  	s16 =	rddreg [dreg:$0x16]  }
0x267: {  	s18 =	rddreg [dreg:$0x13];
	s16 =	sadd.s32 $0x1, s16  }
0x268: {  	p0 =	sne.s32 s16, s18  }
.Ltmp1:
0x269: {  	_ = 	snop;
	(pc) =	sbr.rel @p0 .LBB2_1-.Ltmp1, $3  }
0x26a: {  	_ =	sdelay $0x1  }
0x26b: {  	[sflag:s14] =	ssyncset.done $0x0  }
0x26c: {  	[sflag:s14] =	ssyncadd.s32 $0xFFFFE000  }
0x26d: {  	_ =	sfence.sel $0x180000  }
0x26e: {  	[bflag:$0x0] =	sbarrier.arrive $0xFFFF  }
0x26f: {  	_ =	strace $0x90000047  }
0x270: {  	s0 =	stileid.u32;
	[bflag:$0x2] =	sbarrier.arrive $0xFFFF  }
0x271: {  	p0 =	sne.s32 s0, $0x0;
	s0 =	rddreg [dreg:$0x2]  }
0x272: {  	s0 =	sadd.s32 @!p0 $0x100000, s0  }
0x273: {  	[sflag:s0] =	ssyncadd.tile.s32 @!p0 $0x1;
	_ =	shalt  }
.Lfunc_end2:
_tile_overlayer_lowered:
.L_overlay_start_2:
0x274: {  	(tag) =	ssettag $0x2  }
0x275: {  	s0 =	rddreg [dreg:$0x0];
	s2 =	stileid.u32  }
0x276: {  	s1 =	rddreg [dreg:$0x1];
	p0 =	sne.s32 s2, $0x0  }
0x277: {  	s3 =	rddreg [dreg:$0x2];
	[bflag:$0x3] =	sbarrier.arrive $0xFFFF;
	s2 =	simm.s32 @!p0 $0x1C05  }
0x278: {  	[timem:s3], [sflag:s2] =	dma.local @!p0 [hbm:s0], s1  }
0x279: {  	s0 =	simm.s32 @!p0 $0x5  }
0x27a: {  	_ =	swait.ge @!p0 [sflag:s0], s1  }
0x27b: {  	s1 =	ssub.s32 @!p0 $0x0, s1;
	[sflag:s0] =	ssyncset.done @!p0 $0x0  }
0x27c: {  	[sflag:s0] =	ssyncadd.s32 @!p0 s1  }
0x27d: {  	[bflag:$0x3] =	sbarrier.arrive $0xFFFF  }
0x27e: {  	_ =	shalt  }

// kernel: sparse-core-data-format-call.cloned.1.call-start
scs
called_computation_lowered:
.L_overlay_start_0:
0x0: {  	s2 =	sld [smem:$0x3FD9]  }
0x1: {  	s3 =	sld [smem:$0x3FFE];
	_ =	sdelay $0x1  }
0x2: {  	s1 =	srdreg.scid  }
0x3: {  	s0 =	sand.u32 $0x1, s1  }
0x4: {  	s18 =	sshll.u32 s0, $0xA;
	s2 =	sadd.s32 s3, s2  }
0x5: {  	s2 =	sadd.s32 s2, s18  }
0x6: {  	[smem:$0x3FC6] =	sst s2  }
0x7: {  	_ = 	snop  }
0x8: {  	s2 =	sld [smem:$0x3FD0];
	(tm) =	ssettm $0x1  }
0x9: {  	s19 =	sld [smem:$0x3FFB];
	_ =	sdelay $0x3  }
0xa: {  	_ =	strace s19  }
0xb: {  	s3 =	sld [smem:$0x3FFC];
	_ =	sdelay $0x3  }
0xc: {  	_ =	strace s3  }
0xd: {  	s3 =	sld [smem:$0x3FFD];
	_ =	sdelay $0x3  }
0xe: {  	_ =	strace s3  }
0xf: {  	_ =	strace $0x8FFFFFFF  }
0x10: {  	s20 =	sld [smem:$0x3FDB];
	_ =	sdelay $0x1  }
0x11: {  	s4 =	simm.s32 $_scs_section_size  }
0x12: {  	s5 =	simm.s32 $_size__tile_overlayer_lowered;
	s6 =	simm.s32 $_tile_overlayer_lowered  }
0x13: {  	s23 =	simm.s32 $0x1BFF;
	s22 =	sshll.u32 s6, $0x1;
	s3 =	sadd.s32 s4, s20  }
0x14: {  	s7 =	simm.s32 $0x0;
	s21 =	sshll.u32 s5, $0x1;
	s5 =	sadd.s32 s22, s3  }
0x15: {  	[timem:s7], [sflag:s23] =	dma.local [hbm:s5], s21  }
0x16: {  	_ =	swait.ge [sflag:s23], s21  }
0x17: {  	s4 =	ssub.s32 $0x0, s21;
	[sflag:s23] =	ssyncset.done $0x0  }
0x18: {  	[sflag:s23] =	ssyncadd.s32 s4;
	_ =	sdelay $0x1  }
0x19: {  	s24 =	simm.s32 $0x1B8B  }
0x1a: {  	_ =	swait.ge [sflag:s24], $0x1  }
0x1b: {  	[sflag:s24] =	ssyncset.done $0x0  }
0x1c: {  	s26 =	simm.s32 $0x1B8E;
	s25 =	sld [smem:$0x3FFE];
	[sflag:s24] =	ssyncadd.s32 $0xFFFFFFFF  }
0x1d: {  	s27 =	simm.s32 $execute0_lowered;
	[smem:$0x3FD2] =	sst s26  }
0x1e: {  	s5 =	sshll.u32 s27, $0x1;
	_ =	strace $0x80000049;
	[dreg:$0x1] =	wrdreg $0xFFFFFFFF  }
0x1f: {  	s28 =	simm.s32 $_size_execute0_lowered;
	s3 =	sadd.s32 s3, s5;
	[dreg:$0x0] =	wrdreg $0x0  }
0x20: {  	s5 =	sshll.u32 s28, $0x1;
	[dreg:$0x2] =	wrdreg s3  }
0x21: {  	[dreg:$0x3] =	wrdreg s5  }
0x22: {  	[dreg:$0x4] =	wrdreg $0xC0  }
0x23: {  	_ =	task [dreg:s7], $0x5FFFF  }
0x24: {  	[dreg:$0x1] =	wrdreg $0xFFFFFFFF  }
0x25: {  	[dreg:$0x0] =	wrdreg $0x60  }
0x26: {  	[dreg:$0x2] =	wrdreg s25  }
0x27: {  	[dreg:$0x3] =	wrdreg s2  }
0x28: {  	[dreg:$0x4] =	wrdreg $0x9  }
0x29: {  	_ =	task.clear_ibuf [dreg:s7], $0x5FFFF;
	_ =	strace $0x90000049  }
0x2a: {  	s29 =	simm.s32 $0x9;
	_ =	strace $0x8000004B  }
0x2b: {  	_ =	swait.ge [sflag:s29], $0x1  }
0x2c: {  	[sflag:s29] =	ssyncadd.s32 $0xFFFFFFFF  }
0x2d: {  	_ =	strace $0x9000004B  }
0x2e: {  	_ =	sfence  }
0x2f: {  	s30 =	sld [smem:$0x0];
	_ =	sdelay $0x2  }
0x30: {  	s31 =	sshll.u32 s1, $0xD;
	s1 =	sshrl.u32 s1, $0x2  }
0x31: {  	s3 =	sand.u32 $0x4000, s31;
	s1 =	sadd.s32 s1, s30  }
0x32: {  	s0 =	sor.u32 s3, s0;
	s1 =	sshll.u32 s1, $0x11  }
0x33: {  	s0 =	sor.u32 s1, s0  }
0x34: {  	s0 =	sadd.s32 $0x8F2B, s0  }
0x35: {  	[sflag:s0] =	ssyncadd.remote.s32 $0x1  }
0x36: {  	_ =	sfence.sel $0xFFFF  }
0x37: {  	[dreg:$0x0] =	wrdreg $0xFFFFFFFF;
	(pc) =	sbr.abs _section_cstart, $3  }
0x38: {  	[dreg:$0x1] =	wrdreg $0xFFFFFFFF  }
0x39: {  	_ =	task.clear_ibuf [dreg:s7], $0x2FFFF;
	_ =	strace $0x9FFFFFFF  }
0x3a: {  	(tm) =	ssettm $0x7FFFFFFF  }
0x3b: {  	_ =	shalt  }
tec
execute0_lowered:
.L_overlay_start_1:
0x0: {  	(tag) =	ssettag $0x1  }
0x1: {  	s0 =	rddreg [dreg:$0x0]  }
0x2: {  	s1 =	srdreg.scid;
	_ =	strace $0x8000004A;
	s2 =	stileid.u32  }
0x3: {  	s30 =	simm.s32 $0x1;
	s31 =	simm.s32 $0x2;
	s15 =	simm.s32 $0x0  }
0x4: {  	s16 =	simm.s32 $0x0;
	s17 =	simm.s32 $0x0;
	s8 =	simm.s32 $0x0  }
0x5: {  	s10 =	simm.s32 $0x0;
	s12 =	simm.s32 $0x0;
	s11 =	simm.s32 $0x0  }
.Ltmp0:
0x6: {  	s9 =	simm.s32 $0x0;
	s29 =	sshll.u32 s1, $0x4;
	(pc) =	sbr.rel .LBB1_1-.Ltmp0, $4  }
0x7: {  	s6 =	sadd.s32 $0x200, s0;
	[sflag:s30] =	ssyncpa.u1 $0x0;
	s0 =	sand.u32 $0x10, s29  }
0x8: {  	s7 =	sand.u32 $0x7, s2;
	[dreg:$0x3] =	wrdreg s6;
	s0 =	sor.u32 s2, s0  }
0x9: {  	[sflag:s31] =	ssyncpa.u1 $0x0;
	[dreg:$0x4] =	wrdreg s7;
	s22 =	sshrl.u32 s0, $0x3  }
0xa: {  	s14 =	smov.u32 s7;
	s13 =	smov.u32 s22;
	[dreg:$0x5] =	wrdreg s22  }
.LBB1_9:
0xb: {  	p0 =	sgt.s32 s8, $0x80;
	s3 =	smul.u32 $0xA8000, s12  }
0xc: {  	s0 =	smov.u32 s8;
	s1 =	sshrl.u32 s8, $0x5;
	s27 =	smul.u32 $0xC00, s10  }
0xd: {  	s4 =	sshrl.u32 s8, $0x3;
	s5 =	rddreg [dreg:$0x1];
	s0 =	simm.s32 @!p0 $0x80  }
0xe: {  	s28 =	sand.u32 $0x7, s8;
	s1 =	sand.u32 $0xFFFFFC, s1;
	s0 =	sadd.s32 s19, s0  }
0xf: {  	s29 =	rddreg [dreg:$0x6];
	s26 =	smulhi.u32 $0x2AAAAAB, s1;
	s2 =	sadd.s32 $0xFFFFFF80, s0  }
0x10: {  	s6 =	rddreg [dreg:$0x3];
	s0 =	ssub.s32 $0x100, s0;
	p0 =	sgt.s32 s2, $0x7F  }
0x11: {  	s7 =	rddreg [dreg:$0x4];
	s2 =	smul.u32 $0x60, s26;
	s0 =	simm.s32 @p0 $0x0  }
0x12: {  	s31 =	simm.s32 $0x800;
	s22 =	rddreg [dreg:$0x5];
	s0 =	smul.u32 s0, s18  }
0x13: {  	s4 =	sand.u32 $0xF, s4;
	s3 =	sadd.s32 s5, s3;
	s1 =	ssub.s32 s1, s2  }
0x14: {  	s2 =	sadd.s32 s27, s3;
	s3 =	sshll.u32 s28, $0x12;
	s0 =	smul.u32 $0x60, s0  }
0x15: {  	s1 =	sshll.u32 s1, $0x5;
	s2 =	sadd.s32 s4, s2;
	s4 =	sor.u32 $0x8000, s29  }
0x16: {  	s30 =	sor.u32 $0x400, s3;
	s1 =	sadd.s32 s1, s2;
	s0 =	sand.u32 $0x3FFFFFE0, s0  }
0x17: {  	[hbm4b:s1+s30] =	stream.strided.scatter [tilespmem:s4], [sflag:$0x2], s0, s31, s30, $0x20;
	[tilespmem:$0x10100] =	vst v63  }
.LBB1_10:
0x18: {  	p0 =	slt.u32 s9, $0x2  }
0x19: {  	p1 =	sgt.s32 @!p0 s17, $0x7  }
0x1a: {  	s0 =	smov.u32 s17;
	s1 =	sshra.s32 @!p0 s17, $0x1F;
	p1 =	por !p1, p0  }
0x1b: {  	s2 =	smov.u32 s16;
	s1 =	sand.u32 @!p0 s1, s17;
	s0 =	simm.s32 @p1 $0x7  }
0x1c: {  	s3 =	sshra.s32 @!p0 s16, $0x1F;
	p1 =	sgt.s32 @!p0 s16, $0xDF;
	s0 =	ssub.s32 @!p0 s0, s1  }
0x1d: {  	s4 =	sshra.s32 @!p0 s15, $0x1F;
	p2 =	por !p1, p0;
	s1 =	sadd.s32 @!p0 $0xFFFFFFF9, s0  }
0x1e: {  	s2 =	simm.s32 @p2 $0xDF;
	p1 =	sgt.s32 @!p0 s1, $0x0;
	s1 =	sand.u32 @!p0 s3, s16  }
0x1f: {  	s0 =	ssub.s32 @!p0 $0x8, s0;
	p2 =	sgt.s32 @!p0 s15, $0x80;
	s1 =	ssub.s32 @!p0 s2, s1  }
0x20: {  	p2 =	por !p2, p0;
	s3 =	smov.u32 s15;
	s2 =	sadd.s32 @!p0 $0xFFFFFF21, s1  }
0x21: {  	s3 =	simm.s32 @p2 $0x80;
	p2 =	sgt.s32 @!p0 s2, $0x0;
	s2 =	sand.u32 @!p0 s4, s15  }
0x22: {  	s0 =	smul.u32 @!p0 $0x60, s0;
	p1 =	por !p1, p0;
	s2 =	ssub.s32 @!p0 s3, s2  }
0x23: {  	s1 =	ssub.s32 @!p0 $0xE0, s1;
	p2 =	por !p2, p0;
	s3 =	sadd.s32 @!p0 $0xFFFFFF80, s2  }
0x24: {  	s0 =	simm.s32 @!p1 $0x0;
	s1 =	simm.s32 @!p2 $0x0;
	p2 =	sgt.s32 @!p0 s3, $0x7F  }
0x25: {  	s2 =	ssub.s32 @!p0 $0x100, s2;
	s0 =	smul.u32 @!p0 s1, s0;
	p1 =	por !p2, p0  }
0x26: {  	s1 =	sadd.s32 $0x80, s11;
	s3 =	smov.u32 s13;
	s2 =	simm.s32 @!p1 $0x0  }
0x27: {  	p1 =	sgt.s32 s1, $0xDF;
	s0 =	smul.u32 @!p0 s2, s0;
	s2 =	sadd.s32 $0x4, s13  }
0x28: {  	s3 =	smov.u32 @p1 s2  }
0x29: {  	s5 =	smov.u32 s14;
	s2 =	sadd.s32 $0x8, s14;
	p2 =	sgt.s32 s3, $0xDF  }
0x2a: {  	s9 =	sadd.s32 $0x1, s9;
	s5 =	smov.u32 @p2 s2  }
0x2b: {  	s17 =	smov.u32 s12;
	s1 =	simm.s32 @p1 $0x0;
	p1 =	sgt.s32 s5, $0x7  }
0x2c: {  	s12 =	smov.u32 s14;
	s5 =	smov.u32 @p1 s7;
	p1 =	sne.s32 s9, $0x72  }
.Ltmp1:
0x2d: {  	s16 =	smov.u32 s10;
	s10 =	smov.u32 s13;
	(pc) =	sbr.rel @!p1 .LBB1_11-.Ltmp1, $4  }
0x2e: {  	s4 =	simm.s32 @!p0 $0x2;
	s15 =	smov.u32 s8;
	s0 =	sand.u32 @!p0 $0x3FFFFFE0, s0  }
0x2f: {  	s8 =	smov.u32 s11;
	s11 =	smov.u32 s1;
	_ =	swait.ge @!p0 [sflag:s4], s0  }
0x30: {  	s0 =	ssub.s32 @!p0 $0x0, s0;
	s3 =	smov.u32 @p2 s22;
	[sflag:s4] =	ssyncset.done @!p0 $0x0  }
0x31: {  	s13 =	smov.u32 s3;
	[sflag:s4] =	ssyncadd.s32 @!p0 s0;
	s14 =	smov.u32 s5  }
.LBB1_1:
0x32: {  	p0 =	sgt.u32 s9, $0x6F;
	s18 =	smov.u32 s14  }
0x33: {  	s0 =	sand.u32 @!p0 $0x1FFFFFF, s11;
	p1 =	sgt.s32 @!p0 s14, $0x7;
	s19 =	sshra.s32 @!p0 s14, $0x1F  }
0x34: {  	s20 =	sshra.s32 @!p0 s13, $0x1F;
	s1 =	smulhi.u32 @!p0 $0x2492493, s0;
	p1 =	por !p1, p0  }
0x35: {  	s19 =	sand.u32 @!p0 s19, s14;
	s20 =	sand.u32 @!p0 s20, s13;
	s18 =	simm.s32 @p1 $0x7  }
0x36: {  	p1 =	sgt.s32 @!p0 s13, $0xDF;
	s1 =	sshrl.u32 @!p0 s1, $0x1;
	s18 =	ssub.s32 @!p0 s18, s19  }
0x37: {  	p1 =	por !p1, p0;
	s19 =	smov.u32 s13;
	s1 =	smul.u32 @!p0 $0xE0, s1  }
0x38: {  	s19 =	simm.s32 @p1 $0xDF;
	p1 =	sgt.s32 @!p0 s11, $0x60;
	s18 =	sadd.s32 @!p0 $0xFFFFFFF9, s18  }
0x39: {  	s19 =	ssub.s32 @!p0 s19, s20;
	p1 =	por !p1, p0;
	s20 =	smov.u32 s11  }
0x3a: {  	p2 =	sgt.s32 @!p0 s18, $0x0;
	s18 =	sshll.u32 @!p0 s18, $0x7;
	s21 =	sadd.s32 @!p0 $0xFFFFFF21, s19  }
0x3b: {  	s20 =	simm.s32 @p1 $0x60;
	p1 =	sgt.s32 @!p0 s21, $0x0;
	s21 =	sshra.s32 @!p0 s11, $0x1F  }
0x3c: {  	s19 =	ssub.s32 @!p0 $0xE0, s19;
	s18 =	ssub.s32 @!p0 $0x80, s18;
	s21 =	sand.u32 @!p0 s21, s11  }
0x3d: {  	p2 =	por !p2, p0;
	p1 =	por !p1, p0;
	s20 =	ssub.s32 @!p0 s20, s21  }
0x3e: {  	s18 =	simm.s32 @!p2 $0x0;
	s19 =	simm.s32 @!p1 $0x0;
	s21 =	sadd.s32 @!p0 $0xFFFFFFA0, s20  }
0x3f: {  	s0 =	ssub.s32 @!p0 s0, s1;
	s18 =	smul.u32 @!p0 s19, s18;
	p1 =	sgt.s32 @!p0 s21, $0x7F  }
0x40: {  	s19 =	ssub.s32 @!p0 $0xE0, s20;
	s20 =	smul.u32 @!p0 $0xC4000, s14;
	p1 =	por !p1, p0  }
0x41: {  	s1 =	smul.u32 @!p0 $0xE00, s13;
	s21 =	sxor.u32 @!p0 $0xFFFFFFFF, s9;
	s19 =	simm.s32 @!p1 $0x0  }
0x42: {  	s21 =	sshll.u32 @!p0 s21, $0xE;
	s18 =	smul.u32 @!p0 s19, s18;
	s19 =	sadd.s32 @!p0 s6, s20  }
0x43: {  	s0 =	sshll.u32 @!p0 s0, $0x4;
	s20 =	sand.u32 @!p0 $0x4000, s21;
	s1 =	sadd.s32 @!p0 s1, s19  }
0x44: {  	s18 =	sand.u32 @!p0 $0x3FFFFF80, s18;
	s0 =	sadd.s32 @!p0 s0, s1;
	s1 =	simm.s32 @!p0 $0x0  }
0x45: {  	[tilespmem:s20], [sflag:$0x1] =	stream.linear.gather @!p0 [hbm4b:s0+s1], s18, $0x38;
	[tilespmem:$0x10100] =	vst v63  }
0x46: {  	p0 =	seq.s32 s9, $0x0  }
0x47: {  	p1 =	seq.s32 @!p0 s9, $0x71  }
0x48: {  	p0 =	por p0, p1  }
.Ltmp2:
0x49: {  	_ = 	snop;
	(pc) =	sbr.rel @p0 .LBB1_10-.Ltmp2, $1  }
0x4a: {  	_ =	sdelay $0x3  }
0x4b: {  	p0 =	sgt.s32 s12, $0x7;
	s0 =	smov.u32 s12;
	s1 =	sshra.s32 s12, $0x1F  }
0x4c: {  	s18 =	sshra.s32 s10, $0x1F;
	s26 =	ssub.s32 $0x0, s8;
	s27 =	sshra.s32 s8, $0x1F  }
0x4d: {  	p1 =	sgt.s32 s8, $0x60;
	s20 =	smov.u32 s8;
	s0 =	simm.s32 @!p0 $0x7  }
0x4e: {  	s1 =	sand.u32 s1, s12;
	p0 =	sgt.s32 s10, $0xDF;
	s18 =	sand.u32 s18, s10  }
0x4f: {  	s20 =	simm.s32 @!p1 $0x60;
	s0 =	ssub.s32 s0, s1;
	s1 =	smov.u32 s10  }
0x50: {  	s19 =	sadd.s32 $0xFFFFFFF9, s0;
	s1 =	simm.s32 @!p0 $0xDF;
	s0 =	ssub.s32 $0x8, s0  }
0x51: {  	p0 =	sgt.s32 s19, $0x0;
	s1 =	ssub.s32 s1, s18;
	s19 =	sand.u32 s26, s27  }
0x52: {  	s21 =	sadd.s32 $0xFFFFFF21, s1;
	s1 =	ssub.s32 $0xE0, s1;
	s18 =	sadd.s32 s19, s20  }
0x53: {  	s0 =	simm.s32 @p0 $0x0;
	p1 =	sgt.s32 s21, $0x0;
	s20 =	sadd.s32 $0xFFFFFFA0, s18  }
0x54: {  	s1 =	simm.s32 @p1 $0x0;
	s28 =	sshll.u32 s20, $0x7;
	p0 =	sgt.s32 s20, $0x7F  }
0x55: {  	s18 =	smul.u32 s0, s1;
	s0 =	ssub.s32 $0x4000, s28;
	s1 =	sadd.s32 $0x1, s12  }
0x56: {  	s20 =	sadd.s32 $0x1, s10;
	s0 =	simm.s32 @p0 $0x0;
	p0 =	slt.s32 s1, $0x8  }
0x57: {  	s1 =	simm.s32 @!p0 $0x8;
	p0 =	slt.s32 s20, $0xE0  }
0x58: {  	s21 =	ssub.s32 s1, s12;
	s20 =	simm.s32 @!p0 $0xE0;
	s1 =	sadd.s32 $0x80, s8  }
0x59: {  	s22 =	ssub.s32 s20, s10;
	p1 =	slt.s32 s1, $0xE0;
	p0 =	slt.s32 s21, $0x1  }
0x5a: {  	s1 =	simm.s32 @!p1 $0xE0;
	p1 =	slt.s32 @!p0 s22, $0x1  }
0x5b: {  	s23 =	ssub.s32 s1, s8;
	p1 =	por p0, p1  }
0x5c: {  	p2 =	slt.s32 @!p1 s23, $0x1  }
0x5d: {  	s0 =	smul.u32 s18, s0;
	p1 =	por p1, p2  }
.Ltmp3:
0x5e: {  	_ = 	snop;
	(pc) =	sbr.rel @p1 .LBB1_9-.Ltmp3, $4  }
0x5f: {  	s2 =	simm.s32 $0x1;
	s29 =	sand.u32 $0x3FFFFF80, s0;
	s0 =	sand.u32 $0x1, s9  }
0x60: {  	_ =	swait.ge [sflag:s2], s29;
	s31 =	smul.u32 $0x4080, s0  }
0x61: {  	s30 =	ssub.s32 $0x0, s29;
	[sflag:s2] =	ssyncset.done $0x0  }
0x62: {  	[sflag:s2] =	ssyncadd.s32 s30;
	[dreg:$0x6] =	wrdreg s31  }
0x63: {  	s24 =	sshll.u32 @!p0 s0, $0xE;
	s0 =	rddreg [dreg:$0x6]  }
0x64: {  	s26 =	simm.s32 $0x0;
	s25 =	sor.u32 @!p0 $0x8000, s0  }
.LBB1_4:
0x65: {  	s27 =	simm.s32 $0x0  }
.LBB1_5:
0x66: {  	s0 =	sadd.s32 s26, s27  }
0x67: {  	s1 =	sshll.u32 s0, $0x10  }
0x68: {  	s1 =	sshra.s32 s1, $0x2  }
0x69: {  	s1 =	sadd.s32 s1, s24  }
0x6a: {  	s29 =	simm.s32 $0x0;
	s7 =	simm.s32 $0x0;
	s0 =	smul.u32 $0x10200, s0;
	v0 =	vmov s1  }
0x6b: {  	s31 =	simm.s32 $0x10;
	s4 =	simm.s32 $0x30;
	s3 =	simm.s32 $0x50  }
0x6c: {  	s31 =	sand.u32 $0x78, s31;
	s4 =	sand.u32 $0x78, s4;
	s0 =	sshra.s32 s0, $0x2  }
0x6d: {  	s31 =	smul.u32 $0x204, s31;
	s28 =	sadd.s32 s0, s25;
	s0 =	sand.u32 $0x78, s7  }
0x6e: {  	s4 =	smul.u32 $0x204, s4;
	s1 =	sand.u32 $0x3F80, s29;
	s2 =	sxor.u32 $0x40, s0  }
0x6f: {  	s30 =	simm.s32 $0x1;
	s3 =	sand.u32 $0x78, s3;
	s2 =	smul.u32 $0x204, s2;
	v1 =	vld.idx.msk [tilespmem:v0+s1+$0x40 ss:$0x1], $0xffff  }
0x70: {  	p0 =	sne.s32 s23, $0x1;
	s5 =	sand.u32 $0x7F, s29;
	s3 =	smul.u32 $0x204, s3  }
0x71: {  	s7 =	simm.s32 $0x20;
	s0 =	smul.u32 $0x204, s0;
	s2 =	sshrl.u32 s2, $0x2;
	v2 =	vld.idx.msk [tilespmem:v0+s1+$0x0 ss:$0x1], $0xffff  }
0x72: {  	s31 =	sshrl.u32 s31, $0x2;
	s7 =	sand.u32 $0x78, s7;
	v3 =	vld.idx.msk [tilespmem:v0+s1+$0x10 ss:$0x1], $0xffff;
	s2 =	sadd.s32 s2, s28  }
0x73: {  	s7 =	smul.u32 $0x204, s7;
	s0 =	sshrl.u32 s0, $0x2;
	v4 =	vld.idx.msk [tilespmem:v0+s1+$0x20 ss:$0x1], $0xffff;
	s2 =	sadd.s32 s5, s2  }
.Ltmp4:
0x74: {  	s4 =	sshrl.u32 s4, $0x2;
	s0 =	sadd.s32 s0, s28;
	[tilespmem:s2+$0x0 ss:$0x81] =	vst.msk $0xffff, v1;
	v1 =	vld.idx.msk [tilespmem:v0+s1+$0x30 ss:$0x1], $0xffff;
	(pc) =	sbr.rel @!p0 .LBB1_7-.Ltmp4, $4  }
0x75: {  	s20 =	sadd.s32 s31, s28;
	s7 =	sshrl.u32 s7, $0x2;
	s0 =	sadd.s32 s5, s0  }
0x76: {  	s3 =	sshrl.u32 s3, $0x2;
	s7 =	sadd.s32 s7, s28;
	[tilespmem:s0+$0x0 ss:$0x81] =	vst.msk $0xffff, v2;
	s2 =	sadd.s32 s5, s20;
	v2 =	vld.idx.msk [tilespmem:v0+s1+$0x50 ss:$0x1], $0xffff  }
0x77: {  	s6 =	sadd.s32 s4, s28;
	s20 =	sadd.s32 s5, s7;
	[tilespmem:s2+$0x0 ss:$0x81] =	vst.msk $0xffff, v3;
	s2 =	sadd.s32 s3, s28  }
0x78: {  	s31 =	simm.s32 $0x2808;
	s1 =	sadd.s32 s5, s6;
	[tilespmem:s20+$0x0 ss:$0x81] =	vst.msk $0xffff, v4;
	s0 =	sadd.s32 s5, s2  }
.LBB1_6:
0x79: {  	s2 =	sadd.s32 $0xFFFFD800, s31;
	s3 =	sadd.s32 $0xFFFFE000, s31;
	[tilespmem:s1+$0x0 ss:$0x81] =	vst.msk $0xffff, v1;
	s1 =	smov.u32 s30  }
0x7a: {  	s30 =	sadd.s32 $0x1, s30;
	s29 =	sadd.s32 $0x80, s29;
	s4 =	sadd.s32 $0xFFFFE800, s31  }
0x7b: {  	s5 =	sadd.s32 $0xFFFFF000, s31;
	s2 =	sshrl.u32 s2, $0x7;
	p0 =	sne.s32 s23, s30;
	[tilespmem:s0+$0x0 ss:$0x81] =	vst.msk $0xffff, v2  }
0x7c: {  	s6 =	sshrl.u32 s31, $0x7;
	s0 =	sand.u32 $0x3F80, s29;
	s2 =	sand.u32 $0x78, s2  }
0x7d: {  	s3 =	sshrl.u32 s3, $0x7;
	s4 =	sshrl.u32 s4, $0x7;
	v3 =	vld.idx.msk [tilespmem:v0+s0+$0x40 ss:$0x1], $0xffff;
	s7 =	sxor.u32 $0x40, s2  }
0x7e: {  	s5 =	sshrl.u32 s5, $0x7;
	s6 =	sand.u32 $0x78, s6;
	v4 =	vld.idx.msk [tilespmem:v0+s0+$0x0 ss:$0x1], $0xffff;
	s7 =	smul.u32 $0x204, s7  }
0x7f: {  	s20 =	sand.u32 $0x7F, s1;
	s3 =	sand.u32 $0x78, s3;
	s4 =	sand.u32 $0x78, s4;
	v5 =	vld.idx.msk [tilespmem:v0+s0+$0x10 ss:$0x1], $0xffff  }
0x80: {  	s5 =	sand.u32 $0x78, s5;
	s1 =	smul.u32 $0x204, s2;
	v6 =	vld.idx.msk [tilespmem:v0+s0+$0x20 ss:$0x1], $0xffff;
	s7 =	sshrl.u32 s7, $0x2  }
0x81: {  	s3 =	smul.u32 $0x204, s3;
	v1 =	vld.idx.msk [tilespmem:v0+s0+$0x30 ss:$0x1], $0xffff;
	s2 =	sadd.s32 s7, s28  }
0x82: {  	s2 =	sadd.s32 s20, s2;
	v2 =	vld.idx.msk [tilespmem:v0+s0+$0x50 ss:$0x1], $0xffff;
	s0 =	sshrl.u32 s1, $0x2;
	s1 =	smul.u32 $0x204, s4  }
0x83: {  	s4 =	smul.u32 $0x204, s6;
	[tilespmem:s2+$0x0 ss:$0x81] =	vst.msk $0xffff, v3  }
0x84: {  	s0 =	sadd.s32 s0, s28;
	s2 =	sshrl.u32 s3, $0x2;
	s3 =	smul.u32 $0x204, s5  }
.Ltmp5:
0x85: {  	s2 =	sadd.s32 s2, s28;
	s1 =	sshrl.u32 s1, $0x2;
	(pc) =	sbr.rel @p0 .LBB1_6-.Ltmp5, $4  }
0x86: {  	s0 =	sadd.s32 s20, s0;
	s1 =	sadd.s32 s1, s28;
	s3 =	sshrl.u32 s3, $0x2  }
0x87: {  	[tilespmem:s0+$0x0 ss:$0x81] =	vst.msk $0xffff, v4;
	s0 =	sadd.s32 s20, s2;
	s2 =	sadd.s32 s3, s28;
	s3 =	sshrl.u32 s4, $0x2  }
0x88: {  	[tilespmem:s0+$0x0 ss:$0x81] =	vst.msk $0xffff, v5;
	s0 =	sadd.s32 s20, s1;
	s1 =	sadd.s32 s20, s2;
	s2 =	sadd.s32 s3, s28  }
0x89: {  	s31 =	sadd.s32 $0x8, s31;
	[tilespmem:s0+$0x0 ss:$0x81] =	vst.msk $0xffff, v6;
	s0 =	sadd.s32 s20, s2  }
.LBB1_7:
0x8a: {  	s27 =	sadd.s32 $0x1, s27  }
0x8b: {  	p0 =	sne.s32 s27, s22  }
.Ltmp6:
0x8c: {  	_ = 	snop;
	(pc) =	sbr.rel @p0 .LBB1_5-.Ltmp6, $3  }
0x8d: {  	_ =	sdelay $0x1  }
0x8e: {  	[tilespmem:s1+$0x0 ss:$0x81] =	vst.msk $0xffff, v1  }
0x8f: {  	[tilespmem:s0+$0x0 ss:$0x81] =	vst.msk $0xffff, v2  }
0x90: {  	s26 =	sadd.s32 $0x1, s26  }
0x91: {  	p0 =	sne.s32 s26, s21  }
.Ltmp7:
0x92: {  	_ = 	snop;
	(pc) =	sbr.rel @p0 .LBB1_4-.Ltmp7, $4  }
.Ltmp8:
0x93: {  	_ = 	snop;
	(pc) =	sbr.rel @!p0 .LBB1_9-.Ltmp8, $4  }
0x94: {  	_ = 	snop  }
0x95: {  	_ = 	snop  }
0x96: {  	_ = 	snop  }
0x97: {  	_ = 	snop  }
.LBB1_11:
0x98: {  	_ =	sfence.sel $0x180000  }
0x99: {  	s0 =	simm.s32 $0x1;
	[bflag:$0x0] =	sbarrier.arrive $0xFFFF  }
0x9a: {  	s30 =	simm.s32 $0x2;
	[sflag:s0] =	ssyncpa.u1 $0x1  }
0x9b: {  	[sflag:s30] =	ssyncpa.u1 $0x1  }
0x9c: {  	_ =	strace $0x9000004A  }
0x9d: {  	s31 =	stileid.u32;
	[bflag:$0x2] =	sbarrier.arrive $0xFFFF  }
0x9e: {  	p0 =	sne.s32 s31, $0x0;
	s0 =	rddreg [dreg:$0x2]  }
0x9f: {  	s0 =	sadd.s32 @!p0 $0x100000, s0  }
0xa0: {  	[sflag:s0] =	ssyncadd.tile.s32 @!p0 $0x1;
	_ =	shalt  }
.Lfunc_end1:
_tile_overlayer_lowered:
.L_overlay_start_2:
0xa1: {  	(tag) =	ssettag $0x2  }
0xa2: {  	s0 =	rddreg [dreg:$0x0];
	s2 =	stileid.u32  }
0xa3: {  	s1 =	rddreg [dreg:$0x1];
	p0 =	sne.s32 s2, $0x0  }
0xa4: {  	s3 =	rddreg [dreg:$0x2];
	[bflag:$0x3] =	sbarrier.arrive $0xFFFF;
	s2 =	simm.s32 @!p0 $0x1C01  }
0xa5: {  	[timem:s3], [sflag:s2] =	dma.local @!p0 [hbm:s0], s1  }
0xa6: {  	s0 =	simm.s32 @!p0 $0x1  }
0xa7: {  	_ =	swait.ge @!p0 [sflag:s0], s1  }
0xa8: {  	s1 =	ssub.s32 @!p0 $0x0, s1;
	[sflag:s0] =	ssyncset.done @!p0 $0x0  }
0xa9: {  	[sflag:s0] =	ssyncadd.s32 @!p0 s1  }
0xaa: {  	[bflag:$0x3] =	sbarrier.arrive $0xFFFF  }
0xab: {  	_ =	shalt  }

</sc_bundles>
